<compile_context>
chip_gen: v7x
topology: tpu7x:2x2x1
jax: 0.10.2.dev20260603
libtpu: 0.0.44.dev20260713+nightly
codegen_flags: <defaults>
</compile_context>

<pallas_src>
import functools

import jax
import jax.numpy as jnp
from jax import lax
from jax.experimental import pallas as pl
from jax.experimental.pallas import tpu as pltpu
from jax.experimental.pallas import tpu_sc as plsc

NN = 100000
EE = 3200000
GG = 1024
NC = 2
NS = 16
SUB = 128
IR = 8
CHUNK = IR * SUB
EP = 3211264
BT = 512
NP = 100352
NSTEP = NP // BT
RPT = NP // NS

@functools.cache
def _sc_mesh():
    return plsc.VectorSubcoreMesh(core_axis_name="c", subcore_axis_name="s",
                                  num_cores=NC, num_subcores=NS)


def _edge_loop(src2d, dst2d, table, acc, src_v, dst_v, rows_v,
               sem_g, sem_s, row_start, nchunks):
    def chunk(k, carry):
        rb = row_start + k * IR
        pltpu.sync_copy(src2d.at[pl.ds(rb, IR)], src_v)
        pltpu.sync_copy(dst2d.at[pl.ds(rb, IR)], dst_v)
        gs = [pltpu.async_copy(table.at[src_v.at[j]], rows_v.at[j], sem_g)
              for j in range(IR)]
        for cp in gs:
            cp.wait()
        ss = [pltpu.async_copy(rows_v.at[j], acc.at[dst_v.at[j]], sem_s,
                               add=True)
              for j in range(IR)]
        for cp in ss:
            cp.wait()
        return carry
    lax.fori_loop(0, nchunks, chunk, 0)


def _stripe(s):
    return pl.ds(s * RPT, RPT)


def _deg_body(dst2d, ones_hbm, zeros_hbm, out_a, out_b, idx_v, ones_v, acc):
    c = lax.axis_index("c")
    s = lax.axis_index("s")
    pltpu.sync_copy(zeros_hbm.at[_stripe(s)], acc.at[_stripe(s)])
    pltpu.sync_copy(ones_hbm, ones_v)
    plsc.subcore_barrier()
    w = s * NC + c
    nchunks = EP // (NC * NS * CHUNK)
    def chunk(k, carry):
        rb = (w * nchunks + k) * IR
        pltpu.sync_copy(dst2d.at[pl.ds(rb, IR)], idx_v)
        for j in range(IR):
            pltpu.sync_copy(ones_v, acc.at[idx_v.at[j]], add=True)
        return carry
    lax.fori_loop(0, nchunks, chunk, 0)
    plsc.subcore_barrier()
    @pl.when(c == 0)
    def _():
        pltpu.sync_copy(acc.at[_stripe(s)], out_a.at[_stripe(s)])
    @pl.when(c == 1)
    def _():
        pltpu.sync_copy(acc.at[_stripe(s)], out_b.at[_stripe(s)])


def _agg_body(edge_split, src_a2d, src_b2d, dst2d, table8, zeros_hbm,
              out, src_v, dst_v, rows_v, acc, sem_g, sem_s):
    c = lax.axis_index("c")
    s = lax.axis_index("s")
    pltpu.sync_copy(zeros_hbm.at[_stripe(s)], acc.at[_stripe(s)])
    plsc.subcore_barrier()
    if edge_split:
        w = s * NC + c
        nchunks = EP // (NC * NS * CHUNK)
        _edge_loop(src_a2d, dst2d, table8, acc, src_v, dst_v, rows_v,
                   sem_g, sem_s, w * nchunks * IR, nchunks)
    else:
        nchunks = EP // (NS * CHUNK)
        row_start = s * nchunks * IR
        @pl.when(c == 0)
        def _():
            _edge_loop(src_a2d, dst2d, table8, acc, src_v, dst_v, rows_v,
                       sem_g, sem_s, row_start, nchunks)
        @pl.when(c == 1)
        def _():
            _edge_loop(src_b2d, dst2d, table8, acc, src_v, dst_v, rows_v,
                       sem_g, sem_s, row_start, nchunks)
    plsc.subcore_barrier()
    @pl.when(c == 0)
    def _():
        pltpu.sync_copy(acc.at[_stripe(s)],
                        out.at[_stripe(s), pl.ds(0, 16)])
    @pl.when(c == 1)
    def _():
        pltpu.sync_copy(acc.at[_stripe(s)],
                        out.at[_stripe(s), pl.ds(16, 16)])


@functools.cache
def _sc_kernels():
    params = pltpu.CompilerParams(use_tc_tiling_on_sc=False)
    deg = pl.kernel(
        _deg_body,
        out_type=[jax.ShapeDtypeStruct((NP,), jnp.float32)] * 2,
        mesh=_sc_mesh(),
        compiler_params=params,
        scratch_types=[
            pltpu.VMEM((IR, SUB), jnp.int32),
            pltpu.VMEM((SUB,), jnp.float32),
            pltpu.VMEM_SHARED((NP,), jnp.float32),
        ],
    )
    aggs = []
    for edge_split in (True, False):
        aggs.append(pl.kernel(
            functools.partial(_agg_body, edge_split),
            out_type=jax.ShapeDtypeStruct((NP, 128), jnp.float32),
            mesh=_sc_mesh(),
            compiler_params=params,
            scratch_types=[
                pltpu.VMEM((IR, SUB), jnp.int32),
                pltpu.VMEM((IR, SUB), jnp.int32),
                pltpu.VMEM((IR, SUB, 16), jnp.float32),
                pltpu.VMEM_SHARED((NP, 16), jnp.float32),
                pltpu.SemaphoreType.DMA,
                pltpu.SemaphoreType.DMA,
            ],
        ))
    return deg, aggs[0], aggs[1]



def _prep_body(deg_a, deg_b, x_ref, misc_ref):
    deg = deg_a[...] + deg_b[...] + 1.0
    dis = lax.rsqrt(deg)
    g1 = x_ref[...] * dis
    pad = jnp.zeros((BT, 30), jnp.float32)
    tail = jnp.zeros((BT, 95), jnp.float32)
    misc_ref[...] = jnp.concatenate([g1, pad, dis, tail], axis=1)


def _mid1_body(e1, misc, w1, b1, out_ref):
    mv = misc[...]
    ev = e1[...]
    dis = mv[:, 32:33]
    z = (ev[:, 0:2] + ev[:, 16:18] + mv[:, 0:2]) * dis
    h1 = jnp.maximum(jnp.dot(z, w1[...], preferred_element_type=jnp.float32)
                     + b1[...], 0.0)
    g2 = h1 * dis
    tail = jnp.zeros((BT, 95), jnp.float32)
    out_ref[...] = jnp.concatenate([g2, dis, tail], axis=1)


def _mid2_body(e2, g2t, w2, b2, w3, out_ref):
    gv = g2t[...]
    dis = gv[:, 32:33]
    u = (e2[...][:, 0:32] + gv[:, 0:32]) * dis
    h2 = jnp.maximum(jnp.dot(u, w2[...], preferred_element_type=jnp.float32)
                     + b2[...], 0.0)
    t3 = jnp.dot(h2, w3[...], preferred_element_type=jnp.float32)
    g3 = t3 * dis
    tail = jnp.zeros((BT, 95), jnp.float32)
    out_ref[...] = jnp.concatenate([g3, dis, tail], axis=1)


def _final_body(e3, g3t, batch, b3, fcw, fcb, out_ref, acc):
    i = pl.program_id(0)
    @pl.when(i == 0)
    def _():
        acc[...] = jnp.zeros_like(acc)
    gv = g3t[...]
    z = (e3[...][:, 0:32] + gv[:, 0:32]) * gv[:, 32:33]
    h3 = jnp.maximum(z + b3[...], 0.0)
    y = jnp.dot(h3, fcw[...], preferred_element_type=jnp.float32)
    yo = jnp.concatenate([y, jnp.ones_like(y)], axis=1)
    onehot_t = (lax.broadcasted_iota(jnp.int32, (GG, BT), 0)
                == batch[...]).astype(jnp.float32)
    acc[...] += jnp.dot(onehot_t, yo, preferred_element_type=jnp.float32)
    @pl.when(i == NSTEP - 1)
    def _():
        a = acc[...]
        out_ref[...] = a[:, 0:1] / jnp.maximum(a[:, 1:2], 1.0) + fcb[...]


def _row_spec(width):
    return pl.BlockSpec((BT, width), lambda i: (i, 0))


def _full_spec(shape):
    return pl.BlockSpec(shape, lambda i: tuple(0 for _ in shape))


_prep_call = pl.pallas_call(
    _prep_body,
    grid=(NSTEP,),
    in_specs=[_row_spec(1), _row_spec(1), _row_spec(2)],
    out_specs=_row_spec(128),
    out_shape=jax.ShapeDtypeStruct((NP, 128), jnp.float32),
)

_mid1_call = pl.pallas_call(
    _mid1_body,
    grid=(NSTEP,),
    in_specs=[_row_spec(128), _row_spec(128),
              _full_spec((2, 32)), _full_spec((1, 32))],
    out_specs=_row_spec(128),
    out_shape=jax.ShapeDtypeStruct((NP, 128), jnp.float32),
)

_mid2_call = pl.pallas_call(
    _mid2_body,
    grid=(NSTEP,),
    in_specs=[_row_spec(128), _row_spec(128),
              _full_spec((32, 64)), _full_spec((1, 64)),
              _full_spec((64, 32))],
    out_specs=_row_spec(128),
    out_shape=jax.ShapeDtypeStruct((NP, 128), jnp.float32),
)

_final_call = pl.pallas_call(
    _final_body,
    grid=(NSTEP,),
    in_specs=[_row_spec(128), _row_spec(128),
              pl.BlockSpec((1, BT), lambda i: (0, i)),
              _full_spec((1, 32)), _full_spec((32, 1)), _full_spec((1, 1))],
    out_specs=_full_spec((GG, 1)),
    out_shape=jax.ShapeDtypeStruct((GG, 1), jnp.float32),
    scratch_shapes=[pltpu.VMEM((GG, 2), jnp.float32)],
)


def kernel(x, edge_index, batch, W1, b1, W2, b2, W3, b3, fc_W, fc_b):
    f32 = jnp.float32
    i32 = jnp.int32
    npad = EP - EE
    pad_src = (jnp.arange(npad, dtype=i32) * 7919) % NN
    pad_dst = NN + (jnp.arange(npad, dtype=i32) % (NP - NN))
    src = jnp.concatenate([edge_index[0], pad_src])
    src_a2d = (src * 8).reshape(EP // SUB, SUB)
    src_b2d = (src * 8 + 1).reshape(EP // SUB, SUB)
    dst2d = jnp.concatenate([edge_index[1], pad_dst]).reshape(EP // SUB, SUB)

    xp = jnp.zeros((NP, 2), f32).at[:NN].set(x.astype(f32))
    batchp = jnp.full((NP,), GG + 7, i32).at[:NN].set(batch).reshape(1, NP)

    ones_sub = jnp.ones((SUB,), f32)
    z1 = jnp.zeros((NP,), f32)
    z16 = jnp.zeros((NP, 16), f32)

    _deg_call, _agg_es_call, _agg_fs_call = _sc_kernels()
    deg_a, deg_b = _deg_call(dst2d, ones_sub, z1)
    misc1 = _prep_call(deg_a.reshape(NP, 1), deg_b.reshape(NP, 1), xp)
    e1 = _agg_es_call(src_a2d, src_b2d, dst2d,
                      misc1.reshape(NP * 8, 16), z16)
    g2t = _mid1_call(e1, misc1, W1, b1.reshape(1, 32))
    e2 = _agg_fs_call(src_a2d, src_b2d, dst2d,
                      g2t.reshape(NP * 8, 16), z16)
    g3t = _mid2_call(e2, g2t, W2, b2.reshape(1, 64), W3)
    e3 = _agg_fs_call(src_a2d, src_b2d, dst2d,
                      g3t.reshape(NP * 8, 16), z16)
    out = _final_call(e3, g3t, batchp, b3.reshape(1, 32),
                      fc_W, fc_b.reshape(1, 1))
    return out

# --- scband reference (transcript-rebuilt; emitter-appended) ---
"""Pipeline reference for scband-gnnmodel-70729521430617 (READ-ONLY COPY).

The authoritative reference and input builder live on the scoring server;
editing this copy changes nothing except your own understanding.
"""

import jax, jax.numpy as jnp
import numpy as np

N = 100000
E = 3200000
G = 1024

def setup_inputs(seed: int = 0) -> dict:
    key = jax.random.key(seed)
    ks = jax.random.split(key, 12)
    x = jax.random.normal(ks[0], (N, 2), dtype=jnp.float32)
    edge_index = jax.random.randint(ks[1], (2, E), 0, N, dtype=jnp.int32)
    batch = jnp.sort(jax.random.randint(ks[2], (N,), 0, G, dtype=jnp.int32))
    def winit(k, shape, fan_in):
        return jax.random.uniform(k, shape, dtype=jnp.float32, minval=-1.0, maxval=1.0) / np.sqrt(fan_in)
    W1 = winit(ks[3], (2, 32), 2)
    b1 = jnp.zeros((32,), dtype=jnp.float32)
    W2 = winit(ks[4], (32, 64), 32)
    b2 = jnp.zeros((64,), dtype=jnp.float32)
    W3 = winit(ks[5], (64, 32), 64)
    b3 = jnp.zeros((32,), dtype=jnp.float32)
    fc_W = winit(ks[6], (32, 1), 32)
    fc_b = jnp.zeros((1,), dtype=jnp.float32)
    return {"x": x, "edge_index": edge_index, "batch": batch,
            "W1": W1, "b1": b1, "W2": W2, "b2": b2, "W3": W3, "b3": b3,
            "fc_W": fc_W, "fc_b": fc_b}

def reference(x, edge_index, batch, W1, b1, W2, b2, W3, b3, fc_W, fc_b):
    # GCNConv with add_self_loops=True and symmetric normalization (PyG default).
    loop = jnp.arange(N, dtype=edge_index.dtype)
    src = jnp.concatenate([edge_index[0], loop])
    dst = jnp.concatenate([edge_index[1], loop])
    deg = jax.ops.segment_sum(jnp.ones_like(dst, dtype=jnp.float32), dst, num_segments=N)
    deg_inv_sqrt = jnp.where(deg > 0, 1.0 / jnp.sqrt(deg), 0.0)
    norm = deg_inv_sqrt[src] * deg_inv_sqrt[dst]

    def gcn_conv(h, W, b):
        h = h @ W
        msg = h[src] * norm[:, None]
        agg = jax.ops.segment_sum(msg, dst, num_segments=N)
        return agg + b

    h = jax.nn.relu(gcn_conv(x, W1, b1))
    # dropout is identity in inference mode
    h = jax.nn.relu(gcn_conv(h, W2, b2))
    h = jax.nn.relu(gcn_conv(h, W3, b3))
    # global_mean_pool over graph ids
    counts = jax.ops.segment_sum(jnp.ones((N,), dtype=jnp.float32), batch, num_segments=G)
    sums = jax.ops.segment_sum(h, batch, num_segments=G)
    pooled = sums / jnp.maximum(counts, 1.0)[:, None]
    return pooled @ fc_W + fc_b

if __name__ == "__main__":
    import jax
    _d = setup_inputs()
    print(jax.jit(kernel)(*tuple(_d.values())))

</pallas_src>

<mosaic_0001>
#map = affine_map<(d0, d1) -> (0, 0)>
module attributes {stable_mosaic.version = 14 : i64} {
  func.func @_agg_body(%arg0: i32, %arg1: i32, %arg2: memref<25088x128xi32, #tpu.memory_space<hbm>>, %arg3: memref<25088x128xi32, #tpu.memory_space<hbm>>, %arg4: memref<25088x128xi32, #tpu.memory_space<hbm>>, %arg5: memref<802816x16xf32, #tpu.memory_space<hbm>>, %arg6: memref<100352x16xf32, #tpu.memory_space<hbm>>, %arg7: memref<100352x128xf32, #tpu.memory_space<hbm>>, %arg8: memref<8x128xi32, #tpu.memory_space<vmem>>, %arg9: memref<8x128xi32, #tpu.memory_space<vmem>>, %arg10: memref<8x128x16xf32, #tpu.memory_space<vmem>>, %arg11: memref<100352x16xf32, #tpu.memory_space<vmem_shared>>, %arg12: memref<!tpu.dma_semaphore, #tpu.memory_space<semaphore_mem>>, %arg13: memref<!tpu.dma_semaphore, #tpu.memory_space<semaphore_mem>>) attributes {dimension_semantics = [#tpu.dimension_semantics<core_parallel>, #tpu.dimension_semantics<subcore_parallel>], iteration_bounds = array<i64: 2, 16>, scalar_prefetch = 0 : i64, scratch_operands = 6 : i64, tpu.core_type = #tpu.core_type<sc_vector_subcore>, window_params = [{transform_indices = #map}, {transform_indices = #map}, {transform_indices = #map}, {transform_indices = #map}, {transform_indices = #map}, {transform_indices = #map}]} {
    %mul3A = arith.constant 6272 : i32
    %mul3A_0 = arith.muli %arg1, %mul3A : i32
    %mul3A_1 = arith.constant 6272 : i32
    %mul3A_2 = arith.muli %arg1, %mul3A_1 : i32
    "tpu.region"() ({
      %run_scoped3A = tpu.sem_alloc : memref<!tpu.dma_semaphore, #tpu.memory_space<semaphore_mem>>
      %dma_start3A = arith.constant 0 : i32
      %dma_start3A_25 = tpu.memref_slice %arg11[%mul3A_2, %dma_start3A] : memref<100352x16xf32, #tpu.memory_space<vmem_shared>> -> memref<6272x16xf32, #tpu.memory_space<vmem_shared>>
      %dma_start3A_26 = arith.constant 0 : i32
      %dma_start3A_27 = tpu.memref_slice %arg6[%mul3A_0, %dma_start3A_26] : memref<100352x16xf32, #tpu.memory_space<hbm>> -> memref<6272x16xf32, #tpu.memory_space<hbm>>
      tpu.enqueue_dma source(%dma_start3A_27 : memref<6272x16xf32, #tpu.memory_space<hbm>>) target(%dma_start3A_25 : memref<6272x16xf32, #tpu.memory_space<vmem_shared>>) target_semaphore(%run_scoped3A : memref<!tpu.dma_semaphore, #tpu.memory_space<semaphore_mem>>)
      %dma_wait3A = arith.constant 0 : i32
      %dma_wait3A_28 = tpu.memref_slice %arg11[%mul3A_2, %dma_wait3A] : memref<100352x16xf32, #tpu.memory_space<vmem_shared>> -> memref<6272x16xf32, #tpu.memory_space<vmem_shared>>
      %dma_wait3A_29 = arith.constant 0 : i32
      %dma_wait3A_30 = tpu.memref_slice %arg6[%mul3A_0, %dma_wait3A_29] : memref<100352x16xf32, #tpu.memory_space<hbm>> -> memref<6272x16xf32, #tpu.memory_space<hbm>>
      tpu.wait_dma2 semaphore(%run_scoped3A : memref<!tpu.dma_semaphore, #tpu.memory_space<semaphore_mem>>) src(%dma_wait3A_30 : memref<6272x16xf32, #tpu.memory_space<hbm>>) dst(%dma_wait3A_28 : memref<6272x16xf32, #tpu.memory_space<vmem_shared>>)
      tpu.yield
    }) : () -> ()
    %barrier3A = arith.constant 0 : index
    tpu.barrier barrier_id(%barrier3A)
    %mul3A_3 = arith.constant 196 : i32
    %mul3A_4 = arith.muli %arg1, %mul3A_3 : i32
    %mul3A_5 = arith.constant 8 : i32
    %mul3A_6 = arith.muli %mul3A_4, %mul3A_5 : i32
    %eq3A = arith.constant 0 : i32
    %eq3A_7 = arith.cmpi eq, %arg0, %eq3A : i32
    %convert_element_type3A = arith.extui %eq3A_7 : i1 to i32
    %cond3A = arith.constant 0 : i32
    %cond3A_8 = arith.cmpi ne, %convert_element_type3A, %cond3A : i32
    scf.if %cond3A_8 {
      %scan3A = arith.constant 0 : i32
      %scan3A_25 = arith.constant 0 : i32
      %scan3A_26 = arith.constant 196 : i32
      %scan3A_27 = arith.addi %scan3A_25, %scan3A_26 : i32
      %scan3A_28 = arith.constant 1 : i32
      scf.for %scan3A_30 = %scan3A_25 to %scan3A_27 step %scan3A_28  : i32 {
        %mul3A_31 = arith.constant 8 : i32
        %mul3A_32 = arith.muli %scan3A_30, %mul3A_31 : i32
        %add3A = arith.addi %mul3A_6, %mul3A_32 : i32
        "tpu.region"() ({
          %run_scoped3A = tpu.sem_alloc : memref<!tpu.dma_semaphore, #tpu.memory_space<semaphore_mem>>
          %dma_start3A_415 = arith.constant 0 : i32
          %dma_start3A_416 = tpu.memref_slice %arg2[%add3A, %dma_start3A_415] : memref<25088x128xi32, #tpu.memory_space<hbm>> -> memref<8x128xi32, #tpu.memory_space<hbm>>
          %dma_start3A_417 = arith.constant 0 : i32
          %dma_start3A_418 = tpu.memref_slice %arg2[%add3A, %dma_start3A_417] : memref<25088x128xi32, #tpu.memory_space<hbm>> -> memref<8x128xi32, #tpu.memory_space<hbm>>
          tpu.enqueue_dma source(%dma_start3A_418 : memref<8x128xi32, #tpu.memory_space<hbm>>) target(%arg8 : memref<8x128xi32, #tpu.memory_space<vmem>>) target_semaphore(%run_scoped3A : memref<!tpu.dma_semaphore, #tpu.memory_space<semaphore_mem>>)
          %dma_wait3A_419 = arith.constant 0 : i32
          %dma_wait3A_420 = tpu.memref_slice %arg2[%add3A, %dma_wait3A_419] : memref<25088x128xi32, #tpu.memory_space<hbm>> -> memref<8x128xi32, #tpu.memory_space<hbm>>
          %dma_wait3A_421 = arith.constant 0 : i32
          %dma_wait3A_422 = tpu.memref_slice %arg2[%add3A, %dma_wait3A_421] : memref<25088x128xi32, #tpu.memory_space<hbm>> -> memref<8x128xi32, #tpu.memory_space<hbm>>
          tpu.wait_dma2 semaphore(%run_scoped3A : memref<!tpu.dma_semaphore, #tpu.memory_space<semaphore_mem>>) src(%dma_wait3A_422 : memref<8x128xi32, #tpu.memory_space<hbm>>) dst(%arg8 : memref<8x128xi32, #tpu.memory_space<vmem>>)
          tpu.yield
        }) : () -> ()
        "tpu.region"() ({
          %run_scoped3A = tpu.sem_alloc : memref<!tpu.dma_semaphore, #tpu.memory_space<semaphore_mem>>
          %dma_start3A_415 = arith.constant 0 : i32
          %dma_start3A_416 = tpu.memref_slice %arg4[%add3A, %dma_start3A_415] : memref<25088x128xi32, #tpu.memory_space<hbm>> -> memref<8x128xi32, #tpu.memory_space<hbm>>
          %dma_start3A_417 = arith.constant 0 : i32
          %dma_start3A_418 = tpu.memref_slice %arg4[%add3A, %dma_start3A_417] : memref<25088x128xi32, #tpu.memory_space<hbm>> -> memref<8x128xi32, #tpu.memory_space<hbm>>
          tpu.enqueue_dma source(%dma_start3A_418 : memref<8x128xi32, #tpu.memory_space<hbm>>) target(%arg9 : memref<8x128xi32, #tpu.memory_space<vmem>>) target_semaphore(%run_scoped3A : memref<!tpu.dma_semaphore, #tpu.memory_space<semaphore_mem>>)
          %dma_wait3A_419 = arith.constant 0 : i32
          %dma_wait3A_420 = tpu.memref_slice %arg4[%add3A, %dma_wait3A_419] : memref<25088x128xi32, #tpu.memory_space<hbm>> -> memref<8x128xi32, #tpu.memory_space<hbm>>
          %dma_wait3A_421 = arith.constant 0 : i32
          %dma_wait3A_422 = tpu.memref_slice %arg4[%add3A, %dma_wait3A_421] : memref<25088x128xi32, #tpu.memory_space<hbm>> -> memref<8x128xi32, #tpu.memory_space<hbm>>
          tpu.wait_dma2 semaphore(%run_scoped3A : memref<!tpu.dma_semaphore, #tpu.memory_space<semaphore_mem>>) src(%dma_wait3A_422 : memref<8x128xi32, #tpu.memory_space<hbm>>) dst(%arg9 : memref<8x128xi32, #tpu.memory_space<vmem>>)
          tpu.yield
        }) : () -> ()
        %dma_start3A = arith.constant 0 : i32
        %dma_start3A_33 = arith.constant 0 : i32
        %dma_start3A_34 = arith.constant 0 : i32
        %dma_start3A_35 = arith.constant 0 : i32
        %dma_start3A_36 = tpu.memref_slice %arg10[%dma_start3A_33, %dma_start3A_34, %dma_start3A_35] : memref<8x128x16xf32, #tpu.memory_space<vmem>> -> memref<1x128x16xf32, #tpu.memory_space<vmem>>
        %dma_start3A_37 = tpu.memref_squeeze %dma_start3A_36 : memref<1x128x16xf32, #tpu.memory_space<vmem>> -> memref<128x16xf32, #tpu.memory_space<vmem>>
        %dma_start3A_38 = arith.constant 0 : i32
        %dma_start3A_39 = tpu.memref_slice %arg8[%dma_start3A, %dma_start3A_38] : memref<8x128xi32, #tpu.memory_space<vmem>> -> memref<1x128xi32, #tpu.memory_space<vmem>>
        %dma_start3A_40 = tpu.memref_squeeze %dma_start3A_39 : memref<1x128xi32, #tpu.memory_space<vmem>> -> memref<128xi32, #tpu.memory_space<vmem>>
        %dma_start3A_41 = arith.constant 0 : i32
        %dma_start3A_42 = arith.constant 0 : i32
        %dma_start3A_43 = tpu.memref_slice %arg5[%dma_start3A_41, %dma_start3A_42] : memref<802816x16xf32, #tpu.memory_space<hbm>> -> memref<802816x16xf32, #tpu.memory_space<hbm>>
        tpu.enqueue_indirect_dma source(%dma_start3A_43 : memref<802816x16xf32, #tpu.memory_space<hbm>>) target(%dma_start3A_37 : memref<128x16xf32, #tpu.memory_space<vmem>>) offsets(%dma_start3A_40 : memref<128xi32, #tpu.memory_space<vmem>>) semaphore(%arg12 : memref<!tpu.dma_semaphore, #tpu.memory_space<semaphore_mem>>)
        %dma_start3A_44 = arith.constant 1 : i32
        %dma_start3A_45 = arith.constant 1 : i32
        %dma_start3A_46 = arith.constant 0 : i32
        %dma_start3A_47 = arith.constant 0 : i32
        %dma_start3A_48 = tpu.memref_slice %arg10[%dma_start3A_45, %dma_start3A_46, %dma_start3A_47] : memref<8x128x16xf32, #tpu.memory_space<vmem>> -> memref<1x128x16xf32, #tpu.memory_space<vmem>>
        %dma_start3A_49 = tpu.memref_squeeze %dma_start3A_48 : memref<1x128x16xf32, #tpu.memory_space<vmem>> -> memref<128x16xf32, #tpu.memory_space<vmem>>
        %dma_start3A_50 = arith.constant 0 : i32
        %dma_start3A_51 = tpu.memref_slice %arg8[%dma_start3A_44, %dma_start3A_50] : memref<8x128xi32, #tpu.memory_space<vmem>> -> memref<1x128xi32, #tpu.memory_space<vmem>>
        %dma_start3A_52 = tpu.memref_squeeze %dma_start3A_51 : memref<1x128xi32, #tpu.memory_space<vmem>> -> memref<128xi32, #tpu.memory_space<vmem>>
        %dma_start3A_53 = arith.constant 0 : i32
        %dma_start3A_54 = arith.constant 0 : i32
        %dma_start3A_55 = tpu.memref_slice %arg5[%dma_start3A_53, %dma_start3A_54] : memref<802816x16xf32, #tpu.memory_space<hbm>> -> memref<802816x16xf32, #tpu.memory_space<hbm>>
        tpu.enqueue_indirect_dma source(%dma_start3A_55 : memref<802816x16xf32, #tpu.memory_space<hbm>>) target(%dma_start3A_49 : memref<128x16xf32, #tpu.memory_space<vmem>>) offsets(%dma_start3A_52 : memref<128xi32, #tpu.memory_space<vmem>>) semaphore(%arg12 : memref<!tpu.dma_semaphore, #tpu.memory_space<semaphore_mem>>)
        %dma_start3A_56 = arith.constant 2 : i32
        %dma_start3A_57 = arith.constant 2 : i32
        %dma_start3A_58 = arith.constant 0 : i32
        %dma_start3A_59 = arith.constant 0 : i32
        %dma_start3A_60 = tpu.memref_slice %arg10[%dma_start3A_57, %dma_start3A_58, %dma_start3A_59] : memref<8x128x16xf32, #tpu.memory_space<vmem>> -> memref<1x128x16xf32, #tpu.memory_space<vmem>>
        %dma_start3A_61 = tpu.memref_squeeze %dma_start3A_60 : memref<1x128x16xf32, #tpu.memory_space<vmem>> -> memref<128x16xf32, #tpu.memory_space<vmem>>
        %dma_start3A_62 = arith.constant 0 : i32
        %dma_start3A_63 = tpu.memref_slice %arg8[%dma_start3A_56, %dma_start3A_62] : memref<8x128xi32, #tpu.memory_space<vmem>> -> memref<1x128xi32, #tpu.memory_space<vmem>>
        %dma_start3A_64 = tpu.memref_squeeze %dma_start3A_63 : memref<1x128xi32, #tpu.memory_space<vmem>> -> memref<128xi32, #tpu.memory_space<vmem>>
        %dma_start3A_65 = arith.constant 0 : i32
        %dma_start3A_66 = arith.constant 0 : i32
        %dma_start3A_67 = tpu.memref_slice %arg5[%dma_start3A_65, %dma_start3A_66] : memref<802816x16xf32, #tpu.memory_space<hbm>> -> memref<802816x16xf32, #tpu.memory_space<hbm>>
        tpu.enqueue_indirect_dma source(%dma_start3A_67 : memref<802816x16xf32, #tpu.memory_space<hbm>>) target(%dma_start3A_61 : memref<128x16xf32, #tpu.memory_space<vmem>>) offsets(%dma_start3A_64 : memref<128xi32, #tpu.memory_space<vmem>>) semaphore(%arg12 : memref<!tpu.dma_semaphore, #tpu.memory_space<semaphore_mem>>)
        %dma_start3A_68 = arith.constant 3 : i32
        %dma_start3A_69 = arith.constant 3 : i32
        %dma_start3A_70 = arith.constant 0 : i32
        %dma_start3A_71 = arith.constant 0 : i32
        %dma_start3A_72 = tpu.memref_slice %arg10[%dma_start3A_69, %dma_start3A_70, %dma_start3A_71] : memref<8x128x16xf32, #tpu.memory_space<vmem>> -> memref<1x128x16xf32, #tpu.memory_space<vmem>>
        %dma_start3A_73 = tpu.memref_squeeze %dma_start3A_72 : memref<1x128x16xf32, #tpu.memory_space<vmem>> -> memref<128x16xf32, #tpu.memory_space<vmem>>
        %dma_start3A_74 = arith.constant 0 : i32
        %dma_start3A_75 = tpu.memref_slice %arg8[%dma_start3A_68, %dma_start3A_74] : memref<8x128xi32, #tpu.memory_space<vmem>> -> memref<1x128xi32, #tpu.memory_space<vmem>>
        %dma_start3A_76 = tpu.memref_squeeze %dma_start3A_75 : memref<1x128xi32, #tpu.memory_space<vmem>> -> memref<128xi32, #tpu.memory_space<vmem>>
        %dma_start3A_77 = arith.constant 0 : i32
        %dma_start3A_78 = arith.constant 0 : i32
        %dma_start3A_79 = tpu.memref_slice %arg5[%dma_start3A_77, %dma_start3A_78] : memref<802816x16xf32, #tpu.memory_space<hbm>> -> memref<802816x16xf32, #tpu.memory_space<hbm>>
        tpu.enqueue_indirect_dma source(%dma_start3A_79 : memref<802816x16xf32, #tpu.memory_space<hbm>>) target(%dma_start3A_73 : memref<128x16xf32, #tpu.memory_space<vmem>>) offsets(%dma_start3A_76 : memref<128xi32, #tpu.memory_space<vmem>>) semaphore(%arg12 : memref<!tpu.dma_semaphore, #tpu.memory_space<semaphore_mem>>)
        %dma_start3A_80 = arith.constant 4 : i32
        %dma_start3A_81 = arith.constant 4 : i32
        %dma_start3A_82 = arith.constant 0 : i32
        %dma_start3A_83 = arith.constant 0 : i32
        %dma_start3A_84 = tpu.memref_slice %arg10[%dma_start3A_81, %dma_start3A_82, %dma_start3A_83] : memref<8x128x16xf32, #tpu.memory_space<vmem>> -> memref<1x128x16xf32, #tpu.memory_space<vmem>>
        %dma_start3A_85 = tpu.memref_squeeze %dma_start3A_84 : memref<1x128x16xf32, #tpu.memory_space<vmem>> -> memref<128x16xf32, #tpu.memory_space<vmem>>
        %dma_start3A_86 = arith.constant 0 : i32
        %dma_start3A_87 = tpu.memref_slice %arg8[%dma_start3A_80, %dma_start3A_86] : memref<8x128xi32, #tpu.memory_space<vmem>> -> memref<1x128xi32, #tpu.memory_space<vmem>>
        %dma_start3A_88 = tpu.memref_squeeze %dma_start3A_87 : memref<1x128xi32, #tpu.memory_space<vmem>> -> memref<128xi32, #tpu.memory_space<vmem>>
        %dma_start3A_89 = arith.constant 0 : i32
        %dma_start3A_90 = arith.constant 0 : i32
        %dma_start3A_91 = tpu.memref_slice %arg5[%dma_start3A_89, %dma_start3A_90] : memref<802816x16xf32, #tpu.memory_space<hbm>> -> memref<802816x16xf32, #tpu.memory_space<hbm>>
        tpu.enqueue_indirect_dma source(%dma_start3A_91 : memref<802816x16xf32, #tpu.memory_space<hbm>>) target(%dma_start3A_85 : memref<128x16xf32, #tpu.memory_space<vmem>>) offsets(%dma_start3A_88 : memref<128xi32, #tpu.memory_space<vmem>>) semaphore(%arg12 : memref<!tpu.dma_semaphore, #tpu.memory_space<semaphore_mem>>)
        %dma_start3A_92 = arith.constant 5 : i32
        %dma_start3A_93 = arith.constant 5 : i32
        %dma_start3A_94 = arith.constant 0 : i32
        %dma_start3A_95 = arith.constant 0 : i32
        %dma_start3A_96 = tpu.memref_slice %arg10[%dma_start3A_93, %dma_start3A_94, %dma_start3A_95] : memref<8x128x16xf32, #tpu.memory_space<vmem>> -> memref<1x128x16xf32, #tpu.memory_space<vmem>>
        %dma_start3A_97 = tpu.memref_squeeze %dma_start3A_96 : memref<1x128x16xf32, #tpu.memory_space<vmem>> -> memref<128x16xf32, #tpu.memory_space<vmem>>
        %dma_start3A_98 = arith.constant 0 : i32
        %dma_start3A_99 = tpu.memref_slice %arg8[%dma_start3A_92, %dma_start3A_98] : memref<8x128xi32, #tpu.memory_space<vmem>> -> memref<1x128xi32, #tpu.memory_space<vmem>>
        %dma_start3A_100 = tpu.memref_squeeze %dma_start3A_99 : memref<1x128xi32, #tpu.memory_space<vmem>> -> memref<128xi32, #tpu.memory_space<vmem>>
        %dma_start3A_101 = arith.constant 0 : i32
        %dma_start3A_102 = arith.constant 0 : i32
        %dma_start3A_103 = tpu.memref_slice %arg5[%dma_start3A_101, %dma_start3A_102] : memref<802816x16xf32, #tpu.memory_space<hbm>> -> memref<802816x16xf32, #tpu.memory_space<hbm>>
        tpu.enqueue_indirect_dma source(%dma_start3A_103 : memref<802816x16xf32, #tpu.memory_space<hbm>>) target(%dma_start3A_97 : memref<128x16xf32, #tpu.memory_space<vmem>>) offsets(%dma_start3A_100 : memref<128xi32, #tpu.memory_space<vmem>>) semaphore(%arg12 : memref<!tpu.dma_semaphore, #tpu.memory_space<semaphore_mem>>)
        %dma_start3A_104 = arith.constant 6 : i32
        %dma_start3A_105 = arith.constant 6 : i32
        %dma_start3A_106 = arith.constant 0 : i32
        %dma_start3A_107 = arith.constant 0 : i32
        %dma_start3A_108 = tpu.memref_slice %arg10[%dma_start3A_105, %dma_start3A_106, %dma_start3A_107] : memref<8x128x16xf32, #tpu.memory_space<vmem>> -> memref<1x128x16xf32, #tpu.memory_space<vmem>>
        %dma_start3A_109 = tpu.memref_squeeze %dma_start3A_108 : memref<1x128x16xf32, #tpu.memory_space<vmem>> -> memref<128x16xf32, #tpu.memory_space<vmem>>
        %dma_start3A_110 = arith.constant 0 : i32
        %dma_start3A_111 = tpu.memref_slice %arg8[%dma_start3A_104, %dma_start3A_110] : memref<8x128xi32, #tpu.memory_space<vmem>> -> memref<1x128xi32, #tpu.memory_space<vmem>>
        %dma_start3A_112 = tpu.memref_squeeze %dma_start3A_111 : memref<1x128xi32, #tpu.memory_space<vmem>> -> memref<128xi32, #tpu.memory_space<vmem>>
        %dma_start3A_113 = arith.constant 0 : i32
        %dma_start3A_114 = arith.constant 0 : i32
        %dma_start3A_115 = tpu.memref_slice %arg5[%dma_start3A_113, %dma_start3A_114] : memref<802816x16xf32, #tpu.memory_space<hbm>> -> memref<802816x16xf32, #tpu.memory_space<hbm>>
        tpu.enqueue_indirect_dma source(%dma_start3A_115 : memref<802816x16xf32, #tpu.memory_space<hbm>>) target(%dma_start3A_109 : memref<128x16xf32, #tpu.memory_space<vmem>>) offsets(%dma_start3A_112 : memref<128xi32, #tpu.memory_space<vmem>>) semaphore(%arg12 : memref<!tpu.dma_semaphore, #tpu.memory_space<semaphore_mem>>)
        %dma_start3A_116 = arith.constant 7 : i32
        %dma_start3A_117 = arith.constant 7 : i32
        %dma_start3A_118 = arith.constant 0 : i32
        %dma_start3A_119 = arith.constant 0 : i32
        %dma_start3A_120 = tpu.memref_slice %arg10[%dma_start3A_117, %dma_start3A_118, %dma_start3A_119] : memref<8x128x16xf32, #tpu.memory_space<vmem>> -> memref<1x128x16xf32, #tpu.memory_space<vmem>>
        %dma_start3A_121 = tpu.memref_squeeze %dma_start3A_120 : memref<1x128x16xf32, #tpu.memory_space<vmem>> -> memref<128x16xf32, #tpu.memory_space<vmem>>
        %dma_start3A_122 = arith.constant 0 : i32
        %dma_start3A_123 = tpu.memref_slice %arg8[%dma_start3A_116, %dma_start3A_122] : memref<8x128xi32, #tpu.memory_space<vmem>> -> memref<1x128xi32, #tpu.memory_space<vmem>>
        %dma_start3A_124 = tpu.memref_squeeze %dma_start3A_123 : memref<1x128xi32, #tpu.memory_space<vmem>> -> memref<128xi32, #tpu.memory_space<vmem>>
        %dma_start3A_125 = arith.constant 0 : i32
        %dma_start3A_126 = arith.constant 0 : i32
        %dma_start3A_127 = tpu.memref_slice %arg5[%dma_start3A_125, %dma_start3A_126] : memref<802816x16xf32, #tpu.memory_space<hbm>> -> memref<802816x16xf32, #tpu.memory_space<hbm>>
        tpu.enqueue_indirect_dma source(%dma_start3A_127 : memref<802816x16xf32, #tpu.memory_space<hbm>>) target(%dma_start3A_121 : memref<128x16xf32, #tpu.memory_space<vmem>>) offsets(%dma_start3A_124 : memref<128xi32, #tpu.memory_space<vmem>>) semaphore(%arg12 : memref<!tpu.dma_semaphore, #tpu.memory_space<semaphore_mem>>)
        %dma_wait3A = arith.constant 0 : i32
        %dma_wait3A_128 = arith.constant 0 : i32
        %dma_wait3A_129 = arith.constant 0 : i32
        %dma_wait3A_130 = arith.constant 0 : i32
        %dma_wait3A_131 = tpu.memref_slice %arg10[%dma_wait3A_128, %dma_wait3A_129, %dma_wait3A_130] : memref<8x128x16xf32, #tpu.memory_space<vmem>> -> memref<1x128x16xf32, #tpu.memory_space<vmem>>
        %dma_wait3A_132 = tpu.memref_squeeze %dma_wait3A_131 : memref<1x128x16xf32, #tpu.memory_space<vmem>> -> memref<128x16xf32, #tpu.memory_space<vmem>>
        %dma_wait3A_133 = arith.constant 0 : i32
        %dma_wait3A_134 = tpu.memref_slice %arg8[%dma_wait3A, %dma_wait3A_133] : memref<8x128xi32, #tpu.memory_space<vmem>> -> memref<1x128xi32, #tpu.memory_space<vmem>>
        %dma_wait3A_135 = tpu.memref_squeeze %dma_wait3A_134 : memref<1x128xi32, #tpu.memory_space<vmem>> -> memref<128xi32, #tpu.memory_space<vmem>>
        %dma_wait3A_136 = arith.constant 0 : i32
        %dma_wait3A_137 = arith.constant 0 : i32
        %dma_wait3A_138 = tpu.memref_slice %arg5[%dma_wait3A_136, %dma_wait3A_137] : memref<802816x16xf32, #tpu.memory_space<hbm>> -> memref<802816x16xf32, #tpu.memory_space<hbm>>
        tpu.wait_indirect_dma semaphore(%arg12 : memref<!tpu.dma_semaphore, #tpu.memory_space<semaphore_mem>>) src(%dma_wait3A_138 : memref<802816x16xf32, #tpu.memory_space<hbm>>) dst(%dma_wait3A_132 : memref<128x16xf32, #tpu.memory_space<vmem>>)
        %dma_wait3A_139 = arith.constant 1 : i32
        %dma_wait3A_140 = arith.constant 1 : i32
        %dma_wait3A_141 = arith.constant 0 : i32
        %dma_wait3A_142 = arith.constant 0 : i32
        %dma_wait3A_143 = tpu.memref_slice %arg10[%dma_wait3A_140, %dma_wait3A_141, %dma_wait3A_142] : memref<8x128x16xf32, #tpu.memory_space<vmem>> -> memref<1x128x16xf32, #tpu.memory_space<vmem>>
        %dma_wait3A_144 = tpu.memref_squeeze %dma_wait3A_143 : memref<1x128x16xf32, #tpu.memory_space<vmem>> -> memref<128x16xf32, #tpu.memory_space<vmem>>
        %dma_wait3A_145 = arith.constant 0 : i32
        %dma_wait3A_146 = tpu.memref_slice %arg8[%dma_wait3A_139, %dma_wait3A_145] : memref<8x128xi32, #tpu.memory_space<vmem>> -> memref<1x128xi32, #tpu.memory_space<vmem>>
        %dma_wait3A_147 = tpu.memref_squeeze %dma_wait3A_146 : memref<1x128xi32, #tpu.memory_space<vmem>> -> memref<128xi32, #tpu.memory_space<vmem>>
        %dma_wait3A_148 = arith.constant 0 : i32
        %dma_wait3A_149 = arith.constant 0 : i32
        %dma_wait3A_150 = tpu.memref_slice %arg5[%dma_wait3A_148, %dma_wait3A_149] : memref<802816x16xf32, #tpu.memory_space<hbm>> -> memref<802816x16xf32, #tpu.memory_space<hbm>>
        tpu.wait_indirect_dma semaphore(%arg12 : memref<!tpu.dma_semaphore, #tpu.memory_space<semaphore_mem>>) src(%dma_wait3A_150 : memref<802816x16xf32, #tpu.memory_space<hbm>>) dst(%dma_wait3A_144 : memref<128x16xf32, #tpu.memory_space<vmem>>)
        %dma_wait3A_151 = arith.constant 2 : i32
        %dma_wait3A_152 = arith.constant 2 : i32
        %dma_wait3A_153 = arith.constant 0 : i32
        %dma_wait3A_154 = arith.constant 0 : i32
        %dma_wait3A_155 = tpu.memref_slice %arg10[%dma_wait3A_152, %dma_wait3A_153, %dma_wait3A_154] : memref<8x128x16xf32, #tpu.memory_space<vmem>> -> memref<1x128x16xf32, #tpu.memory_space<vmem>>
        %dma_wait3A_156 = tpu.memref_squeeze %dma_wait3A_155 : memref<1x128x16xf32, #tpu.memory_space<vmem>> -> memref<128x16xf32, #tpu.memory_space<vmem>>
        %dma_wait3A_157 = arith.constant 0 : i32
        %dma_wait3A_158 = tpu.memref_slice %arg8[%dma_wait3A_151, %dma_wait3A_157] : memref<8x128xi32, #tpu.memory_space<vmem>> -> memref<1x128xi32, #tpu.memory_space<vmem>>
        %dma_wait3A_159 = tpu.memref_squeeze %dma_wait3A_158 : memref<1x128xi32, #tpu.memory_space<vmem>> -> memref<128xi32, #tpu.memory_space<vmem>>
        %dma_wait3A_160 = arith.constant 0 : i32
        %dma_wait3A_161 = arith.constant 0 : i32
        %dma_wait3A_162 = tpu.memref_slice %arg5[%dma_wait3A_160, %dma_wait3A_161] : memref<802816x16xf32, #tpu.memory_space<hbm>> -> memref<802816x16xf32, #tpu.memory_space<hbm>>
        tpu.wait_indirect_dma semaphore(%arg12 : memref<!tpu.dma_semaphore, #tpu.memory_space<semaphore_mem>>) src(%dma_wait3A_162 : memref<802816x16xf32, #tpu.memory_space<hbm>>) dst(%dma_wait3A_156 : memref<128x16xf32, #tpu.memory_space<vmem>>)
        %dma_wait3A_163 = arith.constant 3 : i32
        %dma_wait3A_164 = arith.constant 3 : i32
        %dma_wait3A_165 = arith.constant 0 : i32
        %dma_wait3A_166 = arith.constant 0 : i32
        %dma_wait3A_167 = tpu.memref_slice %arg10[%dma_wait3A_164, %dma_wait3A_165, %dma_wait3A_166] : memref<8x128x16xf32, #tpu.memory_space<vmem>> -> memref<1x128x16xf32, #tpu.memory_space<vmem>>
        %dma_wait3A_168 = tpu.memref_squeeze %dma_wait3A_167 : memref<1x128x16xf32, #tpu.memory_space<vmem>> -> memref<128x16xf32, #tpu.memory_space<vmem>>
        %dma_wait3A_169 = arith.constant 0 : i32
        %dma_wait3A_170 = tpu.memref_slice %arg8[%dma_wait3A_163, %dma_wait3A_169] : memref<8x128xi32, #tpu.memory_space<vmem>> -> memref<1x128xi32, #tpu.memory_space<vmem>>
        %dma_wait3A_171 = tpu.memref_squeeze %dma_wait3A_170 : memref<1x128xi32, #tpu.memory_space<vmem>> -> memref<128xi32, #tpu.memory_space<vmem>>
        %dma_wait3A_172 = arith.constant 0 : i32
        %dma_wait3A_173 = arith.constant 0 : i32
        %dma_wait3A_174 = tpu.memref_slice %arg5[%dma_wait3A_172, %dma_wait3A_173] : memref<802816x16xf32, #tpu.memory_space<hbm>> -> memref<802816x16xf32, #tpu.memory_space<hbm>>
        tpu.wait_indirect_dma semaphore(%arg12 : memref<!tpu.dma_semaphore, #tpu.memory_space<semaphore_mem>>) src(%dma_wait3A_174 : memref<802816x16xf32, #tpu.memory_space<hbm>>) dst(%dma_wait3A_168 : memref<128x16xf32, #tpu.memory_space<vmem>>)
        %dma_wait3A_175 = arith.constant 4 : i32
        %dma_wait3A_176 = arith.constant 4 : i32
        %dma_wait3A_177 = arith.constant 0 : i32
        %dma_wait3A_178 = arith.constant 0 : i32
        %dma_wait3A_179 = tpu.memref_slice %arg10[%dma_wait3A_176, %dma_wait3A_177, %dma_wait3A_178] : memref<8x128x16xf32, #tpu.memory_space<vmem>> -> memref<1x128x16xf32, #tpu.memory_space<vmem>>
        %dma_wait3A_180 = tpu.memref_squeeze %dma_wait3A_179 : memref<1x128x16xf32, #tpu.memory_space<vmem>> -> memref<128x16xf32, #tpu.memory_space<vmem>>
        %dma_wait3A_181 = arith.constant 0 : i32
        %dma_wait3A_182 = tpu.memref_slice %arg8[%dma_wait3A_175, %dma_wait3A_181] : memref<8x128xi32, #tpu.memory_space<vmem>> -> memref<1x128xi32, #tpu.memory_space<vmem>>
        %dma_wait3A_183 = tpu.memref_squeeze %dma_wait3A_182 : memref<1x128xi32, #tpu.memory_space<vmem>> -> memref<128xi32, #tpu.memory_space<vmem>>
        %dma_wait3A_184 = arith.constant 0 : i32
        %dma_wait3A_185 = arith.constant 0 : i32
        %dma_wait3A_186 = tpu.memref_slice %arg5[%dma_wait3A_184, %dma_wait3A_185] : memref<802816x16xf32, #tpu.memory_space<hbm>> -> memref<802816x16xf32, #tpu.memory_space<hbm>>
        tpu.wait_indirect_dma semaphore(%arg12 : memref<!tpu.dma_semaphore, #tpu.memory_space<semaphore_mem>>) src(%dma_wait3A_186 : memref<802816x16xf32, #tpu.memory_space<hbm>>) dst(%dma_wait3A_180 : memref<128x16xf32, #tpu.memory_space<vmem>>)
        %dma_wait3A_187 = arith.constant 5 : i32
        %dma_wait3A_188 = arith.constant 5 : i32
        %dma_wait3A_189 = arith.constant 0 : i32
        %dma_wait3A_190 = arith.constant 0 : i32
        %dma_wait3A_191 = tpu.memref_slice %arg10[%dma_wait3A_188, %dma_wait3A_189, %dma_wait3A_190] : memref<8x128x16xf32, #tpu.memory_space<vmem>> -> memref<1x128x16xf32, #tpu.memory_space<vmem>>
        %dma_wait3A_192 = tpu.memref_squeeze %dma_wait3A_191 : memref<1x128x16xf32, #tpu.memory_space<vmem>> -> memref<128x16xf32, #tpu.memory_space<vmem>>
        %dma_wait3A_193 = arith.constant 0 : i32
        %dma_wait3A_194 = tpu.memref_slice %arg8[%dma_wait3A_187, %dma_wait3A_193] : memref<8x128xi32, #tpu.memory_space<vmem>> -> memref<1x128xi32, #tpu.memory_space<vmem>>
        %dma_wait3A_195 = tpu.memref_squeeze %dma_wait3A_194 : memref<1x128xi32, #tpu.memory_space<vmem>> -> memref<128xi32, #tpu.memory_space<vmem>>
        %dma_wait3A_196 = arith.constant 0 : i32
        %dma_wait3A_197 = arith.constant 0 : i32
        %dma_wait3A_198 = tpu.memref_slice %arg5[%dma_wait3A_196, %dma_wait3A_197] : memref<802816x16xf32, #tpu.memory_space<hbm>> -> memref<802816x16xf32, #tpu.memory_space<hbm>>
        tpu.wait_indirect_dma semaphore(%arg12 : memref<!tpu.dma_semaphore, #tpu.memory_space<semaphore_mem>>) src(%dma_wait3A_198 : memref<802816x16xf32, #tpu.memory_space<hbm>>) dst(%dma_wait3A_192 : memref<128x16xf32, #tpu.memory_space<vmem>>)
        %dma_wait3A_199 = arith.constant 6 : i32
        %dma_wait3A_200 = arith.constant 6 : i32
        %dma_wait3A_201 = arith.constant 0 : i32
        %dma_wait3A_202 = arith.constant 0 : i32
        %dma_wait3A_203 = tpu.memref_slice %arg10[%dma_wait3A_200, %dma_wait3A_201, %dma_wait3A_202] : memref<8x128x16xf32, #tpu.memory_space<vmem>> -> memref<1x128x16xf32, #tpu.memory_space<vmem>>
        %dma_wait3A_204 = tpu.memref_squeeze %dma_wait3A_203 : memref<1x128x16xf32, #tpu.memory_space<vmem>> -> memref<128x16xf32, #tpu.memory_space<vmem>>
        %dma_wait3A_205 = arith.constant 0 : i32
        %dma_wait3A_206 = tpu.memref_slice %arg8[%dma_wait3A_199, %dma_wait3A_205] : memref<8x128xi32, #tpu.memory_space<vmem>> -> memref<1x128xi32, #tpu.memory_space<vmem>>
        %dma_wait3A_207 = tpu.memref_squeeze %dma_wait3A_206 : memref<1x128xi32, #tpu.memory_space<vmem>> -> memref<128xi32, #tpu.memory_space<vmem>>
        %dma_wait3A_208 = arith.constant 0 : i32
        %dma_wait3A_209 = arith.constant 0 : i32
        %dma_wait3A_210 = tpu.memref_slice %arg5[%dma_wait3A_208, %dma_wait3A_209] : memref<802816x16xf32, #tpu.memory_space<hbm>> -> memref<802816x16xf32, #tpu.memory_space<hbm>>
        tpu.wait_indirect_dma semaphore(%arg12 : memref<!tpu.dma_semaphore, #tpu.memory_space<semaphore_mem>>) src(%dma_wait3A_210 : memref<802816x16xf32, #tpu.memory_space<hbm>>) dst(%dma_wait3A_204 : memref<128x16xf32, #tpu.memory_space<vmem>>)
        %dma_wait3A_211 = arith.constant 7 : i32
        %dma_wait3A_212 = arith.constant 7 : i32
        %dma_wait3A_213 = arith.constant 0 : i32
        %dma_wait3A_214 = arith.constant 0 : i32
        %dma_wait3A_215 = tpu.memref_slice %arg10[%dma_wait3A_212, %dma_wait3A_213, %dma_wait3A_214] : memref<8x128x16xf32, #tpu.memory_space<vmem>> -> memref<1x128x16xf32, #tpu.memory_space<vmem>>
        %dma_wait3A_216 = tpu.memref_squeeze %dma_wait3A_215 : memref<1x128x16xf32, #tpu.memory_space<vmem>> -> memref<128x16xf32, #tpu.memory_space<vmem>>
        %dma_wait3A_217 = arith.constant 0 : i32
        %dma_wait3A_218 = tpu.memref_slice %arg8[%dma_wait3A_211, %dma_wait3A_217] : memref<8x128xi32, #tpu.memory_space<vmem>> -> memref<1x128xi32, #tpu.memory_space<vmem>>
        %dma_wait3A_219 = tpu.memref_squeeze %dma_wait3A_218 : memref<1x128xi32, #tpu.memory_space<vmem>> -> memref<128xi32, #tpu.memory_space<vmem>>
        %dma_wait3A_220 = arith.constant 0 : i32
        %dma_wait3A_221 = arith.constant 0 : i32
        %dma_wait3A_222 = tpu.memref_slice %arg5[%dma_wait3A_220, %dma_wait3A_221] : memref<802816x16xf32, #tpu.memory_space<hbm>> -> memref<802816x16xf32, #tpu.memory_space<hbm>>
        tpu.wait_indirect_dma semaphore(%arg12 : memref<!tpu.dma_semaphore, #tpu.memory_space<semaphore_mem>>) src(%dma_wait3A_222 : memref<802816x16xf32, #tpu.memory_space<hbm>>) dst(%dma_wait3A_216 : memref<128x16xf32, #tpu.memory_space<vmem>>)
        %dma_start3A_223 = arith.constant 0 : i32
        %dma_start3A_224 = arith.constant 0 : i32
        %dma_start3A_225 = arith.constant 0 : i32
        %dma_start3A_226 = arith.constant 0 : i32
        %dma_start3A_227 = tpu.memref_slice %arg10[%dma_start3A_223, %dma_start3A_225, %dma_start3A_226] : memref<8x128x16xf32, #tpu.memory_space<vmem>> -> memref<1x128x16xf32, #tpu.memory_space<vmem>>
        %dma_start3A_228 = tpu.memref_squeeze %dma_start3A_227 : memref<1x128x16xf32, #tpu.memory_space<vmem>> -> memref<128x16xf32, #tpu.memory_space<vmem>>
        %dma_start3A_229 = arith.constant 0 : i32
        %dma_start3A_230 = tpu.memref_slice %arg9[%dma_start3A_224, %dma_start3A_229] : memref<8x128xi32, #tpu.memory_space<vmem>> -> memref<1x128xi32, #tpu.memory_space<vmem>>
        %dma_start3A_231 = tpu.memref_squeeze %dma_start3A_230 : memref<1x128xi32, #tpu.memory_space<vmem>> -> memref<128xi32, #tpu.memory_space<vmem>>
        %dma_start3A_232 = arith.constant 0 : i32
        %dma_start3A_233 = arith.constant 0 : i32
        %dma_start3A_234 = tpu.memref_slice %arg11[%dma_start3A_232, %dma_start3A_233] : memref<100352x16xf32, #tpu.memory_space<vmem_shared>> -> memref<100352x16xf32, #tpu.memory_space<vmem_shared>>
        tpu.enqueue_indirect_dma source(%dma_start3A_228 : memref<128x16xf32, #tpu.memory_space<vmem>>) target(%dma_start3A_234 : memref<100352x16xf32, #tpu.memory_space<vmem_shared>>) offsets(%dma_start3A_231 : memref<128xi32, #tpu.memory_space<vmem>>) semaphore(%arg13 : memref<!tpu.dma_semaphore, #tpu.memory_space<semaphore_mem>>) {add = true}
        %dma_start3A_235 = arith.constant 1 : i32
        %dma_start3A_236 = arith.constant 1 : i32
        %dma_start3A_237 = arith.constant 0 : i32
        %dma_start3A_238 = arith.constant 0 : i32
        %dma_start3A_239 = tpu.memref_slice %arg10[%dma_start3A_235, %dma_start3A_237, %dma_start3A_238] : memref<8x128x16xf32, #tpu.memory_space<vmem>> -> memref<1x128x16xf32, #tpu.memory_space<vmem>>
        %dma_start3A_240 = tpu.memref_squeeze %dma_start3A_239 : memref<1x128x16xf32, #tpu.memory_space<vmem>> -> memref<128x16xf32, #tpu.memory_space<vmem>>
        %dma_start3A_241 = arith.constant 0 : i32
        %dma_start3A_242 = tpu.memref_slice %arg9[%dma_start3A_236, %dma_start3A_241] : memref<8x128xi32, #tpu.memory_space<vmem>> -> memref<1x128xi32, #tpu.memory_space<vmem>>
        %dma_start3A_243 = tpu.memref_squeeze %dma_start3A_242 : memref<1x128xi32, #tpu.memory_space<vmem>> -> memref<128xi32, #tpu.memory_space<vmem>>
        %dma_start3A_244 = arith.constant 0 : i32
        %dma_start3A_245 = arith.constant 0 : i32
        %dma_start3A_246 = tpu.memref_slice %arg11[%dma_start3A_244, %dma_start3A_245] : memref<100352x16xf32, #tpu.memory_space<vmem_shared>> -> memref<100352x16xf32, #tpu.memory_space<vmem_shared>>
        tpu.enqueue_indirect_dma source(%dma_start3A_240 : memref<128x16xf32, #tpu.memory_space<vmem>>) target(%dma_start3A_246 : memref<100352x16xf32, #tpu.memory_space<vmem_shared>>) offsets(%dma_start3A_243 : memref<128xi32, #tpu.memory_space<vmem>>) semaphore(%arg13 : memref<!tpu.dma_semaphore, #tpu.memory_space<semaphore_mem>>) {add = true}
        %dma_start3A_247 = arith.constant 2 : i32
        %dma_start3A_248 = arith.constant 2 : i32
        %dma_start3A_249 = arith.constant 0 : i32
        %dma_start3A_250 = arith.constant 0 : i32
        %dma_start3A_251 = tpu.memref_slice %arg10[%dma_start3A_247, %dma_start3A_249, %dma_start3A_250] : memref<8x128x16xf32, #tpu.memory_space<vmem>> -> memref<1x128x16xf32, #tpu.memory_space<vmem>>
        %dma_start3A_252 = tpu.memref_squeeze %dma_start3A_251 : memref<1x128x16xf32, #tpu.memory_space<vmem>> -> memref<128x16xf32, #tpu.memory_space<vmem>>
        %dma_start3A_253 = arith.constant 0 : i32
        %dma_start3A_254 = tpu.memref_slice %arg9[%dma_start3A_248, %dma_start3A_253] : memref<8x128xi32, #tpu.memory_space<vmem>> -> memref<1x128xi32, #tpu.memory_space<vmem>>
        %dma_start3A_255 = tpu.memref_squeeze %dma_start3A_254 : memref<1x128xi32, #tpu.memory_space<vmem>> -> memref<128xi32, #tpu.memory_space<vmem>>
        %dma_start3A_256 = arith.constant 0 : i32
        %dma_start3A_257 = arith.constant 0 : i32
        %dma_start3A_258 = tpu.memref_slice %arg11[%dma_start3A_256, %dma_start3A_257] : memref<100352x16xf32, #tpu.memory_space<vmem_shared>> -> memref<100352x16xf32, #tpu.memory_space<vmem_shared>>
        tpu.enqueue_indirect_dma source(%dma_start3A_252 : memref<128x16xf32, #tpu.memory_space<vmem>>) target(%dma_start3A_258 : memref<100352x16xf32, #tpu.memory_space<vmem_shared>>) offsets(%dma_start3A_255 : memref<128xi32, #tpu.memory_space<vmem>>) semaphore(%arg13 : memref<!tpu.dma_semaphore, #tpu.memory_space<semaphore_mem>>) {add = true}
        %dma_start3A_259 = arith.constant 3 : i32
        %dma_start3A_260 = arith.constant 3 : i32
        %dma_start3A_261 = arith.constant 0 : i32
        %dma_start3A_262 = arith.constant 0 : i32
        %dma_start3A_263 = tpu.memref_slice %arg10[%dma_start3A_259, %dma_start3A_261, %dma_start3A_262] : memref<8x128x16xf32, #tpu.memory_space<vmem>> -> memref<1x128x16xf32, #tpu.memory_space<vmem>>
        %dma_start3A_264 = tpu.memref_squeeze %dma_start3A_263 : memref<1x128x16xf32, #tpu.memory_space<vmem>> -> memref<128x16xf32, #tpu.memory_space<vmem>>
        %dma_start3A_265 = arith.constant 0 : i32
        %dma_start3A_266 = tpu.memref_slice %arg9[%dma_start3A_260, %dma_start3A_265] : memref<8x128xi32, #tpu.memory_space<vmem>> -> memref<1x128xi32, #tpu.memory_space<vmem>>
        %dma_start3A_267 = tpu.memref_squeeze %dma_start3A_266 : memref<1x128xi32, #tpu.memory_space<vmem>> -> memref<128xi32, #tpu.memory_space<vmem>>
        %dma_start3A_268 = arith.constant 0 : i32
        %dma_start3A_269 = arith.constant 0 : i32
        %dma_start3A_270 = tpu.memref_slice %arg11[%dma_start3A_268, %dma_start3A_269] : memref<100352x16xf32, #tpu.memory_space<vmem_shared>> -> memref<100352x16xf32, #tpu.memory_space<vmem_shared>>
        tpu.enqueue_indirect_dma source(%dma_start3A_264 : memref<128x16xf32, #tpu.memory_space<vmem>>) target(%dma_start3A_270 : memref<100352x16xf32, #tpu.memory_space<vmem_shared>>) offsets(%dma_start3A_267 : memref<128xi32, #tpu.memory_space<vmem>>) semaphore(%arg13 : memref<!tpu.dma_semaphore, #tpu.memory_space<semaphore_mem>>) {add = true}
        %dma_start3A_271 = arith.constant 4 : i32
        %dma_start3A_272 = arith.constant 4 : i32
        %dma_start3A_273 = arith.constant 0 : i32
        %dma_start3A_274 = arith.constant 0 : i32
        %dma_start3A_275 = tpu.memref_slice %arg10[%dma_start3A_271, %dma_start3A_273, %dma_start3A_274] : memref<8x128x16xf32, #tpu.memory_space<vmem>> -> memref<1x128x16xf32, #tpu.memory_space<vmem>>
        %dma_start3A_276 = tpu.memref_squeeze %dma_start3A_275 : memref<1x128x16xf32, #tpu.memory_space<vmem>> -> memref<128x16xf32, #tpu.memory_space<vmem>>
        %dma_start3A_277 = arith.constant 0 : i32
        %dma_start3A_278 = tpu.memref_slice %arg9[%dma_start3A_272, %dma_start3A_277] : memref<8x128xi32, #tpu.memory_space<vmem>> -> memref<1x128xi32, #tpu.memory_space<vmem>>
        %dma_start3A_279 = tpu.memref_squeeze %dma_start3A_278 : memref<1x128xi32, #tpu.memory_space<vmem>> -> memref<128xi32, #tpu.memory_space<vmem>>
        %dma_start3A_280 = arith.constant 0 : i32
        %dma_start3A_281 = arith.constant 0 : i32
        %dma_start3A_282 = tpu.memref_slice %arg11[%dma_start3A_280, %dma_start3A_281] : memref<100352x16xf32, #tpu.memory_space<vmem_shared>> -> memref<100352x16xf32, #tpu.memory_space<vmem_shared>>
        tpu.enqueue_indirect_dma source(%dma_start3A_276 : memref<128x16xf32, #tpu.memory_space<vmem>>) target(%dma_start3A_282 : memref<100352x16xf32, #tpu.memory_space<vmem_shared>>) offsets(%dma_start3A_279 : memref<128xi32, #tpu.memory_space<vmem>>) semaphore(%arg13 : memref<!tpu.dma_semaphore, #tpu.memory_space<semaphore_mem>>) {add = true}
        %dma_start3A_283 = arith.constant 5 : i32
        %dma_start3A_284 = arith.constant 5 : i32
        %dma_start3A_285 = arith.constant 0 : i32
        %dma_start3A_286 = arith.constant 0 : i32
        %dma_start3A_287 = tpu.memref_slice %arg10[%dma_start3A_283, %dma_start3A_285, %dma_start3A_286] : memref<8x128x16xf32, #tpu.memory_space<vmem>> -> memref<1x128x16xf32, #tpu.memory_space<vmem>>
        %dma_start3A_288 = tpu.memref_squeeze %dma_start3A_287 : memref<1x128x16xf32, #tpu.memory_space<vmem>> -> memref<128x16xf32, #tpu.memory_space<vmem>>
        %dma_start3A_289 = arith.constant 0 : i32
        %dma_start3A_290 = tpu.memref_slice %arg9[%dma_start3A_284, %dma_start3A_289] : memref<8x128xi32, #tpu.memory_space<vmem>> -> memref<1x128xi32, #tpu.memory_space<vmem>>
        %dma_start3A_291 = tpu.memref_squeeze %dma_start3A_290 : memref<1x128xi32, #tpu.memory_space<vmem>> -> memref<128xi32, #tpu.memory_space<vmem>>
        %dma_start3A_292 = arith.constant 0 : i32
        %dma_start3A_293 = arith.constant 0 : i32
        %dma_start3A_294 = tpu.memref_slice %arg11[%dma_start3A_292, %dma_start3A_293] : memref<100352x16xf32, #tpu.memory_space<vmem_shared>> -> memref<100352x16xf32, #tpu.memory_space<vmem_shared>>
        tpu.enqueue_indirect_dma source(%dma_start3A_288 : memref<128x16xf32, #tpu.memory_space<vmem>>) target(%dma_start3A_294 : memref<100352x16xf32, #tpu.memory_space<vmem_shared>>) offsets(%dma_start3A_291 : memref<128xi32, #tpu.memory_space<vmem>>) semaphore(%arg13 : memref<!tpu.dma_semaphore, #tpu.memory_space<semaphore_mem>>) {add = true}
        %dma_start3A_295 = arith.constant 6 : i32
        %dma_start3A_296 = arith.constant 6 : i32
        %dma_start3A_297 = arith.constant 0 : i32
        %dma_start3A_298 = arith.constant 0 : i32
        %dma_start3A_299 = tpu.memref_slice %arg10[%dma_start3A_295, %dma_start3A_297, %dma_start3A_298] : memref<8x128x16xf32, #tpu.memory_space<vmem>> -> memref<1x128x16xf32, #tpu.memory_space<vmem>>
        %dma_start3A_300 = tpu.memref_squeeze %dma_start3A_299 : memref<1x128x16xf32, #tpu.memory_space<vmem>> -> memref<128x16xf32, #tpu.memory_space<vmem>>
        %dma_start3A_301 = arith.constant 0 : i32
        %dma_start3A_302 = tpu.memref_slice %arg9[%dma_start3A_296, %dma_start3A_301] : memref<8x128xi32, #tpu.memory_space<vmem>> -> memref<1x128xi32, #tpu.memory_space<vmem>>
        %dma_start3A_303 = tpu.memref_squeeze %dma_start3A_302 : memref<1x128xi32, #tpu.memory_space<vmem>> -> memref<128xi32, #tpu.memory_space<vmem>>
        %dma_start3A_304 = arith.constant 0 : i32
        %dma_start3A_305 = arith.constant 0 : i32
        %dma_start3A_306 = tpu.memref_slice %arg11[%dma_start3A_304, %dma_start3A_305] : memref<100352x16xf32, #tpu.memory_space<vmem_shared>> -> memref<100352x16xf32, #tpu.memory_space<vmem_shared>>
        tpu.enqueue_indirect_dma source(%dma_start3A_300 : memref<128x16xf32, #tpu.memory_space<vmem>>) target(%dma_start3A_306 : memref<100352x16xf32, #tpu.memory_space<vmem_shared>>) offsets(%dma_start3A_303 : memref<128xi32, #tpu.memory_space<vmem>>) semaphore(%arg13 : memref<!tpu.dma_semaphore, #tpu.memory_space<semaphore_mem>>) {add = true}
        %dma_start3A_307 = arith.constant 7 : i32
        %dma_start3A_308 = arith.constant 7 : i32
        %dma_start3A_309 = arith.constant 0 : i32
        %dma_start3A_310 = arith.constant 0 : i32
        %dma_start3A_311 = tpu.memref_slice %arg10[%dma_start3A_307, %dma_start3A_309, %dma_start3A_310] : memref<8x128x16xf32, #tpu.memory_space<vmem>> -> memref<1x128x16xf32, #tpu.memory_space<vmem>>
        %dma_start3A_312 = tpu.memref_squeeze %dma_start3A_311 : memref<1x128x16xf32, #tpu.memory_space<vmem>> -> memref<128x16xf32, #tpu.memory_space<vmem>>
        %dma_start3A_313 = arith.constant 0 : i32
        %dma_start3A_314 = tpu.memref_slice %arg9[%dma_start3A_308, %dma_start3A_313] : memref<8x128xi32, #tpu.memory_space<vmem>> -> memref<1x128xi32, #tpu.memory_space<vmem>>
        %dma_start3A_315 = tpu.memref_squeeze %dma_start3A_314 : memref<1x128xi32, #tpu.memory_space<vmem>> -> memref<128xi32, #tpu.memory_space<vmem>>
        %dma_start3A_316 = arith.constant 0 : i32
        %dma_start3A_317 = arith.constant 0 : i32
        %dma_start3A_318 = tpu.memref_slice %arg11[%dma_start3A_316, %dma_start3A_317] : memref<100352x16xf32, #tpu.memory_space<vmem_shared>> -> memref<100352x16xf32, #tpu.memory_space<vmem_shared>>
        tpu.enqueue_indirect_dma source(%dma_start3A_312 : memref<128x16xf32, #tpu.memory_space<vmem>>) target(%dma_start3A_318 : memref<100352x16xf32, #tpu.memory_space<vmem_shared>>) offsets(%dma_start3A_315 : memref<128xi32, #tpu.memory_space<vmem>>) semaphore(%arg13 : memref<!tpu.dma_semaphore, #tpu.memory_space<semaphore_mem>>) {add = true}
        %dma_wait3A_319 = arith.constant 0 : i32
        %dma_wait3A_320 = arith.constant 0 : i32
        %dma_wait3A_321 = arith.constant 0 : i32
        %dma_wait3A_322 = arith.constant 0 : i32
        %dma_wait3A_323 = tpu.memref_slice %arg10[%dma_wait3A_319, %dma_wait3A_321, %dma_wait3A_322] : memref<8x128x16xf32, #tpu.memory_space<vmem>> -> memref<1x128x16xf32, #tpu.memory_space<vmem>>
        %dma_wait3A_324 = tpu.memref_squeeze %dma_wait3A_323 : memref<1x128x16xf32, #tpu.memory_space<vmem>> -> memref<128x16xf32, #tpu.memory_space<vmem>>
        %dma_wait3A_325 = arith.constant 0 : i32
        %dma_wait3A_326 = tpu.memref_slice %arg9[%dma_wait3A_320, %dma_wait3A_325] : memref<8x128xi32, #tpu.memory_space<vmem>> -> memref<1x128xi32, #tpu.memory_space<vmem>>
        %dma_wait3A_327 = tpu.memref_squeeze %dma_wait3A_326 : memref<1x128xi32, #tpu.memory_space<vmem>> -> memref<128xi32, #tpu.memory_space<vmem>>
        %dma_wait3A_328 = arith.constant 0 : i32
        %dma_wait3A_329 = arith.constant 0 : i32
        %dma_wait3A_330 = tpu.memref_slice %arg11[%dma_wait3A_328, %dma_wait3A_329] : memref<100352x16xf32, #tpu.memory_space<vmem_shared>> -> memref<100352x16xf32, #tpu.memory_space<vmem_shared>>
        tpu.wait_indirect_dma semaphore(%arg13 : memref<!tpu.dma_semaphore, #tpu.memory_space<semaphore_mem>>) src(%dma_wait3A_324 : memref<128x16xf32, #tpu.memory_space<vmem>>) dst(%dma_wait3A_330 : memref<100352x16xf32, #tpu.memory_space<vmem_shared>>)
        %dma_wait3A_331 = arith.constant 1 : i32
        %dma_wait3A_332 = arith.constant 1 : i32
        %dma_wait3A_333 = arith.constant 0 : i32
        %dma_wait3A_334 = arith.constant 0 : i32
        %dma_wait3A_335 = tpu.memref_slice %arg10[%dma_wait3A_331, %dma_wait3A_333, %dma_wait3A_334] : memref<8x128x16xf32, #tpu.memory_space<vmem>> -> memref<1x128x16xf32, #tpu.memory_space<vmem>>
        %dma_wait3A_336 = tpu.memref_squeeze %dma_wait3A_335 : memref<1x128x16xf32, #tpu.memory_space<vmem>> -> memref<128x16xf32, #tpu.memory_space<vmem>>
        %dma_wait3A_337 = arith.constant 0 : i32
        %dma_wait3A_338 = tpu.memref_slice %arg9[%dma_wait3A_332, %dma_wait3A_337] : memref<8x128xi32, #tpu.memory_space<vmem>> -> memref<1x128xi32, #tpu.memory_space<vmem>>
        %dma_wait3A_339 = tpu.memref_squeeze %dma_wait3A_338 : memref<1x128xi32, #tpu.memory_space<vmem>> -> memref<128xi32, #tpu.memory_space<vmem>>
        %dma_wait3A_340 = arith.constant 0 : i32
        %dma_wait3A_341 = arith.constant 0 : i32
        %dma_wait3A_342 = tpu.memref_slice %arg11[%dma_wait3A_340, %dma_wait3A_341] : memref<100352x16xf32, #tpu.memory_space<vmem_shared>> -> memref<100352x16xf32, #tpu.memory_space<vmem_shared>>
        tpu.wait_indirect_dma semaphore(%arg13 : memref<!tpu.dma_semaphore, #tpu.memory_space<semaphore_mem>>) src(%dma_wait3A_336 : memref<128x16xf32, #tpu.memory_space<vmem>>) dst(%dma_wait3A_342 : memref<100352x16xf32, #tpu.memory_space<vmem_shared>>)
        %dma_wait3A_343 = arith.constant 2 : i32
        %dma_wait3A_344 = arith.constant 2 : i32
        %dma_wait3A_345 = arith.constant 0 : i32
        %dma_wait3A_346 = arith.constant 0 : i32
        %dma_wait3A_347 = tpu.memref_slice %arg10[%dma_wait3A_343, %dma_wait3A_345, %dma_wait3A_346] : memref<8x128x16xf32, #tpu.memory_space<vmem>> -> memref<1x128x16xf32, #tpu.memory_space<vmem>>
        %dma_wait3A_348 = tpu.memref_squeeze %dma_wait3A_347 : memref<1x128x16xf32, #tpu.memory_space<vmem>> -> memref<128x16xf32, #tpu.memory_space<vmem>>
        %dma_wait3A_349 = arith.constant 0 : i32
        %dma_wait3A_350 = tpu.memref_slice %arg9[%dma_wait3A_344, %dma_wait3A_349] : memref<8x128xi32, #tpu.memory_space<vmem>> -> memref<1x128xi32, #tpu.memory_space<vmem>>
        %dma_wait3A_351 = tpu.memref_squeeze %dma_wait3A_350 : memref<1x128xi32, #tpu.memory_space<vmem>> -> memref<128xi32, #tpu.memory_space<vmem>>
        %dma_wait3A_352 = arith.constant 0 : i32
        %dma_wait3A_353 = arith.constant 0 : i32
        %dma_wait3A_354 = tpu.memref_slice %arg11[%dma_wait3A_352, %dma_wait3A_353] : memref<100352x16xf32, #tpu.memory_space<vmem_shared>> -> memref<100352x16xf32, #tpu.memory_space<vmem_shared>>
        tpu.wait_indirect_dma semaphore(%arg13 : memref<!tpu.dma_semaphore, #tpu.memory_space<semaphore_mem>>) src(%dma_wait3A_348 : memref<128x16xf32, #tpu.memory_space<vmem>>) dst(%dma_wait3A_354 : memref<100352x16xf32, #tpu.memory_space<vmem_shared>>)
        %dma_wait3A_355 = arith.constant 3 : i32
        %dma_wait3A_356 = arith.constant 3 : i32
        %dma_wait3A_357 = arith.constant 0 : i32
        %dma_wait3A_358 = arith.constant 0 : i32
        %dma_wait3A_359 = tpu.memref_slice %arg10[%dma_wait3A_355, %dma_wait3A_357, %dma_wait3A_358] : memref<8x128x16xf32, #tpu.memory_space<vmem>> -> memref<1x128x16xf32, #tpu.memory_space<vmem>>
        %dma_wait3A_360 = tpu.memref_squeeze %dma_wait3A_359 : memref<1x128x16xf32, #tpu.memory_space<vmem>> -> memref<128x16xf32, #tpu.memory_space<vmem>>
        %dma_wait3A_361 = arith.constant 0 : i32
        %dma_wait3A_362 = tpu.memref_slice %arg9[%dma_wait3A_356, %dma_wait3A_361] : memref<8x128xi32, #tpu.memory_space<vmem>> -> memref<1x128xi32, #tpu.memory_space<vmem>>
        %dma_wait3A_363 = tpu.memref_squeeze %dma_wait3A_362 : memref<1x128xi32, #tpu.memory_space<vmem>> -> memref<128xi32, #tpu.memory_space<vmem>>
        %dma_wait3A_364 = arith.constant 0 : i32
        %dma_wait3A_365 = arith.constant 0 : i32
        %dma_wait3A_366 = tpu.memref_slice %arg11[%dma_wait3A_364, %dma_wait3A_365] : memref<100352x16xf32, #tpu.memory_space<vmem_shared>> -> memref<100352x16xf32, #tpu.memory_space<vmem_shared>>
        tpu.wait_indirect_dma semaphore(%arg13 : memref<!tpu.dma_semaphore, #tpu.memory_space<semaphore_mem>>) src(%dma_wait3A_360 : memref<128x16xf32, #tpu.memory_space<vmem>>) dst(%dma_wait3A_366 : memref<100352x16xf32, #tpu.memory_space<vmem_shared>>)
        %dma_wait3A_367 = arith.constant 4 : i32
        %dma_wait3A_368 = arith.constant 4 : i32
        %dma_wait3A_369 = arith.constant 0 : i32
        %dma_wait3A_370 = arith.constant 0 : i32
        %dma_wait3A_371 = tpu.memref_slice %arg10[%dma_wait3A_367, %dma_wait3A_369, %dma_wait3A_370] : memref<8x128x16xf32, #tpu.memory_space<vmem>> -> memref<1x128x16xf32, #tpu.memory_space<vmem>>
        %dma_wait3A_372 = tpu.memref_squeeze %dma_wait3A_371 : memref<1x128x16xf32, #tpu.memory_space<vmem>> -> memref<128x16xf32, #tpu.memory_space<vmem>>
        %dma_wait3A_373 = arith.constant 0 : i32
        %dma_wait3A_374 = tpu.memref_slice %arg9[%dma_wait3A_368, %dma_wait3A_373] : memref<8x128xi32, #tpu.memory_space<vmem>> -> memref<1x128xi32, #tpu.memory_space<vmem>>
        %dma_wait3A_375 = tpu.memref_squeeze %dma_wait3A_374 : memref<1x128xi32, #tpu.memory_space<vmem>> -> memref<128xi32, #tpu.memory_space<vmem>>
        %dma_wait3A_376 = arith.constant 0 : i32
        %dma_wait3A_377 = arith.constant 0 : i32
        %dma_wait3A_378 = tpu.memref_slice %arg11[%dma_wait3A_376, %dma_wait3A_377] : memref<100352x16xf32, #tpu.memory_space<vmem_shared>> -> memref<100352x16xf32, #tpu.memory_space<vmem_shared>>
        tpu.wait_indirect_dma semaphore(%arg13 : memref<!tpu.dma_semaphore, #tpu.memory_space<semaphore_mem>>) src(%dma_wait3A_372 : memref<128x16xf32, #tpu.memory_space<vmem>>) dst(%dma_wait3A_378 : memref<100352x16xf32, #tpu.memory_space<vmem_shared>>)
        %dma_wait3A_379 = arith.constant 5 : i32
        %dma_wait3A_380 = arith.constant 5 : i32
        %dma_wait3A_381 = arith.constant 0 : i32
        %dma_wait3A_382 = arith.constant 0 : i32
        %dma_wait3A_383 = tpu.memref_slice %arg10[%dma_wait3A_379, %dma_wait3A_381, %dma_wait3A_382] : memref<8x128x16xf32, #tpu.memory_space<vmem>> -> memref<1x128x16xf32, #tpu.memory_space<vmem>>
        %dma_wait3A_384 = tpu.memref_squeeze %dma_wait3A_383 : memref<1x128x16xf32, #tpu.memory_space<vmem>> -> memref<128x16xf32, #tpu.memory_space<vmem>>
        %dma_wait3A_385 = arith.constant 0 : i32
        %dma_wait3A_386 = tpu.memref_slice %arg9[%dma_wait3A_380, %dma_wait3A_385] : memref<8x128xi32, #tpu.memory_space<vmem>> -> memref<1x128xi32, #tpu.memory_space<vmem>>
        %dma_wait3A_387 = tpu.memref_squeeze %dma_wait3A_386 : memref<1x128xi32, #tpu.memory_space<vmem>> -> memref<128xi32, #tpu.memory_space<vmem>>
        %dma_wait3A_388 = arith.constant 0 : i32
        %dma_wait3A_389 = arith.constant 0 : i32
        %dma_wait3A_390 = tpu.memref_slice %arg11[%dma_wait3A_388, %dma_wait3A_389] : memref<100352x16xf32, #tpu.memory_space<vmem_shared>> -> memref<100352x16xf32, #tpu.memory_space<vmem_shared>>
        tpu.wait_indirect_dma semaphore(%arg13 : memref<!tpu.dma_semaphore, #tpu.memory_space<semaphore_mem>>) src(%dma_wait3A_384 : memref<128x16xf32, #tpu.memory_space<vmem>>) dst(%dma_wait3A_390 : memref<100352x16xf32, #tpu.memory_space<vmem_shared>>)
        %dma_wait3A_391 = arith.constant 6 : i32
        %dma_wait3A_392 = arith.constant 6 : i32
        %dma_wait3A_393 = arith.constant 0 : i32
        %dma_wait3A_394 = arith.constant 0 : i32
        %dma_wait3A_395 = tpu.memref_slice %arg10[%dma_wait3A_391, %dma_wait3A_393, %dma_wait3A_394] : memref<8x128x16xf32, #tpu.memory_space<vmem>> -> memref<1x128x16xf32, #tpu.memory_space<vmem>>
        %dma_wait3A_396 = tpu.memref_squeeze %dma_wait3A_395 : memref<1x128x16xf32, #tpu.memory_space<vmem>> -> memref<128x16xf32, #tpu.memory_space<vmem>>
        %dma_wait3A_397 = arith.constant 0 : i32
        %dma_wait3A_398 = tpu.memref_slice %arg9[%dma_wait3A_392, %dma_wait3A_397] : memref<8x128xi32, #tpu.memory_space<vmem>> -> memref<1x128xi32, #tpu.memory_space<vmem>>
        %dma_wait3A_399 = tpu.memref_squeeze %dma_wait3A_398 : memref<1x128xi32, #tpu.memory_space<vmem>> -> memref<128xi32, #tpu.memory_space<vmem>>
        %dma_wait3A_400 = arith.constant 0 : i32
        %dma_wait3A_401 = arith.constant 0 : i32
        %dma_wait3A_402 = tpu.memref_slice %arg11[%dma_wait3A_400, %dma_wait3A_401] : memref<100352x16xf32, #tpu.memory_space<vmem_shared>> -> memref<100352x16xf32, #tpu.memory_space<vmem_shared>>
        tpu.wait_indirect_dma semaphore(%arg13 : memref<!tpu.dma_semaphore, #tpu.memory_space<semaphore_mem>>) src(%dma_wait3A_396 : memref<128x16xf32, #tpu.memory_space<vmem>>) dst(%dma_wait3A_402 : memref<100352x16xf32, #tpu.memory_space<vmem_shared>>)
        %dma_wait3A_403 = arith.constant 7 : i32
        %dma_wait3A_404 = arith.constant 7 : i32
        %dma_wait3A_405 = arith.constant 0 : i32
        %dma_wait3A_406 = arith.constant 0 : i32
        %dma_wait3A_407 = tpu.memref_slice %arg10[%dma_wait3A_403, %dma_wait3A_405, %dma_wait3A_406] : memref<8x128x16xf32, #tpu.memory_space<vmem>> -> memref<1x128x16xf32, #tpu.memory_space<vmem>>
        %dma_wait3A_408 = tpu.memref_squeeze %dma_wait3A_407 : memref<1x128x16xf32, #tpu.memory_space<vmem>> -> memref<128x16xf32, #tpu.memory_space<vmem>>
        %dma_wait3A_409 = arith.constant 0 : i32
        %dma_wait3A_410 = tpu.memref_slice %arg9[%dma_wait3A_404, %dma_wait3A_409] : memref<8x128xi32, #tpu.memory_space<vmem>> -> memref<1x128xi32, #tpu.memory_space<vmem>>
        %dma_wait3A_411 = tpu.memref_squeeze %dma_wait3A_410 : memref<1x128xi32, #tpu.memory_space<vmem>> -> memref<128xi32, #tpu.memory_space<vmem>>
        %dma_wait3A_412 = arith.constant 0 : i32
        %dma_wait3A_413 = arith.constant 0 : i32
        %dma_wait3A_414 = tpu.memref_slice %arg11[%dma_wait3A_412, %dma_wait3A_413] : memref<100352x16xf32, #tpu.memory_space<vmem_shared>> -> memref<100352x16xf32, #tpu.memory_space<vmem_shared>>
        tpu.wait_indirect_dma semaphore(%arg13 : memref<!tpu.dma_semaphore, #tpu.memory_space<semaphore_mem>>) src(%dma_wait3A_408 : memref<128x16xf32, #tpu.memory_space<vmem>>) dst(%dma_wait3A_414 : memref<100352x16xf32, #tpu.memory_space<vmem_shared>>)
      }
      %scan3A_29 = arith.constant 196 : i32
    } else {
    }
    %eq3A_9 = arith.constant 1 : i32
    %eq3A_10 = arith.cmpi eq, %arg0, %eq3A_9 : i32
    %convert_element_type3A_11 = arith.extui %eq3A_10 : i1 to i32
    %cond3A_12 = arith.constant 0 : i32
    %cond3A_13 = arith.cmpi ne, %convert_element_type3A_11, %cond3A_12 : i32
    scf.if %cond3A_13 {
      %scan3A = arith.constant 0 : i32
      %scan3A_25 = arith.constant 0 : i32
      %scan3A_26 = arith.constant 196 : i32
      %scan3A_27 = arith.addi %scan3A_25, %scan3A_26 : i32
      %scan3A_28 = arith.constant 1 : i32
      scf.for %scan3A_30 = %scan3A_25 to %scan3A_27 step %scan3A_28  : i32 {
        %mul3A_31 = arith.constant 8 : i32
        %mul3A_32 = arith.muli %scan3A_30, %mul3A_31 : i32
        %add3A = arith.addi %mul3A_6, %mul3A_32 : i32
        "tpu.region"() ({
          %run_scoped3A = tpu.sem_alloc : memref<!tpu.dma_semaphore, #tpu.memory_space<semaphore_mem>>
          %dma_start3A_415 = arith.constant 0 : i32
          %dma_start3A_416 = tpu.memref_slice %arg3[%add3A, %dma_start3A_415] : memref<25088x128xi32, #tpu.memory_space<hbm>> -> memref<8x128xi32, #tpu.memory_space<hbm>>
          %dma_start3A_417 = arith.constant 0 : i32
          %dma_start3A_418 = tpu.memref_slice %arg3[%add3A, %dma_start3A_417] : memref<25088x128xi32, #tpu.memory_space<hbm>> -> memref<8x128xi32, #tpu.memory_space<hbm>>
          tpu.enqueue_dma source(%dma_start3A_418 : memref<8x128xi32, #tpu.memory_space<hbm>>) target(%arg8 : memref<8x128xi32, #tpu.memory_space<vmem>>) target_semaphore(%run_scoped3A : memref<!tpu.dma_semaphore, #tpu.memory_space<semaphore_mem>>)
          %dma_wait3A_419 = arith.constant 0 : i32
          %dma_wait3A_420 = tpu.memref_slice %arg3[%add3A, %dma_wait3A_419] : memref<25088x128xi32, #tpu.memory_space<hbm>> -> memref<8x128xi32, #tpu.memory_space<hbm>>
          %dma_wait3A_421 = arith.constant 0 : i32
          %dma_wait3A_422 = tpu.memref_slice %arg3[%add3A, %dma_wait3A_421] : memref<25088x128xi32, #tpu.memory_space<hbm>> -> memref<8x128xi32, #tpu.memory_space<hbm>>
          tpu.wait_dma2 semaphore(%run_scoped3A : memref<!tpu.dma_semaphore, #tpu.memory_space<semaphore_mem>>) src(%dma_wait3A_422 : memref<8x128xi32, #tpu.memory_space<hbm>>) dst(%arg8 : memref<8x128xi32, #tpu.memory_space<vmem>>)
          tpu.yield
        }) : () -> ()
        "tpu.region"() ({
          %run_scoped3A = tpu.sem_alloc : memref<!tpu.dma_semaphore, #tpu.memory_space<semaphore_mem>>
          %dma_start3A_415 = arith.constant 0 : i32
          %dma_start3A_416 = tpu.memref_slice %arg4[%add3A, %dma_start3A_415] : memref<25088x128xi32, #tpu.memory_space<hbm>> -> memref<8x128xi32, #tpu.memory_space<hbm>>
          %dma_start3A_417 = arith.constant 0 : i32
          %dma_start3A_418 = tpu.memref_slice %arg4[%add3A, %dma_start3A_417] : memref<25088x128xi32, #tpu.memory_space<hbm>> -> memref<8x128xi32, #tpu.memory_space<hbm>>
          tpu.enqueue_dma source(%dma_start3A_418 : memref<8x128xi32, #tpu.memory_space<hbm>>) target(%arg9 : memref<8x128xi32, #tpu.memory_space<vmem>>) target_semaphore(%run_scoped3A : memref<!tpu.dma_semaphore, #tpu.memory_space<semaphore_mem>>)
          %dma_wait3A_419 = arith.constant 0 : i32
          %dma_wait3A_420 = tpu.memref_slice %arg4[%add3A, %dma_wait3A_419] : memref<25088x128xi32, #tpu.memory_space<hbm>> -> memref<8x128xi32, #tpu.memory_space<hbm>>
          %dma_wait3A_421 = arith.constant 0 : i32
          %dma_wait3A_422 = tpu.memref_slice %arg4[%add3A, %dma_wait3A_421] : memref<25088x128xi32, #tpu.memory_space<hbm>> -> memref<8x128xi32, #tpu.memory_space<hbm>>
          tpu.wait_dma2 semaphore(%run_scoped3A : memref<!tpu.dma_semaphore, #tpu.memory_space<semaphore_mem>>) src(%dma_wait3A_422 : memref<8x128xi32, #tpu.memory_space<hbm>>) dst(%arg9 : memref<8x128xi32, #tpu.memory_space<vmem>>)
          tpu.yield
        }) : () -> ()
        %dma_start3A = arith.constant 0 : i32
        %dma_start3A_33 = arith.constant 0 : i32
        %dma_start3A_34 = arith.constant 0 : i32
        %dma_start3A_35 = arith.constant 0 : i32
        %dma_start3A_36 = tpu.memref_slice %arg10[%dma_start3A_33, %dma_start3A_34, %dma_start3A_35] : memref<8x128x16xf32, #tpu.memory_space<vmem>> -> memref<1x128x16xf32, #tpu.memory_space<vmem>>
        %dma_start3A_37 = tpu.memref_squeeze %dma_start3A_36 : memref<1x128x16xf32, #tpu.memory_space<vmem>> -> memref<128x16xf32, #tpu.memory_space<vmem>>
        %dma_start3A_38 = arith.constant 0 : i32
        %dma_start3A_39 = tpu.memref_slice %arg8[%dma_start3A, %dma_start3A_38] : memref<8x128xi32, #tpu.memory_space<vmem>> -> memref<1x128xi32, #tpu.memory_space<vmem>>
        %dma_start3A_40 = tpu.memref_squeeze %dma_start3A_39 : memref<1x128xi32, #tpu.memory_space<vmem>> -> memref<128xi32, #tpu.memory_space<vmem>>
        %dma_start3A_41 = arith.constant 0 : i32
        %dma_start3A_42 = arith.constant 0 : i32
        %dma_start3A_43 = tpu.memref_slice %arg5[%dma_start3A_41, %dma_start3A_42] : memref<802816x16xf32, #tpu.memory_space<hbm>> -> memref<802816x16xf32, #tpu.memory_space<hbm>>
        tpu.enqueue_indirect_dma source(%dma_start3A_43 : memref<802816x16xf32, #tpu.memory_space<hbm>>) target(%dma_start3A_37 : memref<128x16xf32, #tpu.memory_space<vmem>>) offsets(%dma_start3A_40 : memref<128xi32, #tpu.memory_space<vmem>>) semaphore(%arg12 : memref<!tpu.dma_semaphore, #tpu.memory_space<semaphore_mem>>)
        %dma_start3A_44 = arith.constant 1 : i32
        %dma_start3A_45 = arith.constant 1 : i32
        %dma_start3A_46 = arith.constant 0 : i32
        %dma_start3A_47 = arith.constant 0 : i32
        %dma_start3A_48 = tpu.memref_slice %arg10[%dma_start3A_45, %dma_start3A_46, %dma_start3A_47] : memref<8x128x16xf32, #tpu.memory_space<vmem>> -> memref<1x128x16xf32, #tpu.memory_space<vmem>>
        %dma_start3A_49 = tpu.memref_squeeze %dma_start3A_48 : memref<1x128x16xf32, #tpu.memory_space<vmem>> -> memref<128x16xf32, #tpu.memory_space<vmem>>
        %dma_start3A_50 = arith.constant 0 : i32
        %dma_start3A_51 = tpu.memref_slice %arg8[%dma_start3A_44, %dma_start3A_50] : memref<8x128xi32, #tpu.memory_space<vmem>> -> memref<1x128xi32, #tpu.memory_space<vmem>>
        %dma_start3A_52 = tpu.memref_squeeze %dma_start3A_51 : memref<1x128xi32, #tpu.memory_space<vmem>> -> memref<128xi32, #tpu.memory_space<vmem>>
        %dma_start3A_53 = arith.constant 0 : i32
        %dma_start3A_54 = arith.constant 0 : i32
        %dma_start3A_55 = tpu.memref_slice %arg5[%dma_start3A_53, %dma_start3A_54] : memref<802816x16xf32, #tpu.memory_space<hbm>> -> memref<802816x16xf32, #tpu.memory_space<hbm>>
        tpu.enqueue_indirect_dma source(%dma_start3A_55 : memref<802816x16xf32, #tpu.memory_space<hbm>>) target(%dma_start3A_49 : memref<128x16xf32, #tpu.memory_space<vmem>>) offsets(%dma_start3A_52 : memref<128xi32, #tpu.memory_space<vmem>>) semaphore(%arg12 : memref<!tpu.dma_semaphore, #tpu.memory_space<semaphore_mem>>)
        %dma_start3A_56 = arith.constant 2 : i32
        %dma_start3A_57 = arith.constant 2 : i32
        %dma_start3A_58 = arith.constant 0 : i32
        %dma_start3A_59 = arith.constant 0 : i32
        %dma_start3A_60 = tpu.memref_slice %arg10[%dma_start3A_57, %dma_start3A_58, %dma_start3A_59] : memref<8x128x16xf32, #tpu.memory_space<vmem>> -> memref<1x128x16xf32, #tpu.memory_space<vmem>>
        %dma_start3A_61 = tpu.memref_squeeze %dma_start3A_60 : memref<1x128x16xf32, #tpu.memory_space<vmem>> -> memref<128x16xf32, #tpu.memory_space<vmem>>
        %dma_start3A_62 = arith.constant 0 : i32
        %dma_start3A_63 = tpu.memref_slice %arg8[%dma_start3A_56, %dma_start3A_62] : memref<8x128xi32, #tpu.memory_space<vmem>> -> memref<1x128xi32, #tpu.memory_space<vmem>>
        %dma_start3A_64 = tpu.memref_squeeze %dma_start3A_63 : memref<1x128xi32, #tpu.memory_space<vmem>> -> memref<128xi32, #tpu.memory_space<vmem>>
        %dma_start3A_65 = arith.constant 0 : i32
        %dma_start3A_66 = arith.constant 0 : i32
        %dma_start3A_67 = tpu.memref_slice %arg5[%dma_start3A_65, %dma_start3A_66] : memref<802816x16xf32, #tpu.memory_space<hbm>> -> memref<802816x16xf32, #tpu.memory_space<hbm>>
        tpu.enqueue_indirect_dma source(%dma_start3A_67 : memref<802816x16xf32, #tpu.memory_space<hbm>>) target(%dma_start3A_61 : memref<128x16xf32, #tpu.memory_space<vmem>>) offsets(%dma_start3A_64 : memref<128xi32, #tpu.memory_space<vmem>>) semaphore(%arg12 : memref<!tpu.dma_semaphore, #tpu.memory_space<semaphore_mem>>)
        %dma_start3A_68 = arith.constant 3 : i32
        %dma_start3A_69 = arith.constant 3 : i32
        %dma_start3A_70 = arith.constant 0 : i32
        %dma_start3A_71 = arith.constant 0 : i32
        %dma_start3A_72 = tpu.memref_slice %arg10[%dma_start3A_69, %dma_start3A_70, %dma_start3A_71] : memref<8x128x16xf32, #tpu.memory_space<vmem>> -> memref<1x128x16xf32, #tpu.memory_space<vmem>>
        %dma_start3A_73 = tpu.memref_squeeze %dma_start3A_72 : memref<1x128x16xf32, #tpu.memory_space<vmem>> -> memref<128x16xf32, #tpu.memory_space<vmem>>
        %dma_start3A_74 = arith.constant 0 : i32
        %dma_start3A_75 = tpu.memref_slice %arg8[%dma_start3A_68, %dma_start3A_74] : memref<8x128xi32, #tpu.memory_space<vmem>> -> memref<1x128xi32, #tpu.memory_space<vmem>>
        %dma_start3A_76 = tpu.memref_squeeze %dma_start3A_75 : memref<1x128xi32, #tpu.memory_space<vmem>> -> memref<128xi32, #tpu.memory_space<vmem>>
        %dma_start3A_77 = arith.constant 0 : i32
        %dma_start3A_78 = arith.constant 0 : i32
        %dma_start3A_79 = tpu.memref_slice %arg5[%dma_start3A_77, %dma_start3A_78] : memref<802816x16xf32, #tpu.memory_space<hbm>> -> memref<802816x16xf32, #tpu.memory_space<hbm>>
        tpu.enqueue_indirect_dma source(%dma_start3A_79 : memref<802816x16xf32, #tpu.memory_space<hbm>>) target(%dma_start3A_73 : memref<128x16xf32, #tpu.memory_space<vmem>>) offsets(%dma_start3A_76 : memref<128xi32, #tpu.memory_space<vmem>>) semaphore(%arg12 : memref<!tpu.dma_semaphore, #tpu.memory_space<semaphore_mem>>)
        %dma_start3A_80 = arith.constant 4 : i32
        %dma_start3A_81 = arith.constant 4 : i32
        %dma_start3A_82 = arith.constant 0 : i32
        %dma_start3A_83 = arith.constant 0 : i32
        %dma_start3A_84 = tpu.memref_slice %arg10[%dma_start3A_81, %dma_start3A_82, %dma_start3A_83] : memref<8x128x16xf32, #tpu.memory_space<vmem>> -> memref<1x128x16xf32, #tpu.memory_space<vmem>>
        %dma_start3A_85 = tpu.memref_squeeze %dma_start3A_84 : memref<1x128x16xf32, #tpu.memory_space<vmem>> -> memref<128x16xf32, #tpu.memory_space<vmem>>
        %dma_start3A_86 = arith.constant 0 : i32
        %dma_start3A_87 = tpu.memref_slice %arg8[%dma_start3A_80, %dma_start3A_86] : memref<8x128xi32, #tpu.memory_space<vmem>> -> memref<1x128xi32, #tpu.memory_space<vmem>>
        %dma_start3A_88 = tpu.memref_squeeze %dma_start3A_87 : memref<1x128xi32, #tpu.memory_space<vmem>> -> memref<128xi32, #tpu.memory_space<vmem>>
        %dma_start3A_89 = arith.constant 0 : i32
        %dma_start3A_90 = arith.constant 0 : i32
        %dma_start3A_91 = tpu.memref_slice %arg5[%dma_start3A_89, %dma_start3A_90] : memref<802816x16xf32, #tpu.memory_space<hbm>> -> memref<802816x16xf32, #tpu.memory_space<hbm>>
        tpu.enqueue_indirect_dma source(%dma_start3A_91 : memref<802816x16xf32, #tpu.memory_space<hbm>>) target(%dma_start3A_85 : memref<128x16xf32, #tpu.memory_space<vmem>>) offsets(%dma_start3A_88 : memref<128xi32, #tpu.memory_space<vmem>>) semaphore(%arg12 : memref<!tpu.dma_semaphore, #tpu.memory_space<semaphore_mem>>)
        %dma_start3A_92 = arith.constant 5 : i32
        %dma_start3A_93 = arith.constant 5 : i32
        %dma_start3A_94 = arith.constant 0 : i32
        %dma_start3A_95 = arith.constant 0 : i32
        %dma_start3A_96 = tpu.memref_slice %arg10[%dma_start3A_93, %dma_start3A_94, %dma_start3A_95] : memref<8x128x16xf32, #tpu.memory_space<vmem>> -> memref<1x128x16xf32, #tpu.memory_space<vmem>>
        %dma_start3A_97 = tpu.memref_squeeze %dma_start3A_96 : memref<1x128x16xf32, #tpu.memory_space<vmem>> -> memref<128x16xf32, #tpu.memory_space<vmem>>
        %dma_start3A_98 = arith.constant 0 : i32
        %dma_start3A_99 = tpu.memref_slice %arg8[%dma_start3A_92, %dma_start3A_98] : memref<8x128xi32, #tpu.memory_space<vmem>> -> memref<1x128xi32, #tpu.memory_space<vmem>>
        %dma_start3A_100 = tpu.memref_squeeze %dma_start3A_99 : memref<1x128xi32, #tpu.memory_space<vmem>> -> memref<128xi32, #tpu.memory_space<vmem>>
        %dma_start3A_101 = arith.constant 0 : i32
        %dma_start3A_102 = arith.constant 0 : i32
        %dma_start3A_103 = tpu.memref_slice %arg5[%dma_start3A_101, %dma_start3A_102] : memref<802816x16xf32, #tpu.memory_space<hbm>> -> memref<802816x16xf32, #tpu.memory_space<hbm>>
        tpu.enqueue_indirect_dma source(%dma_start3A_103 : memref<802816x16xf32, #tpu.memory_space<hbm>>) target(%dma_start3A_97 : memref<128x16xf32, #tpu.memory_space<vmem>>) offsets(%dma_start3A_100 : memref<128xi32, #tpu.memory_space<vmem>>) semaphore(%arg12 : memref<!tpu.dma_semaphore, #tpu.memory_space<semaphore_mem>>)
        %dma_start3A_104 = arith.constant 6 : i32
        %dma_start3A_105 = arith.constant 6 : i32
        %dma_start3A_106 = arith.constant 0 : i32
        %dma_start3A_107 = arith.constant 0 : i32
        %dma_start3A_108 = tpu.memref_slice %arg10[%dma_start3A_105, %dma_start3A_106, %dma_start3A_107] : memref<8x128x16xf32, #tpu.memory_space<vmem>> -> memref<1x128x16xf32, #tpu.memory_space<vmem>>
        %dma_start3A_109 = tpu.memref_squeeze %dma_start3A_108 : memref<1x128x16xf32, #tpu.memory_space<vmem>> -> memref<128x16xf32, #tpu.memory_space<vmem>>
        %dma_start3A_110 = arith.constant 0 : i32
        %dma_start3A_111 = tpu.memref_slice %arg8[%dma_start3A_104, %dma_start3A_110] : memref<8x128xi32, #tpu.memory_space<vmem>> -> memref<1x128xi32, #tpu.memory_space<vmem>>
        %dma_start3A_112 = tpu.memref_squeeze %dma_start3A_111 : memref<1x128xi32, #tpu.memory_space<vmem>> -> memref<128xi32, #tpu.memory_space<vmem>>
        %dma_start3A_113 = arith.constant 0 : i32
        %dma_start3A_114 = arith.constant 0 : i32
        %dma_start3A_115 = tpu.memref_slice %arg5[%dma_start3A_113, %dma_start3A_114] : memref<802816x16xf32, #tpu.memory_space<hbm>> -> memref<802816x16xf32, #tpu.memory_space<hbm>>
        tpu.enqueue_indirect_dma source(%dma_start3A_115 : memref<802816x16xf32, #tpu.memory_space<hbm>>) target(%dma_start3A_109 : memref<128x16xf32, #tpu.memory_space<vmem>>) offsets(%dma_start3A_112 : memref<128xi32, #tpu.memory_space<vmem>>) semaphore(%arg12 : memref<!tpu.dma_semaphore, #tpu.memory_space<semaphore_mem>>)
        %dma_start3A_116 = arith.constant 7 : i32
        %dma_start3A_117 = arith.constant 7 : i32
        %dma_start3A_118 = arith.constant 0 : i32
        %dma_start3A_119 = arith.constant 0 : i32
        %dma_start3A_120 = tpu.memref_slice %arg10[%dma_start3A_117, %dma_start3A_118, %dma_start3A_119] : memref<8x128x16xf32, #tpu.memory_space<vmem>> -> memref<1x128x16xf32, #tpu.memory_space<vmem>>
        %dma_start3A_121 = tpu.memref_squeeze %dma_start3A_120 : memref<1x128x16xf32, #tpu.memory_space<vmem>> -> memref<128x16xf32, #tpu.memory_space<vmem>>
        %dma_start3A_122 = arith.constant 0 : i32
        %dma_start3A_123 = tpu.memref_slice %arg8[%dma_start3A_116, %dma_start3A_122] : memref<8x128xi32, #tpu.memory_space<vmem>> -> memref<1x128xi32, #tpu.memory_space<vmem>>
        %dma_start3A_124 = tpu.memref_squeeze %dma_start3A_123 : memref<1x128xi32, #tpu.memory_space<vmem>> -> memref<128xi32, #tpu.memory_space<vmem>>
        %dma_start3A_125 = arith.constant 0 : i32
        %dma_start3A_126 = arith.constant 0 : i32
        %dma_start3A_127 = tpu.memref_slice %arg5[%dma_start3A_125, %dma_start3A_126] : memref<802816x16xf32, #tpu.memory_space<hbm>> -> memref<802816x16xf32, #tpu.memory_space<hbm>>
        tpu.enqueue_indirect_dma source(%dma_start3A_127 : memref<802816x16xf32, #tpu.memory_space<hbm>>) target(%dma_start3A_121 : memref<128x16xf32, #tpu.memory_space<vmem>>) offsets(%dma_start3A_124 : memref<128xi32, #tpu.memory_space<vmem>>) semaphore(%arg12 : memref<!tpu.dma_semaphore, #tpu.memory_space<semaphore_mem>>)
        %dma_wait3A = arith.constant 0 : i32
        %dma_wait3A_128 = arith.constant 0 : i32
        %dma_wait3A_129 = arith.constant 0 : i32
        %dma_wait3A_130 = arith.constant 0 : i32
        %dma_wait3A_131 = tpu.memref_slice %arg10[%dma_wait3A_128, %dma_wait3A_129, %dma_wait3A_130] : memref<8x128x16xf32, #tpu.memory_space<vmem>> -> memref<1x128x16xf32, #tpu.memory_space<vmem>>
        %dma_wait3A_132 = tpu.memref_squeeze %dma_wait3A_131 : memref<1x128x16xf32, #tpu.memory_space<vmem>> -> memref<128x16xf32, #tpu.memory_space<vmem>>
        %dma_wait3A_133 = arith.constant 0 : i32
        %dma_wait3A_134 = tpu.memref_slice %arg8[%dma_wait3A, %dma_wait3A_133] : memref<8x128xi32, #tpu.memory_space<vmem>> -> memref<1x128xi32, #tpu.memory_space<vmem>>
        %dma_wait3A_135 = tpu.memref_squeeze %dma_wait3A_134 : memref<1x128xi32, #tpu.memory_space<vmem>> -> memref<128xi32, #tpu.memory_space<vmem>>
        %dma_wait3A_136 = arith.constant 0 : i32
        %dma_wait3A_137 = arith.constant 0 : i32
        %dma_wait3A_138 = tpu.memref_slice %arg5[%dma_wait3A_136, %dma_wait3A_137] : memref<802816x16xf32, #tpu.memory_space<hbm>> -> memref<802816x16xf32, #tpu.memory_space<hbm>>
        tpu.wait_indirect_dma semaphore(%arg12 : memref<!tpu.dma_semaphore, #tpu.memory_space<semaphore_mem>>) src(%dma_wait3A_138 : memref<802816x16xf32, #tpu.memory_space<hbm>>) dst(%dma_wait3A_132 : memref<128x16xf32, #tpu.memory_space<vmem>>)
        %dma_wait3A_139 = arith.constant 1 : i32
        %dma_wait3A_140 = arith.constant 1 : i32
        %dma_wait3A_141 = arith.constant 0 : i32
        %dma_wait3A_142 = arith.constant 0 : i32
        %dma_wait3A_143 = tpu.memref_slice %arg10[%dma_wait3A_140, %dma_wait3A_141, %dma_wait3A_142] : memref<8x128x16xf32, #tpu.memory_space<vmem>> -> memref<1x128x16xf32, #tpu.memory_space<vmem>>
        %dma_wait3A_144 = tpu.memref_squeeze %dma_wait3A_143 : memref<1x128x16xf32, #tpu.memory_space<vmem>> -> memref<128x16xf32, #tpu.memory_space<vmem>>
        %dma_wait3A_145 = arith.constant 0 : i32
        %dma_wait3A_146 = tpu.memref_slice %arg8[%dma_wait3A_139, %dma_wait3A_145] : memref<8x128xi32, #tpu.memory_space<vmem>> -> memref<1x128xi32, #tpu.memory_space<vmem>>
        %dma_wait3A_147 = tpu.memref_squeeze %dma_wait3A_146 : memref<1x128xi32, #tpu.memory_space<vmem>> -> memref<128xi32, #tpu.memory_space<vmem>>
        %dma_wait3A_148 = arith.constant 0 : i32
        %dma_wait3A_149 = arith.constant 0 : i32
        %dma_wait3A_150 = tpu.memref_slice %arg5[%dma_wait3A_148, %dma_wait3A_149] : memref<802816x16xf32, #tpu.memory_space<hbm>> -> memref<802816x16xf32, #tpu.memory_space<hbm>>
        tpu.wait_indirect_dma semaphore(%arg12 : memref<!tpu.dma_semaphore, #tpu.memory_space<semaphore_mem>>) src(%dma_wait3A_150 : memref<802816x16xf32, #tpu.memory_space<hbm>>) dst(%dma_wait3A_144 : memref<128x16xf32, #tpu.memory_space<vmem>>)
        %dma_wait3A_151 = arith.constant 2 : i32
        %dma_wait3A_152 = arith.constant 2 : i32
        %dma_wait3A_153 = arith.constant 0 : i32
        %dma_wait3A_154 = arith.constant 0 : i32
        %dma_wait3A_155 = tpu.memref_slice %arg10[%dma_wait3A_152, %dma_wait3A_153, %dma_wait3A_154] : memref<8x128x16xf32, #tpu.memory_space<vmem>> -> memref<1x128x16xf32, #tpu.memory_space<vmem>>
        %dma_wait3A_156 = tpu.memref_squeeze %dma_wait3A_155 : memref<1x128x16xf32, #tpu.memory_space<vmem>> -> memref<128x16xf32, #tpu.memory_space<vmem>>
        %dma_wait3A_157 = arith.constant 0 : i32
        %dma_wait3A_158 = tpu.memref_slice %arg8[%dma_wait3A_151, %dma_wait3A_157] : memref<8x128xi32, #tpu.memory_space<vmem>> -> memref<1x128xi32, #tpu.memory_space<vmem>>
        %dma_wait3A_159 = tpu.memref_squeeze %dma_wait3A_158 : memref<1x128xi32, #tpu.memory_space<vmem>> -> memref<128xi32, #tpu.memory_space<vmem>>
        %dma_wait3A_160 = arith.constant 0 : i32
        %dma_wait3A_161 = arith.constant 0 : i32
        %dma_wait3A_162 = tpu.memref_slice %arg5[%dma_wait3A_160, %dma_wait3A_161] : memref<802816x16xf32, #tpu.memory_space<hbm>> -> memref<802816x16xf32, #tpu.memory_space<hbm>>
        tpu.wait_indirect_dma semaphore(%arg12 : memref<!tpu.dma_semaphore, #tpu.memory_space<semaphore_mem>>) src(%dma_wait3A_162 : memref<802816x16xf32, #tpu.memory_space<hbm>>) dst(%dma_wait3A_156 : memref<128x16xf32, #tpu.memory_space<vmem>>)
        %dma_wait3A_163 = arith.constant 3 : i32
        %dma_wait3A_164 = arith.constant 3 : i32
        %dma_wait3A_165 = arith.constant 0 : i32
        %dma_wait3A_166 = arith.constant 0 : i32
        %dma_wait3A_167 = tpu.memref_slice %arg10[%dma_wait3A_164, %dma_wait3A_165, %dma_wait3A_166] : memref<8x128x16xf32, #tpu.memory_space<vmem>> -> memref<1x128x16xf32, #tpu.memory_space<vmem>>
        %dma_wait3A_168 = tpu.memref_squeeze %dma_wait3A_167 : memref<1x128x16xf32, #tpu.memory_space<vmem>> -> memref<128x16xf32, #tpu.memory_space<vmem>>
        %dma_wait3A_169 = arith.constant 0 : i32
        %dma_wait3A_170 = tpu.memref_slice %arg8[%dma_wait3A_163, %dma_wait3A_169] : memref<8x128xi32, #tpu.memory_space<vmem>> -> memref<1x128xi32, #tpu.memory_space<vmem>>
        %dma_wait3A_171 = tpu.memref_squeeze %dma_wait3A_170 : memref<1x128xi32, #tpu.memory_space<vmem>> -> memref<128xi32, #tpu.memory_space<vmem>>
        %dma_wait3A_172 = arith.constant 0 : i32
        %dma_wait3A_173 = arith.constant 0 : i32
        %dma_wait3A_174 = tpu.memref_slice %arg5[%dma_wait3A_172, %dma_wait3A_173] : memref<802816x16xf32, #tpu.memory_space<hbm>> -> memref<802816x16xf32, #tpu.memory_space<hbm>>
        tpu.wait_indirect_dma semaphore(%arg12 : memref<!tpu.dma_semaphore, #tpu.memory_space<semaphore_mem>>) src(%dma_wait3A_174 : memref<802816x16xf32, #tpu.memory_space<hbm>>) dst(%dma_wait3A_168 : memref<128x16xf32, #tpu.memory_space<vmem>>)
        %dma_wait3A_175 = arith.constant 4 : i32
        %dma_wait3A_176 = arith.constant 4 : i32
        %dma_wait3A_177 = arith.constant 0 : i32
        %dma_wait3A_178 = arith.constant 0 : i32
        %dma_wait3A_179 = tpu.memref_slice %arg10[%dma_wait3A_176, %dma_wait3A_177, %dma_wait3A_178] : memref<8x128x16xf32, #tpu.memory_space<vmem>> -> memref<1x128x16xf32, #tpu.memory_space<vmem>>
        %dma_wait3A_180 = tpu.memref_squeeze %dma_wait3A_179 : memref<1x128x16xf32, #tpu.memory_space<vmem>> -> memref<128x16xf32, #tpu.memory_space<vmem>>
        %dma_wait3A_181 = arith.constant 0 : i32
        %dma_wait3A_182 = tpu.memref_slice %arg8[%dma_wait3A_175, %dma_wait3A_181] : memref<8x128xi32, #tpu.memory_space<vmem>> -> memref<1x128xi32, #tpu.memory_space<vmem>>
        %dma_wait3A_183 = tpu.memref_squeeze %dma_wait3A_182 : memref<1x128xi32, #tpu.memory_space<vmem>> -> memref<128xi32, #tpu.memory_space<vmem>>
        %dma_wait3A_184 = arith.constant 0 : i32
        %dma_wait3A_185 = arith.constant 0 : i32
        %dma_wait3A_186 = tpu.memref_slice %arg5[%dma_wait3A_184, %dma_wait3A_185] : memref<802816x16xf32, #tpu.memory_space<hbm>> -> memref<802816x16xf32, #tpu.memory_space<hbm>>
        tpu.wait_indirect_dma semaphore(%arg12 : memref<!tpu.dma_semaphore, #tpu.memory_space<semaphore_mem>>) src(%dma_wait3A_186 : memref<802816x16xf32, #tpu.memory_space<hbm>>) dst(%dma_wait3A_180 : memref<128x16xf32, #tpu.memory_space<vmem>>)
        %dma_wait3A_187 = arith.constant 5 : i32
        %dma_wait3A_188 = arith.constant 5 : i32
        %dma_wait3A_189 = arith.constant 0 : i32
        %dma_wait3A_190 = arith.constant 0 : i32
        %dma_wait3A_191 = tpu.memref_slice %arg10[%dma_wait3A_188, %dma_wait3A_189, %dma_wait3A_190] : memref<8x128x16xf32, #tpu.memory_space<vmem>> -> memref<1x128x16xf32, #tpu.memory_space<vmem>>
        %dma_wait3A_192 = tpu.memref_squeeze %dma_wait3A_191 : memref<1x128x16xf32, #tpu.memory_space<vmem>> -> memref<128x16xf32, #tpu.memory_space<vmem>>
        %dma_wait3A_193 = arith.constant 0 : i32
        %dma_wait3A_194 = tpu.memref_slice %arg8[%dma_wait3A_187, %dma_wait3A_193] : memref<8x128xi32, #tpu.memory_space<vmem>> -> memref<1x128xi32, #tpu.memory_space<vmem>>
        %dma_wait3A_195 = tpu.memref_squeeze %dma_wait3A_194 : memref<1x128xi32, #tpu.memory_space<vmem>> -> memref<128xi32, #tpu.memory_space<vmem>>
        %dma_wait3A_196 = arith.constant 0 : i32
        %dma_wait3A_197 = arith.constant 0 : i32
        %dma_wait3A_198 = tpu.memref_slice %arg5[%dma_wait3A_196, %dma_wait3A_197] : memref<802816x16xf32, #tpu.memory_space<hbm>> -> memref<802816x16xf32, #tpu.memory_space<hbm>>
        tpu.wait_indirect_dma semaphore(%arg12 : memref<!tpu.dma_semaphore, #tpu.memory_space<semaphore_mem>>) src(%dma_wait3A_198 : memref<802816x16xf32, #tpu.memory_space<hbm>>) dst(%dma_wait3A_192 : memref<128x16xf32, #tpu.memory_space<vmem>>)
        %dma_wait3A_199 = arith.constant 6 : i32
        %dma_wait3A_200 = arith.constant 6 : i32
        %dma_wait3A_201 = arith.constant 0 : i32
        %dma_wait3A_202 = arith.constant 0 : i32
        %dma_wait3A_203 = tpu.memref_slice %arg10[%dma_wait3A_200, %dma_wait3A_201, %dma_wait3A_202] : memref<8x128x16xf32, #tpu.memory_space<vmem>> -> memref<1x128x16xf32, #tpu.memory_space<vmem>>
        %dma_wait3A_204 = tpu.memref_squeeze %dma_wait3A_203 : memref<1x128x16xf32, #tpu.memory_space<vmem>> -> memref<128x16xf32, #tpu.memory_space<vmem>>
        %dma_wait3A_205 = arith.constant 0 : i32
        %dma_wait3A_206 = tpu.memref_slice %arg8[%dma_wait3A_199, %dma_wait3A_205] : memref<8x128xi32, #tpu.memory_space<vmem>> -> memref<1x128xi32, #tpu.memory_space<vmem>>
        %dma_wait3A_207 = tpu.memref_squeeze %dma_wait3A_206 : memref<1x128xi32, #tpu.memory_space<vmem>> -> memref<128xi32, #tpu.memory_space<vmem>>
        %dma_wait3A_208 = arith.constant 0 : i32
        %dma_wait3A_209 = arith.constant 0 : i32
        %dma_wait3A_210 = tpu.memref_slice %arg5[%dma_wait3A_208, %dma_wait3A_209] : memref<802816x16xf32, #tpu.memory_space<hbm>> -> memref<802816x16xf32, #tpu.memory_space<hbm>>
        tpu.wait_indirect_dma semaphore(%arg12 : memref<!tpu.dma_semaphore, #tpu.memory_space<semaphore_mem>>) src(%dma_wait3A_210 : memref<802816x16xf32, #tpu.memory_space<hbm>>) dst(%dma_wait3A_204 : memref<128x16xf32, #tpu.memory_space<vmem>>)
        %dma_wait3A_211 = arith.constant 7 : i32
        %dma_wait3A_212 = arith.constant 7 : i32
        %dma_wait3A_213 = arith.constant 0 : i32
        %dma_wait3A_214 = arith.constant 0 : i32
        %dma_wait3A_215 = tpu.memref_slice %arg10[%dma_wait3A_212, %dma_wait3A_213, %dma_wait3A_214] : memref<8x128x16xf32, #tpu.memory_space<vmem>> -> memref<1x128x16xf32, #tpu.memory_space<vmem>>
        %dma_wait3A_216 = tpu.memref_squeeze %dma_wait3A_215 : memref<1x128x16xf32, #tpu.memory_space<vmem>> -> memref<128x16xf32, #tpu.memory_space<vmem>>
        %dma_wait3A_217 = arith.constant 0 : i32
        %dma_wait3A_218 = tpu.memref_slice %arg8[%dma_wait3A_211, %dma_wait3A_217] : memref<8x128xi32, #tpu.memory_space<vmem>> -> memref<1x128xi32, #tpu.memory_space<vmem>>
        %dma_wait3A_219 = tpu.memref_squeeze %dma_wait3A_218 : memref<1x128xi32, #tpu.memory_space<vmem>> -> memref<128xi32, #tpu.memory_space<vmem>>
        %dma_wait3A_220 = arith.constant 0 : i32
        %dma_wait3A_221 = arith.constant 0 : i32
        %dma_wait3A_222 = tpu.memref_slice %arg5[%dma_wait3A_220, %dma_wait3A_221] : memref<802816x16xf32, #tpu.memory_space<hbm>> -> memref<802816x16xf32, #tpu.memory_space<hbm>>
        tpu.wait_indirect_dma semaphore(%arg12 : memref<!tpu.dma_semaphore, #tpu.memory_space<semaphore_mem>>) src(%dma_wait3A_222 : memref<802816x16xf32, #tpu.memory_space<hbm>>) dst(%dma_wait3A_216 : memref<128x16xf32, #tpu.memory_space<vmem>>)
        %dma_start3A_223 = arith.constant 0 : i32
        %dma_start3A_224 = arith.constant 0 : i32
        %dma_start3A_225 = arith.constant 0 : i32
        %dma_start3A_226 = arith.constant 0 : i32
        %dma_start3A_227 = tpu.memref_slice %arg10[%dma_start3A_223, %dma_start3A_225, %dma_start3A_226] : memref<8x128x16xf32, #tpu.memory_space<vmem>> -> memref<1x128x16xf32, #tpu.memory_space<vmem>>
        %dma_start3A_228 = tpu.memref_squeeze %dma_start3A_227 : memref<1x128x16xf32, #tpu.memory_space<vmem>> -> memref<128x16xf32, #tpu.memory_space<vmem>>
        %dma_start3A_229 = arith.constant 0 : i32
        %dma_start3A_230 = tpu.memref_slice %arg9[%dma_start3A_224, %dma_start3A_229] : memref<8x128xi32, #tpu.memory_space<vmem>> -> memref<1x128xi32, #tpu.memory_space<vmem>>
        %dma_start3A_231 = tpu.memref_squeeze %dma_start3A_230 : memref<1x128xi32, #tpu.memory_space<vmem>> -> memref<128xi32, #tpu.memory_space<vmem>>
        %dma_start3A_232 = arith.constant 0 : i32
        %dma_start3A_233 = arith.constant 0 : i32
        %dma_start3A_234 = tpu.memref_slice %arg11[%dma_start3A_232, %dma_start3A_233] : memref<100352x16xf32, #tpu.memory_space<vmem_shared>> -> memref<100352x16xf32, #tpu.memory_space<vmem_shared>>
        tpu.enqueue_indirect_dma source(%dma_start3A_228 : memref<128x16xf32, #tpu.memory_space<vmem>>) target(%dma_start3A_234 : memref<100352x16xf32, #tpu.memory_space<vmem_shared>>) offsets(%dma_start3A_231 : memref<128xi32, #tpu.memory_space<vmem>>) semaphore(%arg13 : memref<!tpu.dma_semaphore, #tpu.memory_space<semaphore_mem>>) {add = true}
        %dma_start3A_235 = arith.constant 1 : i32
        %dma_start3A_236 = arith.constant 1 : i32
        %dma_start3A_237 = arith.constant 0 : i32
        %dma_start3A_238 = arith.constant 0 : i32
        %dma_start3A_239 = tpu.memref_slice %arg10[%dma_start3A_235, %dma_start3A_237, %dma_start3A_238] : memref<8x128x16xf32, #tpu.memory_space<vmem>> -> memref<1x128x16xf32, #tpu.memory_space<vmem>>
        %dma_start3A_240 = tpu.memref_squeeze %dma_start3A_239 : memref<1x128x16xf32, #tpu.memory_space<vmem>> -> memref<128x16xf32, #tpu.memory_space<vmem>>
        %dma_start3A_241 = arith.constant 0 : i32
        %dma_start3A_242 = tpu.memref_slice %arg9[%dma_start3A_236, %dma_start3A_241] : memref<8x128xi32, #tpu.memory_space<vmem>> -> memref<1x128xi32, #tpu.memory_space<vmem>>
        %dma_start3A_243 = tpu.memref_squeeze %dma_start3A_242 : memref<1x128xi32, #tpu.memory_space<vmem>> -> memref<128xi32, #tpu.memory_space<vmem>>
        %dma_start3A_244 = arith.constant 0 : i32
        %dma_start3A_245 = arith.constant 0 : i32
        %dma_start3A_246 = tpu.memref_slice %arg11[%dma_start3A_244, %dma_start3A_245] : memref<100352x16xf32, #tpu.memory_space<vmem_shared>> -> memref<100352x16xf32, #tpu.memory_space<vmem_shared>>
        tpu.enqueue_indirect_dma source(%dma_start3A_240 : memref<128x16xf32, #tpu.memory_space<vmem>>) target(%dma_start3A_246 : memref<100352x16xf32, #tpu.memory_space<vmem_shared>>) offsets(%dma_start3A_243 : memref<128xi32, #tpu.memory_space<vmem>>) semaphore(%arg13 : memref<!tpu.dma_semaphore, #tpu.memory_space<semaphore_mem>>) {add = true}
        %dma_start3A_247 = arith.constant 2 : i32
        %dma_start3A_248 = arith.constant 2 : i32
        %dma_start3A_249 = arith.constant 0 : i32
        %dma_start3A_250 = arith.constant 0 : i32
        %dma_start3A_251 = tpu.memref_slice %arg10[%dma_start3A_247, %dma_start3A_249, %dma_start3A_250] : memref<8x128x16xf32, #tpu.memory_space<vmem>> -> memref<1x128x16xf32, #tpu.memory_space<vmem>>
        %dma_start3A_252 = tpu.memref_squeeze %dma_start3A_251 : memref<1x128x16xf32, #tpu.memory_space<vmem>> -> memref<128x16xf32, #tpu.memory_space<vmem>>
        %dma_start3A_253 = arith.constant 0 : i32
        %dma_start3A_254 = tpu.memref_slice %arg9[%dma_start3A_248, %dma_start3A_253] : memref<8x128xi32, #tpu.memory_space<vmem>> -> memref<1x128xi32, #tpu.memory_space<vmem>>
        %dma_start3A_255 = tpu.memref_squeeze %dma_start3A_254 : memref<1x128xi32, #tpu.memory_space<vmem>> -> memref<128xi32, #tpu.memory_space<vmem>>
        %dma_start3A_256 = arith.constant 0 : i32
        %dma_start3A_257 = arith.constant 0 : i32
        %dma_start3A_258 = tpu.memref_slice %arg11[%dma_start3A_256, %dma_start3A_257] : memref<100352x16xf32, #tpu.memory_space<vmem_shared>> -> memref<100352x16xf32, #tpu.memory_space<vmem_shared>>
        tpu.enqueue_indirect_dma source(%dma_start3A_252 : memref<128x16xf32, #tpu.memory_space<vmem>>) target(%dma_start3A_258 : memref<100352x16xf32, #tpu.memory_space<vmem_shared>>) offsets(%dma_start3A_255 : memref<128xi32, #tpu.memory_space<vmem>>) semaphore(%arg13 : memref<!tpu.dma_semaphore, #tpu.memory_space<semaphore_mem>>) {add = true}
        %dma_start3A_259 = arith.constant 3 : i32
        %dma_start3A_260 = arith.constant 3 : i32
        %dma_start3A_261 = arith.constant 0 : i32
        %dma_start3A_262 = arith.constant 0 : i32
        %dma_start3A_263 = tpu.memref_slice %arg10[%dma_start3A_259, %dma_start3A_261, %dma_start3A_262] : memref<8x128x16xf32, #tpu.memory_space<vmem>> -> memref<1x128x16xf32, #tpu.memory_space<vmem>>
        %dma_start3A_264 = tpu.memref_squeeze %dma_start3A_263 : memref<1x128x16xf32, #tpu.memory_space<vmem>> -> memref<128x16xf32, #tpu.memory_space<vmem>>
        %dma_start3A_265 = arith.constant 0 : i32
        %dma_start3A_266 = tpu.memref_slice %arg9[%dma_start3A_260, %dma_start3A_265] : memref<8x128xi32, #tpu.memory_space<vmem>> -> memref<1x128xi32, #tpu.memory_space<vmem>>
        %dma_start3A_267 = tpu.memref_squeeze %dma_start3A_266 : memref<1x128xi32, #tpu.memory_space<vmem>> -> memref<128xi32, #tpu.memory_space<vmem>>
        %dma_start3A_268 = arith.constant 0 : i32
        %dma_start3A_269 = arith.constant 0 : i32
        %dma_start3A_270 = tpu.memref_slice %arg11[%dma_start3A_268, %dma_start3A_269] : memref<100352x16xf32, #tpu.memory_space<vmem_shared>> -> memref<100352x16xf32, #tpu.memory_space<vmem_shared>>
        tpu.enqueue_indirect_dma source(%dma_start3A_264 : memref<128x16xf32, #tpu.memory_space<vmem>>) target(%dma_start3A_270 : memref<100352x16xf32, #tpu.memory_space<vmem_shared>>) offsets(%dma_start3A_267 : memref<128xi32, #tpu.memory_space<vmem>>) semaphore(%arg13 : memref<!tpu.dma_semaphore, #tpu.memory_space<semaphore_mem>>) {add = true}
        %dma_start3A_271 = arith.constant 4 : i32
        %dma_start3A_272 = arith.constant 4 : i32
        %dma_start3A_273 = arith.constant 0 : i32
        %dma_start3A_274 = arith.constant 0 : i32
        %dma_start3A_275 = tpu.memref_slice %arg10[%dma_start3A_271, %dma_start3A_273, %dma_start3A_274] : memref<8x128x16xf32, #tpu.memory_space<vmem>> -> memref<1x128x16xf32, #tpu.memory_space<vmem>>
        %dma_start3A_276 = tpu.memref_squeeze %dma_start3A_275 : memref<1x128x16xf32, #tpu.memory_space<vmem>> -> memref<128x16xf32, #tpu.memory_space<vmem>>
        %dma_start3A_277 = arith.constant 0 : i32
        %dma_start3A_278 = tpu.memref_slice %arg9[%dma_start3A_272, %dma_start3A_277] : memref<8x128xi32, #tpu.memory_space<vmem>> -> memref<1x128xi32, #tpu.memory_space<vmem>>
        %dma_start3A_279 = tpu.memref_squeeze %dma_start3A_278 : memref<1x128xi32, #tpu.memory_space<vmem>> -> memref<128xi32, #tpu.memory_space<vmem>>
        %dma_start3A_280 = arith.constant 0 : i32
        %dma_start3A_281 = arith.constant 0 : i32
        %dma_start3A_282 = tpu.memref_slice %arg11[%dma_start3A_280, %dma_start3A_281] : memref<100352x16xf32, #tpu.memory_space<vmem_shared>> -> memref<100352x16xf32, #tpu.memory_space<vmem_shared>>
        tpu.enqueue_indirect_dma source(%dma_start3A_276 : memref<128x16xf32, #tpu.memory_space<vmem>>) target(%dma_start3A_282 : memref<100352x16xf32, #tpu.memory_space<vmem_shared>>) offsets(%dma_start3A_279 : memref<128xi32, #tpu.memory_space<vmem>>) semaphore(%arg13 : memref<!tpu.dma_semaphore, #tpu.memory_space<semaphore_mem>>) {add = true}
        %dma_start3A_283 = arith.constant 5 : i32
        %dma_start3A_284 = arith.constant 5 : i32
        %dma_start3A_285 = arith.constant 0 : i32
        %dma_start3A_286 = arith.constant 0 : i32
        %dma_start3A_287 = tpu.memref_slice %arg10[%dma_start3A_283, %dma_start3A_285, %dma_start3A_286] : memref<8x128x16xf32, #tpu.memory_space<vmem>> -> memref<1x128x16xf32, #tpu.memory_space<vmem>>
        %dma_start3A_288 = tpu.memref_squeeze %dma_start3A_287 : memref<1x128x16xf32, #tpu.memory_space<vmem>> -> memref<128x16xf32, #tpu.memory_space<vmem>>
        %dma_start3A_289 = arith.constant 0 : i32
        %dma_start3A_290 = tpu.memref_slice %arg9[%dma_start3A_284, %dma_start3A_289] : memref<8x128xi32, #tpu.memory_space<vmem>> -> memref<1x128xi32, #tpu.memory_space<vmem>>
        %dma_start3A_291 = tpu.memref_squeeze %dma_start3A_290 : memref<1x128xi32, #tpu.memory_space<vmem>> -> memref<128xi32, #tpu.memory_space<vmem>>
        %dma_start3A_292 = arith.constant 0 : i32
        %dma_start3A_293 = arith.constant 0 : i32
        %dma_start3A_294 = tpu.memref_slice %arg11[%dma_start3A_292, %dma_start3A_293] : memref<100352x16xf32, #tpu.memory_space<vmem_shared>> -> memref<100352x16xf32, #tpu.memory_space<vmem_shared>>
        tpu.enqueue_indirect_dma source(%dma_start3A_288 : memref<128x16xf32, #tpu.memory_space<vmem>>) target(%dma_start3A_294 : memref<100352x16xf32, #tpu.memory_space<vmem_shared>>) offsets(%dma_start3A_291 : memref<128xi32, #tpu.memory_space<vmem>>) semaphore(%arg13 : memref<!tpu.dma_semaphore, #tpu.memory_space<semaphore_mem>>) {add = true}
        %dma_start3A_295 = arith.constant 6 : i32
        %dma_start3A_296 = arith.constant 6 : i32
        %dma_start3A_297 = arith.constant 0 : i32
        %dma_start3A_298 = arith.constant 0 : i32
        %dma_start3A_299 = tpu.memref_slice %arg10[%dma_start3A_295, %dma_start3A_297, %dma_start3A_298] : memref<8x128x16xf32, #tpu.memory_space<vmem>> -> memref<1x128x16xf32, #tpu.memory_space<vmem>>
        %dma_start3A_300 = tpu.memref_squeeze %dma_start3A_299 : memref<1x128x16xf32, #tpu.memory_space<vmem>> -> memref<128x16xf32, #tpu.memory_space<vmem>>
        %dma_start3A_301 = arith.constant 0 : i32
        %dma_start3A_302 = tpu.memref_slice %arg9[%dma_start3A_296, %dma_start3A_301] : memref<8x128xi32, #tpu.memory_space<vmem>> -> memref<1x128xi32, #tpu.memory_space<vmem>>
        %dma_start3A_303 = tpu.memref_squeeze %dma_start3A_302 : memref<1x128xi32, #tpu.memory_space<vmem>> -> memref<128xi32, #tpu.memory_space<vmem>>
        %dma_start3A_304 = arith.constant 0 : i32
        %dma_start3A_305 = arith.constant 0 : i32
        %dma_start3A_306 = tpu.memref_slice %arg11[%dma_start3A_304, %dma_start3A_305] : memref<100352x16xf32, #tpu.memory_space<vmem_shared>> -> memref<100352x16xf32, #tpu.memory_space<vmem_shared>>
        tpu.enqueue_indirect_dma source(%dma_start3A_300 : memref<128x16xf32, #tpu.memory_space<vmem>>) target(%dma_start3A_306 : memref<100352x16xf32, #tpu.memory_space<vmem_shared>>) offsets(%dma_start3A_303 : memref<128xi32, #tpu.memory_space<vmem>>) semaphore(%arg13 : memref<!tpu.dma_semaphore, #tpu.memory_space<semaphore_mem>>) {add = true}
        %dma_start3A_307 = arith.constant 7 : i32
        %dma_start3A_308 = arith.constant 7 : i32
        %dma_start3A_309 = arith.constant 0 : i32
        %dma_start3A_310 = arith.constant 0 : i32
        %dma_start3A_311 = tpu.memref_slice %arg10[%dma_start3A_307, %dma_start3A_309, %dma_start3A_310] : memref<8x128x16xf32, #tpu.memory_space<vmem>> -> memref<1x128x16xf32, #tpu.memory_space<vmem>>
        %dma_start3A_312 = tpu.memref_squeeze %dma_start3A_311 : memref<1x128x16xf32, #tpu.memory_space<vmem>> -> memref<128x16xf32, #tpu.memory_space<vmem>>
        %dma_start3A_313 = arith.constant 0 : i32
        %dma_start3A_314 = tpu.memref_slice %arg9[%dma_start3A_308, %dma_start3A_313] : memref<8x128xi32, #tpu.memory_space<vmem>> -> memref<1x128xi32, #tpu.memory_space<vmem>>
        %dma_start3A_315 = tpu.memref_squeeze %dma_start3A_314 : memref<1x128xi32, #tpu.memory_space<vmem>> -> memref<128xi32, #tpu.memory_space<vmem>>
        %dma_start3A_316 = arith.constant 0 : i32
        %dma_start3A_317 = arith.constant 0 : i32
        %dma_start3A_318 = tpu.memref_slice %arg11[%dma_start3A_316, %dma_start3A_317] : memref<100352x16xf32, #tpu.memory_space<vmem_shared>> -> memref<100352x16xf32, #tpu.memory_space<vmem_shared>>
        tpu.enqueue_indirect_dma source(%dma_start3A_312 : memref<128x16xf32, #tpu.memory_space<vmem>>) target(%dma_start3A_318 : memref<100352x16xf32, #tpu.memory_space<vmem_shared>>) offsets(%dma_start3A_315 : memref<128xi32, #tpu.memory_space<vmem>>) semaphore(%arg13 : memref<!tpu.dma_semaphore, #tpu.memory_space<semaphore_mem>>) {add = true}
        %dma_wait3A_319 = arith.constant 0 : i32
        %dma_wait3A_320 = arith.constant 0 : i32
        %dma_wait3A_321 = arith.constant 0 : i32
        %dma_wait3A_322 = arith.constant 0 : i32
        %dma_wait3A_323 = tpu.memref_slice %arg10[%dma_wait3A_319, %dma_wait3A_321, %dma_wait3A_322] : memref<8x128x16xf32, #tpu.memory_space<vmem>> -> memref<1x128x16xf32, #tpu.memory_space<vmem>>
        %dma_wait3A_324 = tpu.memref_squeeze %dma_wait3A_323 : memref<1x128x16xf32, #tpu.memory_space<vmem>> -> memref<128x16xf32, #tpu.memory_space<vmem>>
        %dma_wait3A_325 = arith.constant 0 : i32
        %dma_wait3A_326 = tpu.memref_slice %arg9[%dma_wait3A_320, %dma_wait3A_325] : memref<8x128xi32, #tpu.memory_space<vmem>> -> memref<1x128xi32, #tpu.memory_space<vmem>>
        %dma_wait3A_327 = tpu.memref_squeeze %dma_wait3A_326 : memref<1x128xi32, #tpu.memory_space<vmem>> -> memref<128xi32, #tpu.memory_space<vmem>>
        %dma_wait3A_328 = arith.constant 0 : i32
        %dma_wait3A_329 = arith.constant 0 : i32
        %dma_wait3A_330 = tpu.memref_slice %arg11[%dma_wait3A_328, %dma_wait3A_329] : memref<100352x16xf32, #tpu.memory_space<vmem_shared>> -> memref<100352x16xf32, #tpu.memory_space<vmem_shared>>
        tpu.wait_indirect_dma semaphore(%arg13 : memref<!tpu.dma_semaphore, #tpu.memory_space<semaphore_mem>>) src(%dma_wait3A_324 : memref<128x16xf32, #tpu.memory_space<vmem>>) dst(%dma_wait3A_330 : memref<100352x16xf32, #tpu.memory_space<vmem_shared>>)
        %dma_wait3A_331 = arith.constant 1 : i32
        %dma_wait3A_332 = arith.constant 1 : i32
        %dma_wait3A_333 = arith.constant 0 : i32
        %dma_wait3A_334 = arith.constant 0 : i32
        %dma_wait3A_335 = tpu.memref_slice %arg10[%dma_wait3A_331, %dma_wait3A_333, %dma_wait3A_334] : memref<8x128x16xf32, #tpu.memory_space<vmem>> -> memref<1x128x16xf32, #tpu.memory_space<vmem>>
        %dma_wait3A_336 = tpu.memref_squeeze %dma_wait3A_335 : memref<1x128x16xf32, #tpu.memory_space<vmem>> -> memref<128x16xf32, #tpu.memory_space<vmem>>
        %dma_wait3A_337 = arith.constant 0 : i32
        %dma_wait3A_338 = tpu.memref_slice %arg9[%dma_wait3A_332, %dma_wait3A_337] : memref<8x128xi32, #tpu.memory_space<vmem>> -> memref<1x128xi32, #tpu.memory_space<vmem>>
        %dma_wait3A_339 = tpu.memref_squeeze %dma_wait3A_338 : memref<1x128xi32, #tpu.memory_space<vmem>> -> memref<128xi32, #tpu.memory_space<vmem>>
        %dma_wait3A_340 = arith.constant 0 : i32
        %dma_wait3A_341 = arith.constant 0 : i32
        %dma_wait3A_342 = tpu.memref_slice %arg11[%dma_wait3A_340, %dma_wait3A_341] : memref<100352x16xf32, #tpu.memory_space<vmem_shared>> -> memref<100352x16xf32, #tpu.memory_space<vmem_shared>>
        tpu.wait_indirect_dma semaphore(%arg13 : memref<!tpu.dma_semaphore, #tpu.memory_space<semaphore_mem>>) src(%dma_wait3A_336 : memref<128x16xf32, #tpu.memory_space<vmem>>) dst(%dma_wait3A_342 : memref<100352x16xf32, #tpu.memory_space<vmem_shared>>)
        %dma_wait3A_343 = arith.constant 2 : i32
        %dma_wait3A_344 = arith.constant 2 : i32
        %dma_wait3A_345 = arith.constant 0 : i32
        %dma_wait3A_346 = arith.constant 0 : i32
        %dma_wait3A_347 = tpu.memref_slice %arg10[%dma_wait3A_343, %dma_wait3A_345, %dma_wait3A_346] : memref<8x128x16xf32, #tpu.memory_space<vmem>> -> memref<1x128x16xf32, #tpu.memory_space<vmem>>
        %dma_wait3A_348 = tpu.memref_squeeze %dma_wait3A_347 : memref<1x128x16xf32, #tpu.memory_space<vmem>> -> memref<128x16xf32, #tpu.memory_space<vmem>>
        %dma_wait3A_349 = arith.constant 0 : i32
        %dma_wait3A_350 = tpu.memref_slice %arg9[%dma_wait3A_344, %dma_wait3A_349] : memref<8x128xi32, #tpu.memory_space<vmem>> -> memref<1x128xi32, #tpu.memory_space<vmem>>
        %dma_wait3A_351 = tpu.memref_squeeze %dma_wait3A_350 : memref<1x128xi32, #tpu.memory_space<vmem>> -> memref<128xi32, #tpu.memory_space<vmem>>
        %dma_wait3A_352 = arith.constant 0 : i32
        %dma_wait3A_353 = arith.constant 0 : i32
        %dma_wait3A_354 = tpu.memref_slice %arg11[%dma_wait3A_352, %dma_wait3A_353] : memref<100352x16xf32, #tpu.memory_space<vmem_shared>> -> memref<100352x16xf32, #tpu.memory_space<vmem_shared>>
        tpu.wait_indirect_dma semaphore(%arg13 : memref<!tpu.dma_semaphore, #tpu.memory_space<semaphore_mem>>) src(%dma_wait3A_348 : memref<128x16xf32, #tpu.memory_space<vmem>>) dst(%dma_wait3A_354 : memref<100352x16xf32, #tpu.memory_space<vmem_shared>>)
        %dma_wait3A_355 = arith.constant 3 : i32
        %dma_wait3A_356 = arith.constant 3 : i32
        %dma_wait3A_357 = arith.constant 0 : i32
        %dma_wait3A_358 = arith.constant 0 : i32
        %dma_wait3A_359 = tpu.memref_slice %arg10[%dma_wait3A_355, %dma_wait3A_357, %dma_wait3A_358] : memref<8x128x16xf32, #tpu.memory_space<vmem>> -> memref<1x128x16xf32, #tpu.memory_space<vmem>>
        %dma_wait3A_360 = tpu.memref_squeeze %dma_wait3A_359 : memref<1x128x16xf32, #tpu.memory_space<vmem>> -> memref<128x16xf32, #tpu.memory_space<vmem>>
        %dma_wait3A_361 = arith.constant 0 : i32
        %dma_wait3A_362 = tpu.memref_slice %arg9[%dma_wait3A_356, %dma_wait3A_361] : memref<8x128xi32, #tpu.memory_space<vmem>> -> memref<1x128xi32, #tpu.memory_space<vmem>>
        %dma_wait3A_363 = tpu.memref_squeeze %dma_wait3A_362 : memref<1x128xi32, #tpu.memory_space<vmem>> -> memref<128xi32, #tpu.memory_space<vmem>>
        %dma_wait3A_364 = arith.constant 0 : i32
        %dma_wait3A_365 = arith.constant 0 : i32
        %dma_wait3A_366 = tpu.memref_slice %arg11[%dma_wait3A_364, %dma_wait3A_365] : memref<100352x16xf32, #tpu.memory_space<vmem_shared>> -> memref<100352x16xf32, #tpu.memory_space<vmem_shared>>
        tpu.wait_indirect_dma semaphore(%arg13 : memref<!tpu.dma_semaphore, #tpu.memory_space<semaphore_mem>>) src(%dma_wait3A_360 : memref<128x16xf32, #tpu.memory_space<vmem>>) dst(%dma_wait3A_366 : memref<100352x16xf32, #tpu.memory_space<vmem_shared>>)
        %dma_wait3A_367 = arith.constant 4 : i32
        %dma_wait3A_368 = arith.constant 4 : i32
        %dma_wait3A_369 = arith.constant 0 : i32
        %dma_wait3A_370 = arith.constant 0 : i32
        %dma_wait3A_371 = tpu.memref_slice %arg10[%dma_wait3A_367, %dma_wait3A_369, %dma_wait3A_370] : memref<8x128x16xf32, #tpu.memory_space<vmem>> -> memref<1x128x16xf32, #tpu.memory_space<vmem>>
        %dma_wait3A_372 = tpu.memref_squeeze %dma_wait3A_371 : memref<1x128x16xf32, #tpu.memory_space<vmem>> -> memref<128x16xf32, #tpu.memory_space<vmem>>
        %dma_wait3A_373 = arith.constant 0 : i32
        %dma_wait3A_374 = tpu.memref_slice %arg9[%dma_wait3A_368, %dma_wait3A_373] : memref<8x128xi32, #tpu.memory_space<vmem>> -> memref<1x128xi32, #tpu.memory_space<vmem>>
        %dma_wait3A_375 = tpu.memref_squeeze %dma_wait3A_374 : memref<1x128xi32, #tpu.memory_space<vmem>> -> memref<128xi32, #tpu.memory_space<vmem>>
        %dma_wait3A_376 = arith.constant 0 : i32
        %dma_wait3A_377 = arith.constant 0 : i32
        %dma_wait3A_378 = tpu.memref_slice %arg11[%dma_wait3A_376, %dma_wait3A_377] : memref<100352x16xf32, #tpu.memory_space<vmem_shared>> -> memref<100352x16xf32, #tpu.memory_space<vmem_shared>>
        tpu.wait_indirect_dma semaphore(%arg13 : memref<!tpu.dma_semaphore, #tpu.memory_space<semaphore_mem>>) src(%dma_wait3A_372 : memref<128x16xf32, #tpu.memory_space<vmem>>) dst(%dma_wait3A_378 : memref<100352x16xf32, #tpu.memory_space<vmem_shared>>)
        %dma_wait3A_379 = arith.constant 5 : i32
        %dma_wait3A_380 = arith.constant 5 : i32
        %dma_wait3A_381 = arith.constant 0 : i32
        %dma_wait3A_382 = arith.constant 0 : i32
        %dma_wait3A_383 = tpu.memref_slice %arg10[%dma_wait3A_379, %dma_wait3A_381, %dma_wait3A_382] : memref<8x128x16xf32, #tpu.memory_space<vmem>> -> memref<1x128x16xf32, #tpu.memory_space<vmem>>
        %dma_wait3A_384 = tpu.memref_squeeze %dma_wait3A_383 : memref<1x128x16xf32, #tpu.memory_space<vmem>> -> memref<128x16xf32, #tpu.memory_space<vmem>>
        %dma_wait3A_385 = arith.constant 0 : i32
        %dma_wait3A_386 = tpu.memref_slice %arg9[%dma_wait3A_380, %dma_wait3A_385] : memref<8x128xi32, #tpu.memory_space<vmem>> -> memref<1x128xi32, #tpu.memory_space<vmem>>
        %dma_wait3A_387 = tpu.memref_squeeze %dma_wait3A_386 : memref<1x128xi32, #tpu.memory_space<vmem>> -> memref<128xi32, #tpu.memory_space<vmem>>
        %dma_wait3A_388 = arith.constant 0 : i32
        %dma_wait3A_389 = arith.constant 0 : i32
        %dma_wait3A_390 = tpu.memref_slice %arg11[%dma_wait3A_388, %dma_wait3A_389] : memref<100352x16xf32, #tpu.memory_space<vmem_shared>> -> memref<100352x16xf32, #tpu.memory_space<vmem_shared>>
        tpu.wait_indirect_dma semaphore(%arg13 : memref<!tpu.dma_semaphore, #tpu.memory_space<semaphore_mem>>) src(%dma_wait3A_384 : memref<128x16xf32, #tpu.memory_space<vmem>>) dst(%dma_wait3A_390 : memref<100352x16xf32, #tpu.memory_space<vmem_shared>>)
        %dma_wait3A_391 = arith.constant 6 : i32
        %dma_wait3A_392 = arith.constant 6 : i32
        %dma_wait3A_393 = arith.constant 0 : i32
        %dma_wait3A_394 = arith.constant 0 : i32
        %dma_wait3A_395 = tpu.memref_slice %arg10[%dma_wait3A_391, %dma_wait3A_393, %dma_wait3A_394] : memref<8x128x16xf32, #tpu.memory_space<vmem>> -> memref<1x128x16xf32, #tpu.memory_space<vmem>>
        %dma_wait3A_396 = tpu.memref_squeeze %dma_wait3A_395 : memref<1x128x16xf32, #tpu.memory_space<vmem>> -> memref<128x16xf32, #tpu.memory_space<vmem>>
        %dma_wait3A_397 = arith.constant 0 : i32
        %dma_wait3A_398 = tpu.memref_slice %arg9[%dma_wait3A_392, %dma_wait3A_397] : memref<8x128xi32, #tpu.memory_space<vmem>> -> memref<1x128xi32, #tpu.memory_space<vmem>>
        %dma_wait3A_399 = tpu.memref_squeeze %dma_wait3A_398 : memref<1x128xi32, #tpu.memory_space<vmem>> -> memref<128xi32, #tpu.memory_space<vmem>>
        %dma_wait3A_400 = arith.constant 0 : i32
        %dma_wait3A_401 = arith.constant 0 : i32
        %dma_wait3A_402 = tpu.memref_slice %arg11[%dma_wait3A_400, %dma_wait3A_401] : memref<100352x16xf32, #tpu.memory_space<vmem_shared>> -> memref<100352x16xf32, #tpu.memory_space<vmem_shared>>
        tpu.wait_indirect_dma semaphore(%arg13 : memref<!tpu.dma_semaphore, #tpu.memory_space<semaphore_mem>>) src(%dma_wait3A_396 : memref<128x16xf32, #tpu.memory_space<vmem>>) dst(%dma_wait3A_402 : memref<100352x16xf32, #tpu.memory_space<vmem_shared>>)
        %dma_wait3A_403 = arith.constant 7 : i32
        %dma_wait3A_404 = arith.constant 7 : i32
        %dma_wait3A_405 = arith.constant 0 : i32
        %dma_wait3A_406 = arith.constant 0 : i32
        %dma_wait3A_407 = tpu.memref_slice %arg10[%dma_wait3A_403, %dma_wait3A_405, %dma_wait3A_406] : memref<8x128x16xf32, #tpu.memory_space<vmem>> -> memref<1x128x16xf32, #tpu.memory_space<vmem>>
        %dma_wait3A_408 = tpu.memref_squeeze %dma_wait3A_407 : memref<1x128x16xf32, #tpu.memory_space<vmem>> -> memref<128x16xf32, #tpu.memory_space<vmem>>
        %dma_wait3A_409 = arith.constant 0 : i32
        %dma_wait3A_410 = tpu.memref_slice %arg9[%dma_wait3A_404, %dma_wait3A_409] : memref<8x128xi32, #tpu.memory_space<vmem>> -> memref<1x128xi32, #tpu.memory_space<vmem>>
        %dma_wait3A_411 = tpu.memref_squeeze %dma_wait3A_410 : memref<1x128xi32, #tpu.memory_space<vmem>> -> memref<128xi32, #tpu.memory_space<vmem>>
        %dma_wait3A_412 = arith.constant 0 : i32
        %dma_wait3A_413 = arith.constant 0 : i32
        %dma_wait3A_414 = tpu.memref_slice %arg11[%dma_wait3A_412, %dma_wait3A_413] : memref<100352x16xf32, #tpu.memory_space<vmem_shared>> -> memref<100352x16xf32, #tpu.memory_space<vmem_shared>>
        tpu.wait_indirect_dma semaphore(%arg13 : memref<!tpu.dma_semaphore, #tpu.memory_space<semaphore_mem>>) src(%dma_wait3A_408 : memref<128x16xf32, #tpu.memory_space<vmem>>) dst(%dma_wait3A_414 : memref<100352x16xf32, #tpu.memory_space<vmem_shared>>)
      }
      %scan3A_29 = arith.constant 196 : i32
    } else {
    }
    %barrier3A_14 = arith.constant 0 : index
    tpu.barrier barrier_id(%barrier3A_14)
    %eq3A_15 = arith.constant 0 : i32
    %eq3A_16 = arith.cmpi eq, %arg0, %eq3A_15 : i32
    %convert_element_type3A_17 = arith.extui %eq3A_16 : i1 to i32
    %cond3A_18 = arith.constant 0 : i32
    %cond3A_19 = arith.cmpi ne, %convert_element_type3A_17, %cond3A_18 : i32
    scf.if %cond3A_19 {
      %mul3A_25 = arith.constant 6272 : i32
      %mul3A_26 = arith.muli %arg1, %mul3A_25 : i32
      %mul3A_27 = arith.constant 6272 : i32
      %mul3A_28 = arith.muli %arg1, %mul3A_27 : i32
      "tpu.region"() ({
        %run_scoped3A = tpu.sem_alloc : memref<!tpu.dma_semaphore, #tpu.memory_space<semaphore_mem>>
        %dma_start3A = arith.constant 0 : i32
        %dma_start3A_29 = tpu.memref_slice %arg7[%mul3A_28, %dma_start3A] : memref<100352x128xf32, #tpu.memory_space<hbm>> -> memref<6272x16xf32, #tpu.memory_space<hbm>>
        %dma_start3A_30 = arith.constant 0 : i32
        %dma_start3A_31 = tpu.memref_slice %arg11[%mul3A_26, %dma_start3A_30] : memref<100352x16xf32, #tpu.memory_space<vmem_shared>> -> memref<6272x16xf32, #tpu.memory_space<vmem_shared>>
        tpu.enqueue_dma source(%dma_start3A_31 : memref<6272x16xf32, #tpu.memory_space<vmem_shared>>) target(%dma_start3A_29 : memref<6272x16xf32, #tpu.memory_space<hbm>>) target_semaphore(%run_scoped3A : memref<!tpu.dma_semaphore, #tpu.memory_space<semaphore_mem>>)
        %dma_wait3A = arith.constant 0 : i32
        %dma_wait3A_32 = tpu.memref_slice %arg7[%mul3A_28, %dma_wait3A] : memref<100352x128xf32, #tpu.memory_space<hbm>> -> memref<6272x16xf32, #tpu.memory_space<hbm>>
        %dma_wait3A_33 = arith.constant 0 : i32
        %dma_wait3A_34 = tpu.memref_slice %arg11[%mul3A_26, %dma_wait3A_33] : memref<100352x16xf32, #tpu.memory_space<vmem_shared>> -> memref<6272x16xf32, #tpu.memory_space<vmem_shared>>
        tpu.wait_dma2 semaphore(%run_scoped3A : memref<!tpu.dma_semaphore, #tpu.memory_space<semaphore_mem>>) src(%dma_wait3A_34 : memref<6272x16xf32, #tpu.memory_space<vmem_shared>>) dst(%dma_wait3A_32 : memref<6272x16xf32, #tpu.memory_space<hbm>>)
        tpu.yield
      }) : () -> ()
    } else {
    }
    %eq3A_20 = arith.constant 1 : i32
    %eq3A_21 = arith.cmpi eq, %arg0, %eq3A_20 : i32
    %convert_element_type3A_22 = arith.extui %eq3A_21 : i1 to i32
    %cond3A_23 = arith.constant 0 : i32
    %cond3A_24 = arith.cmpi ne, %convert_element_type3A_22, %cond3A_23 : i32
    scf.if %cond3A_24 {
      %mul3A_25 = arith.constant 6272 : i32
      %mul3A_26 = arith.muli %arg1, %mul3A_25 : i32
      %mul3A_27 = arith.constant 6272 : i32
      %mul3A_28 = arith.muli %arg1, %mul3A_27 : i32
      "tpu.region"() ({
        %run_scoped3A = tpu.sem_alloc : memref<!tpu.dma_semaphore, #tpu.memory_space<semaphore_mem>>
        %dma_start3A = arith.constant 16 : i32
        %dma_start3A_29 = tpu.memref_slice %arg7[%mul3A_28, %dma_start3A] : memref<100352x128xf32, #tpu.memory_space<hbm>> -> memref<6272x16xf32, #tpu.memory_space<hbm>>
        %dma_start3A_30 = arith.constant 0 : i32
        %dma_start3A_31 = tpu.memref_slice %arg11[%mul3A_26, %dma_start3A_30] : memref<100352x16xf32, #tpu.memory_space<vmem_shared>> -> memref<6272x16xf32, #tpu.memory_space<vmem_shared>>
        tpu.enqueue_dma source(%dma_start3A_31 : memref<6272x16xf32, #tpu.memory_space<vmem_shared>>) target(%dma_start3A_29 : memref<6272x16xf32, #tpu.memory_space<hbm>>) target_semaphore(%run_scoped3A : memref<!tpu.dma_semaphore, #tpu.memory_space<semaphore_mem>>)
        %dma_wait3A = arith.constant 16 : i32
        %dma_wait3A_32 = tpu.memref_slice %arg7[%mul3A_28, %dma_wait3A] : memref<100352x128xf32, #tpu.memory_space<hbm>> -> memref<6272x16xf32, #tpu.memory_space<hbm>>
        %dma_wait3A_33 = arith.constant 0 : i32
        %dma_wait3A_34 = tpu.memref_slice %arg11[%mul3A_26, %dma_wait3A_33] : memref<100352x16xf32, #tpu.memory_space<vmem_shared>> -> memref<6272x16xf32, #tpu.memory_space<vmem_shared>>
        tpu.wait_dma2 semaphore(%run_scoped3A : memref<!tpu.dma_semaphore, #tpu.memory_space<semaphore_mem>>) src(%dma_wait3A_34 : memref<6272x16xf32, #tpu.memory_space<vmem_shared>>) dst(%dma_wait3A_32 : memref<6272x16xf32, #tpu.memory_space<hbm>>)
        tpu.yield
      }) : () -> ()
    } else {
    }
    return
  }
}

#map = affine_map<(d0, d1) -> (0, 0)>
module attributes {stable_mosaic.version = 14 : i64} {
  func.func @_agg_body(%arg0: i32, %arg1: i32, %arg2: memref<25088x128xi32, #tpu.memory_space<hbm>>, %arg3: memref<25088x128xi32, #tpu.memory_space<hbm>>, %arg4: memref<25088x128xi32, #tpu.memory_space<hbm>>, %arg5: memref<802816x16xf32, #tpu.memory_space<hbm>>, %arg6: memref<100352x16xf32, #tpu.memory_space<hbm>>, %arg7: memref<100352x128xf32, #tpu.memory_space<hbm>>, %arg8: memref<8x128xi32, #tpu.memory_space<vmem>>, %arg9: memref<8x128xi32, #tpu.memory_space<vmem>>, %arg10: memref<8x128x16xf32, #tpu.memory_space<vmem>>, %arg11: memref<100352x16xf32, #tpu.memory_space<vmem_shared>>, %arg12: memref<!tpu.dma_semaphore, #tpu.memory_space<semaphore_mem>>, %arg13: memref<!tpu.dma_semaphore, #tpu.memory_space<semaphore_mem>>) attributes {dimension_semantics = [#tpu.dimension_semantics<core_parallel>, #tpu.dimension_semantics<subcore_parallel>], iteration_bounds = array<i64: 2, 16>, scalar_prefetch = 0 : i64, scratch_operands = 6 : i64, tpu.core_type = #tpu.core_type<sc_vector_subcore>, window_params = [{transform_indices = #map}, {transform_indices = #map}, {transform_indices = #map}, {transform_indices = #map}, {transform_indices = #map}, {transform_indices = #map}]} {
    %mul3A = arith.constant 6272 : i32
    %mul3A_0 = arith.muli %arg1, %mul3A : i32
    %mul3A_1 = arith.constant 6272 : i32
    %mul3A_2 = arith.muli %arg1, %mul3A_1 : i32
    "tpu.region"() ({
      %run_scoped3A = tpu.sem_alloc : memref<!tpu.dma_semaphore, #tpu.memory_space<semaphore_mem>>
      %dma_start3A = arith.constant 0 : i32
      %dma_start3A_22 = tpu.memref_slice %arg11[%mul3A_2, %dma_start3A] : memref<100352x16xf32, #tpu.memory_space<vmem_shared>> -> memref<6272x16xf32, #tpu.memory_space<vmem_shared>>
      %dma_start3A_23 = arith.constant 0 : i32
      %dma_start3A_24 = tpu.memref_slice %arg6[%mul3A_0, %dma_start3A_23] : memref<100352x16xf32, #tpu.memory_space<hbm>> -> memref<6272x16xf32, #tpu.memory_space<hbm>>
      tpu.enqueue_dma source(%dma_start3A_24 : memref<6272x16xf32, #tpu.memory_space<hbm>>) target(%dma_start3A_22 : memref<6272x16xf32, #tpu.memory_space<vmem_shared>>) target_semaphore(%run_scoped3A : memref<!tpu.dma_semaphore, #tpu.memory_space<semaphore_mem>>)
      %dma_wait3A = arith.constant 0 : i32
      %dma_wait3A_25 = tpu.memref_slice %arg11[%mul3A_2, %dma_wait3A] : memref<100352x16xf32, #tpu.memory_space<vmem_shared>> -> memref<6272x16xf32, #tpu.memory_space<vmem_shared>>
      %dma_wait3A_26 = arith.constant 0 : i32
      %dma_wait3A_27 = tpu.memref_slice %arg6[%mul3A_0, %dma_wait3A_26] : memref<100352x16xf32, #tpu.memory_space<hbm>> -> memref<6272x16xf32, #tpu.memory_space<hbm>>
      tpu.wait_dma2 semaphore(%run_scoped3A : memref<!tpu.dma_semaphore, #tpu.memory_space<semaphore_mem>>) src(%dma_wait3A_27 : memref<6272x16xf32, #tpu.memory_space<hbm>>) dst(%dma_wait3A_25 : memref<6272x16xf32, #tpu.memory_space<vmem_shared>>)
      tpu.yield
    }) : () -> ()
    %barrier3A = arith.constant 0 : index
    tpu.barrier barrier_id(%barrier3A)
    %mul3A_3 = arith.constant 2 : i32
    %mul3A_4 = arith.muli %arg1, %mul3A_3 : i32
    %add3A = arith.addi %mul3A_4, %arg0 : i32
    %mul3A_5 = arith.constant 98 : i32
    %mul3A_6 = arith.muli %add3A, %mul3A_5 : i32
    %mul3A_7 = arith.constant 8 : i32
    %mul3A_8 = arith.muli %mul3A_6, %mul3A_7 : i32
    %scan3A = arith.constant 0 : i32
    %scan3A_9 = arith.constant 0 : i32
    %scan3A_10 = arith.constant 98 : i32
    %scan3A_11 = arith.addi %scan3A_9, %scan3A_10 : i32
    %scan3A_12 = arith.constant 1 : i32
    scf.for %scan3A_22 = %scan3A_9 to %scan3A_11 step %scan3A_12  : i32 {
      %mul3A_23 = arith.constant 8 : i32
      %mul3A_24 = arith.muli %scan3A_22, %mul3A_23 : i32
      %add3A_25 = arith.addi %mul3A_8, %mul3A_24 : i32
      "tpu.region"() ({
        %run_scoped3A = tpu.sem_alloc : memref<!tpu.dma_semaphore, #tpu.memory_space<semaphore_mem>>
        %dma_start3A_408 = arith.constant 0 : i32
        %dma_start3A_409 = tpu.memref_slice %arg2[%add3A_25, %dma_start3A_408] : memref<25088x128xi32, #tpu.memory_space<hbm>> -> memref<8x128xi32, #tpu.memory_space<hbm>>
        %dma_start3A_410 = arith.constant 0 : i32
        %dma_start3A_411 = tpu.memref_slice %arg2[%add3A_25, %dma_start3A_410] : memref<25088x128xi32, #tpu.memory_space<hbm>> -> memref<8x128xi32, #tpu.memory_space<hbm>>
        tpu.enqueue_dma source(%dma_start3A_411 : memref<8x128xi32, #tpu.memory_space<hbm>>) target(%arg8 : memref<8x128xi32, #tpu.memory_space<vmem>>) target_semaphore(%run_scoped3A : memref<!tpu.dma_semaphore, #tpu.memory_space<semaphore_mem>>)
        %dma_wait3A_412 = arith.constant 0 : i32
        %dma_wait3A_413 = tpu.memref_slice %arg2[%add3A_25, %dma_wait3A_412] : memref<25088x128xi32, #tpu.memory_space<hbm>> -> memref<8x128xi32, #tpu.memory_space<hbm>>
        %dma_wait3A_414 = arith.constant 0 : i32
        %dma_wait3A_415 = tpu.memref_slice %arg2[%add3A_25, %dma_wait3A_414] : memref<25088x128xi32, #tpu.memory_space<hbm>> -> memref<8x128xi32, #tpu.memory_space<hbm>>
        tpu.wait_dma2 semaphore(%run_scoped3A : memref<!tpu.dma_semaphore, #tpu.memory_space<semaphore_mem>>) src(%dma_wait3A_415 : memref<8x128xi32, #tpu.memory_space<hbm>>) dst(%arg8 : memref<8x128xi32, #tpu.memory_space<vmem>>)
        tpu.yield
      }) : () -> ()
      "tpu.region"() ({
        %run_scoped3A = tpu.sem_alloc : memref<!tpu.dma_semaphore, #tpu.memory_space<semaphore_mem>>
        %dma_start3A_408 = arith.constant 0 : i32
        %dma_start3A_409 = tpu.memref_slice %arg4[%add3A_25, %dma_start3A_408] : memref<25088x128xi32, #tpu.memory_space<hbm>> -> memref<8x128xi32, #tpu.memory_space<hbm>>
        %dma_start3A_410 = arith.constant 0 : i32
        %dma_start3A_411 = tpu.memref_slice %arg4[%add3A_25, %dma_start3A_410] : memref<25088x128xi32, #tpu.memory_space<hbm>> -> memref<8x128xi32, #tpu.memory_space<hbm>>
        tpu.enqueue_dma source(%dma_start3A_411 : memref<8x128xi32, #tpu.memory_space<hbm>>) target(%arg9 : memref<8x128xi32, #tpu.memory_space<vmem>>) target_semaphore(%run_scoped3A : memref<!tpu.dma_semaphore, #tpu.memory_space<semaphore_mem>>)
        %dma_wait3A_412 = arith.constant 0 : i32
        %dma_wait3A_413 = tpu.memref_slice %arg4[%add3A_25, %dma_wait3A_412] : memref<25088x128xi32, #tpu.memory_space<hbm>> -> memref<8x128xi32, #tpu.memory_space<hbm>>
        %dma_wait3A_414 = arith.constant 0 : i32
        %dma_wait3A_415 = tpu.memref_slice %arg4[%add3A_25, %dma_wait3A_414] : memref<25088x128xi32, #tpu.memory_space<hbm>> -> memref<8x128xi32, #tpu.memory_space<hbm>>
        tpu.wait_dma2 semaphore(%run_scoped3A : memref<!tpu.dma_semaphore, #tpu.memory_space<semaphore_mem>>) src(%dma_wait3A_415 : memref<8x128xi32, #tpu.memory_space<hbm>>) dst(%arg9 : memref<8x128xi32, #tpu.memory_space<vmem>>)
        tpu.yield
      }) : () -> ()
      %dma_start3A = arith.constant 0 : i32
      %dma_start3A_26 = arith.constant 0 : i32
      %dma_start3A_27 = arith.constant 0 : i32
      %dma_start3A_28 = arith.constant 0 : i32
      %dma_start3A_29 = tpu.memref_slice %arg10[%dma_start3A_26, %dma_start3A_27, %dma_start3A_28] : memref<8x128x16xf32, #tpu.memory_space<vmem>> -> memref<1x128x16xf32, #tpu.memory_space<vmem>>
      %dma_start3A_30 = tpu.memref_squeeze %dma_start3A_29 : memref<1x128x16xf32, #tpu.memory_space<vmem>> -> memref<128x16xf32, #tpu.memory_space<vmem>>
      %dma_start3A_31 = arith.constant 0 : i32
      %dma_start3A_32 = tpu.memref_slice %arg8[%dma_start3A, %dma_start3A_31] : memref<8x128xi32, #tpu.memory_space<vmem>> -> memref<1x128xi32, #tpu.memory_space<vmem>>
      %dma_start3A_33 = tpu.memref_squeeze %dma_start3A_32 : memref<1x128xi32, #tpu.memory_space<vmem>> -> memref<128xi32, #tpu.memory_space<vmem>>
      %dma_start3A_34 = arith.constant 0 : i32
      %dma_start3A_35 = arith.constant 0 : i32
      %dma_start3A_36 = tpu.memref_slice %arg5[%dma_start3A_34, %dma_start3A_35] : memref<802816x16xf32, #tpu.memory_space<hbm>> -> memref<802816x16xf32, #tpu.memory_space<hbm>>
      tpu.enqueue_indirect_dma source(%dma_start3A_36 : memref<802816x16xf32, #tpu.memory_space<hbm>>) target(%dma_start3A_30 : memref<128x16xf32, #tpu.memory_space<vmem>>) offsets(%dma_start3A_33 : memref<128xi32, #tpu.memory_space<vmem>>) semaphore(%arg12 : memref<!tpu.dma_semaphore, #tpu.memory_space<semaphore_mem>>)
      %dma_start3A_37 = arith.constant 1 : i32
      %dma_start3A_38 = arith.constant 1 : i32
      %dma_start3A_39 = arith.constant 0 : i32
      %dma_start3A_40 = arith.constant 0 : i32
      %dma_start3A_41 = tpu.memref_slice %arg10[%dma_start3A_38, %dma_start3A_39, %dma_start3A_40] : memref<8x128x16xf32, #tpu.memory_space<vmem>> -> memref<1x128x16xf32, #tpu.memory_space<vmem>>
      %dma_start3A_42 = tpu.memref_squeeze %dma_start3A_41 : memref<1x128x16xf32, #tpu.memory_space<vmem>> -> memref<128x16xf32, #tpu.memory_space<vmem>>
      %dma_start3A_43 = arith.constant 0 : i32
      %dma_start3A_44 = tpu.memref_slice %arg8[%dma_start3A_37, %dma_start3A_43] : memref<8x128xi32, #tpu.memory_space<vmem>> -> memref<1x128xi32, #tpu.memory_space<vmem>>
      %dma_start3A_45 = tpu.memref_squeeze %dma_start3A_44 : memref<1x128xi32, #tpu.memory_space<vmem>> -> memref<128xi32, #tpu.memory_space<vmem>>
      %dma_start3A_46 = arith.constant 0 : i32
      %dma_start3A_47 = arith.constant 0 : i32
      %dma_start3A_48 = tpu.memref_slice %arg5[%dma_start3A_46, %dma_start3A_47] : memref<802816x16xf32, #tpu.memory_space<hbm>> -> memref<802816x16xf32, #tpu.memory_space<hbm>>
      tpu.enqueue_indirect_dma source(%dma_start3A_48 : memref<802816x16xf32, #tpu.memory_space<hbm>>) target(%dma_start3A_42 : memref<128x16xf32, #tpu.memory_space<vmem>>) offsets(%dma_start3A_45 : memref<128xi32, #tpu.memory_space<vmem>>) semaphore(%arg12 : memref<!tpu.dma_semaphore, #tpu.memory_space<semaphore_mem>>)
      %dma_start3A_49 = arith.constant 2 : i32
      %dma_start3A_50 = arith.constant 2 : i32
      %dma_start3A_51 = arith.constant 0 : i32
      %dma_start3A_52 = arith.constant 0 : i32
      %dma_start3A_53 = tpu.memref_slice %arg10[%dma_start3A_50, %dma_start3A_51, %dma_start3A_52] : memref<8x128x16xf32, #tpu.memory_space<vmem>> -> memref<1x128x16xf32, #tpu.memory_space<vmem>>
      %dma_start3A_54 = tpu.memref_squeeze %dma_start3A_53 : memref<1x128x16xf32, #tpu.memory_space<vmem>> -> memref<128x16xf32, #tpu.memory_space<vmem>>
      %dma_start3A_55 = arith.constant 0 : i32
      %dma_start3A_56 = tpu.memref_slice %arg8[%dma_start3A_49, %dma_start3A_55] : memref<8x128xi32, #tpu.memory_space<vmem>> -> memref<1x128xi32, #tpu.memory_space<vmem>>
      %dma_start3A_57 = tpu.memref_squeeze %dma_start3A_56 : memref<1x128xi32, #tpu.memory_space<vmem>> -> memref<128xi32, #tpu.memory_space<vmem>>
      %dma_start3A_58 = arith.constant 0 : i32
      %dma_start3A_59 = arith.constant 0 : i32
      %dma_start3A_60 = tpu.memref_slice %arg5[%dma_start3A_58, %dma_start3A_59] : memref<802816x16xf32, #tpu.memory_space<hbm>> -> memref<802816x16xf32, #tpu.memory_space<hbm>>
      tpu.enqueue_indirect_dma source(%dma_start3A_60 : memref<802816x16xf32, #tpu.memory_space<hbm>>) target(%dma_start3A_54 : memref<128x16xf32, #tpu.memory_space<vmem>>) offsets(%dma_start3A_57 : memref<128xi32, #tpu.memory_space<vmem>>) semaphore(%arg12 : memref<!tpu.dma_semaphore, #tpu.memory_space<semaphore_mem>>)
      %dma_start3A_61 = arith.constant 3 : i32
      %dma_start3A_62 = arith.constant 3 : i32
      %dma_start3A_63 = arith.constant 0 : i32
      %dma_start3A_64 = arith.constant 0 : i32
      %dma_start3A_65 = tpu.memref_slice %arg10[%dma_start3A_62, %dma_start3A_63, %dma_start3A_64] : memref<8x128x16xf32, #tpu.memory_space<vmem>> -> memref<1x128x16xf32, #tpu.memory_space<vmem>>
      %dma_start3A_66 = tpu.memref_squeeze %dma_start3A_65 : memref<1x128x16xf32, #tpu.memory_space<vmem>> -> memref<128x16xf32, #tpu.memory_space<vmem>>
      %dma_start3A_67 = arith.constant 0 : i32
      %dma_start3A_68 = tpu.memref_slice %arg8[%dma_start3A_61, %dma_start3A_67] : memref<8x128xi32, #tpu.memory_space<vmem>> -> memref<1x128xi32, #tpu.memory_space<vmem>>
      %dma_start3A_69 = tpu.memref_squeeze %dma_start3A_68 : memref<1x128xi32, #tpu.memory_space<vmem>> -> memref<128xi32, #tpu.memory_space<vmem>>
      %dma_start3A_70 = arith.constant 0 : i32
      %dma_start3A_71 = arith.constant 0 : i32
      %dma_start3A_72 = tpu.memref_slice %arg5[%dma_start3A_70, %dma_start3A_71] : memref<802816x16xf32, #tpu.memory_space<hbm>> -> memref<802816x16xf32, #tpu.memory_space<hbm>>
      tpu.enqueue_indirect_dma source(%dma_start3A_72 : memref<802816x16xf32, #tpu.memory_space<hbm>>) target(%dma_start3A_66 : memref<128x16xf32, #tpu.memory_space<vmem>>) offsets(%dma_start3A_69 : memref<128xi32, #tpu.memory_space<vmem>>) semaphore(%arg12 : memref<!tpu.dma_semaphore, #tpu.memory_space<semaphore_mem>>)
      %dma_start3A_73 = arith.constant 4 : i32
      %dma_start3A_74 = arith.constant 4 : i32
      %dma_start3A_75 = arith.constant 0 : i32
      %dma_start3A_76 = arith.constant 0 : i32
      %dma_start3A_77 = tpu.memref_slice %arg10[%dma_start3A_74, %dma_start3A_75, %dma_start3A_76] : memref<8x128x16xf32, #tpu.memory_space<vmem>> -> memref<1x128x16xf32, #tpu.memory_space<vmem>>
      %dma_start3A_78 = tpu.memref_squeeze %dma_start3A_77 : memref<1x128x16xf32, #tpu.memory_space<vmem>> -> memref<128x16xf32, #tpu.memory_space<vmem>>
      %dma_start3A_79 = arith.constant 0 : i32
      %dma_start3A_80 = tpu.memref_slice %arg8[%dma_start3A_73, %dma_start3A_79] : memref<8x128xi32, #tpu.memory_space<vmem>> -> memref<1x128xi32, #tpu.memory_space<vmem>>
      %dma_start3A_81 = tpu.memref_squeeze %dma_start3A_80 : memref<1x128xi32, #tpu.memory_space<vmem>> -> memref<128xi32, #tpu.memory_space<vmem>>
      %dma_start3A_82 = arith.constant 0 : i32
      %dma_start3A_83 = arith.constant 0 : i32
      %dma_start3A_84 = tpu.memref_slice %arg5[%dma_start3A_82, %dma_start3A_83] : memref<802816x16xf32, #tpu.memory_space<hbm>> -> memref<802816x16xf32, #tpu.memory_space<hbm>>
      tpu.enqueue_indirect_dma source(%dma_start3A_84 : memref<802816x16xf32, #tpu.memory_space<hbm>>) target(%dma_start3A_78 : memref<128x16xf32, #tpu.memory_space<vmem>>) offsets(%dma_start3A_81 : memref<128xi32, #tpu.memory_space<vmem>>) semaphore(%arg12 : memref<!tpu.dma_semaphore, #tpu.memory_space<semaphore_mem>>)
      %dma_start3A_85 = arith.constant 5 : i32
      %dma_start3A_86 = arith.constant 5 : i32
      %dma_start3A_87 = arith.constant 0 : i32
      %dma_start3A_88 = arith.constant 0 : i32
      %dma_start3A_89 = tpu.memref_slice %arg10[%dma_start3A_86, %dma_start3A_87, %dma_start3A_88] : memref<8x128x16xf32, #tpu.memory_space<vmem>> -> memref<1x128x16xf32, #tpu.memory_space<vmem>>
      %dma_start3A_90 = tpu.memref_squeeze %dma_start3A_89 : memref<1x128x16xf32, #tpu.memory_space<vmem>> -> memref<128x16xf32, #tpu.memory_space<vmem>>
      %dma_start3A_91 = arith.constant 0 : i32
      %dma_start3A_92 = tpu.memref_slice %arg8[%dma_start3A_85, %dma_start3A_91] : memref<8x128xi32, #tpu.memory_space<vmem>> -> memref<1x128xi32, #tpu.memory_space<vmem>>
      %dma_start3A_93 = tpu.memref_squeeze %dma_start3A_92 : memref<1x128xi32, #tpu.memory_space<vmem>> -> memref<128xi32, #tpu.memory_space<vmem>>
      %dma_start3A_94 = arith.constant 0 : i32
      %dma_start3A_95 = arith.constant 0 : i32
      %dma_start3A_96 = tpu.memref_slice %arg5[%dma_start3A_94, %dma_start3A_95] : memref<802816x16xf32, #tpu.memory_space<hbm>> -> memref<802816x16xf32, #tpu.memory_space<hbm>>
      tpu.enqueue_indirect_dma source(%dma_start3A_96 : memref<802816x16xf32, #tpu.memory_space<hbm>>) target(%dma_start3A_90 : memref<128x16xf32, #tpu.memory_space<vmem>>) offsets(%dma_start3A_93 : memref<128xi32, #tpu.memory_space<vmem>>) semaphore(%arg12 : memref<!tpu.dma_semaphore, #tpu.memory_space<semaphore_mem>>)
      %dma_start3A_97 = arith.constant 6 : i32
      %dma_start3A_98 = arith.constant 6 : i32
      %dma_start3A_99 = arith.constant 0 : i32
      %dma_start3A_100 = arith.constant 0 : i32
      %dma_start3A_101 = tpu.memref_slice %arg10[%dma_start3A_98, %dma_start3A_99, %dma_start3A_100] : memref<8x128x16xf32, #tpu.memory_space<vmem>> -> memref<1x128x16xf32, #tpu.memory_space<vmem>>
      %dma_start3A_102 = tpu.memref_squeeze %dma_start3A_101 : memref<1x128x16xf32, #tpu.memory_space<vmem>> -> memref<128x16xf32, #tpu.memory_space<vmem>>
      %dma_start3A_103 = arith.constant 0 : i32
      %dma_start3A_104 = tpu.memref_slice %arg8[%dma_start3A_97, %dma_start3A_103] : memref<8x128xi32, #tpu.memory_space<vmem>> -> memref<1x128xi32, #tpu.memory_space<vmem>>
      %dma_start3A_105 = tpu.memref_squeeze %dma_start3A_104 : memref<1x128xi32, #tpu.memory_space<vmem>> -> memref<128xi32, #tpu.memory_space<vmem>>
      %dma_start3A_106 = arith.constant 0 : i32
      %dma_start3A_107 = arith.constant 0 : i32
      %dma_start3A_108 = tpu.memref_slice %arg5[%dma_start3A_106, %dma_start3A_107] : memref<802816x16xf32, #tpu.memory_space<hbm>> -> memref<802816x16xf32, #tpu.memory_space<hbm>>
      tpu.enqueue_indirect_dma source(%dma_start3A_108 : memref<802816x16xf32, #tpu.memory_space<hbm>>) target(%dma_start3A_102 : memref<128x16xf32, #tpu.memory_space<vmem>>) offsets(%dma_start3A_105 : memref<128xi32, #tpu.memory_space<vmem>>) semaphore(%arg12 : memref<!tpu.dma_semaphore, #tpu.memory_space<semaphore_mem>>)
      %dma_start3A_109 = arith.constant 7 : i32
      %dma_start3A_110 = arith.constant 7 : i32
      %dma_start3A_111 = arith.constant 0 : i32
      %dma_start3A_112 = arith.constant 0 : i32
      %dma_start3A_113 = tpu.memref_slice %arg10[%dma_start3A_110, %dma_start3A_111, %dma_start3A_112] : memref<8x128x16xf32, #tpu.memory_space<vmem>> -> memref<1x128x16xf32, #tpu.memory_space<vmem>>
      %dma_start3A_114 = tpu.memref_squeeze %dma_start3A_113 : memref<1x128x16xf32, #tpu.memory_space<vmem>> -> memref<128x16xf32, #tpu.memory_space<vmem>>
      %dma_start3A_115 = arith.constant 0 : i32
      %dma_start3A_116 = tpu.memref_slice %arg8[%dma_start3A_109, %dma_start3A_115] : memref<8x128xi32, #tpu.memory_space<vmem>> -> memref<1x128xi32, #tpu.memory_space<vmem>>
      %dma_start3A_117 = tpu.memref_squeeze %dma_start3A_116 : memref<1x128xi32, #tpu.memory_space<vmem>> -> memref<128xi32, #tpu.memory_space<vmem>>
      %dma_start3A_118 = arith.constant 0 : i32
      %dma_start3A_119 = arith.constant 0 : i32
      %dma_start3A_120 = tpu.memref_slice %arg5[%dma_start3A_118, %dma_start3A_119] : memref<802816x16xf32, #tpu.memory_space<hbm>> -> memref<802816x16xf32, #tpu.memory_space<hbm>>
      tpu.enqueue_indirect_dma source(%dma_start3A_120 : memref<802816x16xf32, #tpu.memory_space<hbm>>) target(%dma_start3A_114 : memref<128x16xf32, #tpu.memory_space<vmem>>) offsets(%dma_start3A_117 : memref<128xi32, #tpu.memory_space<vmem>>) semaphore(%arg12 : memref<!tpu.dma_semaphore, #tpu.memory_space<semaphore_mem>>)
      %dma_wait3A = arith.constant 0 : i32
      %dma_wait3A_121 = arith.constant 0 : i32
      %dma_wait3A_122 = arith.constant 0 : i32
      %dma_wait3A_123 = arith.constant 0 : i32
      %dma_wait3A_124 = tpu.memref_slice %arg10[%dma_wait3A_121, %dma_wait3A_122, %dma_wait3A_123] : memref<8x128x16xf32, #tpu.memory_space<vmem>> -> memref<1x128x16xf32, #tpu.memory_space<vmem>>
      %dma_wait3A_125 = tpu.memref_squeeze %dma_wait3A_124 : memref<1x128x16xf32, #tpu.memory_space<vmem>> -> memref<128x16xf32, #tpu.memory_space<vmem>>
      %dma_wait3A_126 = arith.constant 0 : i32
      %dma_wait3A_127 = tpu.memref_slice %arg8[%dma_wait3A, %dma_wait3A_126] : memref<8x128xi32, #tpu.memory_space<vmem>> -> memref<1x128xi32, #tpu.memory_space<vmem>>
      %dma_wait3A_128 = tpu.memref_squeeze %dma_wait3A_127 : memref<1x128xi32, #tpu.memory_space<vmem>> -> memref<128xi32, #tpu.memory_space<vmem>>
      %dma_wait3A_129 = arith.constant 0 : i32
      %dma_wait3A_130 = arith.constant 0 : i32
      %dma_wait3A_131 = tpu.memref_slice %arg5[%dma_wait3A_129, %dma_wait3A_130] : memref<802816x16xf32, #tpu.memory_space<hbm>> -> memref<802816x16xf32, #tpu.memory_space<hbm>>
      tpu.wait_indirect_dma semaphore(%arg12 : memref<!tpu.dma_semaphore, #tpu.memory_space<semaphore_mem>>) src(%dma_wait3A_131 : memref<802816x16xf32, #tpu.memory_space<hbm>>) dst(%dma_wait3A_125 : memref<128x16xf32, #tpu.memory_space<vmem>>)
      %dma_wait3A_132 = arith.constant 1 : i32
      %dma_wait3A_133 = arith.constant 1 : i32
      %dma_wait3A_134 = arith.constant 0 : i32
      %dma_wait3A_135 = arith.constant 0 : i32
      %dma_wait3A_136 = tpu.memref_slice %arg10[%dma_wait3A_133, %dma_wait3A_134, %dma_wait3A_135] : memref<8x128x16xf32, #tpu.memory_space<vmem>> -> memref<1x128x16xf32, #tpu.memory_space<vmem>>
      %dma_wait3A_137 = tpu.memref_squeeze %dma_wait3A_136 : memref<1x128x16xf32, #tpu.memory_space<vmem>> -> memref<128x16xf32, #tpu.memory_space<vmem>>
      %dma_wait3A_138 = arith.constant 0 : i32
      %dma_wait3A_139 = tpu.memref_slice %arg8[%dma_wait3A_132, %dma_wait3A_138] : memref<8x128xi32, #tpu.memory_space<vmem>> -> memref<1x128xi32, #tpu.memory_space<vmem>>
      %dma_wait3A_140 = tpu.memref_squeeze %dma_wait3A_139 : memref<1x128xi32, #tpu.memory_space<vmem>> -> memref<128xi32, #tpu.memory_space<vmem>>
      %dma_wait3A_141 = arith.constant 0 : i32
      %dma_wait3A_142 = arith.constant 0 : i32
      %dma_wait3A_143 = tpu.memref_slice %arg5[%dma_wait3A_141, %dma_wait3A_142] : memref<802816x16xf32, #tpu.memory_space<hbm>> -> memref<802816x16xf32, #tpu.memory_space<hbm>>
      tpu.wait_indirect_dma semaphore(%arg12 : memref<!tpu.dma_semaphore, #tpu.memory_space<semaphore_mem>>) src(%dma_wait3A_143 : memref<802816x16xf32, #tpu.memory_space<hbm>>) dst(%dma_wait3A_137 : memref<128x16xf32, #tpu.memory_space<vmem>>)
      %dma_wait3A_144 = arith.constant 2 : i32
      %dma_wait3A_145 = arith.constant 2 : i32
      %dma_wait3A_146 = arith.constant 0 : i32
      %dma_wait3A_147 = arith.constant 0 : i32
      %dma_wait3A_148 = tpu.memref_slice %arg10[%dma_wait3A_145, %dma_wait3A_146, %dma_wait3A_147] : memref<8x128x16xf32, #tpu.memory_space<vmem>> -> memref<1x128x16xf32, #tpu.memory_space<vmem>>
      %dma_wait3A_149 = tpu.memref_squeeze %dma_wait3A_148 : memref<1x128x16xf32, #tpu.memory_space<vmem>> -> memref<128x16xf32, #tpu.memory_space<vmem>>
      %dma_wait3A_150 = arith.constant 0 : i32
      %dma_wait3A_151 = tpu.memref_slice %arg8[%dma_wait3A_144, %dma_wait3A_150] : memref<8x128xi32, #tpu.memory_space<vmem>> -> memref<1x128xi32, #tpu.memory_space<vmem>>
      %dma_wait3A_152 = tpu.memref_squeeze %dma_wait3A_151 : memref<1x128xi32, #tpu.memory_space<vmem>> -> memref<128xi32, #tpu.memory_space<vmem>>
      %dma_wait3A_153 = arith.constant 0 : i32
      %dma_wait3A_154 = arith.constant 0 : i32
      %dma_wait3A_155 = tpu.memref_slice %arg5[%dma_wait3A_153, %dma_wait3A_154] : memref<802816x16xf32, #tpu.memory_space<hbm>> -> memref<802816x16xf32, #tpu.memory_space<hbm>>
      tpu.wait_indirect_dma semaphore(%arg12 : memref<!tpu.dma_semaphore, #tpu.memory_space<semaphore_mem>>) src(%dma_wait3A_155 : memref<802816x16xf32, #tpu.memory_space<hbm>>) dst(%dma_wait3A_149 : memref<128x16xf32, #tpu.memory_space<vmem>>)
      %dma_wait3A_156 = arith.constant 3 : i32
      %dma_wait3A_157 = arith.constant 3 : i32
      %dma_wait3A_158 = arith.constant 0 : i32
      %dma_wait3A_159 = arith.constant 0 : i32
      %dma_wait3A_160 = tpu.memref_slice %arg10[%dma_wait3A_157, %dma_wait3A_158, %dma_wait3A_159] : memref<8x128x16xf32, #tpu.memory_space<vmem>> -> memref<1x128x16xf32, #tpu.memory_space<vmem>>
      %dma_wait3A_161 = tpu.memref_squeeze %dma_wait3A_160 : memref<1x128x16xf32, #tpu.memory_space<vmem>> -> memref<128x16xf32, #tpu.memory_space<vmem>>
      %dma_wait3A_162 = arith.constant 0 : i32
      %dma_wait3A_163 = tpu.memref_slice %arg8[%dma_wait3A_156, %dma_wait3A_162] : memref<8x128xi32, #tpu.memory_space<vmem>> -> memref<1x128xi32, #tpu.memory_space<vmem>>
      %dma_wait3A_164 = tpu.memref_squeeze %dma_wait3A_163 : memref<1x128xi32, #tpu.memory_space<vmem>> -> memref<128xi32, #tpu.memory_space<vmem>>
      %dma_wait3A_165 = arith.constant 0 : i32
      %dma_wait3A_166 = arith.constant 0 : i32
      %dma_wait3A_167 = tpu.memref_slice %arg5[%dma_wait3A_165, %dma_wait3A_166] : memref<802816x16xf32, #tpu.memory_space<hbm>> -> memref<802816x16xf32, #tpu.memory_space<hbm>>
      tpu.wait_indirect_dma semaphore(%arg12 : memref<!tpu.dma_semaphore, #tpu.memory_space<semaphore_mem>>) src(%dma_wait3A_167 : memref<802816x16xf32, #tpu.memory_space<hbm>>) dst(%dma_wait3A_161 : memref<128x16xf32, #tpu.memory_space<vmem>>)
      %dma_wait3A_168 = arith.constant 4 : i32
      %dma_wait3A_169 = arith.constant 4 : i32
      %dma_wait3A_170 = arith.constant 0 : i32
      %dma_wait3A_171 = arith.constant 0 : i32
      %dma_wait3A_172 = tpu.memref_slice %arg10[%dma_wait3A_169, %dma_wait3A_170, %dma_wait3A_171] : memref<8x128x16xf32, #tpu.memory_space<vmem>> -> memref<1x128x16xf32, #tpu.memory_space<vmem>>
      %dma_wait3A_173 = tpu.memref_squeeze %dma_wait3A_172 : memref<1x128x16xf32, #tpu.memory_space<vmem>> -> memref<128x16xf32, #tpu.memory_space<vmem>>
      %dma_wait3A_174 = arith.constant 0 : i32
      %dma_wait3A_175 = tpu.memref_slice %arg8[%dma_wait3A_168, %dma_wait3A_174] : memref<8x128xi32, #tpu.memory_space<vmem>> -> memref<1x128xi32, #tpu.memory_space<vmem>>
      %dma_wait3A_176 = tpu.memref_squeeze %dma_wait3A_175 : memref<1x128xi32, #tpu.memory_space<vmem>> -> memref<128xi32, #tpu.memory_space<vmem>>
      %dma_wait3A_177 = arith.constant 0 : i32
      %dma_wait3A_178 = arith.constant 0 : i32
      %dma_wait3A_179 = tpu.memref_slice %arg5[%dma_wait3A_177, %dma_wait3A_178] : memref<802816x16xf32, #tpu.memory_space<hbm>> -> memref<802816x16xf32, #tpu.memory_space<hbm>>
      tpu.wait_indirect_dma semaphore(%arg12 : memref<!tpu.dma_semaphore, #tpu.memory_space<semaphore_mem>>) src(%dma_wait3A_179 : memref<802816x16xf32, #tpu.memory_space<hbm>>) dst(%dma_wait3A_173 : memref<128x16xf32, #tpu.memory_space<vmem>>)
      %dma_wait3A_180 = arith.constant 5 : i32
      %dma_wait3A_181 = arith.constant 5 : i32
      %dma_wait3A_182 = arith.constant 0 : i32
      %dma_wait3A_183 = arith.constant 0 : i32
      %dma_wait3A_184 = tpu.memref_slice %arg10[%dma_wait3A_181, %dma_wait3A_182, %dma_wait3A_183] : memref<8x128x16xf32, #tpu.memory_space<vmem>> -> memref<1x128x16xf32, #tpu.memory_space<vmem>>
      %dma_wait3A_185 = tpu.memref_squeeze %dma_wait3A_184 : memref<1x128x16xf32, #tpu.memory_space<vmem>> -> memref<128x16xf32, #tpu.memory_space<vmem>>
      %dma_wait3A_186 = arith.constant 0 : i32
      %dma_wait3A_187 = tpu.memref_slice %arg8[%dma_wait3A_180, %dma_wait3A_186] : memref<8x128xi32, #tpu.memory_space<vmem>> -> memref<1x128xi32, #tpu.memory_space<vmem>>
      %dma_wait3A_188 = tpu.memref_squeeze %dma_wait3A_187 : memref<1x128xi32, #tpu.memory_space<vmem>> -> memref<128xi32, #tpu.memory_space<vmem>>
      %dma_wait3A_189 = arith.constant 0 : i32
      %dma_wait3A_190 = arith.constant 0 : i32
      %dma_wait3A_191 = tpu.memref_slice %arg5[%dma_wait3A_189, %dma_wait3A_190] : memref<802816x16xf32, #tpu.memory_space<hbm>> -> memref<802816x16xf32, #tpu.memory_space<hbm>>
      tpu.wait_indirect_dma semaphore(%arg12 : memref<!tpu.dma_semaphore, #tpu.memory_space<semaphore_mem>>) src(%dma_wait3A_191 : memref<802816x16xf32, #tpu.memory_space<hbm>>) dst(%dma_wait3A_185 : memref<128x16xf32, #tpu.memory_space<vmem>>)
      %dma_wait3A_192 = arith.constant 6 : i32
      %dma_wait3A_193 = arith.constant 6 : i32
      %dma_wait3A_194 = arith.constant 0 : i32
      %dma_wait3A_195 = arith.constant 0 : i32
      %dma_wait3A_196 = tpu.memref_slice %arg10[%dma_wait3A_193, %dma_wait3A_194, %dma_wait3A_195] : memref<8x128x16xf32, #tpu.memory_space<vmem>> -> memref<1x128x16xf32, #tpu.memory_space<vmem>>
      %dma_wait3A_197 = tpu.memref_squeeze %dma_wait3A_196 : memref<1x128x16xf32, #tpu.memory_space<vmem>> -> memref<128x16xf32, #tpu.memory_space<vmem>>
      %dma_wait3A_198 = arith.constant 0 : i32
      %dma_wait3A_199 = tpu.memref_slice %arg8[%dma_wait3A_192, %dma_wait3A_198] : memref<8x128xi32, #tpu.memory_space<vmem>> -> memref<1x128xi32, #tpu.memory_space<vmem>>
      %dma_wait3A_200 = tpu.memref_squeeze %dma_wait3A_199 : memref<1x128xi32, #tpu.memory_space<vmem>> -> memref<128xi32, #tpu.memory_space<vmem>>
      %dma_wait3A_201 = arith.constant 0 : i32
      %dma_wait3A_202 = arith.constant 0 : i32
      %dma_wait3A_203 = tpu.memref_slice %arg5[%dma_wait3A_201, %dma_wait3A_202] : memref<802816x16xf32, #tpu.memory_space<hbm>> -> memref<802816x16xf32, #tpu.memory_space<hbm>>
      tpu.wait_indirect_dma semaphore(%arg12 : memref<!tpu.dma_semaphore, #tpu.memory_space<semaphore_mem>>) src(%dma_wait3A_203 : memref<802816x16xf32, #tpu.memory_space<hbm>>) dst(%dma_wait3A_197 : memref<128x16xf32, #tpu.memory_space<vmem>>)
      %dma_wait3A_204 = arith.constant 7 : i32
      %dma_wait3A_205 = arith.constant 7 : i32
      %dma_wait3A_206 = arith.constant 0 : i32
      %dma_wait3A_207 = arith.constant 0 : i32
      %dma_wait3A_208 = tpu.memref_slice %arg10[%dma_wait3A_205, %dma_wait3A_206, %dma_wait3A_207] : memref<8x128x16xf32, #tpu.memory_space<vmem>> -> memref<1x128x16xf32, #tpu.memory_space<vmem>>
      %dma_wait3A_209 = tpu.memref_squeeze %dma_wait3A_208 : memref<1x128x16xf32, #tpu.memory_space<vmem>> -> memref<128x16xf32, #tpu.memory_space<vmem>>
      %dma_wait3A_210 = arith.constant 0 : i32
      %dma_wait3A_211 = tpu.memref_slice %arg8[%dma_wait3A_204, %dma_wait3A_210] : memref<8x128xi32, #tpu.memory_space<vmem>> -> memref<1x128xi32, #tpu.memory_space<vmem>>
      %dma_wait3A_212 = tpu.memref_squeeze %dma_wait3A_211 : memref<1x128xi32, #tpu.memory_space<vmem>> -> memref<128xi32, #tpu.memory_space<vmem>>
      %dma_wait3A_213 = arith.constant 0 : i32
      %dma_wait3A_214 = arith.constant 0 : i32
      %dma_wait3A_215 = tpu.memref_slice %arg5[%dma_wait3A_213, %dma_wait3A_214] : memref<802816x16xf32, #tpu.memory_space<hbm>> -> memref<802816x16xf32, #tpu.memory_space<hbm>>
      tpu.wait_indirect_dma semaphore(%arg12 : memref<!tpu.dma_semaphore, #tpu.memory_space<semaphore_mem>>) src(%dma_wait3A_215 : memref<802816x16xf32, #tpu.memory_space<hbm>>) dst(%dma_wait3A_209 : memref<128x16xf32, #tpu.memory_space<vmem>>)
      %dma_start3A_216 = arith.constant 0 : i32
      %dma_start3A_217 = arith.constant 0 : i32
      %dma_start3A_218 = arith.constant 0 : i32
      %dma_start3A_219 = arith.constant 0 : i32
      %dma_start3A_220 = tpu.memref_slice %arg10[%dma_start3A_216, %dma_start3A_218, %dma_start3A_219] : memref<8x128x16xf32, #tpu.memory_space<vmem>> -> memref<1x128x16xf32, #tpu.memory_space<vmem>>
      %dma_start3A_221 = tpu.memref_squeeze %dma_start3A_220 : memref<1x128x16xf32, #tpu.memory_space<vmem>> -> memref<128x16xf32, #tpu.memory_space<vmem>>
      %dma_start3A_222 = arith.constant 0 : i32
      %dma_start3A_223 = tpu.memref_slice %arg9[%dma_start3A_217, %dma_start3A_222] : memref<8x128xi32, #tpu.memory_space<vmem>> -> memref<1x128xi32, #tpu.memory_space<vmem>>
      %dma_start3A_224 = tpu.memref_squeeze %dma_start3A_223 : memref<1x128xi32, #tpu.memory_space<vmem>> -> memref<128xi32, #tpu.memory_space<vmem>>
      %dma_start3A_225 = arith.constant 0 : i32
      %dma_start3A_226 = arith.constant 0 : i32
      %dma_start3A_227 = tpu.memref_slice %arg11[%dma_start3A_225, %dma_start3A_226] : memref<100352x16xf32, #tpu.memory_space<vmem_shared>> -> memref<100352x16xf32, #tpu.memory_space<vmem_shared>>
      tpu.enqueue_indirect_dma source(%dma_start3A_221 : memref<128x16xf32, #tpu.memory_space<vmem>>) target(%dma_start3A_227 : memref<100352x16xf32, #tpu.memory_space<vmem_shared>>) offsets(%dma_start3A_224 : memref<128xi32, #tpu.memory_space<vmem>>) semaphore(%arg13 : memref<!tpu.dma_semaphore, #tpu.memory_space<semaphore_mem>>) {add = true}
      %dma_start3A_228 = arith.constant 1 : i32
      %dma_start3A_229 = arith.constant 1 : i32
      %dma_start3A_230 = arith.constant 0 : i32
      %dma_start3A_231 = arith.constant 0 : i32
      %dma_start3A_232 = tpu.memref_slice %arg10[%dma_start3A_228, %dma_start3A_230, %dma_start3A_231] : memref<8x128x16xf32, #tpu.memory_space<vmem>> -> memref<1x128x16xf32, #tpu.memory_space<vmem>>
      %dma_start3A_233 = tpu.memref_squeeze %dma_start3A_232 : memref<1x128x16xf32, #tpu.memory_space<vmem>> -> memref<128x16xf32, #tpu.memory_space<vmem>>
      %dma_start3A_234 = arith.constant 0 : i32
      %dma_start3A_235 = tpu.memref_slice %arg9[%dma_start3A_229, %dma_start3A_234] : memref<8x128xi32, #tpu.memory_space<vmem>> -> memref<1x128xi32, #tpu.memory_space<vmem>>
      %dma_start3A_236 = tpu.memref_squeeze %dma_start3A_235 : memref<1x128xi32, #tpu.memory_space<vmem>> -> memref<128xi32, #tpu.memory_space<vmem>>
      %dma_start3A_237 = arith.constant 0 : i32
      %dma_start3A_238 = arith.constant 0 : i32
      %dma_start3A_239 = tpu.memref_slice %arg11[%dma_start3A_237, %dma_start3A_238] : memref<100352x16xf32, #tpu.memory_space<vmem_shared>> -> memref<100352x16xf32, #tpu.memory_space<vmem_shared>>
      tpu.enqueue_indirect_dma source(%dma_start3A_233 : memref<128x16xf32, #tpu.memory_space<vmem>>) target(%dma_start3A_239 : memref<100352x16xf32, #tpu.memory_space<vmem_shared>>) offsets(%dma_start3A_236 : memref<128xi32, #tpu.memory_space<vmem>>) semaphore(%arg13 : memref<!tpu.dma_semaphore, #tpu.memory_space<semaphore_mem>>) {add = true}
      %dma_start3A_240 = arith.constant 2 : i32
      %dma_start3A_241 = arith.constant 2 : i32
      %dma_start3A_242 = arith.constant 0 : i32
      %dma_start3A_243 = arith.constant 0 : i32
      %dma_start3A_244 = tpu.memref_slice %arg10[%dma_start3A_240, %dma_start3A_242, %dma_start3A_243] : memref<8x128x16xf32, #tpu.memory_space<vmem>> -> memref<1x128x16xf32, #tpu.memory_space<vmem>>
      %dma_start3A_245 = tpu.memref_squeeze %dma_start3A_244 : memref<1x128x16xf32, #tpu.memory_space<vmem>> -> memref<128x16xf32, #tpu.memory_space<vmem>>
      %dma_start3A_246 = arith.constant 0 : i32
      %dma_start3A_247 = tpu.memref_slice %arg9[%dma_start3A_241, %dma_start3A_246] : memref<8x128xi32, #tpu.memory_space<vmem>> -> memref<1x128xi32, #tpu.memory_space<vmem>>
      %dma_start3A_248 = tpu.memref_squeeze %dma_start3A_247 : memref<1x128xi32, #tpu.memory_space<vmem>> -> memref<128xi32, #tpu.memory_space<vmem>>
      %dma_start3A_249 = arith.constant 0 : i32
      %dma_start3A_250 = arith.constant 0 : i32
      %dma_start3A_251 = tpu.memref_slice %arg11[%dma_start3A_249, %dma_start3A_250] : memref<100352x16xf32, #tpu.memory_space<vmem_shared>> -> memref<100352x16xf32, #tpu.memory_space<vmem_shared>>
      tpu.enqueue_indirect_dma source(%dma_start3A_245 : memref<128x16xf32, #tpu.memory_space<vmem>>) target(%dma_start3A_251 : memref<100352x16xf32, #tpu.memory_space<vmem_shared>>) offsets(%dma_start3A_248 : memref<128xi32, #tpu.memory_space<vmem>>) semaphore(%arg13 : memref<!tpu.dma_semaphore, #tpu.memory_space<semaphore_mem>>) {add = true}
      %dma_start3A_252 = arith.constant 3 : i32
      %dma_start3A_253 = arith.constant 3 : i32
      %dma_start3A_254 = arith.constant 0 : i32
      %dma_start3A_255 = arith.constant 0 : i32
      %dma_start3A_256 = tpu.memref_slice %arg10[%dma_start3A_252, %dma_start3A_254, %dma_start3A_255] : memref<8x128x16xf32, #tpu.memory_space<vmem>> -> memref<1x128x16xf32, #tpu.memory_space<vmem>>
      %dma_start3A_257 = tpu.memref_squeeze %dma_start3A_256 : memref<1x128x16xf32, #tpu.memory_space<vmem>> -> memref<128x16xf32, #tpu.memory_space<vmem>>
      %dma_start3A_258 = arith.constant 0 : i32
      %dma_start3A_259 = tpu.memref_slice %arg9[%dma_start3A_253, %dma_start3A_258] : memref<8x128xi32, #tpu.memory_space<vmem>> -> memref<1x128xi32, #tpu.memory_space<vmem>>
      %dma_start3A_260 = tpu.memref_squeeze %dma_start3A_259 : memref<1x128xi32, #tpu.memory_space<vmem>> -> memref<128xi32, #tpu.memory_space<vmem>>
      %dma_start3A_261 = arith.constant 0 : i32
      %dma_start3A_262 = arith.constant 0 : i32
      %dma_start3A_263 = tpu.memref_slice %arg11[%dma_start3A_261, %dma_start3A_262] : memref<100352x16xf32, #tpu.memory_space<vmem_shared>> -> memref<100352x16xf32, #tpu.memory_space<vmem_shared>>
      tpu.enqueue_indirect_dma source(%dma_start3A_257 : memref<128x16xf32, #tpu.memory_space<vmem>>) target(%dma_start3A_263 : memref<100352x16xf32, #tpu.memory_space<vmem_shared>>) offsets(%dma_start3A_260 : memref<128xi32, #tpu.memory_space<vmem>>) semaphore(%arg13 : memref<!tpu.dma_semaphore, #tpu.memory_space<semaphore_mem>>) {add = true}
      %dma_start3A_264 = arith.constant 4 : i32
      %dma_start3A_265 = arith.constant 4 : i32
      %dma_start3A_266 = arith.constant 0 : i32
      %dma_start3A_267 = arith.constant 0 : i32
      %dma_start3A_268 = tpu.memref_slice %arg10[%dma_start3A_264, %dma_start3A_266, %dma_start3A_267] : memref<8x128x16xf32, #tpu.memory_space<vmem>> -> memref<1x128x16xf32, #tpu.memory_space<vmem>>
      %dma_start3A_269 = tpu.memref_squeeze %dma_start3A_268 : memref<1x128x16xf32, #tpu.memory_space<vmem>> -> memref<128x16xf32, #tpu.memory_space<vmem>>
      %dma_start3A_270 = arith.constant 0 : i32
      %dma_start3A_271 = tpu.memref_slice %arg9[%dma_start3A_265, %dma_start3A_270] : memref<8x128xi32, #tpu.memory_space<vmem>> -> memref<1x128xi32, #tpu.memory_space<vmem>>
      %dma_start3A_272 = tpu.memref_squeeze %dma_start3A_271 : memref<1x128xi32, #tpu.memory_space<vmem>> -> memref<128xi32, #tpu.memory_space<vmem>>
      %dma_start3A_273 = arith.constant 0 : i32
      %dma_start3A_274 = arith.constant 0 : i32
      %dma_start3A_275 = tpu.memref_slice %arg11[%dma_start3A_273, %dma_start3A_274] : memref<100352x16xf32, #tpu.memory_space<vmem_shared>> -> memref<100352x16xf32, #tpu.memory_space<vmem_shared>>
      tpu.enqueue_indirect_dma source(%dma_start3A_269 : memref<128x16xf32, #tpu.memory_space<vmem>>) target(%dma_start3A_275 : memref<100352x16xf32, #tpu.memory_space<vmem_shared>>) offsets(%dma_start3A_272 : memref<128xi32, #tpu.memory_space<vmem>>) semaphore(%arg13 : memref<!tpu.dma_semaphore, #tpu.memory_space<semaphore_mem>>) {add = true}
      %dma_start3A_276 = arith.constant 5 : i32
      %dma_start3A_277 = arith.constant 5 : i32
      %dma_start3A_278 = arith.constant 0 : i32
      %dma_start3A_279 = arith.constant 0 : i32
      %dma_start3A_280 = tpu.memref_slice %arg10[%dma_start3A_276, %dma_start3A_278, %dma_start3A_279] : memref<8x128x16xf32, #tpu.memory_space<vmem>> -> memref<1x128x16xf32, #tpu.memory_space<vmem>>
      %dma_start3A_281 = tpu.memref_squeeze %dma_start3A_280 : memref<1x128x16xf32, #tpu.memory_space<vmem>> -> memref<128x16xf32, #tpu.memory_space<vmem>>
      %dma_start3A_282 = arith.constant 0 : i32
      %dma_start3A_283 = tpu.memref_slice %arg9[%dma_start3A_277, %dma_start3A_282] : memref<8x128xi32, #tpu.memory_space<vmem>> -> memref<1x128xi32, #tpu.memory_space<vmem>>
      %dma_start3A_284 = tpu.memref_squeeze %dma_start3A_283 : memref<1x128xi32, #tpu.memory_space<vmem>> -> memref<128xi32, #tpu.memory_space<vmem>>
      %dma_start3A_285 = arith.constant 0 : i32
      %dma_start3A_286 = arith.constant 0 : i32
      %dma_start3A_287 = tpu.memref_slice %arg11[%dma_start3A_285, %dma_start3A_286] : memref<100352x16xf32, #tpu.memory_space<vmem_shared>> -> memref<100352x16xf32, #tpu.memory_space<vmem_shared>>
      tpu.enqueue_indirect_dma source(%dma_start3A_281 : memref<128x16xf32, #tpu.memory_space<vmem>>) target(%dma_start3A_287 : memref<100352x16xf32, #tpu.memory_space<vmem_shared>>) offsets(%dma_start3A_284 : memref<128xi32, #tpu.memory_space<vmem>>) semaphore(%arg13 : memref<!tpu.dma_semaphore, #tpu.memory_space<semaphore_mem>>) {add = true}
      %dma_start3A_288 = arith.constant 6 : i32
      %dma_start3A_289 = arith.constant 6 : i32
      %dma_start3A_290 = arith.constant 0 : i32
      %dma_start3A_291 = arith.constant 0 : i32
      %dma_start3A_292 = tpu.memref_slice %arg10[%dma_start3A_288, %dma_start3A_290, %dma_start3A_291] : memref<8x128x16xf32, #tpu.memory_space<vmem>> -> memref<1x128x16xf32, #tpu.memory_space<vmem>>
      %dma_start3A_293 = tpu.memref_squeeze %dma_start3A_292 : memref<1x128x16xf32, #tpu.memory_space<vmem>> -> memref<128x16xf32, #tpu.memory_space<vmem>>
      %dma_start3A_294 = arith.constant 0 : i32
      %dma_start3A_295 = tpu.memref_slice %arg9[%dma_start3A_289, %dma_start3A_294] : memref<8x128xi32, #tpu.memory_space<vmem>> -> memref<1x128xi32, #tpu.memory_space<vmem>>
      %dma_start3A_296 = tpu.memref_squeeze %dma_start3A_295 : memref<1x128xi32, #tpu.memory_space<vmem>> -> memref<128xi32, #tpu.memory_space<vmem>>
      %dma_start3A_297 = arith.constant 0 : i32
      %dma_start3A_298 = arith.constant 0 : i32
      %dma_start3A_299 = tpu.memref_slice %arg11[%dma_start3A_297, %dma_start3A_298] : memref<100352x16xf32, #tpu.memory_space<vmem_shared>> -> memref<100352x16xf32, #tpu.memory_space<vmem_shared>>
      tpu.enqueue_indirect_dma source(%dma_start3A_293 : memref<128x16xf32, #tpu.memory_space<vmem>>) target(%dma_start3A_299 : memref<100352x16xf32, #tpu.memory_space<vmem_shared>>) offsets(%dma_start3A_296 : memref<128xi32, #tpu.memory_space<vmem>>) semaphore(%arg13 : memref<!tpu.dma_semaphore, #tpu.memory_space<semaphore_mem>>) {add = true}
      %dma_start3A_300 = arith.constant 7 : i32
      %dma_start3A_301 = arith.constant 7 : i32
      %dma_start3A_302 = arith.constant 0 : i32
      %dma_start3A_303 = arith.constant 0 : i32
      %dma_start3A_304 = tpu.memref_slice %arg10[%dma_start3A_300, %dma_start3A_302, %dma_start3A_303] : memref<8x128x16xf32, #tpu.memory_space<vmem>> -> memref<1x128x16xf32, #tpu.memory_space<vmem>>
      %dma_start3A_305 = tpu.memref_squeeze %dma_start3A_304 : memref<1x128x16xf32, #tpu.memory_space<vmem>> -> memref<128x16xf32, #tpu.memory_space<vmem>>
      %dma_start3A_306 = arith.constant 0 : i32
      %dma_start3A_307 = tpu.memref_slice %arg9[%dma_start3A_301, %dma_start3A_306] : memref<8x128xi32, #tpu.memory_space<vmem>> -> memref<1x128xi32, #tpu.memory_space<vmem>>
      %dma_start3A_308 = tpu.memref_squeeze %dma_start3A_307 : memref<1x128xi32, #tpu.memory_space<vmem>> -> memref<128xi32, #tpu.memory_space<vmem>>
      %dma_start3A_309 = arith.constant 0 : i32
      %dma_start3A_310 = arith.constant 0 : i32
      %dma_start3A_311 = tpu.memref_slice %arg11[%dma_start3A_309, %dma_start3A_310] : memref<100352x16xf32, #tpu.memory_space<vmem_shared>> -> memref<100352x16xf32, #tpu.memory_space<vmem_shared>>
      tpu.enqueue_indirect_dma source(%dma_start3A_305 : memref<128x16xf32, #tpu.memory_space<vmem>>) target(%dma_start3A_311 : memref<100352x16xf32, #tpu.memory_space<vmem_shared>>) offsets(%dma_start3A_308 : memref<128xi32, #tpu.memory_space<vmem>>) semaphore(%arg13 : memref<!tpu.dma_semaphore, #tpu.memory_space<semaphore_mem>>) {add = true}
      %dma_wait3A_312 = arith.constant 0 : i32
      %dma_wait3A_313 = arith.constant 0 : i32
      %dma_wait3A_314 = arith.constant 0 : i32
      %dma_wait3A_315 = arith.constant 0 : i32
      %dma_wait3A_316 = tpu.memref_slice %arg10[%dma_wait3A_312, %dma_wait3A_314, %dma_wait3A_315] : memref<8x128x16xf32, #tpu.memory_space<vmem>> -> memref<1x128x16xf32, #tpu.memory_space<vmem>>
      %dma_wait3A_317 = tpu.memref_squeeze %dma_wait3A_316 : memref<1x128x16xf32, #tpu.memory_space<vmem>> -> memref<128x16xf32, #tpu.memory_space<vmem>>
      %dma_wait3A_318 = arith.constant 0 : i32
      %dma_wait3A_319 = tpu.memref_slice %arg9[%dma_wait3A_313, %dma_wait3A_318] : memref<8x128xi32, #tpu.memory_space<vmem>> -> memref<1x128xi32, #tpu.memory_space<vmem>>
      %dma_wait3A_320 = tpu.memref_squeeze %dma_wait3A_319 : memref<1x128xi32, #tpu.memory_space<vmem>> -> memref<128xi32, #tpu.memory_space<vmem>>
      %dma_wait3A_321 = arith.constant 0 : i32
      %dma_wait3A_322 = arith.constant 0 : i32
      %dma_wait3A_323 = tpu.memref_slice %arg11[%dma_wait3A_321, %dma_wait3A_322] : memref<100352x16xf32, #tpu.memory_space<vmem_shared>> -> memref<100352x16xf32, #tpu.memory_space<vmem_shared>>
      tpu.wait_indirect_dma semaphore(%arg13 : memref<!tpu.dma_semaphore, #tpu.memory_space<semaphore_mem>>) src(%dma_wait3A_317 : memref<128x16xf32, #tpu.memory_space<vmem>>) dst(%dma_wait3A_323 : memref<100352x16xf32, #tpu.memory_space<vmem_shared>>)
      %dma_wait3A_324 = arith.constant 1 : i32
      %dma_wait3A_325 = arith.constant 1 : i32
      %dma_wait3A_326 = arith.constant 0 : i32
      %dma_wait3A_327 = arith.constant 0 : i32
      %dma_wait3A_328 = tpu.memref_slice %arg10[%dma_wait3A_324, %dma_wait3A_326, %dma_wait3A_327] : memref<8x128x16xf32, #tpu.memory_space<vmem>> -> memref<1x128x16xf32, #tpu.memory_space<vmem>>
      %dma_wait3A_329 = tpu.memref_squeeze %dma_wait3A_328 : memref<1x128x16xf32, #tpu.memory_space<vmem>> -> memref<128x16xf32, #tpu.memory_space<vmem>>
      %dma_wait3A_330 = arith.constant 0 : i32
      %dma_wait3A_331 = tpu.memref_slice %arg9[%dma_wait3A_325, %dma_wait3A_330] : memref<8x128xi32, #tpu.memory_space<vmem>> -> memref<1x128xi32, #tpu.memory_space<vmem>>
      %dma_wait3A_332 = tpu.memref_squeeze %dma_wait3A_331 : memref<1x128xi32, #tpu.memory_space<vmem>> -> memref<128xi32, #tpu.memory_space<vmem>>
      %dma_wait3A_333 = arith.constant 0 : i32
      %dma_wait3A_334 = arith.constant 0 : i32
      %dma_wait3A_335 = tpu.memref_slice %arg11[%dma_wait3A_333, %dma_wait3A_334] : memref<100352x16xf32, #tpu.memory_space<vmem_shared>> -> memref<100352x16xf32, #tpu.memory_space<vmem_shared>>
      tpu.wait_indirect_dma semaphore(%arg13 : memref<!tpu.dma_semaphore, #tpu.memory_space<semaphore_mem>>) src(%dma_wait3A_329 : memref<128x16xf32, #tpu.memory_space<vmem>>) dst(%dma_wait3A_335 : memref<100352x16xf32, #tpu.memory_space<vmem_shared>>)
      %dma_wait3A_336 = arith.constant 2 : i32
      %dma_wait3A_337 = arith.constant 2 : i32
      %dma_wait3A_338 = arith.constant 0 : i32
      %dma_wait3A_339 = arith.constant 0 : i32
      %dma_wait3A_340 = tpu.memref_slice %arg10[%dma_wait3A_336, %dma_wait3A_338, %dma_wait3A_339] : memref<8x128x16xf32, #tpu.memory_space<vmem>> -> memref<1x128x16xf32, #tpu.memory_space<vmem>>
      %dma_wait3A_341 = tpu.memref_squeeze %dma_wait3A_340 : memref<1x128x16xf32, #tpu.memory_space<vmem>> -> memref<128x16xf32, #tpu.memory_space<vmem>>
      %dma_wait3A_342 = arith.constant 0 : i32
      %dma_wait3A_343 = tpu.memref_slice %arg9[%dma_wait3A_337, %dma_wait3A_342] : memref<8x128xi32, #tpu.memory_space<vmem>> -> memref<1x128xi32, #tpu.memory_space<vmem>>
      %dma_wait3A_344 = tpu.memref_squeeze %dma_wait3A_343 : memref<1x128xi32, #tpu.memory_space<vmem>> -> memref<128xi32, #tpu.memory_space<vmem>>
      %dma_wait3A_345 = arith.constant 0 : i32
      %dma_wait3A_346 = arith.constant 0 : i32
      %dma_wait3A_347 = tpu.memref_slice %arg11[%dma_wait3A_345, %dma_wait3A_346] : memref<100352x16xf32, #tpu.memory_space<vmem_shared>> -> memref<100352x16xf32, #tpu.memory_space<vmem_shared>>
      tpu.wait_indirect_dma semaphore(%arg13 : memref<!tpu.dma_semaphore, #tpu.memory_space<semaphore_mem>>) src(%dma_wait3A_341 : memref<128x16xf32, #tpu.memory_space<vmem>>) dst(%dma_wait3A_347 : memref<100352x16xf32, #tpu.memory_space<vmem_shared>>)
      %dma_wait3A_348 = arith.constant 3 : i32
      %dma_wait3A_349 = arith.constant 3 : i32
      %dma_wait3A_350 = arith.constant 0 : i32
      %dma_wait3A_351 = arith.constant 0 : i32
      %dma_wait3A_352 = tpu.memref_slice %arg10[%dma_wait3A_348, %dma_wait3A_350, %dma_wait3A_351] : memref<8x128x16xf32, #tpu.memory_space<vmem>> -> memref<1x128x16xf32, #tpu.memory_space<vmem>>
      %dma_wait3A_353 = tpu.memref_squeeze %dma_wait3A_352 : memref<1x128x16xf32, #tpu.memory_space<vmem>> -> memref<128x16xf32, #tpu.memory_space<vmem>>
      %dma_wait3A_354 = arith.constant 0 : i32
      %dma_wait3A_355 = tpu.memref_slice %arg9[%dma_wait3A_349, %dma_wait3A_354] : memref<8x128xi32, #tpu.memory_space<vmem>> -> memref<1x128xi32, #tpu.memory_space<vmem>>
      %dma_wait3A_356 = tpu.memref_squeeze %dma_wait3A_355 : memref<1x128xi32, #tpu.memory_space<vmem>> -> memref<128xi32, #tpu.memory_space<vmem>>
      %dma_wait3A_357 = arith.constant 0 : i32
      %dma_wait3A_358 = arith.constant 0 : i32
      %dma_wait3A_359 = tpu.memref_slice %arg11[%dma_wait3A_357, %dma_wait3A_358] : memref<100352x16xf32, #tpu.memory_space<vmem_shared>> -> memref<100352x16xf32, #tpu.memory_space<vmem_shared>>
      tpu.wait_indirect_dma semaphore(%arg13 : memref<!tpu.dma_semaphore, #tpu.memory_space<semaphore_mem>>) src(%dma_wait3A_353 : memref<128x16xf32, #tpu.memory_space<vmem>>) dst(%dma_wait3A_359 : memref<100352x16xf32, #tpu.memory_space<vmem_shared>>)
      %dma_wait3A_360 = arith.constant 4 : i32
      %dma_wait3A_361 = arith.constant 4 : i32
      %dma_wait3A_362 = arith.constant 0 : i32
      %dma_wait3A_363 = arith.constant 0 : i32
      %dma_wait3A_364 = tpu.memref_slice %arg10[%dma_wait3A_360, %dma_wait3A_362, %dma_wait3A_363] : memref<8x128x16xf32, #tpu.memory_space<vmem>> -> memref<1x128x16xf32, #tpu.memory_space<vmem>>
      %dma_wait3A_365 = tpu.memref_squeeze %dma_wait3A_364 : memref<1x128x16xf32, #tpu.memory_space<vmem>> -> memref<128x16xf32, #tpu.memory_space<vmem>>
      %dma_wait3A_366 = arith.constant 0 : i32
      %dma_wait3A_367 = tpu.memref_slice %arg9[%dma_wait3A_361, %dma_wait3A_366] : memref<8x128xi32, #tpu.memory_space<vmem>> -> memref<1x128xi32, #tpu.memory_space<vmem>>
      %dma_wait3A_368 = tpu.memref_squeeze %dma_wait3A_367 : memref<1x128xi32, #tpu.memory_space<vmem>> -> memref<128xi32, #tpu.memory_space<vmem>>
      %dma_wait3A_369 = arith.constant 0 : i32
      %dma_wait3A_370 = arith.constant 0 : i32
      %dma_wait3A_371 = tpu.memref_slice %arg11[%dma_wait3A_369, %dma_wait3A_370] : memref<100352x16xf32, #tpu.memory_space<vmem_shared>> -> memref<100352x16xf32, #tpu.memory_space<vmem_shared>>
      tpu.wait_indirect_dma semaphore(%arg13 : memref<!tpu.dma_semaphore, #tpu.memory_space<semaphore_mem>>) src(%dma_wait3A_365 : memref<128x16xf32, #tpu.memory_space<vmem>>) dst(%dma_wait3A_371 : memref<100352x16xf32, #tpu.memory_space<vmem_shared>>)
      %dma_wait3A_372 = arith.constant 5 : i32
      %dma_wait3A_373 = arith.constant 5 : i32
      %dma_wait3A_374 = arith.constant 0 : i32
      %dma_wait3A_375 = arith.constant 0 : i32
      %dma_wait3A_376 = tpu.memref_slice %arg10[%dma_wait3A_372, %dma_wait3A_374, %dma_wait3A_375] : memref<8x128x16xf32, #tpu.memory_space<vmem>> -> memref<1x128x16xf32, #tpu.memory_space<vmem>>
      %dma_wait3A_377 = tpu.memref_squeeze %dma_wait3A_376 : memref<1x128x16xf32, #tpu.memory_space<vmem>> -> memref<128x16xf32, #tpu.memory_space<vmem>>
      %dma_wait3A_378 = arith.constant 0 : i32
      %dma_wait3A_379 = tpu.memref_slice %arg9[%dma_wait3A_373, %dma_wait3A_378] : memref<8x128xi32, #tpu.memory_space<vmem>> -> memref<1x128xi32, #tpu.memory_space<vmem>>
      %dma_wait3A_380 = tpu.memref_squeeze %dma_wait3A_379 : memref<1x128xi32, #tpu.memory_space<vmem>> -> memref<128xi32, #tpu.memory_space<vmem>>
      %dma_wait3A_381 = arith.constant 0 : i32
      %dma_wait3A_382 = arith.constant 0 : i32
      %dma_wait3A_383 = tpu.memref_slice %arg11[%dma_wait3A_381, %dma_wait3A_382] : memref<100352x16xf32, #tpu.memory_space<vmem_shared>> -> memref<100352x16xf32, #tpu.memory_space<vmem_shared>>
      tpu.wait_indirect_dma semaphore(%arg13 : memref<!tpu.dma_semaphore, #tpu.memory_space<semaphore_mem>>) src(%dma_wait3A_377 : memref<128x16xf32, #tpu.memory_space<vmem>>) dst(%dma_wait3A_383 : memref<100352x16xf32, #tpu.memory_space<vmem_shared>>)
      %dma_wait3A_384 = arith.constant 6 : i32
      %dma_wait3A_385 = arith.constant 6 : i32
      %dma_wait3A_386 = arith.constant 0 : i32
      %dma_wait3A_387 = arith.constant 0 : i32
      %dma_wait3A_388 = tpu.memref_slice %arg10[%dma_wait3A_384, %dma_wait3A_386, %dma_wait3A_387] : memref<8x128x16xf32, #tpu.memory_space<vmem>> -> memref<1x128x16xf32, #tpu.memory_space<vmem>>
      %dma_wait3A_389 = tpu.memref_squeeze %dma_wait3A_388 : memref<1x128x16xf32, #tpu.memory_space<vmem>> -> memref<128x16xf32, #tpu.memory_space<vmem>>
      %dma_wait3A_390 = arith.constant 0 : i32
      %dma_wait3A_391 = tpu.memref_slice %arg9[%dma_wait3A_385, %dma_wait3A_390] : memref<8x128xi32, #tpu.memory_space<vmem>> -> memref<1x128xi32, #tpu.memory_space<vmem>>
      %dma_wait3A_392 = tpu.memref_squeeze %dma_wait3A_391 : memref<1x128xi32, #tpu.memory_space<vmem>> -> memref<128xi32, #tpu.memory_space<vmem>>
      %dma_wait3A_393 = arith.constant 0 : i32
      %dma_wait3A_394 = arith.constant 0 : i32
      %dma_wait3A_395 = tpu.memref_slice %arg11[%dma_wait3A_393, %dma_wait3A_394] : memref<100352x16xf32, #tpu.memory_space<vmem_shared>> -> memref<100352x16xf32, #tpu.memory_space<vmem_shared>>
      tpu.wait_indirect_dma semaphore(%arg13 : memref<!tpu.dma_semaphore, #tpu.memory_space<semaphore_mem>>) src(%dma_wait3A_389 : memref<128x16xf32, #tpu.memory_space<vmem>>) dst(%dma_wait3A_395 : memref<100352x16xf32, #tpu.memory_space<vmem_shared>>)
      %dma_wait3A_396 = arith.constant 7 : i32
      %dma_wait3A_397 = arith.constant 7 : i32
      %dma_wait3A_398 = arith.constant 0 : i32
      %dma_wait3A_399 = arith.constant 0 : i32
      %dma_wait3A_400 = tpu.memref_slice %arg10[%dma_wait3A_396, %dma_wait3A_398, %dma_wait3A_399] : memref<8x128x16xf32, #tpu.memory_space<vmem>> -> memref<1x128x16xf32, #tpu.memory_space<vmem>>
      %dma_wait3A_401 = tpu.memref_squeeze %dma_wait3A_400 : memref<1x128x16xf32, #tpu.memory_space<vmem>> -> memref<128x16xf32, #tpu.memory_space<vmem>>
      %dma_wait3A_402 = arith.constant 0 : i32
      %dma_wait3A_403 = tpu.memref_slice %arg9[%dma_wait3A_397, %dma_wait3A_402] : memref<8x128xi32, #tpu.memory_space<vmem>> -> memref<1x128xi32, #tpu.memory_space<vmem>>
      %dma_wait3A_404 = tpu.memref_squeeze %dma_wait3A_403 : memref<1x128xi32, #tpu.memory_space<vmem>> -> memref<128xi32, #tpu.memory_space<vmem>>
      %dma_wait3A_405 = arith.constant 0 : i32
      %dma_wait3A_406 = arith.constant 0 : i32
      %dma_wait3A_407 = tpu.memref_slice %arg11[%dma_wait3A_405, %dma_wait3A_406] : memref<100352x16xf32, #tpu.memory_space<vmem_shared>> -> memref<100352x16xf32, #tpu.memory_space<vmem_shared>>
      tpu.wait_indirect_dma semaphore(%arg13 : memref<!tpu.dma_semaphore, #tpu.memory_space<semaphore_mem>>) src(%dma_wait3A_401 : memref<128x16xf32, #tpu.memory_space<vmem>>) dst(%dma_wait3A_407 : memref<100352x16xf32, #tpu.memory_space<vmem_shared>>)
    }
    %scan3A_13 = arith.constant 98 : i32
    %barrier3A_14 = arith.constant 0 : index
    tpu.barrier barrier_id(%barrier3A_14)
    %eq3A = arith.constant 0 : i32
    %eq3A_15 = arith.cmpi eq, %arg0, %eq3A : i32
    %convert_element_type3A = arith.extui %eq3A_15 : i1 to i32
    %cond3A = arith.constant 0 : i32
    %cond3A_16 = arith.cmpi ne, %convert_element_type3A, %cond3A : i32
    scf.if %cond3A_16 {
      %mul3A_22 = arith.constant 6272 : i32
      %mul3A_23 = arith.muli %arg1, %mul3A_22 : i32
      %mul3A_24 = arith.constant 6272 : i32
      %mul3A_25 = arith.muli %arg1, %mul3A_24 : i32
      "tpu.region"() ({
        %run_scoped3A = tpu.sem_alloc : memref<!tpu.dma_semaphore, #tpu.memory_space<semaphore_mem>>
        %dma_start3A = arith.constant 0 : i32
        %dma_start3A_26 = tpu.memref_slice %arg7[%mul3A_25, %dma_start3A] : memref<100352x128xf32, #tpu.memory_space<hbm>> -> memref<6272x16xf32, #tpu.memory_space<hbm>>
        %dma_start3A_27 = arith.constant 0 : i32
        %dma_start3A_28 = tpu.memref_slice %arg11[%mul3A_23, %dma_start3A_27] : memref<100352x16xf32, #tpu.memory_space<vmem_shared>> -> memref<6272x16xf32, #tpu.memory_space<vmem_shared>>
        tpu.enqueue_dma source(%dma_start3A_28 : memref<6272x16xf32, #tpu.memory_space<vmem_shared>>) target(%dma_start3A_26 : memref<6272x16xf32, #tpu.memory_space<hbm>>) target_semaphore(%run_scoped3A : memref<!tpu.dma_semaphore, #tpu.memory_space<semaphore_mem>>)
        %dma_wait3A = arith.constant 0 : i32
        %dma_wait3A_29 = tpu.memref_slice %arg7[%mul3A_25, %dma_wait3A] : memref<100352x128xf32, #tpu.memory_space<hbm>> -> memref<6272x16xf32, #tpu.memory_space<hbm>>
        %dma_wait3A_30 = arith.constant 0 : i32
        %dma_wait3A_31 = tpu.memref_slice %arg11[%mul3A_23, %dma_wait3A_30] : memref<100352x16xf32, #tpu.memory_space<vmem_shared>> -> memref<6272x16xf32, #tpu.memory_space<vmem_shared>>
        tpu.wait_dma2 semaphore(%run_scoped3A : memref<!tpu.dma_semaphore, #tpu.memory_space<semaphore_mem>>) src(%dma_wait3A_31 : memref<6272x16xf32, #tpu.memory_space<vmem_shared>>) dst(%dma_wait3A_29 : memref<6272x16xf32, #tpu.memory_space<hbm>>)
        tpu.yield
      }) : () -> ()
    } else {
    }
    %eq3A_17 = arith.constant 1 : i32
    %eq3A_18 = arith.cmpi eq, %arg0, %eq3A_17 : i32
    %convert_element_type3A_19 = arith.extui %eq3A_18 : i1 to i32
    %cond3A_20 = arith.constant 0 : i32
    %cond3A_21 = arith.cmpi ne, %convert_element_type3A_19, %cond3A_20 : i32
    scf.if %cond3A_21 {
      %mul3A_22 = arith.constant 6272 : i32
      %mul3A_23 = arith.muli %arg1, %mul3A_22 : i32
      %mul3A_24 = arith.constant 6272 : i32
      %mul3A_25 = arith.muli %arg1, %mul3A_24 : i32
      "tpu.region"() ({
        %run_scoped3A = tpu.sem_alloc : memref<!tpu.dma_semaphore, #tpu.memory_space<semaphore_mem>>
        %dma_start3A = arith.constant 16 : i32
        %dma_start3A_26 = tpu.memref_slice %arg7[%mul3A_25, %dma_start3A] : memref<100352x128xf32, #tpu.memory_space<hbm>> -> memref<6272x16xf32, #tpu.memory_space<hbm>>
        %dma_start3A_27 = arith.constant 0 : i32
        %dma_start3A_28 = tpu.memref_slice %arg11[%mul3A_23, %dma_start3A_27] : memref<100352x16xf32, #tpu.memory_space<vmem_shared>> -> memref<6272x16xf32, #tpu.memory_space<vmem_shared>>
        tpu.enqueue_dma source(%dma_start3A_28 : memref<6272x16xf32, #tpu.memory_space<vmem_shared>>) target(%dma_start3A_26 : memref<6272x16xf32, #tpu.memory_space<hbm>>) target_semaphore(%run_scoped3A : memref<!tpu.dma_semaphore, #tpu.memory_space<semaphore_mem>>)
        %dma_wait3A = arith.constant 16 : i32
        %dma_wait3A_29 = tpu.memref_slice %arg7[%mul3A_25, %dma_wait3A] : memref<100352x128xf32, #tpu.memory_space<hbm>> -> memref<6272x16xf32, #tpu.memory_space<hbm>>
        %dma_wait3A_30 = arith.constant 0 : i32
        %dma_wait3A_31 = tpu.memref_slice %arg11[%mul3A_23, %dma_wait3A_30] : memref<100352x16xf32, #tpu.memory_space<vmem_shared>> -> memref<6272x16xf32, #tpu.memory_space<vmem_shared>>
        tpu.wait_dma2 semaphore(%run_scoped3A : memref<!tpu.dma_semaphore, #tpu.memory_space<semaphore_mem>>) src(%dma_wait3A_31 : memref<6272x16xf32, #tpu.memory_space<vmem_shared>>) dst(%dma_wait3A_29 : memref<6272x16xf32, #tpu.memory_space<hbm>>)
        tpu.yield
      }) : () -> ()
    } else {
    }
    return
  }
}

#map = affine_map<(d0, d1) -> (0, 0)>
#map1 = affine_map<(d0, d1) -> (0)>
module attributes {stable_mosaic.version = 14 : i64} {
  func.func @_deg_body(%arg0: i32, %arg1: i32, %arg2: memref<25088x128xi32, #tpu.memory_space<hbm>>, %arg3: memref<128xf32, #tpu.memory_space<hbm>>, %arg4: memref<100352xf32, #tpu.memory_space<hbm>>, %arg5: memref<100352xf32, #tpu.memory_space<hbm>>, %arg6: memref<100352xf32, #tpu.memory_space<hbm>>, %arg7: memref<8x128xi32, #tpu.memory_space<vmem>>, %arg8: memref<128xf32, #tpu.memory_space<vmem>>, %arg9: memref<100352xf32, #tpu.memory_space<vmem_shared>>) attributes {dimension_semantics = [#tpu.dimension_semantics<core_parallel>, #tpu.dimension_semantics<subcore_parallel>], iteration_bounds = array<i64: 2, 16>, scalar_prefetch = 0 : i64, scratch_operands = 3 : i64, tpu.core_type = #tpu.core_type<sc_vector_subcore>, window_params = [{transform_indices = #map}, {transform_indices = #map1}, {transform_indices = #map1}, {transform_indices = #map1}, {transform_indices = #map1}]} {
    %mul3A = arith.constant 6272 : i32
    %mul3A_0 = arith.muli %arg1, %mul3A : i32
    %mul3A_1 = arith.constant 6272 : i32
    %mul3A_2 = arith.muli %arg1, %mul3A_1 : i32
    "tpu.region"() ({
      %run_scoped3A = tpu.sem_alloc : memref<!tpu.dma_semaphore, #tpu.memory_space<semaphore_mem>>
      %dma_start3A = tpu.memref_slice %arg9[%mul3A_2] : memref<100352xf32, #tpu.memory_space<vmem_shared>> -> memref<6272xf32, #tpu.memory_space<vmem_shared>>
      %dma_start3A_18 = tpu.memref_slice %arg4[%mul3A_0] : memref<100352xf32, #tpu.memory_space<hbm>> -> memref<6272xf32, #tpu.memory_space<hbm>>
      tpu.enqueue_dma source(%dma_start3A_18 : memref<6272xf32, #tpu.memory_space<hbm>>) target(%dma_start3A : memref<6272xf32, #tpu.memory_space<vmem_shared>>) target_semaphore(%run_scoped3A : memref<!tpu.dma_semaphore, #tpu.memory_space<semaphore_mem>>)
      %dma_wait3A = tpu.memref_slice %arg9[%mul3A_2] : memref<100352xf32, #tpu.memory_space<vmem_shared>> -> memref<6272xf32, #tpu.memory_space<vmem_shared>>
      %dma_wait3A_19 = tpu.memref_slice %arg4[%mul3A_0] : memref<100352xf32, #tpu.memory_space<hbm>> -> memref<6272xf32, #tpu.memory_space<hbm>>
      tpu.wait_dma2 semaphore(%run_scoped3A : memref<!tpu.dma_semaphore, #tpu.memory_space<semaphore_mem>>) src(%dma_wait3A_19 : memref<6272xf32, #tpu.memory_space<hbm>>) dst(%dma_wait3A : memref<6272xf32, #tpu.memory_space<vmem_shared>>)
      tpu.yield
    }) : () -> ()
    "tpu.region"() ({
      %run_scoped3A = tpu.sem_alloc : memref<!tpu.dma_semaphore, #tpu.memory_space<semaphore_mem>>
      tpu.enqueue_dma source(%arg3 : memref<128xf32, #tpu.memory_space<hbm>>) target(%arg8 : memref<128xf32, #tpu.memory_space<vmem>>) target_semaphore(%run_scoped3A : memref<!tpu.dma_semaphore, #tpu.memory_space<semaphore_mem>>)
      tpu.wait_dma2 semaphore(%run_scoped3A : memref<!tpu.dma_semaphore, #tpu.memory_space<semaphore_mem>>) src(%arg3 : memref<128xf32, #tpu.memory_space<hbm>>) dst(%arg8 : memref<128xf32, #tpu.memory_space<vmem>>)
      tpu.yield
    }) : () -> ()
    %barrier3A = arith.constant 0 : index
    tpu.barrier barrier_id(%barrier3A)
    %mul3A_3 = arith.constant 2 : i32
    %mul3A_4 = arith.muli %arg1, %mul3A_3 : i32
    %add3A = arith.addi %mul3A_4, %arg0 : i32
    %scan3A = arith.constant 0 : i32
    %scan3A_5 = arith.constant 0 : i32
    %scan3A_6 = arith.constant 98 : i32
    %scan3A_7 = arith.addi %scan3A_5, %scan3A_6 : i32
    %scan3A_8 = arith.constant 1 : i32
    scf.for %scan3A_18 = %scan3A_5 to %scan3A_7 step %scan3A_8  : i32 {
      %mul3A_19 = arith.constant 98 : i32
      %mul3A_20 = arith.muli %add3A, %mul3A_19 : i32
      %add3A_21 = arith.addi %mul3A_20, %scan3A_18 : i32
      %mul3A_22 = arith.constant 8 : i32
      %mul3A_23 = arith.muli %add3A_21, %mul3A_22 : i32
      "tpu.region"() ({
        %run_scoped3A_31 = tpu.sem_alloc : memref<!tpu.dma_semaphore, #tpu.memory_space<semaphore_mem>>
        %dma_start3A = arith.constant 0 : i32
        %dma_start3A_32 = tpu.memref_slice %arg2[%mul3A_23, %dma_start3A] : memref<25088x128xi32, #tpu.memory_space<hbm>> -> memref<8x128xi32, #tpu.memory_space<hbm>>
        %dma_start3A_33 = arith.constant 0 : i32
        %dma_start3A_34 = tpu.memref_slice %arg2[%mul3A_23, %dma_start3A_33] : memref<25088x128xi32, #tpu.memory_space<hbm>> -> memref<8x128xi32, #tpu.memory_space<hbm>>
        tpu.enqueue_dma source(%dma_start3A_34 : memref<8x128xi32, #tpu.memory_space<hbm>>) target(%arg7 : memref<8x128xi32, #tpu.memory_space<vmem>>) target_semaphore(%run_scoped3A_31 : memref<!tpu.dma_semaphore, #tpu.memory_space<semaphore_mem>>)
        %dma_wait3A = arith.constant 0 : i32
        %dma_wait3A_35 = tpu.memref_slice %arg2[%mul3A_23, %dma_wait3A] : memref<25088x128xi32, #tpu.memory_space<hbm>> -> memref<8x128xi32, #tpu.memory_space<hbm>>
        %dma_wait3A_36 = arith.constant 0 : i32
        %dma_wait3A_37 = tpu.memref_slice %arg2[%mul3A_23, %dma_wait3A_36] : memref<25088x128xi32, #tpu.memory_space<hbm>> -> memref<8x128xi32, #tpu.memory_space<hbm>>
        tpu.wait_dma2 semaphore(%run_scoped3A_31 : memref<!tpu.dma_semaphore, #tpu.memory_space<semaphore_mem>>) src(%dma_wait3A_37 : memref<8x128xi32, #tpu.memory_space<hbm>>) dst(%arg7 : memref<8x128xi32, #tpu.memory_space<vmem>>)
        tpu.yield
      }) : () -> ()
      %run_scoped3A = arith.constant 0 : i32
      "tpu.region"() ({
        %run_scoped3A_31 = tpu.sem_alloc : memref<!tpu.dma_semaphore, #tpu.memory_space<semaphore_mem>>
        %dma_start3A = arith.constant 0 : i32
        %dma_start3A_32 = tpu.memref_slice %arg7[%run_scoped3A, %dma_start3A] : memref<8x128xi32, #tpu.memory_space<vmem>> -> memref<1x128xi32, #tpu.memory_space<vmem>>
        %dma_start3A_33 = tpu.memref_squeeze %dma_start3A_32 : memref<1x128xi32, #tpu.memory_space<vmem>> -> memref<128xi32, #tpu.memory_space<vmem>>
        %dma_start3A_34 = arith.constant 0 : i32
        %dma_start3A_35 = tpu.memref_slice %arg9[%dma_start3A_34] : memref<100352xf32, #tpu.memory_space<vmem_shared>> -> memref<100352xf32, #tpu.memory_space<vmem_shared>>
        tpu.enqueue_indirect_dma source(%arg8 : memref<128xf32, #tpu.memory_space<vmem>>) target(%dma_start3A_35 : memref<100352xf32, #tpu.memory_space<vmem_shared>>) offsets(%dma_start3A_33 : memref<128xi32, #tpu.memory_space<vmem>>) semaphore(%run_scoped3A_31 : memref<!tpu.dma_semaphore, #tpu.memory_space<semaphore_mem>>) {add = true}
        %dma_wait3A = arith.constant 0 : i32
        %dma_wait3A_36 = tpu.memref_slice %arg7[%run_scoped3A, %dma_wait3A] : memref<8x128xi32, #tpu.memory_space<vmem>> -> memref<1x128xi32, #tpu.memory_space<vmem>>
        %dma_wait3A_37 = tpu.memref_squeeze %dma_wait3A_36 : memref<1x128xi32, #tpu.memory_space<vmem>> -> memref<128xi32, #tpu.memory_space<vmem>>
        %dma_wait3A_38 = arith.constant 0 : i32
        %dma_wait3A_39 = tpu.memref_slice %arg9[%dma_wait3A_38] : memref<100352xf32, #tpu.memory_space<vmem_shared>> -> memref<100352xf32, #tpu.memory_space<vmem_shared>>
        tpu.wait_indirect_dma semaphore(%run_scoped3A_31 : memref<!tpu.dma_semaphore, #tpu.memory_space<semaphore_mem>>) src(%arg8 : memref<128xf32, #tpu.memory_space<vmem>>) dst(%dma_wait3A_39 : memref<100352xf32, #tpu.memory_space<vmem_shared>>)
        tpu.yield
      }) : () -> ()
      %run_scoped3A_24 = arith.constant 1 : i32
      "tpu.region"() ({
        %run_scoped3A_31 = tpu.sem_alloc : memref<!tpu.dma_semaphore, #tpu.memory_space<semaphore_mem>>
        %dma_start3A = arith.constant 0 : i32
        %dma_start3A_32 = tpu.memref_slice %arg7[%run_scoped3A_24, %dma_start3A] : memref<8x128xi32, #tpu.memory_space<vmem>> -> memref<1x128xi32, #tpu.memory_space<vmem>>
        %dma_start3A_33 = tpu.memref_squeeze %dma_start3A_32 : memref<1x128xi32, #tpu.memory_space<vmem>> -> memref<128xi32, #tpu.memory_space<vmem>>
        %dma_start3A_34 = arith.constant 0 : i32
        %dma_start3A_35 = tpu.memref_slice %arg9[%dma_start3A_34] : memref<100352xf32, #tpu.memory_space<vmem_shared>> -> memref<100352xf32, #tpu.memory_space<vmem_shared>>
        tpu.enqueue_indirect_dma source(%arg8 : memref<128xf32, #tpu.memory_space<vmem>>) target(%dma_start3A_35 : memref<100352xf32, #tpu.memory_space<vmem_shared>>) offsets(%dma_start3A_33 : memref<128xi32, #tpu.memory_space<vmem>>) semaphore(%run_scoped3A_31 : memref<!tpu.dma_semaphore, #tpu.memory_space<semaphore_mem>>) {add = true}
        %dma_wait3A = arith.constant 0 : i32
        %dma_wait3A_36 = tpu.memref_slice %arg7[%run_scoped3A_24, %dma_wait3A] : memref<8x128xi32, #tpu.memory_space<vmem>> -> memref<1x128xi32, #tpu.memory_space<vmem>>
        %dma_wait3A_37 = tpu.memref_squeeze %dma_wait3A_36 : memref<1x128xi32, #tpu.memory_space<vmem>> -> memref<128xi32, #tpu.memory_space<vmem>>
        %dma_wait3A_38 = arith.constant 0 : i32
        %dma_wait3A_39 = tpu.memref_slice %arg9[%dma_wait3A_38] : memref<100352xf32, #tpu.memory_space<vmem_shared>> -> memref<100352xf32, #tpu.memory_space<vmem_shared>>
        tpu.wait_indirect_dma semaphore(%run_scoped3A_31 : memref<!tpu.dma_semaphore, #tpu.memory_space<semaphore_mem>>) src(%arg8 : memref<128xf32, #tpu.memory_space<vmem>>) dst(%dma_wait3A_39 : memref<100352xf32, #tpu.memory_space<vmem_shared>>)
        tpu.yield
      }) : () -> ()
      %run_scoped3A_25 = arith.constant 2 : i32
      "tpu.region"() ({
        %run_scoped3A_31 = tpu.sem_alloc : memref<!tpu.dma_semaphore, #tpu.memory_space<semaphore_mem>>
        %dma_start3A = arith.constant 0 : i32
        %dma_start3A_32 = tpu.memref_slice %arg7[%run_scoped3A_25, %dma_start3A] : memref<8x128xi32, #tpu.memory_space<vmem>> -> memref<1x128xi32, #tpu.memory_space<vmem>>
        %dma_start3A_33 = tpu.memref_squeeze %dma_start3A_32 : memref<1x128xi32, #tpu.memory_space<vmem>> -> memref<128xi32, #tpu.memory_space<vmem>>
        %dma_start3A_34 = arith.constant 0 : i32
        %dma_start3A_35 = tpu.memref_slice %arg9[%dma_start3A_34] : memref<100352xf32, #tpu.memory_space<vmem_shared>> -> memref<100352xf32, #tpu.memory_space<vmem_shared>>
        tpu.enqueue_indirect_dma source(%arg8 : memref<128xf32, #tpu.memory_space<vmem>>) target(%dma_start3A_35 : memref<100352xf32, #tpu.memory_space<vmem_shared>>) offsets(%dma_start3A_33 : memref<128xi32, #tpu.memory_space<vmem>>) semaphore(%run_scoped3A_31 : memref<!tpu.dma_semaphore, #tpu.memory_space<semaphore_mem>>) {add = true}
        %dma_wait3A = arith.constant 0 : i32
        %dma_wait3A_36 = tpu.memref_slice %arg7[%run_scoped3A_25, %dma_wait3A] : memref<8x128xi32, #tpu.memory_space<vmem>> -> memref<1x128xi32, #tpu.memory_space<vmem>>
        %dma_wait3A_37 = tpu.memref_squeeze %dma_wait3A_36 : memref<1x128xi32, #tpu.memory_space<vmem>> -> memref<128xi32, #tpu.memory_space<vmem>>
        %dma_wait3A_38 = arith.constant 0 : i32
        %dma_wait3A_39 = tpu.memref_slice %arg9[%dma_wait3A_38] : memref<100352xf32, #tpu.memory_space<vmem_shared>> -> memref<100352xf32, #tpu.memory_space<vmem_shared>>
        tpu.wait_indirect_dma semaphore(%run_scoped3A_31 : memref<!tpu.dma_semaphore, #tpu.memory_space<semaphore_mem>>) src(%arg8 : memref<128xf32, #tpu.memory_space<vmem>>) dst(%dma_wait3A_39 : memref<100352xf32, #tpu.memory_space<vmem_shared>>)
        tpu.yield
      }) : () -> ()
      %run_scoped3A_26 = arith.constant 3 : i32
      "tpu.region"() ({
        %run_scoped3A_31 = tpu.sem_alloc : memref<!tpu.dma_semaphore, #tpu.memory_space<semaphore_mem>>
        %dma_start3A = arith.constant 0 : i32
        %dma_start3A_32 = tpu.memref_slice %arg7[%run_scoped3A_26, %dma_start3A] : memref<8x128xi32, #tpu.memory_space<vmem>> -> memref<1x128xi32, #tpu.memory_space<vmem>>
        %dma_start3A_33 = tpu.memref_squeeze %dma_start3A_32 : memref<1x128xi32, #tpu.memory_space<vmem>> -> memref<128xi32, #tpu.memory_space<vmem>>
        %dma_start3A_34 = arith.constant 0 : i32
        %dma_start3A_35 = tpu.memref_slice %arg9[%dma_start3A_34] : memref<100352xf32, #tpu.memory_space<vmem_shared>> -> memref<100352xf32, #tpu.memory_space<vmem_shared>>
        tpu.enqueue_indirect_dma source(%arg8 : memref<128xf32, #tpu.memory_space<vmem>>) target(%dma_start3A_35 : memref<100352xf32, #tpu.memory_space<vmem_shared>>) offsets(%dma_start3A_33 : memref<128xi32, #tpu.memory_space<vmem>>) semaphore(%run_scoped3A_31 : memref<!tpu.dma_semaphore, #tpu.memory_space<semaphore_mem>>) {add = true}
        %dma_wait3A = arith.constant 0 : i32
        %dma_wait3A_36 = tpu.memref_slice %arg7[%run_scoped3A_26, %dma_wait3A] : memref<8x128xi32, #tpu.memory_space<vmem>> -> memref<1x128xi32, #tpu.memory_space<vmem>>
        %dma_wait3A_37 = tpu.memref_squeeze %dma_wait3A_36 : memref<1x128xi32, #tpu.memory_space<vmem>> -> memref<128xi32, #tpu.memory_space<vmem>>
        %dma_wait3A_38 = arith.constant 0 : i32
        %dma_wait3A_39 = tpu.memref_slice %arg9[%dma_wait3A_38] : memref<100352xf32, #tpu.memory_space<vmem_shared>> -> memref<100352xf32, #tpu.memory_space<vmem_shared>>
        tpu.wait_indirect_dma semaphore(%run_scoped3A_31 : memref<!tpu.dma_semaphore, #tpu.memory_space<semaphore_mem>>) src(%arg8 : memref<128xf32, #tpu.memory_space<vmem>>) dst(%dma_wait3A_39 : memref<100352xf32, #tpu.memory_space<vmem_shared>>)
        tpu.yield
      }) : () -> ()
      %run_scoped3A_27 = arith.constant 4 : i32
      "tpu.region"() ({
        %run_scoped3A_31 = tpu.sem_alloc : memref<!tpu.dma_semaphore, #tpu.memory_space<semaphore_mem>>
        %dma_start3A = arith.constant 0 : i32
        %dma_start3A_32 = tpu.memref_slice %arg7[%run_scoped3A_27, %dma_start3A] : memref<8x128xi32, #tpu.memory_space<vmem>> -> memref<1x128xi32, #tpu.memory_space<vmem>>
        %dma_start3A_33 = tpu.memref_squeeze %dma_start3A_32 : memref<1x128xi32, #tpu.memory_space<vmem>> -> memref<128xi32, #tpu.memory_space<vmem>>
        %dma_start3A_34 = arith.constant 0 : i32
        %dma_start3A_35 = tpu.memref_slice %arg9[%dma_start3A_34] : memref<100352xf32, #tpu.memory_space<vmem_shared>> -> memref<100352xf32, #tpu.memory_space<vmem_shared>>
        tpu.enqueue_indirect_dma source(%arg8 : memref<128xf32, #tpu.memory_space<vmem>>) target(%dma_start3A_35 : memref<100352xf32, #tpu.memory_space<vmem_shared>>) offsets(%dma_start3A_33 : memref<128xi32, #tpu.memory_space<vmem>>) semaphore(%run_scoped3A_31 : memref<!tpu.dma_semaphore, #tpu.memory_space<semaphore_mem>>) {add = true}
        %dma_wait3A = arith.constant 0 : i32
        %dma_wait3A_36 = tpu.memref_slice %arg7[%run_scoped3A_27, %dma_wait3A] : memref<8x128xi32, #tpu.memory_space<vmem>> -> memref<1x128xi32, #tpu.memory_space<vmem>>
        %dma_wait3A_37 = tpu.memref_squeeze %dma_wait3A_36 : memref<1x128xi32, #tpu.memory_space<vmem>> -> memref<128xi32, #tpu.memory_space<vmem>>
        %dma_wait3A_38 = arith.constant 0 : i32
        %dma_wait3A_39 = tpu.memref_slice %arg9[%dma_wait3A_38] : memref<100352xf32, #tpu.memory_space<vmem_shared>> -> memref<100352xf32, #tpu.memory_space<vmem_shared>>
        tpu.wait_indirect_dma semaphore(%run_scoped3A_31 : memref<!tpu.dma_semaphore, #tpu.memory_space<semaphore_mem>>) src(%arg8 : memref<128xf32, #tpu.memory_space<vmem>>) dst(%dma_wait3A_39 : memref<100352xf32, #tpu.memory_space<vmem_shared>>)
        tpu.yield
      }) : () -> ()
      %run_scoped3A_28 = arith.constant 5 : i32
      "tpu.region"() ({
        %run_scoped3A_31 = tpu.sem_alloc : memref<!tpu.dma_semaphore, #tpu.memory_space<semaphore_mem>>
        %dma_start3A = arith.constant 0 : i32
        %dma_start3A_32 = tpu.memref_slice %arg7[%run_scoped3A_28, %dma_start3A] : memref<8x128xi32, #tpu.memory_space<vmem>> -> memref<1x128xi32, #tpu.memory_space<vmem>>
        %dma_start3A_33 = tpu.memref_squeeze %dma_start3A_32 : memref<1x128xi32, #tpu.memory_space<vmem>> -> memref<128xi32, #tpu.memory_space<vmem>>
        %dma_start3A_34 = arith.constant 0 : i32
        %dma_start3A_35 = tpu.memref_slice %arg9[%dma_start3A_34] : memref<100352xf32, #tpu.memory_space<vmem_shared>> -> memref<100352xf32, #tpu.memory_space<vmem_shared>>
        tpu.enqueue_indirect_dma source(%arg8 : memref<128xf32, #tpu.memory_space<vmem>>) target(%dma_start3A_35 : memref<100352xf32, #tpu.memory_space<vmem_shared>>) offsets(%dma_start3A_33 : memref<128xi32, #tpu.memory_space<vmem>>) semaphore(%run_scoped3A_31 : memref<!tpu.dma_semaphore, #tpu.memory_space<semaphore_mem>>) {add = true}
        %dma_wait3A = arith.constant 0 : i32
        %dma_wait3A_36 = tpu.memref_slice %arg7[%run_scoped3A_28, %dma_wait3A] : memref<8x128xi32, #tpu.memory_space<vmem>> -> memref<1x128xi32, #tpu.memory_space<vmem>>
        %dma_wait3A_37 = tpu.memref_squeeze %dma_wait3A_36 : memref<1x128xi32, #tpu.memory_space<vmem>> -> memref<128xi32, #tpu.memory_space<vmem>>
        %dma_wait3A_38 = arith.constant 0 : i32
        %dma_wait3A_39 = tpu.memref_slice %arg9[%dma_wait3A_38] : memref<100352xf32, #tpu.memory_space<vmem_shared>> -> memref<100352xf32, #tpu.memory_space<vmem_shared>>
        tpu.wait_indirect_dma semaphore(%run_scoped3A_31 : memref<!tpu.dma_semaphore, #tpu.memory_space<semaphore_mem>>) src(%arg8 : memref<128xf32, #tpu.memory_space<vmem>>) dst(%dma_wait3A_39 : memref<100352xf32, #tpu.memory_space<vmem_shared>>)
        tpu.yield
      }) : () -> ()
      %run_scoped3A_29 = arith.constant 6 : i32
      "tpu.region"() ({
        %run_scoped3A_31 = tpu.sem_alloc : memref<!tpu.dma_semaphore, #tpu.memory_space<semaphore_mem>>
        %dma_start3A = arith.constant 0 : i32
        %dma_start3A_32 = tpu.memref_slice %arg7[%run_scoped3A_29, %dma_start3A] : memref<8x128xi32, #tpu.memory_space<vmem>> -> memref<1x128xi32, #tpu.memory_space<vmem>>
        %dma_start3A_33 = tpu.memref_squeeze %dma_start3A_32 : memref<1x128xi32, #tpu.memory_space<vmem>> -> memref<128xi32, #tpu.memory_space<vmem>>
        %dma_start3A_34 = arith.constant 0 : i32
        %dma_start3A_35 = tpu.memref_slice %arg9[%dma_start3A_34] : memref<100352xf32, #tpu.memory_space<vmem_shared>> -> memref<100352xf32, #tpu.memory_space<vmem_shared>>
        tpu.enqueue_indirect_dma source(%arg8 : memref<128xf32, #tpu.memory_space<vmem>>) target(%dma_start3A_35 : memref<100352xf32, #tpu.memory_space<vmem_shared>>) offsets(%dma_start3A_33 : memref<128xi32, #tpu.memory_space<vmem>>) semaphore(%run_scoped3A_31 : memref<!tpu.dma_semaphore, #tpu.memory_space<semaphore_mem>>) {add = true}
        %dma_wait3A = arith.constant 0 : i32
        %dma_wait3A_36 = tpu.memref_slice %arg7[%run_scoped3A_29, %dma_wait3A] : memref<8x128xi32, #tpu.memory_space<vmem>> -> memref<1x128xi32, #tpu.memory_space<vmem>>
        %dma_wait3A_37 = tpu.memref_squeeze %dma_wait3A_36 : memref<1x128xi32, #tpu.memory_space<vmem>> -> memref<128xi32, #tpu.memory_space<vmem>>
        %dma_wait3A_38 = arith.constant 0 : i32
        %dma_wait3A_39 = tpu.memref_slice %arg9[%dma_wait3A_38] : memref<100352xf32, #tpu.memory_space<vmem_shared>> -> memref<100352xf32, #tpu.memory_space<vmem_shared>>
        tpu.wait_indirect_dma semaphore(%run_scoped3A_31 : memref<!tpu.dma_semaphore, #tpu.memory_space<semaphore_mem>>) src(%arg8 : memref<128xf32, #tpu.memory_space<vmem>>) dst(%dma_wait3A_39 : memref<100352xf32, #tpu.memory_space<vmem_shared>>)
        tpu.yield
      }) : () -> ()
      %run_scoped3A_30 = arith.constant 7 : i32
      "tpu.region"() ({
        %run_scoped3A_31 = tpu.sem_alloc : memref<!tpu.dma_semaphore, #tpu.memory_space<semaphore_mem>>
        %dma_start3A = arith.constant 0 : i32
        %dma_start3A_32 = tpu.memref_slice %arg7[%run_scoped3A_30, %dma_start3A] : memref<8x128xi32, #tpu.memory_space<vmem>> -> memref<1x128xi32, #tpu.memory_space<vmem>>
        %dma_start3A_33 = tpu.memref_squeeze %dma_start3A_32 : memref<1x128xi32, #tpu.memory_space<vmem>> -> memref<128xi32, #tpu.memory_space<vmem>>
        %dma_start3A_34 = arith.constant 0 : i32
        %dma_start3A_35 = tpu.memref_slice %arg9[%dma_start3A_34] : memref<100352xf32, #tpu.memory_space<vmem_shared>> -> memref<100352xf32, #tpu.memory_space<vmem_shared>>
        tpu.enqueue_indirect_dma source(%arg8 : memref<128xf32, #tpu.memory_space<vmem>>) target(%dma_start3A_35 : memref<100352xf32, #tpu.memory_space<vmem_shared>>) offsets(%dma_start3A_33 : memref<128xi32, #tpu.memory_space<vmem>>) semaphore(%run_scoped3A_31 : memref<!tpu.dma_semaphore, #tpu.memory_space<semaphore_mem>>) {add = true}
        %dma_wait3A = arith.constant 0 : i32
        %dma_wait3A_36 = tpu.memref_slice %arg7[%run_scoped3A_30, %dma_wait3A] : memref<8x128xi32, #tpu.memory_space<vmem>> -> memref<1x128xi32, #tpu.memory_space<vmem>>
        %dma_wait3A_37 = tpu.memref_squeeze %dma_wait3A_36 : memref<1x128xi32, #tpu.memory_space<vmem>> -> memref<128xi32, #tpu.memory_space<vmem>>
        %dma_wait3A_38 = arith.constant 0 : i32
        %dma_wait3A_39 = tpu.memref_slice %arg9[%dma_wait3A_38] : memref<100352xf32, #tpu.memory_space<vmem_shared>> -> memref<100352xf32, #tpu.memory_space<vmem_shared>>
        tpu.wait_indirect_dma semaphore(%run_scoped3A_31 : memref<!tpu.dma_semaphore, #tpu.memory_space<semaphore_mem>>) src(%arg8 : memref<128xf32, #tpu.memory_space<vmem>>) dst(%dma_wait3A_39 : memref<100352xf32, #tpu.memory_space<vmem_shared>>)
        tpu.yield
      }) : () -> ()
    }
    %scan3A_9 = arith.constant 98 : i32
    %barrier3A_10 = arith.constant 0 : index
    tpu.barrier barrier_id(%barrier3A_10)
    %eq3A = arith.constant 0 : i32
    %eq3A_11 = arith.cmpi eq, %arg0, %eq3A : i32
    %convert_element_type3A = arith.extui %eq3A_11 : i1 to i32
    %cond3A = arith.constant 0 : i32
    %cond3A_12 = arith.cmpi ne, %convert_element_type3A, %cond3A : i32
    scf.if %cond3A_12 {
      %mul3A_18 = arith.constant 6272 : i32
      %mul3A_19 = arith.muli %arg1, %mul3A_18 : i32
      %mul3A_20 = arith.constant 6272 : i32
      %mul3A_21 = arith.muli %arg1, %mul3A_20 : i32
      "tpu.region"() ({
        %run_scoped3A = tpu.sem_alloc : memref<!tpu.dma_semaphore, #tpu.memory_space<semaphore_mem>>
        %dma_start3A = tpu.memref_slice %arg5[%mul3A_21] : memref<100352xf32, #tpu.memory_space<hbm>> -> memref<6272xf32, #tpu.memory_space<hbm>>
        %dma_start3A_22 = tpu.memref_slice %arg9[%mul3A_19] : memref<100352xf32, #tpu.memory_space<vmem_shared>> -> memref<6272xf32, #tpu.memory_space<vmem_shared>>
        tpu.enqueue_dma source(%dma_start3A_22 : memref<6272xf32, #tpu.memory_space<vmem_shared>>) target(%dma_start3A : memref<6272xf32, #tpu.memory_space<hbm>>) target_semaphore(%run_scoped3A : memref<!tpu.dma_semaphore, #tpu.memory_space<semaphore_mem>>)
        %dma_wait3A = tpu.memref_slice %arg5[%mul3A_21] : memref<100352xf32, #tpu.memory_space<hbm>> -> memref<6272xf32, #tpu.memory_space<hbm>>
        %dma_wait3A_23 = tpu.memref_slice %arg9[%mul3A_19] : memref<100352xf32, #tpu.memory_space<vmem_shared>> -> memref<6272xf32, #tpu.memory_space<vmem_shared>>
        tpu.wait_dma2 semaphore(%run_scoped3A : memref<!tpu.dma_semaphore, #tpu.memory_space<semaphore_mem>>) src(%dma_wait3A_23 : memref<6272xf32, #tpu.memory_space<vmem_shared>>) dst(%dma_wait3A : memref<6272xf32, #tpu.memory_space<hbm>>)
        tpu.yield
      }) : () -> ()
    } else {
    }
    %eq3A_13 = arith.constant 1 : i32
    %eq3A_14 = arith.cmpi eq, %arg0, %eq3A_13 : i32
    %convert_element_type3A_15 = arith.extui %eq3A_14 : i1 to i32
    %cond3A_16 = arith.constant 0 : i32
    %cond3A_17 = arith.cmpi ne, %convert_element_type3A_15, %cond3A_16 : i32
    scf.if %cond3A_17 {
      %mul3A_18 = arith.constant 6272 : i32
      %mul3A_19 = arith.muli %arg1, %mul3A_18 : i32
      %mul3A_20 = arith.constant 6272 : i32
      %mul3A_21 = arith.muli %arg1, %mul3A_20 : i32
      "tpu.region"() ({
        %run_scoped3A = tpu.sem_alloc : memref<!tpu.dma_semaphore, #tpu.memory_space<semaphore_mem>>
        %dma_start3A = tpu.memref_slice %arg6[%mul3A_21] : memref<100352xf32, #tpu.memory_space<hbm>> -> memref<6272xf32, #tpu.memory_space<hbm>>
        %dma_start3A_22 = tpu.memref_slice %arg9[%mul3A_19] : memref<100352xf32, #tpu.memory_space<vmem_shared>> -> memref<6272xf32, #tpu.memory_space<vmem_shared>>
        tpu.enqueue_dma source(%dma_start3A_22 : memref<6272xf32, #tpu.memory_space<vmem_shared>>) target(%dma_start3A : memref<6272xf32, #tpu.memory_space<hbm>>) target_semaphore(%run_scoped3A : memref<!tpu.dma_semaphore, #tpu.memory_space<semaphore_mem>>)
        %dma_wait3A = tpu.memref_slice %arg6[%mul3A_21] : memref<100352xf32, #tpu.memory_space<hbm>> -> memref<6272xf32, #tpu.memory_space<hbm>>
        %dma_wait3A_23 = tpu.memref_slice %arg9[%mul3A_19] : memref<100352xf32, #tpu.memory_space<vmem_shared>> -> memref<6272xf32, #tpu.memory_space<vmem_shared>>
        tpu.wait_dma2 semaphore(%run_scoped3A : memref<!tpu.dma_semaphore, #tpu.memory_space<semaphore_mem>>) src(%dma_wait3A_23 : memref<6272xf32, #tpu.memory_space<vmem_shared>>) dst(%dma_wait3A : memref<6272xf32, #tpu.memory_space<hbm>>)
        tpu.yield
      }) : () -> ()
    } else {
    }
    return
  }
}

#map = affine_map<(d0, d1) -> (0, 0)>
module attributes {stable_mosaic.version = 14 : i64} {
  func.func @_agg_body(%arg0: i32, %arg1: i32, %arg2: memref<25088x128xi32, #tpu.memory_space<hbm>>, %arg3: memref<25088x128xi32, #tpu.memory_space<hbm>>, %arg4: memref<25088x128xi32, #tpu.memory_space<hbm>>, %arg5: memref<802816x16xf32, #tpu.memory_space<hbm>>, %arg6: memref<100352x16xf32, #tpu.memory_space<hbm>>, %arg7: memref<100352x128xf32, #tpu.memory_space<hbm>>, %arg8: memref<8x128xi32, #tpu.memory_space<vmem>>, %arg9: memref<8x128xi32, #tpu.memory_space<vmem>>, %arg10: memref<8x128x16xf32, #tpu.memory_space<vmem>>, %arg11: memref<100352x16xf32, #tpu.memory_space<vmem_shared>>, %arg12: memref<!tpu.dma_semaphore, #tpu.memory_space<semaphore_mem>>, %arg13: memref<!tpu.dma_semaphore, #tpu.memory_space<semaphore_mem>>) attributes {dimension_semantics = [#tpu.dimension_semantics<core_parallel>, #tpu.dimension_semantics<subcore_parallel>], iteration_bounds = array<i64: 2, 16>, scalar_prefetch = 0 : i64, scratch_operands = 6 : i64, tpu.core_type = #tpu.core_type<sc_vector_subcore>, window_params = [{transform_indices = #map}, {transform_indices = #map}, {transform_indices = #map}, {transform_indices = #map}, {transform_indices = #map}, {transform_indices = #map}]} {
    %mul3A = arith.constant 6272 : i32
    %mul3A_0 = arith.muli %arg1, %mul3A : i32
    %mul3A_1 = arith.constant 6272 : i32
    %mul3A_2 = arith.muli %arg1, %mul3A_1 : i32
    "tpu.region"() ({
      %run_scoped3A = tpu.sem_alloc : memref<!tpu.dma_semaphore, #tpu.memory_space<semaphore_mem>>
      %dma_start3A = arith.constant 0 : i32
      %dma_start3A_25 = tpu.memref_slice %arg11[%mul3A_2, %dma_start3A] : memref<100352x16xf32, #tpu.memory_space<vmem_shared>> -> memref<6272x16xf32, #tpu.memory_space<vmem_shared>>
      %dma_start3A_26 = arith.constant 0 : i32
      %dma_start3A_27 = tpu.memref_slice %arg6[%mul3A_0, %dma_start3A_26] : memref<100352x16xf32, #tpu.memory_space<hbm>> -> memref<6272x16xf32, #tpu.memory_space<hbm>>
      tpu.enqueue_dma source(%dma_start3A_27 : memref<6272x16xf32, #tpu.memory_space<hbm>>) target(%dma_start3A_25 : memref<6272x16xf32, #tpu.memory_space<vmem_shared>>) target_semaphore(%run_scoped3A : memref<!tpu.dma_semaphore, #tpu.memory_space<semaphore_mem>>)
      %dma_wait3A = arith.constant 0 : i32
      %dma_wait3A_28 = tpu.memref_slice %arg11[%mul3A_2, %dma_wait3A] : memref<100352x16xf32, #tpu.memory_space<vmem_shared>> -> memref<6272x16xf32, #tpu.memory_space<vmem_shared>>
      %dma_wait3A_29 = arith.constant 0 : i32
      %dma_wait3A_30 = tpu.memref_slice %arg6[%mul3A_0, %dma_wait3A_29] : memref<100352x16xf32, #tpu.memory_space<hbm>> -> memref<6272x16xf32, #tpu.memory_space<hbm>>
      tpu.wait_dma2 semaphore(%run_scoped3A : memref<!tpu.dma_semaphore, #tpu.memory_space<semaphore_mem>>) src(%dma_wait3A_30 : memref<6272x16xf32, #tpu.memory_space<hbm>>) dst(%dma_wait3A_28 : memref<6272x16xf32, #tpu.memory_space<vmem_shared>>)
      tpu.yield
    }) : () -> ()
    %barrier3A = arith.constant 0 : index
    tpu.barrier barrier_id(%barrier3A)
    %mul3A_3 = arith.constant 196 : i32
    %mul3A_4 = arith.muli %arg1, %mul3A_3 : i32
    %mul3A_5 = arith.constant 8 : i32
    %mul3A_6 = arith.muli %mul3A_4, %mul3A_5 : i32
    %eq3A = arith.constant 0 : i32
    %eq3A_7 = arith.cmpi eq, %arg0, %eq3A : i32
    %convert_element_type3A = arith.extui %eq3A_7 : i1 to i32
    %cond3A = arith.constant 0 : i32
    %cond3A_8 = arith.cmpi ne, %convert_element_type3A, %cond3A : i32
    scf.if %cond3A_8 {
      %scan3A = arith.constant 0 : i32
      %scan3A_25 = arith.constant 0 : i32
      %scan3A_26 = arith.constant 196 : i32
      %scan3A_27 = arith.addi %scan3A_25, %scan3A_26 : i32
      %scan3A_28 = arith.constant 1 : i32
      scf.for %scan3A_30 = %scan3A_25 to %scan3A_27 step %scan3A_28  : i32 {
        %mul3A_31 = arith.constant 8 : i32
        %mul3A_32 = arith.muli %scan3A_30, %mul3A_31 : i32
        %add3A = arith.addi %mul3A_6, %mul3A_32 : i32
        "tpu.region"() ({
          %run_scoped3A = tpu.sem_alloc : memref<!tpu.dma_semaphore, #tpu.memory_space<semaphore_mem>>
          %dma_start3A_415 = arith.constant 0 : i32
          %dma_start3A_416 = tpu.memref_slice %arg2[%add3A, %dma_start3A_415] : memref<25088x128xi32, #tpu.memory_space<hbm>> -> memref<8x128xi32, #tpu.memory_space<hbm>>
          %dma_start3A_417 = arith.constant 0 : i32
          %dma_start3A_418 = tpu.memref_slice %arg2[%add3A, %dma_start3A_417] : memref<25088x128xi32, #tpu.memory_space<hbm>> -> memref<8x128xi32, #tpu.memory_space<hbm>>
          tpu.enqueue_dma source(%dma_start3A_418 : memref<8x128xi32, #tpu.memory_space<hbm>>) target(%arg8 : memref<8x128xi32, #tpu.memory_space<vmem>>) target_semaphore(%run_scoped3A : memref<!tpu.dma_semaphore, #tpu.memory_space<semaphore_mem>>)
          %dma_wait3A_419 = arith.constant 0 : i32
          %dma_wait3A_420 = tpu.memref_slice %arg2[%add3A, %dma_wait3A_419] : memref<25088x128xi32, #tpu.memory_space<hbm>> -> memref<8x128xi32, #tpu.memory_space<hbm>>
          %dma_wait3A_421 = arith.constant 0 : i32
          %dma_wait3A_422 = tpu.memref_slice %arg2[%add3A, %dma_wait3A_421] : memref<25088x128xi32, #tpu.memory_space<hbm>> -> memref<8x128xi32, #tpu.memory_space<hbm>>
          tpu.wait_dma2 semaphore(%run_scoped3A : memref<!tpu.dma_semaphore, #tpu.memory_space<semaphore_mem>>) src(%dma_wait3A_422 : memref<8x128xi32, #tpu.memory_space<hbm>>) dst(%arg8 : memref<8x128xi32, #tpu.memory_space<vmem>>)
          tpu.yield
        }) : () -> ()
        "tpu.region"() ({
          %run_scoped3A = tpu.sem_alloc : memref<!tpu.dma_semaphore, #tpu.memory_space<semaphore_mem>>
          %dma_start3A_415 = arith.constant 0 : i32
          %dma_start3A_416 = tpu.memref_slice %arg4[%add3A, %dma_start3A_415] : memref<25088x128xi32, #tpu.memory_space<hbm>> -> memref<8x128xi32, #tpu.memory_space<hbm>>
          %dma_start3A_417 = arith.constant 0 : i32
          %dma_start3A_418 = tpu.memref_slice %arg4[%add3A, %dma_start3A_417] : memref<25088x128xi32, #tpu.memory_space<hbm>> -> memref<8x128xi32, #tpu.memory_space<hbm>>
          tpu.enqueue_dma source(%dma_start3A_418 : memref<8x128xi32, #tpu.memory_space<hbm>>) target(%arg9 : memref<8x128xi32, #tpu.memory_space<vmem>>) target_semaphore(%run_scoped3A : memref<!tpu.dma_semaphore, #tpu.memory_space<semaphore_mem>>)
          %dma_wait3A_419 = arith.constant 0 : i32
          %dma_wait3A_420 = tpu.memref_slice %arg4[%add3A, %dma_wait3A_419] : memref<25088x128xi32, #tpu.memory_space<hbm>> -> memref<8x128xi32, #tpu.memory_space<hbm>>
          %dma_wait3A_421 = arith.constant 0 : i32
          %dma_wait3A_422 = tpu.memref_slice %arg4[%add3A, %dma_wait3A_421] : memref<25088x128xi32, #tpu.memory_space<hbm>> -> memref<8x128xi32, #tpu.memory_space<hbm>>
          tpu.wait_dma2 semaphore(%run_scoped3A : memref<!tpu.dma_semaphore, #tpu.memory_space<semaphore_mem>>) src(%dma_wait3A_422 : memref<8x128xi32, #tpu.memory_space<hbm>>) dst(%arg9 : memref<8x128xi32, #tpu.memory_space<vmem>>)
          tpu.yield
        }) : () -> ()
        %dma_start3A = arith.constant 0 : i32
        %dma_start3A_33 = arith.constant 0 : i32
        %dma_start3A_34 = arith.constant 0 : i32
        %dma_start3A_35 = arith.constant 0 : i32
        %dma_start3A_36 = tpu.memref_slice %arg10[%dma_start3A_33, %dma_start3A_34, %dma_start3A_35] : memref<8x128x16xf32, #tpu.memory_space<vmem>> -> memref<1x128x16xf32, #tpu.memory_space<vmem>>
        %dma_start3A_37 = tpu.memref_squeeze %dma_start3A_36 : memref<1x128x16xf32, #tpu.memory_space<vmem>> -> memref<128x16xf32, #tpu.memory_space<vmem>>
        %dma_start3A_38 = arith.constant 0 : i32
        %dma_start3A_39 = tpu.memref_slice %arg8[%dma_start3A, %dma_start3A_38] : memref<8x128xi32, #tpu.memory_space<vmem>> -> memref<1x128xi32, #tpu.memory_space<vmem>>
        %dma_start3A_40 = tpu.memref_squeeze %dma_start3A_39 : memref<1x128xi32, #tpu.memory_space<vmem>> -> memref<128xi32, #tpu.memory_space<vmem>>
        %dma_start3A_41 = arith.constant 0 : i32
        %dma_start3A_42 = arith.constant 0 : i32
        %dma_start3A_43 = tpu.memref_slice %arg5[%dma_start3A_41, %dma_start3A_42] : memref<802816x16xf32, #tpu.memory_space<hbm>> -> memref<802816x16xf32, #tpu.memory_space<hbm>>
        tpu.enqueue_indirect_dma source(%dma_start3A_43 : memref<802816x16xf32, #tpu.memory_space<hbm>>) target(%dma_start3A_37 : memref<128x16xf32, #tpu.memory_space<vmem>>) offsets(%dma_start3A_40 : memref<128xi32, #tpu.memory_space<vmem>>) semaphore(%arg12 : memref<!tpu.dma_semaphore, #tpu.memory_space<semaphore_mem>>)
        %dma_start3A_44 = arith.constant 1 : i32
        %dma_start3A_45 = arith.constant 1 : i32
        %dma_start3A_46 = arith.constant 0 : i32
        %dma_start3A_47 = arith.constant 0 : i32
        %dma_start3A_48 = tpu.memref_slice %arg10[%dma_start3A_45, %dma_start3A_46, %dma_start3A_47] : memref<8x128x16xf32, #tpu.memory_space<vmem>> -> memref<1x128x16xf32, #tpu.memory_space<vmem>>
        %dma_start3A_49 = tpu.memref_squeeze %dma_start3A_48 : memref<1x128x16xf32, #tpu.memory_space<vmem>> -> memref<128x16xf32, #tpu.memory_space<vmem>>
        %dma_start3A_50 = arith.constant 0 : i32
        %dma_start3A_51 = tpu.memref_slice %arg8[%dma_start3A_44, %dma_start3A_50] : memref<8x128xi32, #tpu.memory_space<vmem>> -> memref<1x128xi32, #tpu.memory_space<vmem>>
        %dma_start3A_52 = tpu.memref_squeeze %dma_start3A_51 : memref<1x128xi32, #tpu.memory_space<vmem>> -> memref<128xi32, #tpu.memory_space<vmem>>
        %dma_start3A_53 = arith.constant 0 : i32
        %dma_start3A_54 = arith.constant 0 : i32
        %dma_start3A_55 = tpu.memref_slice %arg5[%dma_start3A_53, %dma_start3A_54] : memref<802816x16xf32, #tpu.memory_space<hbm>> -> memref<802816x16xf32, #tpu.memory_space<hbm>>
        tpu.enqueue_indirect_dma source(%dma_start3A_55 : memref<802816x16xf32, #tpu.memory_space<hbm>>) target(%dma_start3A_49 : memref<128x16xf32, #tpu.memory_space<vmem>>) offsets(%dma_start3A_52 : memref<128xi32, #tpu.memory_space<vmem>>) semaphore(%arg12 : memref<!tpu.dma_semaphore, #tpu.memory_space<semaphore_mem>>)
        %dma_start3A_56 = arith.constant 2 : i32
        %dma_start3A_57 = arith.constant 2 : i32
        %dma_start3A_58 = arith.constant 0 : i32
        %dma_start3A_59 = arith.constant 0 : i32
        %dma_start3A_60 = tpu.memref_slice %arg10[%dma_start3A_57, %dma_start3A_58, %dma_start3A_59] : memref<8x128x16xf32, #tpu.memory_space<vmem>> -> memref<1x128x16xf32, #tpu.memory_space<vmem>>
        %dma_start3A_61 = tpu.memref_squeeze %dma_start3A_60 : memref<1x128x16xf32, #tpu.memory_space<vmem>> -> memref<128x16xf32, #tpu.memory_space<vmem>>
        %dma_start3A_62 = arith.constant 0 : i32
        %dma_start3A_63 = tpu.memref_slice %arg8[%dma_start3A_56, %dma_start3A_62] : memref<8x128xi32, #tpu.memory_space<vmem>> -> memref<1x128xi32, #tpu.memory_space<vmem>>
        %dma_start3A_64 = tpu.memref_squeeze %dma_start3A_63 : memref<1x128xi32, #tpu.memory_space<vmem>> -> memref<128xi32, #tpu.memory_space<vmem>>
        %dma_start3A_65 = arith.constant 0 : i32
        %dma_start3A_66 = arith.constant 0 : i32
        %dma_start3A_67 = tpu.memref_slice %arg5[%dma_start3A_65, %dma_start3A_66] : memref<802816x16xf32, #tpu.memory_space<hbm>> -> memref<802816x16xf32, #tpu.memory_space<hbm>>
        tpu.enqueue_indirect_dma source(%dma_start3A_67 : memref<802816x16xf32, #tpu.memory_space<hbm>>) target(%dma_start3A_61 : memref<128x16xf32, #tpu.memory_space<vmem>>) offsets(%dma_start3A_64 : memref<128xi32, #tpu.memory_space<vmem>>) semaphore(%arg12 : memref<!tpu.dma_semaphore, #tpu.memory_space<semaphore_mem>>)
        %dma_start3A_68 = arith.constant 3 : i32
        %dma_start3A_69 = arith.constant 3 : i32
        %dma_start3A_70 = arith.constant 0 : i32
        %dma_start3A_71 = arith.constant 0 : i32
        %dma_start3A_72 = tpu.memref_slice %arg10[%dma_start3A_69, %dma_start3A_70, %dma_start3A_71] : memref<8x128x16xf32, #tpu.memory_space<vmem>> -> memref<1x128x16xf32, #tpu.memory_space<vmem>>
        %dma_start3A_73 = tpu.memref_squeeze %dma_start3A_72 : memref<1x128x16xf32, #tpu.memory_space<vmem>> -> memref<128x16xf32, #tpu.memory_space<vmem>>
        %dma_start3A_74 = arith.constant 0 : i32
        %dma_start3A_75 = tpu.memref_slice %arg8[%dma_start3A_68, %dma_start3A_74] : memref<8x128xi32, #tpu.memory_space<vmem>> -> memref<1x128xi32, #tpu.memory_space<vmem>>
        %dma_start3A_76 = tpu.memref_squeeze %dma_start3A_75 : memref<1x128xi32, #tpu.memory_space<vmem>> -> memref<128xi32, #tpu.memory_space<vmem>>
        %dma_start3A_77 = arith.constant 0 : i32
        %dma_start3A_78 = arith.constant 0 : i32
        %dma_start3A_79 = tpu.memref_slice %arg5[%dma_start3A_77, %dma_start3A_78] : memref<802816x16xf32, #tpu.memory_space<hbm>> -> memref<802816x16xf32, #tpu.memory_space<hbm>>
        tpu.enqueue_indirect_dma source(%dma_start3A_79 : memref<802816x16xf32, #tpu.memory_space<hbm>>) target(%dma_start3A_73 : memref<128x16xf32, #tpu.memory_space<vmem>>) offsets(%dma_start3A_76 : memref<128xi32, #tpu.memory_space<vmem>>) semaphore(%arg12 : memref<!tpu.dma_semaphore, #tpu.memory_space<semaphore_mem>>)
        %dma_start3A_80 = arith.constant 4 : i32
        %dma_start3A_81 = arith.constant 4 : i32
        %dma_start3A_82 = arith.constant 0 : i32
        %dma_start3A_83 = arith.constant 0 : i32
        %dma_start3A_84 = tpu.memref_slice %arg10[%dma_start3A_81, %dma_start3A_82, %dma_start3A_83] : memref<8x128x16xf32, #tpu.memory_space<vmem>> -> memref<1x128x16xf32, #tpu.memory_space<vmem>>
        %dma_start3A_85 = tpu.memref_squeeze %dma_start3A_84 : memref<1x128x16xf32, #tpu.memory_space<vmem>> -> memref<128x16xf32, #tpu.memory_space<vmem>>
        %dma_start3A_86 = arith.constant 0 : i32
        %dma_start3A_87 = tpu.memref_slice %arg8[%dma_start3A_80, %dma_start3A_86] : memref<8x128xi32, #tpu.memory_space<vmem>> -> memref<1x128xi32, #tpu.memory_space<vmem>>
        %dma_start3A_88 = tpu.memref_squeeze %dma_start3A_87 : memref<1x128xi32, #tpu.memory_space<vmem>> -> memref<128xi32, #tpu.memory_space<vmem>>
        %dma_start3A_89 = arith.constant 0 : i32
        %dma_start3A_90 = arith.constant 0 : i32
        %dma_start3A_91 = tpu.memref_slice %arg5[%dma_start3A_89, %dma_start3A_90] : memref<802816x16xf32, #tpu.memory_space<hbm>> -> memref<802816x16xf32, #tpu.memory_space<hbm>>
        tpu.enqueue_indirect_dma source(%dma_start3A_91 : memref<802816x16xf32, #tpu.memory_space<hbm>>) target(%dma_start3A_85 : memref<128x16xf32, #tpu.memory_space<vmem>>) offsets(%dma_start3A_88 : memref<128xi32, #tpu.memory_space<vmem>>) semaphore(%arg12 : memref<!tpu.dma_semaphore, #tpu.memory_space<semaphore_mem>>)
        %dma_start3A_92 = arith.constant 5 : i32
        %dma_start3A_93 = arith.constant 5 : i32
        %dma_start3A_94 = arith.constant 0 : i32
        %dma_start3A_95 = arith.constant 0 : i32
        %dma_start3A_96 = tpu.memref_slice %arg10[%dma_start3A_93, %dma_start3A_94, %dma_start3A_95] : memref<8x128x16xf32, #tpu.memory_space<vmem>> -> memref<1x128x16xf32, #tpu.memory_space<vmem>>
        %dma_start3A_97 = tpu.memref_squeeze %dma_start3A_96 : memref<1x128x16xf32, #tpu.memory_space<vmem>> -> memref<128x16xf32, #tpu.memory_space<vmem>>
        %dma_start3A_98 = arith.constant 0 : i32
        %dma_start3A_99 = tpu.memref_slice %arg8[%dma_start3A_92, %dma_start3A_98] : memref<8x128xi32, #tpu.memory_space<vmem>> -> memref<1x128xi32, #tpu.memory_space<vmem>>
        %dma_start3A_100 = tpu.memref_squeeze %dma_start3A_99 : memref<1x128xi32, #tpu.memory_space<vmem>> -> memref<128xi32, #tpu.memory_space<vmem>>
        %dma_start3A_101 = arith.constant 0 : i32
        %dma_start3A_102 = arith.constant 0 : i32
        %dma_start3A_103 = tpu.memref_slice %arg5[%dma_start3A_101, %dma_start3A_102] : memref<802816x16xf32, #tpu.memory_space<hbm>> -> memref<802816x16xf32, #tpu.memory_space<hbm>>
        tpu.enqueue_indirect_dma source(%dma_start3A_103 : memref<802816x16xf32, #tpu.memory_space<hbm>>) target(%dma_start3A_97 : memref<128x16xf32, #tpu.memory_space<vmem>>) offsets(%dma_start3A_100 : memref<128xi32, #tpu.memory_space<vmem>>) semaphore(%arg12 : memref<!tpu.dma_semaphore, #tpu.memory_space<semaphore_mem>>)
        %dma_start3A_104 = arith.constant 6 : i32
        %dma_start3A_105 = arith.constant 6 : i32
        %dma_start3A_106 = arith.constant 0 : i32
        %dma_start3A_107 = arith.constant 0 : i32
        %dma_start3A_108 = tpu.memref_slice %arg10[%dma_start3A_105, %dma_start3A_106, %dma_start3A_107] : memref<8x128x16xf32, #tpu.memory_space<vmem>> -> memref<1x128x16xf32, #tpu.memory_space<vmem>>
        %dma_start3A_109 = tpu.memref_squeeze %dma_start3A_108 : memref<1x128x16xf32, #tpu.memory_space<vmem>> -> memref<128x16xf32, #tpu.memory_space<vmem>>
        %dma_start3A_110 = arith.constant 0 : i32
        %dma_start3A_111 = tpu.memref_slice %arg8[%dma_start3A_104, %dma_start3A_110] : memref<8x128xi32, #tpu.memory_space<vmem>> -> memref<1x128xi32, #tpu.memory_space<vmem>>
        %dma_start3A_112 = tpu.memref_squeeze %dma_start3A_111 : memref<1x128xi32, #tpu.memory_space<vmem>> -> memref<128xi32, #tpu.memory_space<vmem>>
        %dma_start3A_113 = arith.constant 0 : i32
        %dma_start3A_114 = arith.constant 0 : i32
        %dma_start3A_115 = tpu.memref_slice %arg5[%dma_start3A_113, %dma_start3A_114] : memref<802816x16xf32, #tpu.memory_space<hbm>> -> memref<802816x16xf32, #tpu.memory_space<hbm>>
        tpu.enqueue_indirect_dma source(%dma_start3A_115 : memref<802816x16xf32, #tpu.memory_space<hbm>>) target(%dma_start3A_109 : memref<128x16xf32, #tpu.memory_space<vmem>>) offsets(%dma_start3A_112 : memref<128xi32, #tpu.memory_space<vmem>>) semaphore(%arg12 : memref<!tpu.dma_semaphore, #tpu.memory_space<semaphore_mem>>)
        %dma_start3A_116 = arith.constant 7 : i32
        %dma_start3A_117 = arith.constant 7 : i32
        %dma_start3A_118 = arith.constant 0 : i32
        %dma_start3A_119 = arith.constant 0 : i32
        %dma_start3A_120 = tpu.memref_slice %arg10[%dma_start3A_117, %dma_start3A_118, %dma_start3A_119] : memref<8x128x16xf32, #tpu.memory_space<vmem>> -> memref<1x128x16xf32, #tpu.memory_space<vmem>>
        %dma_start3A_121 = tpu.memref_squeeze %dma_start3A_120 : memref<1x128x16xf32, #tpu.memory_space<vmem>> -> memref<128x16xf32, #tpu.memory_space<vmem>>
        %dma_start3A_122 = arith.constant 0 : i32
        %dma_start3A_123 = tpu.memref_slice %arg8[%dma_start3A_116, %dma_start3A_122] : memref<8x128xi32, #tpu.memory_space<vmem>> -> memref<1x128xi32, #tpu.memory_space<vmem>>
        %dma_start3A_124 = tpu.memref_squeeze %dma_start3A_123 : memref<1x128xi32, #tpu.memory_space<vmem>> -> memref<128xi32, #tpu.memory_space<vmem>>
        %dma_start3A_125 = arith.constant 0 : i32
        %dma_start3A_126 = arith.constant 0 : i32
        %dma_start3A_127 = tpu.memref_slice %arg5[%dma_start3A_125, %dma_start3A_126] : memref<802816x16xf32, #tpu.memory_space<hbm>> -> memref<802816x16xf32, #tpu.memory_space<hbm>>
        tpu.enqueue_indirect_dma source(%dma_start3A_127 : memref<802816x16xf32, #tpu.memory_space<hbm>>) target(%dma_start3A_121 : memref<128x16xf32, #tpu.memory_space<vmem>>) offsets(%dma_start3A_124 : memref<128xi32, #tpu.memory_space<vmem>>) semaphore(%arg12 : memref<!tpu.dma_semaphore, #tpu.memory_space<semaphore_mem>>)
        %dma_wait3A = arith.constant 0 : i32
        %dma_wait3A_128 = arith.constant 0 : i32
        %dma_wait3A_129 = arith.constant 0 : i32
        %dma_wait3A_130 = arith.constant 0 : i32
        %dma_wait3A_131 = tpu.memref_slice %arg10[%dma_wait3A_128, %dma_wait3A_129, %dma_wait3A_130] : memref<8x128x16xf32, #tpu.memory_space<vmem>> -> memref<1x128x16xf32, #tpu.memory_space<vmem>>
        %dma_wait3A_132 = tpu.memref_squeeze %dma_wait3A_131 : memref<1x128x16xf32, #tpu.memory_space<vmem>> -> memref<128x16xf32, #tpu.memory_space<vmem>>
        %dma_wait3A_133 = arith.constant 0 : i32
        %dma_wait3A_134 = tpu.memref_slice %arg8[%dma_wait3A, %dma_wait3A_133] : memref<8x128xi32, #tpu.memory_space<vmem>> -> memref<1x128xi32, #tpu.memory_space<vmem>>
        %dma_wait3A_135 = tpu.memref_squeeze %dma_wait3A_134 : memref<1x128xi32, #tpu.memory_space<vmem>> -> memref<128xi32, #tpu.memory_space<vmem>>
        %dma_wait3A_136 = arith.constant 0 : i32
        %dma_wait3A_137 = arith.constant 0 : i32
        %dma_wait3A_138 = tpu.memref_slice %arg5[%dma_wait3A_136, %dma_wait3A_137] : memref<802816x16xf32, #tpu.memory_space<hbm>> -> memref<802816x16xf32, #tpu.memory_space<hbm>>
        tpu.wait_indirect_dma semaphore(%arg12 : memref<!tpu.dma_semaphore, #tpu.memory_space<semaphore_mem>>) src(%dma_wait3A_138 : memref<802816x16xf32, #tpu.memory_space<hbm>>) dst(%dma_wait3A_132 : memref<128x16xf32, #tpu.memory_space<vmem>>)
        %dma_wait3A_139 = arith.constant 1 : i32
        %dma_wait3A_140 = arith.constant 1 : i32
        %dma_wait3A_141 = arith.constant 0 : i32
        %dma_wait3A_142 = arith.constant 0 : i32
        %dma_wait3A_143 = tpu.memref_slice %arg10[%dma_wait3A_140, %dma_wait3A_141, %dma_wait3A_142] : memref<8x128x16xf32, #tpu.memory_space<vmem>> -> memref<1x128x16xf32, #tpu.memory_space<vmem>>
        %dma_wait3A_144 = tpu.memref_squeeze %dma_wait3A_143 : memref<1x128x16xf32, #tpu.memory_space<vmem>> -> memref<128x16xf32, #tpu.memory_space<vmem>>
        %dma_wait3A_145 = arith.constant 0 : i32
        %dma_wait3A_146 = tpu.memref_slice %arg8[%dma_wait3A_139, %dma_wait3A_145] : memref<8x128xi32, #tpu.memory_space<vmem>> -> memref<1x128xi32, #tpu.memory_space<vmem>>
        %dma_wait3A_147 = tpu.memref_squeeze %dma_wait3A_146 : memref<1x128xi32, #tpu.memory_space<vmem>> -> memref<128xi32, #tpu.memory_space<vmem>>
        %dma_wait3A_148 = arith.constant 0 : i32
        %dma_wait3A_149 = arith.constant 0 : i32
        %dma_wait3A_150 = tpu.memref_slice %arg5[%dma_wait3A_148, %dma_wait3A_149] : memref<802816x16xf32, #tpu.memory_space<hbm>> -> memref<802816x16xf32, #tpu.memory_space<hbm>>
        tpu.wait_indirect_dma semaphore(%arg12 : memref<!tpu.dma_semaphore, #tpu.memory_space<semaphore_mem>>) src(%dma_wait3A_150 : memref<802816x16xf32, #tpu.memory_space<hbm>>) dst(%dma_wait3A_144 : memref<128x16xf32, #tpu.memory_space<vmem>>)
        %dma_wait3A_151 = arith.constant 2 : i32
        %dma_wait3A_152 = arith.constant 2 : i32
        %dma_wait3A_153 = arith.constant 0 : i32
        %dma_wait3A_154 = arith.constant 0 : i32
        %dma_wait3A_155 = tpu.memref_slice %arg10[%dma_wait3A_152, %dma_wait3A_153, %dma_wait3A_154] : memref<8x128x16xf32, #tpu.memory_space<vmem>> -> memref<1x128x16xf32, #tpu.memory_space<vmem>>
        %dma_wait3A_156 = tpu.memref_squeeze %dma_wait3A_155 : memref<1x128x16xf32, #tpu.memory_space<vmem>> -> memref<128x16xf32, #tpu.memory_space<vmem>>
        %dma_wait3A_157 = arith.constant 0 : i32
        %dma_wait3A_158 = tpu.memref_slice %arg8[%dma_wait3A_151, %dma_wait3A_157] : memref<8x128xi32, #tpu.memory_space<vmem>> -> memref<1x128xi32, #tpu.memory_space<vmem>>
        %dma_wait3A_159 = tpu.memref_squeeze %dma_wait3A_158 : memref<1x128xi32, #tpu.memory_space<vmem>> -> memref<128xi32, #tpu.memory_space<vmem>>
        %dma_wait3A_160 = arith.constant 0 : i32
        %dma_wait3A_161 = arith.constant 0 : i32
        %dma_wait3A_162 = tpu.memref_slice %arg5[%dma_wait3A_160, %dma_wait3A_161] : memref<802816x16xf32, #tpu.memory_space<hbm>> -> memref<802816x16xf32, #tpu.memory_space<hbm>>
        tpu.wait_indirect_dma semaphore(%arg12 : memref<!tpu.dma_semaphore, #tpu.memory_space<semaphore_mem>>) src(%dma_wait3A_162 : memref<802816x16xf32, #tpu.memory_space<hbm>>) dst(%dma_wait3A_156 : memref<128x16xf32, #tpu.memory_space<vmem>>)
        %dma_wait3A_163 = arith.constant 3 : i32
        %dma_wait3A_164 = arith.constant 3 : i32
        %dma_wait3A_165 = arith.constant 0 : i32
        %dma_wait3A_166 = arith.constant 0 : i32
        %dma_wait3A_167 = tpu.memref_slice %arg10[%dma_wait3A_164, %dma_wait3A_165, %dma_wait3A_166] : memref<8x128x16xf32, #tpu.memory_space<vmem>> -> memref<1x128x16xf32, #tpu.memory_space<vmem>>
        %dma_wait3A_168 = tpu.memref_squeeze %dma_wait3A_167 : memref<1x128x16xf32, #tpu.memory_space<vmem>> -> memref<128x16xf32, #tpu.memory_space<vmem>>
        %dma_wait3A_169 = arith.constant 0 : i32
        %dma_wait3A_170 = tpu.memref_slice %arg8[%dma_wait3A_163, %dma_wait3A_169] : memref<8x128xi32, #tpu.memory_space<vmem>> -> memref<1x128xi32, #tpu.memory_space<vmem>>
        %dma_wait3A_171 = tpu.memref_squeeze %dma_wait3A_170 : memref<1x128xi32, #tpu.memory_space<vmem>> -> memref<128xi32, #tpu.memory_space<vmem>>
        %dma_wait3A_172 = arith.constant 0 : i32
        %dma_wait3A_173 = arith.constant 0 : i32
        %dma_wait3A_174 = tpu.memref_slice %arg5[%dma_wait3A_172, %dma_wait3A_173] : memref<802816x16xf32, #tpu.memory_space<hbm>> -> memref<802816x16xf32, #tpu.memory_space<hbm>>
        tpu.wait_indirect_dma semaphore(%arg12 : memref<!tpu.dma_semaphore, #tpu.memory_space<semaphore_mem>>) src(%dma_wait3A_174 : memref<802816x16xf32, #tpu.memory_space<hbm>>) dst(%dma_wait3A_168 : memref<128x16xf32, #tpu.memory_space<vmem>>)
        %dma_wait3A_175 = arith.constant 4 : i32
        %dma_wait3A_176 = arith.constant 4 : i32
        %dma_wait3A_177 = arith.constant 0 : i32
        %dma_wait3A_178 = arith.constant 0 : i32
        %dma_wait3A_179 = tpu.memref_slice %arg10[%dma_wait3A_176, %dma_wait3A_177, %dma_wait3A_178] : memref<8x128x16xf32, #tpu.memory_space<vmem>> -> memref<1x128x16xf32, #tpu.memory_space<vmem>>
        %dma_wait3A_180 = tpu.memref_squeeze %dma_wait3A_179 : memref<1x128x16xf32, #tpu.memory_space<vmem>> -> memref<128x16xf32, #tpu.memory_space<vmem>>
        %dma_wait3A_181 = arith.constant 0 : i32
        %dma_wait3A_182 = tpu.memref_slice %arg8[%dma_wait3A_175, %dma_wait3A_181] : memref<8x128xi32, #tpu.memory_space<vmem>> -> memref<1x128xi32, #tpu.memory_space<vmem>>
        %dma_wait3A_183 = tpu.memref_squeeze %dma_wait3A_182 : memref<1x128xi32, #tpu.memory_space<vmem>> -> memref<128xi32, #tpu.memory_space<vmem>>
        %dma_wait3A_184 = arith.constant 0 : i32
        %dma_wait3A_185 = arith.constant 0 : i32
        %dma_wait3A_186 = tpu.memref_slice %arg5[%dma_wait3A_184, %dma_wait3A_185] : memref<802816x16xf32, #tpu.memory_space<hbm>> -> memref<802816x16xf32, #tpu.memory_space<hbm>>
        tpu.wait_indirect_dma semaphore(%arg12 : memref<!tpu.dma_semaphore, #tpu.memory_space<semaphore_mem>>) src(%dma_wait3A_186 : memref<802816x16xf32, #tpu.memory_space<hbm>>) dst(%dma_wait3A_180 : memref<128x16xf32, #tpu.memory_space<vmem>>)
        %dma_wait3A_187 = arith.constant 5 : i32
        %dma_wait3A_188 = arith.constant 5 : i32
        %dma_wait3A_189 = arith.constant 0 : i32
        %dma_wait3A_190 = arith.constant 0 : i32
        %dma_wait3A_191 = tpu.memref_slice %arg10[%dma_wait3A_188, %dma_wait3A_189, %dma_wait3A_190] : memref<8x128x16xf32, #tpu.memory_space<vmem>> -> memref<1x128x16xf32, #tpu.memory_space<vmem>>
        %dma_wait3A_192 = tpu.memref_squeeze %dma_wait3A_191 : memref<1x128x16xf32, #tpu.memory_space<vmem>> -> memref<128x16xf32, #tpu.memory_space<vmem>>
        %dma_wait3A_193 = arith.constant 0 : i32
        %dma_wait3A_194 = tpu.memref_slice %arg8[%dma_wait3A_187, %dma_wait3A_193] : memref<8x128xi32, #tpu.memory_space<vmem>> -> memref<1x128xi32, #tpu.memory_space<vmem>>
        %dma_wait3A_195 = tpu.memref_squeeze %dma_wait3A_194 : memref<1x128xi32, #tpu.memory_space<vmem>> -> memref<128xi32, #tpu.memory_space<vmem>>
        %dma_wait3A_196 = arith.constant 0 : i32
        %dma_wait3A_197 = arith.constant 0 : i32
        %dma_wait3A_198 = tpu.memref_slice %arg5[%dma_wait3A_196, %dma_wait3A_197] : memref<802816x16xf32, #tpu.memory_space<hbm>> -> memref<802816x16xf32, #tpu.memory_space<hbm>>
        tpu.wait_indirect_dma semaphore(%arg12 : memref<!tpu.dma_semaphore, #tpu.memory_space<semaphore_mem>>) src(%dma_wait3A_198 : memref<802816x16xf32, #tpu.memory_space<hbm>>) dst(%dma_wait3A_192 : memref<128x16xf32, #tpu.memory_space<vmem>>)
        %dma_wait3A_199 = arith.constant 6 : i32
        %dma_wait3A_200 = arith.constant 6 : i32
        %dma_wait3A_201 = arith.constant 0 : i32
        %dma_wait3A_202 = arith.constant 0 : i32
        %dma_wait3A_203 = tpu.memref_slice %arg10[%dma_wait3A_200, %dma_wait3A_201, %dma_wait3A_202] : memref<8x128x16xf32, #tpu.memory_space<vmem>> -> memref<1x128x16xf32, #tpu.memory_space<vmem>>
        %dma_wait3A_204 = tpu.memref_squeeze %dma_wait3A_203 : memref<1x128x16xf32, #tpu.memory_space<vmem>> -> memref<128x16xf32, #tpu.memory_space<vmem>>
        %dma_wait3A_205 = arith.constant 0 : i32
        %dma_wait3A_206 = tpu.memref_slice %arg8[%dma_wait3A_199, %dma_wait3A_205] : memref<8x128xi32, #tpu.memory_space<vmem>> -> memref<1x128xi32, #tpu.memory_space<vmem>>
        %dma_wait3A_207 = tpu.memref_squeeze %dma_wait3A_206 : memref<1x128xi32, #tpu.memory_space<vmem>> -> memref<128xi32, #tpu.memory_space<vmem>>
        %dma_wait3A_208 = arith.constant 0 : i32
        %dma_wait3A_209 = arith.constant 0 : i32
        %dma_wait3A_210 = tpu.memref_slice %arg5[%dma_wait3A_208, %dma_wait3A_209] : memref<802816x16xf32, #tpu.memory_space<hbm>> -> memref<802816x16xf32, #tpu.memory_space<hbm>>
        tpu.wait_indirect_dma semaphore(%arg12 : memref<!tpu.dma_semaphore, #tpu.memory_space<semaphore_mem>>) src(%dma_wait3A_210 : memref<802816x16xf32, #tpu.memory_space<hbm>>) dst(%dma_wait3A_204 : memref<128x16xf32, #tpu.memory_space<vmem>>)
        %dma_wait3A_211 = arith.constant 7 : i32
        %dma_wait3A_212 = arith.constant 7 : i32
        %dma_wait3A_213 = arith.constant 0 : i32
        %dma_wait3A_214 = arith.constant 0 : i32
        %dma_wait3A_215 = tpu.memref_slice %arg10[%dma_wait3A_212, %dma_wait3A_213, %dma_wait3A_214] : memref<8x128x16xf32, #tpu.memory_space<vmem>> -> memref<1x128x16xf32, #tpu.memory_space<vmem>>
        %dma_wait3A_216 = tpu.memref_squeeze %dma_wait3A_215 : memref<1x128x16xf32, #tpu.memory_space<vmem>> -> memref<128x16xf32, #tpu.memory_space<vmem>>
        %dma_wait3A_217 = arith.constant 0 : i32
        %dma_wait3A_218 = tpu.memref_slice %arg8[%dma_wait3A_211, %dma_wait3A_217] : memref<8x128xi32, #tpu.memory_space<vmem>> -> memref<1x128xi32, #tpu.memory_space<vmem>>
        %dma_wait3A_219 = tpu.memref_squeeze %dma_wait3A_218 : memref<1x128xi32, #tpu.memory_space<vmem>> -> memref<128xi32, #tpu.memory_space<vmem>>
        %dma_wait3A_220 = arith.constant 0 : i32
        %dma_wait3A_221 = arith.constant 0 : i32
        %dma_wait3A_222 = tpu.memref_slice %arg5[%dma_wait3A_220, %dma_wait3A_221] : memref<802816x16xf32, #tpu.memory_space<hbm>> -> memref<802816x16xf32, #tpu.memory_space<hbm>>
        tpu.wait_indirect_dma semaphore(%arg12 : memref<!tpu.dma_semaphore, #tpu.memory_space<semaphore_mem>>) src(%dma_wait3A_222 : memref<802816x16xf32, #tpu.memory_space<hbm>>) dst(%dma_wait3A_216 : memref<128x16xf32, #tpu.memory_space<vmem>>)
        %dma_start3A_223 = arith.constant 0 : i32
        %dma_start3A_224 = arith.constant 0 : i32
        %dma_start3A_225 = arith.constant 0 : i32
        %dma_start3A_226 = arith.constant 0 : i32
        %dma_start3A_227 = tpu.memref_slice %arg10[%dma_start3A_223, %dma_start3A_225, %dma_start3A_226] : memref<8x128x16xf32, #tpu.memory_space<vmem>> -> memref<1x128x16xf32, #tpu.memory_space<vmem>>
        %dma_start3A_228 = tpu.memref_squeeze %dma_start3A_227 : memref<1x128x16xf32, #tpu.memory_space<vmem>> -> memref<128x16xf32, #tpu.memory_space<vmem>>
        %dma_start3A_229 = arith.constant 0 : i32
        %dma_start3A_230 = tpu.memref_slice %arg9[%dma_start3A_224, %dma_start3A_229] : memref<8x128xi32, #tpu.memory_space<vmem>> -> memref<1x128xi32, #tpu.memory_space<vmem>>
        %dma_start3A_231 = tpu.memref_squeeze %dma_start3A_230 : memref<1x128xi32, #tpu.memory_space<vmem>> -> memref<128xi32, #tpu.memory_space<vmem>>
        %dma_start3A_232 = arith.constant 0 : i32
        %dma_start3A_233 = arith.constant 0 : i32
        %dma_start3A_234 = tpu.memref_slice %arg11[%dma_start3A_232, %dma_start3A_233] : memref<100352x16xf32, #tpu.memory_space<vmem_shared>> -> memref<100352x16xf32, #tpu.memory_space<vmem_shared>>
        tpu.enqueue_indirect_dma source(%dma_start3A_228 : memref<128x16xf32, #tpu.memory_space<vmem>>) target(%dma_start3A_234 : memref<100352x16xf32, #tpu.memory_space<vmem_shared>>) offsets(%dma_start3A_231 : memref<128xi32, #tpu.memory_space<vmem>>) semaphore(%arg13 : memref<!tpu.dma_semaphore, #tpu.memory_space<semaphore_mem>>) {add = true}
        %dma_start3A_235 = arith.constant 1 : i32
        %dma_start3A_236 = arith.constant 1 : i32
        %dma_start3A_237 = arith.constant 0 : i32
        %dma_start3A_238 = arith.constant 0 : i32
        %dma_start3A_239 = tpu.memref_slice %arg10[%dma_start3A_235, %dma_start3A_237, %dma_start3A_238] : memref<8x128x16xf32, #tpu.memory_space<vmem>> -> memref<1x128x16xf32, #tpu.memory_space<vmem>>
        %dma_start3A_240 = tpu.memref_squeeze %dma_start3A_239 : memref<1x128x16xf32, #tpu.memory_space<vmem>> -> memref<128x16xf32, #tpu.memory_space<vmem>>
        %dma_start3A_241 = arith.constant 0 : i32
        %dma_start3A_242 = tpu.memref_slice %arg9[%dma_start3A_236, %dma_start3A_241] : memref<8x128xi32, #tpu.memory_space<vmem>> -> memref<1x128xi32, #tpu.memory_space<vmem>>
        %dma_start3A_243 = tpu.memref_squeeze %dma_start3A_242 : memref<1x128xi32, #tpu.memory_space<vmem>> -> memref<128xi32, #tpu.memory_space<vmem>>
        %dma_start3A_244 = arith.constant 0 : i32
        %dma_start3A_245 = arith.constant 0 : i32
        %dma_start3A_246 = tpu.memref_slice %arg11[%dma_start3A_244, %dma_start3A_245] : memref<100352x16xf32, #tpu.memory_space<vmem_shared>> -> memref<100352x16xf32, #tpu.memory_space<vmem_shared>>
        tpu.enqueue_indirect_dma source(%dma_start3A_240 : memref<128x16xf32, #tpu.memory_space<vmem>>) target(%dma_start3A_246 : memref<100352x16xf32, #tpu.memory_space<vmem_shared>>) offsets(%dma_start3A_243 : memref<128xi32, #tpu.memory_space<vmem>>) semaphore(%arg13 : memref<!tpu.dma_semaphore, #tpu.memory_space<semaphore_mem>>) {add = true}
        %dma_start3A_247 = arith.constant 2 : i32
        %dma_start3A_248 = arith.constant 2 : i32
        %dma_start3A_249 = arith.constant 0 : i32
        %dma_start3A_250 = arith.constant 0 : i32
        %dma_start3A_251 = tpu.memref_slice %arg10[%dma_start3A_247, %dma_start3A_249, %dma_start3A_250] : memref<8x128x16xf32, #tpu.memory_space<vmem>> -> memref<1x128x16xf32, #tpu.memory_space<vmem>>
        %dma_start3A_252 = tpu.memref_squeeze %dma_start3A_251 : memref<1x128x16xf32, #tpu.memory_space<vmem>> -> memref<128x16xf32, #tpu.memory_space<vmem>>
        %dma_start3A_253 = arith.constant 0 : i32
        %dma_start3A_254 = tpu.memref_slice %arg9[%dma_start3A_248, %dma_start3A_253] : memref<8x128xi32, #tpu.memory_space<vmem>> -> memref<1x128xi32, #tpu.memory_space<vmem>>
        %dma_start3A_255 = tpu.memref_squeeze %dma_start3A_254 : memref<1x128xi32, #tpu.memory_space<vmem>> -> memref<128xi32, #tpu.memory_space<vmem>>
        %dma_start3A_256 = arith.constant 0 : i32
        %dma_start3A_257 = arith.constant 0 : i32
        %dma_start3A_258 = tpu.memref_slice %arg11[%dma_start3A_256, %dma_start3A_257] : memref<100352x16xf32, #tpu.memory_space<vmem_shared>> -> memref<100352x16xf32, #tpu.memory_space<vmem_shared>>
        tpu.enqueue_indirect_dma source(%dma_start3A_252 : memref<128x16xf32, #tpu.memory_space<vmem>>) target(%dma_start3A_258 : memref<100352x16xf32, #tpu.memory_space<vmem_shared>>) offsets(%dma_start3A_255 : memref<128xi32, #tpu.memory_space<vmem>>) semaphore(%arg13 : memref<!tpu.dma_semaphore, #tpu.memory_space<semaphore_mem>>) {add = true}
        %dma_start3A_259 = arith.constant 3 : i32
        %dma_start3A_260 = arith.constant 3 : i32
        %dma_start3A_261 = arith.constant 0 : i32
        %dma_start3A_262 = arith.constant 0 : i32
        %dma_start3A_263 = tpu.memref_slice %arg10[%dma_start3A_259, %dma_start3A_261, %dma_start3A_262] : memref<8x128x16xf32, #tpu.memory_space<vmem>> -> memref<1x128x16xf32, #tpu.memory_space<vmem>>
        %dma_start3A_264 = tpu.memref_squeeze %dma_start3A_263 : memref<1x128x16xf32, #tpu.memory_space<vmem>> -> memref<128x16xf32, #tpu.memory_space<vmem>>
        %dma_start3A_265 = arith.constant 0 : i32
        %dma_start3A_266 = tpu.memref_slice %arg9[%dma_start3A_260, %dma_start3A_265] : memref<8x128xi32, #tpu.memory_space<vmem>> -> memref<1x128xi32, #tpu.memory_space<vmem>>
        %dma_start3A_267 = tpu.memref_squeeze %dma_start3A_266 : memref<1x128xi32, #tpu.memory_space<vmem>> -> memref<128xi32, #tpu.memory_space<vmem>>
        %dma_start3A_268 = arith.constant 0 : i32
        %dma_start3A_269 = arith.constant 0 : i32
        %dma_start3A_270 = tpu.memref_slice %arg11[%dma_start3A_268, %dma_start3A_269] : memref<100352x16xf32, #tpu.memory_space<vmem_shared>> -> memref<100352x16xf32, #tpu.memory_space<vmem_shared>>
        tpu.enqueue_indirect_dma source(%dma_start3A_264 : memref<128x16xf32, #tpu.memory_space<vmem>>) target(%dma_start3A_270 : memref<100352x16xf32, #tpu.memory_space<vmem_shared>>) offsets(%dma_start3A_267 : memref<128xi32, #tpu.memory_space<vmem>>) semaphore(%arg13 : memref<!tpu.dma_semaphore, #tpu.memory_space<semaphore_mem>>) {add = true}
        %dma_start3A_271 = arith.constant 4 : i32
        %dma_start3A_272 = arith.constant 4 : i32
        %dma_start3A_273 = arith.constant 0 : i32
        %dma_start3A_274 = arith.constant 0 : i32
        %dma_start3A_275 = tpu.memref_slice %arg10[%dma_start3A_271, %dma_start3A_273, %dma_start3A_274] : memref<8x128x16xf32, #tpu.memory_space<vmem>> -> memref<1x128x16xf32, #tpu.memory_space<vmem>>
        %dma_start3A_276 = tpu.memref_squeeze %dma_start3A_275 : memref<1x128x16xf32, #tpu.memory_space<vmem>> -> memref<128x16xf32, #tpu.memory_space<vmem>>
        %dma_start3A_277 = arith.constant 0 : i32
        %dma_start3A_278 = tpu.memref_slice %arg9[%dma_start3A_272, %dma_start3A_277] : memref<8x128xi32, #tpu.memory_space<vmem>> -> memref<1x128xi32, #tpu.memory_space<vmem>>
        %dma_start3A_279 = tpu.memref_squeeze %dma_start3A_278 : memref<1x128xi32, #tpu.memory_space<vmem>> -> memref<128xi32, #tpu.memory_space<vmem>>
        %dma_start3A_280 = arith.constant 0 : i32
        %dma_start3A_281 = arith.constant 0 : i32
        %dma_start3A_282 = tpu.memref_slice %arg11[%dma_start3A_280, %dma_start3A_281] : memref<100352x16xf32, #tpu.memory_space<vmem_shared>> -> memref<100352x16xf32, #tpu.memory_space<vmem_shared>>
        tpu.enqueue_indirect_dma source(%dma_start3A_276 : memref<128x16xf32, #tpu.memory_space<vmem>>) target(%dma_start3A_282 : memref<100352x16xf32, #tpu.memory_space<vmem_shared>>) offsets(%dma_start3A_279 : memref<128xi32, #tpu.memory_space<vmem>>) semaphore(%arg13 : memref<!tpu.dma_semaphore, #tpu.memory_space<semaphore_mem>>) {add = true}
        %dma_start3A_283 = arith.constant 5 : i32
        %dma_start3A_284 = arith.constant 5 : i32
        %dma_start3A_285 = arith.constant 0 : i32
        %dma_start3A_286 = arith.constant 0 : i32
        %dma_start3A_287 = tpu.memref_slice %arg10[%dma_start3A_283, %dma_start3A_285, %dma_start3A_286] : memref<8x128x16xf32, #tpu.memory_space<vmem>> -> memref<1x128x16xf32, #tpu.memory_space<vmem>>
        %dma_start3A_288 = tpu.memref_squeeze %dma_start3A_287 : memref<1x128x16xf32, #tpu.memory_space<vmem>> -> memref<128x16xf32, #tpu.memory_space<vmem>>
        %dma_start3A_289 = arith.constant 0 : i32
        %dma_start3A_290 = tpu.memref_slice %arg9[%dma_start3A_284, %dma_start3A_289] : memref<8x128xi32, #tpu.memory_space<vmem>> -> memref<1x128xi32, #tpu.memory_space<vmem>>
        %dma_start3A_291 = tpu.memref_squeeze %dma_start3A_290 : memref<1x128xi32, #tpu.memory_space<vmem>> -> memref<128xi32, #tpu.memory_space<vmem>>
        %dma_start3A_292 = arith.constant 0 : i32
        %dma_start3A_293 = arith.constant 0 : i32
        %dma_start3A_294 = tpu.memref_slice %arg11[%dma_start3A_292, %dma_start3A_293] : memref<100352x16xf32, #tpu.memory_space<vmem_shared>> -> memref<100352x16xf32, #tpu.memory_space<vmem_shared>>
        tpu.enqueue_indirect_dma source(%dma_start3A_288 : memref<128x16xf32, #tpu.memory_space<vmem>>) target(%dma_start3A_294 : memref<100352x16xf32, #tpu.memory_space<vmem_shared>>) offsets(%dma_start3A_291 : memref<128xi32, #tpu.memory_space<vmem>>) semaphore(%arg13 : memref<!tpu.dma_semaphore, #tpu.memory_space<semaphore_mem>>) {add = true}
        %dma_start3A_295 = arith.constant 6 : i32
        %dma_start3A_296 = arith.constant 6 : i32
        %dma_start3A_297 = arith.constant 0 : i32
        %dma_start3A_298 = arith.constant 0 : i32
        %dma_start3A_299 = tpu.memref_slice %arg10[%dma_start3A_295, %dma_start3A_297, %dma_start3A_298] : memref<8x128x16xf32, #tpu.memory_space<vmem>> -> memref<1x128x16xf32, #tpu.memory_space<vmem>>
        %dma_start3A_300 = tpu.memref_squeeze %dma_start3A_299 : memref<1x128x16xf32, #tpu.memory_space<vmem>> -> memref<128x16xf32, #tpu.memory_space<vmem>>
        %dma_start3A_301 = arith.constant 0 : i32
        %dma_start3A_302 = tpu.memref_slice %arg9[%dma_start3A_296, %dma_start3A_301] : memref<8x128xi32, #tpu.memory_space<vmem>> -> memref<1x128xi32, #tpu.memory_space<vmem>>
        %dma_start3A_303 = tpu.memref_squeeze %dma_start3A_302 : memref<1x128xi32, #tpu.memory_space<vmem>> -> memref<128xi32, #tpu.memory_space<vmem>>
        %dma_start3A_304 = arith.constant 0 : i32
        %dma_start3A_305 = arith.constant 0 : i32
        %dma_start3A_306 = tpu.memref_slice %arg11[%dma_start3A_304, %dma_start3A_305] : memref<100352x16xf32, #tpu.memory_space<vmem_shared>> -> memref<100352x16xf32, #tpu.memory_space<vmem_shared>>
        tpu.enqueue_indirect_dma source(%dma_start3A_300 : memref<128x16xf32, #tpu.memory_space<vmem>>) target(%dma_start3A_306 : memref<100352x16xf32, #tpu.memory_space<vmem_shared>>) offsets(%dma_start3A_303 : memref<128xi32, #tpu.memory_space<vmem>>) semaphore(%arg13 : memref<!tpu.dma_semaphore, #tpu.memory_space<semaphore_mem>>) {add = true}
        %dma_start3A_307 = arith.constant 7 : i32
        %dma_start3A_308 = arith.constant 7 : i32
        %dma_start3A_309 = arith.constant 0 : i32
        %dma_start3A_310 = arith.constant 0 : i32
        %dma_start3A_311 = tpu.memref_slice %arg10[%dma_start3A_307, %dma_start3A_309, %dma_start3A_310] : memref<8x128x16xf32, #tpu.memory_space<vmem>> -> memref<1x128x16xf32, #tpu.memory_space<vmem>>
        %dma_start3A_312 = tpu.memref_squeeze %dma_start3A_311 : memref<1x128x16xf32, #tpu.memory_space<vmem>> -> memref<128x16xf32, #tpu.memory_space<vmem>>
        %dma_start3A_313 = arith.constant 0 : i32
        %dma_start3A_314 = tpu.memref_slice %arg9[%dma_start3A_308, %dma_start3A_313] : memref<8x128xi32, #tpu.memory_space<vmem>> -> memref<1x128xi32, #tpu.memory_space<vmem>>
        %dma_start3A_315 = tpu.memref_squeeze %dma_start3A_314 : memref<1x128xi32, #tpu.memory_space<vmem>> -> memref<128xi32, #tpu.memory_space<vmem>>
        %dma_start3A_316 = arith.constant 0 : i32
        %dma_start3A_317 = arith.constant 0 : i32
        %dma_start3A_318 = tpu.memref_slice %arg11[%dma_start3A_316, %dma_start3A_317] : memref<100352x16xf32, #tpu.memory_space<vmem_shared>> -> memref<100352x16xf32, #tpu.memory_space<vmem_shared>>
        tpu.enqueue_indirect_dma source(%dma_start3A_312 : memref<128x16xf32, #tpu.memory_space<vmem>>) target(%dma_start3A_318 : memref<100352x16xf32, #tpu.memory_space<vmem_shared>>) offsets(%dma_start3A_315 : memref<128xi32, #tpu.memory_space<vmem>>) semaphore(%arg13 : memref<!tpu.dma_semaphore, #tpu.memory_space<semaphore_mem>>) {add = true}
        %dma_wait3A_319 = arith.constant 0 : i32
        %dma_wait3A_320 = arith.constant 0 : i32
        %dma_wait3A_321 = arith.constant 0 : i32
        %dma_wait3A_322 = arith.constant 0 : i32
        %dma_wait3A_323 = tpu.memref_slice %arg10[%dma_wait3A_319, %dma_wait3A_321, %dma_wait3A_322] : memref<8x128x16xf32, #tpu.memory_space<vmem>> -> memref<1x128x16xf32, #tpu.memory_space<vmem>>
        %dma_wait3A_324 = tpu.memref_squeeze %dma_wait3A_323 : memref<1x128x16xf32, #tpu.memory_space<vmem>> -> memref<128x16xf32, #tpu.memory_space<vmem>>
        %dma_wait3A_325 = arith.constant 0 : i32
        %dma_wait3A_326 = tpu.memref_slice %arg9[%dma_wait3A_320, %dma_wait3A_325] : memref<8x128xi32, #tpu.memory_space<vmem>> -> memref<1x128xi32, #tpu.memory_space<vmem>>
        %dma_wait3A_327 = tpu.memref_squeeze %dma_wait3A_326 : memref<1x128xi32, #tpu.memory_space<vmem>> -> memref<128xi32, #tpu.memory_space<vmem>>
        %dma_wait3A_328 = arith.constant 0 : i32
        %dma_wait3A_329 = arith.constant 0 : i32
        %dma_wait3A_330 = tpu.memref_slice %arg11[%dma_wait3A_328, %dma_wait3A_329] : memref<100352x16xf32, #tpu.memory_space<vmem_shared>> -> memref<100352x16xf32, #tpu.memory_space<vmem_shared>>
        tpu.wait_indirect_dma semaphore(%arg13 : memref<!tpu.dma_semaphore, #tpu.memory_space<semaphore_mem>>) src(%dma_wait3A_324 : memref<128x16xf32, #tpu.memory_space<vmem>>) dst(%dma_wait3A_330 : memref<100352x16xf32, #tpu.memory_space<vmem_shared>>)
        %dma_wait3A_331 = arith.constant 1 : i32
        %dma_wait3A_332 = arith.constant 1 : i32
        %dma_wait3A_333 = arith.constant 0 : i32
        %dma_wait3A_334 = arith.constant 0 : i32
        %dma_wait3A_335 = tpu.memref_slice %arg10[%dma_wait3A_331, %dma_wait3A_333, %dma_wait3A_334] : memref<8x128x16xf32, #tpu.memory_space<vmem>> -> memref<1x128x16xf32, #tpu.memory_space<vmem>>
        %dma_wait3A_336 = tpu.memref_squeeze %dma_wait3A_335 : memref<1x128x16xf32, #tpu.memory_space<vmem>> -> memref<128x16xf32, #tpu.memory_space<vmem>>
        %dma_wait3A_337 = arith.constant 0 : i32
        %dma_wait3A_338 = tpu.memref_slice %arg9[%dma_wait3A_332, %dma_wait3A_337] : memref<8x128xi32, #tpu.memory_space<vmem>> -> memref<1x128xi32, #tpu.memory_space<vmem>>
        %dma_wait3A_339 = tpu.memref_squeeze %dma_wait3A_338 : memref<1x128xi32, #tpu.memory_space<vmem>> -> memref<128xi32, #tpu.memory_space<vmem>>
        %dma_wait3A_340 = arith.constant 0 : i32
        %dma_wait3A_341 = arith.constant 0 : i32
        %dma_wait3A_342 = tpu.memref_slice %arg11[%dma_wait3A_340, %dma_wait3A_341] : memref<100352x16xf32, #tpu.memory_space<vmem_shared>> -> memref<100352x16xf32, #tpu.memory_space<vmem_shared>>
        tpu.wait_indirect_dma semaphore(%arg13 : memref<!tpu.dma_semaphore, #tpu.memory_space<semaphore_mem>>) src(%dma_wait3A_336 : memref<128x16xf32, #tpu.memory_space<vmem>>) dst(%dma_wait3A_342 : memref<100352x16xf32, #tpu.memory_space<vmem_shared>>)
        %dma_wait3A_343 = arith.constant 2 : i32
        %dma_wait3A_344 = arith.constant 2 : i32
        %dma_wait3A_345 = arith.constant 0 : i32
        %dma_wait3A_346 = arith.constant 0 : i32
        %dma_wait3A_347 = tpu.memref_slice %arg10[%dma_wait3A_343, %dma_wait3A_345, %dma_wait3A_346] : memref<8x128x16xf32, #tpu.memory_space<vmem>> -> memref<1x128x16xf32, #tpu.memory_space<vmem>>
        %dma_wait3A_348 = tpu.memref_squeeze %dma_wait3A_347 : memref<1x128x16xf32, #tpu.memory_space<vmem>> -> memref<128x16xf32, #tpu.memory_space<vmem>>
        %dma_wait3A_349 = arith.constant 0 : i32
        %dma_wait3A_350 = tpu.memref_slice %arg9[%dma_wait3A_344, %dma_wait3A_349] : memref<8x128xi32, #tpu.memory_space<vmem>> -> memref<1x128xi32, #tpu.memory_space<vmem>>
        %dma_wait3A_351 = tpu.memref_squeeze %dma_wait3A_350 : memref<1x128xi32, #tpu.memory_space<vmem>> -> memref<128xi32, #tpu.memory_space<vmem>>
        %dma_wait3A_352 = arith.constant 0 : i32
        %dma_wait3A_353 = arith.constant 0 : i32
        %dma_wait3A_354 = tpu.memref_slice %arg11[%dma_wait3A_352, %dma_wait3A_353] : memref<100352x16xf32, #tpu.memory_space<vmem_shared>> -> memref<100352x16xf32, #tpu.memory_space<vmem_shared>>
        tpu.wait_indirect_dma semaphore(%arg13 : memref<!tpu.dma_semaphore, #tpu.memory_space<semaphore_mem>>) src(%dma_wait3A_348 : memref<128x16xf32, #tpu.memory_space<vmem>>) dst(%dma_wait3A_354 : memref<100352x16xf32, #tpu.memory_space<vmem_shared>>)
        %dma_wait3A_355 = arith.constant 3 : i32
        %dma_wait3A_356 = arith.constant 3 : i32
        %dma_wait3A_357 = arith.constant 0 : i32
        %dma_wait3A_358 = arith.constant 0 : i32
        %dma_wait3A_359 = tpu.memref_slice %arg10[%dma_wait3A_355, %dma_wait3A_357, %dma_wait3A_358] : memref<8x128x16xf32, #tpu.memory_space<vmem>> -> memref<1x128x16xf32, #tpu.memory_space<vmem>>
        %dma_wait3A_360 = tpu.memref_squeeze %dma_wait3A_359 : memref<1x128x16xf32, #tpu.memory_space<vmem>> -> memref<128x16xf32, #tpu.memory_space<vmem>>
        %dma_wait3A_361 = arith.constant 0 : i32
        %dma_wait3A_362 = tpu.memref_slice %arg9[%dma_wait3A_356, %dma_wait3A_361] : memref<8x128xi32, #tpu.memory_space<vmem>> -> memref<1x128xi32, #tpu.memory_space<vmem>>
        %dma_wait3A_363 = tpu.memref_squeeze %dma_wait3A_362 : memref<1x128xi32, #tpu.memory_space<vmem>> -> memref<128xi32, #tpu.memory_space<vmem>>
        %dma_wait3A_364 = arith.constant 0 : i32
        %dma_wait3A_365 = arith.constant 0 : i32
        %dma_wait3A_366 = tpu.memref_slice %arg11[%dma_wait3A_364, %dma_wait3A_365] : memref<100352x16xf32, #tpu.memory_space<vmem_shared>> -> memref<100352x16xf32, #tpu.memory_space<vmem_shared>>
        tpu.wait_indirect_dma semaphore(%arg13 : memref<!tpu.dma_semaphore, #tpu.memory_space<semaphore_mem>>) src(%dma_wait3A_360 : memref<128x16xf32, #tpu.memory_space<vmem>>) dst(%dma_wait3A_366 : memref<100352x16xf32, #tpu.memory_space<vmem_shared>>)
        %dma_wait3A_367 = arith.constant 4 : i32
        %dma_wait3A_368 = arith.constant 4 : i32
        %dma_wait3A_369 = arith.constant 0 : i32
        %dma_wait3A_370 = arith.constant 0 : i32
        %dma_wait3A_371 = tpu.memref_slice %arg10[%dma_wait3A_367, %dma_wait3A_369, %dma_wait3A_370] : memref<8x128x16xf32, #tpu.memory_space<vmem>> -> memref<1x128x16xf32, #tpu.memory_space<vmem>>
        %dma_wait3A_372 = tpu.memref_squeeze %dma_wait3A_371 : memref<1x128x16xf32, #tpu.memory_space<vmem>> -> memref<128x16xf32, #tpu.memory_space<vmem>>
        %dma_wait3A_373 = arith.constant 0 : i32
        %dma_wait3A_374 = tpu.memref_slice %arg9[%dma_wait3A_368, %dma_wait3A_373] : memref<8x128xi32, #tpu.memory_space<vmem>> -> memref<1x128xi32, #tpu.memory_space<vmem>>
        %dma_wait3A_375 = tpu.memref_squeeze %dma_wait3A_374 : memref<1x128xi32, #tpu.memory_space<vmem>> -> memref<128xi32, #tpu.memory_space<vmem>>
        %dma_wait3A_376 = arith.constant 0 : i32
        %dma_wait3A_377 = arith.constant 0 : i32
        %dma_wait3A_378 = tpu.memref_slice %arg11[%dma_wait3A_376, %dma_wait3A_377] : memref<100352x16xf32, #tpu.memory_space<vmem_shared>> -> memref<100352x16xf32, #tpu.memory_space<vmem_shared>>
        tpu.wait_indirect_dma semaphore(%arg13 : memref<!tpu.dma_semaphore, #tpu.memory_space<semaphore_mem>>) src(%dma_wait3A_372 : memref<128x16xf32, #tpu.memory_space<vmem>>) dst(%dma_wait3A_378 : memref<100352x16xf32, #tpu.memory_space<vmem_shared>>)
        %dma_wait3A_379 = arith.constant 5 : i32
        %dma_wait3A_380 = arith.constant 5 : i32
        %dma_wait3A_381 = arith.constant 0 : i32
        %dma_wait3A_382 = arith.constant 0 : i32
        %dma_wait3A_383 = tpu.memref_slice %arg10[%dma_wait3A_379, %dma_wait3A_381, %dma_wait3A_382] : memref<8x128x16xf32, #tpu.memory_space<vmem>> -> memref<1x128x16xf32, #tpu.memory_space<vmem>>
        %dma_wait3A_384 = tpu.memref_squeeze %dma_wait3A_383 : memref<1x128x16xf32, #tpu.memory_space<vmem>> -> memref<128x16xf32, #tpu.memory_space<vmem>>
        %dma_wait3A_385 = arith.constant 0 : i32
        %dma_wait3A_386 = tpu.memref_slice %arg9[%dma_wait3A_380, %dma_wait3A_385] : memref<8x128xi32, #tpu.memory_space<vmem>> -> memref<1x128xi32, #tpu.memory_space<vmem>>
        %dma_wait3A_387 = tpu.memref_squeeze %dma_wait3A_386 : memref<1x128xi32, #tpu.memory_space<vmem>> -> memref<128xi32, #tpu.memory_space<vmem>>
        %dma_wait3A_388 = arith.constant 0 : i32
        %dma_wait3A_389 = arith.constant 0 : i32
        %dma_wait3A_390 = tpu.memref_slice %arg11[%dma_wait3A_388, %dma_wait3A_389] : memref<100352x16xf32, #tpu.memory_space<vmem_shared>> -> memref<100352x16xf32, #tpu.memory_space<vmem_shared>>
        tpu.wait_indirect_dma semaphore(%arg13 : memref<!tpu.dma_semaphore, #tpu.memory_space<semaphore_mem>>) src(%dma_wait3A_384 : memref<128x16xf32, #tpu.memory_space<vmem>>) dst(%dma_wait3A_390 : memref<100352x16xf32, #tpu.memory_space<vmem_shared>>)
        %dma_wait3A_391 = arith.constant 6 : i32
        %dma_wait3A_392 = arith.constant 6 : i32
        %dma_wait3A_393 = arith.constant 0 : i32
        %dma_wait3A_394 = arith.constant 0 : i32
        %dma_wait3A_395 = tpu.memref_slice %arg10[%dma_wait3A_391, %dma_wait3A_393, %dma_wait3A_394] : memref<8x128x16xf32, #tpu.memory_space<vmem>> -> memref<1x128x16xf32, #tpu.memory_space<vmem>>
        %dma_wait3A_396 = tpu.memref_squeeze %dma_wait3A_395 : memref<1x128x16xf32, #tpu.memory_space<vmem>> -> memref<128x16xf32, #tpu.memory_space<vmem>>
        %dma_wait3A_397 = arith.constant 0 : i32
        %dma_wait3A_398 = tpu.memref_slice %arg9[%dma_wait3A_392, %dma_wait3A_397] : memref<8x128xi32, #tpu.memory_space<vmem>> -> memref<1x128xi32, #tpu.memory_space<vmem>>
        %dma_wait3A_399 = tpu.memref_squeeze %dma_wait3A_398 : memref<1x128xi32, #tpu.memory_space<vmem>> -> memref<128xi32, #tpu.memory_space<vmem>>
        %dma_wait3A_400 = arith.constant 0 : i32
        %dma_wait3A_401 = arith.constant 0 : i32
        %dma_wait3A_402 = tpu.memref_slice %arg11[%dma_wait3A_400, %dma_wait3A_401] : memref<100352x16xf32, #tpu.memory_space<vmem_shared>> -> memref<100352x16xf32, #tpu.memory_space<vmem_shared>>
        tpu.wait_indirect_dma semaphore(%arg13 : memref<!tpu.dma_semaphore, #tpu.memory_space<semaphore_mem>>) src(%dma_wait3A_396 : memref<128x16xf32, #tpu.memory_space<vmem>>) dst(%dma_wait3A_402 : memref<100352x16xf32, #tpu.memory_space<vmem_shared>>)
        %dma_wait3A_403 = arith.constant 7 : i32
        %dma_wait3A_404 = arith.constant 7 : i32
        %dma_wait3A_405 = arith.constant 0 : i32
        %dma_wait3A_406 = arith.constant 0 : i32
        %dma_wait3A_407 = tpu.memref_slice %arg10[%dma_wait3A_403, %dma_wait3A_405, %dma_wait3A_406] : memref<8x128x16xf32, #tpu.memory_space<vmem>> -> memref<1x128x16xf32, #tpu.memory_space<vmem>>
        %dma_wait3A_408 = tpu.memref_squeeze %dma_wait3A_407 : memref<1x128x16xf32, #tpu.memory_space<vmem>> -> memref<128x16xf32, #tpu.memory_space<vmem>>
        %dma_wait3A_409 = arith.constant 0 : i32
        %dma_wait3A_410 = tpu.memref_slice %arg9[%dma_wait3A_404, %dma_wait3A_409] : memref<8x128xi32, #tpu.memory_space<vmem>> -> memref<1x128xi32, #tpu.memory_space<vmem>>
        %dma_wait3A_411 = tpu.memref_squeeze %dma_wait3A_410 : memref<1x128xi32, #tpu.memory_space<vmem>> -> memref<128xi32, #tpu.memory_space<vmem>>
        %dma_wait3A_412 = arith.constant 0 : i32
        %dma_wait3A_413 = arith.constant 0 : i32
        %dma_wait3A_414 = tpu.memref_slice %arg11[%dma_wait3A_412, %dma_wait3A_413] : memref<100352x16xf32, #tpu.memory_space<vmem_shared>> -> memref<100352x16xf32, #tpu.memory_space<vmem_shared>>
        tpu.wait_indirect_dma semaphore(%arg13 : memref<!tpu.dma_semaphore, #tpu.memory_space<semaphore_mem>>) src(%dma_wait3A_408 : memref<128x16xf32, #tpu.memory_space<vmem>>) dst(%dma_wait3A_414 : memref<100352x16xf32, #tpu.memory_space<vmem_shared>>)
      }
      %scan3A_29 = arith.constant 196 : i32
    } else {
    }
    %eq3A_9 = arith.constant 1 : i32
    %eq3A_10 = arith.cmpi eq, %arg0, %eq3A_9 : i32
    %convert_element_type3A_11 = arith.extui %eq3A_10 : i1 to i32
    %cond3A_12 = arith.constant 0 : i32
    %cond3A_13 = arith.cmpi ne, %convert_element_type3A_11, %cond3A_12 : i32
    scf.if %cond3A_13 {
      %scan3A = arith.constant 0 : i32
      %scan3A_25 = arith.constant 0 : i32
      %scan3A_26 = arith.constant 196 : i32
      %scan3A_27 = arith.addi %scan3A_25, %scan3A_26 : i32
      %scan3A_28 = arith.constant 1 : i32
      scf.for %scan3A_30 = %scan3A_25 to %scan3A_27 step %scan3A_28  : i32 {
        %mul3A_31 = arith.constant 8 : i32
        %mul3A_32 = arith.muli %scan3A_30, %mul3A_31 : i32
        %add3A = arith.addi %mul3A_6, %mul3A_32 : i32
        "tpu.region"() ({
          %run_scoped3A = tpu.sem_alloc : memref<!tpu.dma_semaphore, #tpu.memory_space<semaphore_mem>>
          %dma_start3A_415 = arith.constant 0 : i32
          %dma_start3A_416 = tpu.memref_slice %arg3[%add3A, %dma_start3A_415] : memref<25088x128xi32, #tpu.memory_space<hbm>> -> memref<8x128xi32, #tpu.memory_space<hbm>>
          %dma_start3A_417 = arith.constant 0 : i32
          %dma_start3A_418 = tpu.memref_slice %arg3[%add3A, %dma_start3A_417] : memref<25088x128xi32, #tpu.memory_space<hbm>> -> memref<8x128xi32, #tpu.memory_space<hbm>>
          tpu.enqueue_dma source(%dma_start3A_418 : memref<8x128xi32, #tpu.memory_space<hbm>>) target(%arg8 : memref<8x128xi32, #tpu.memory_space<vmem>>) target_semaphore(%run_scoped3A : memref<!tpu.dma_semaphore, #tpu.memory_space<semaphore_mem>>)
          %dma_wait3A_419 = arith.constant 0 : i32
          %dma_wait3A_420 = tpu.memref_slice %arg3[%add3A, %dma_wait3A_419] : memref<25088x128xi32, #tpu.memory_space<hbm>> -> memref<8x128xi32, #tpu.memory_space<hbm>>
          %dma_wait3A_421 = arith.constant 0 : i32
          %dma_wait3A_422 = tpu.memref_slice %arg3[%add3A, %dma_wait3A_421] : memref<25088x128xi32, #tpu.memory_space<hbm>> -> memref<8x128xi32, #tpu.memory_space<hbm>>
          tpu.wait_dma2 semaphore(%run_scoped3A : memref<!tpu.dma_semaphore, #tpu.memory_space<semaphore_mem>>) src(%dma_wait3A_422 : memref<8x128xi32, #tpu.memory_space<hbm>>) dst(%arg8 : memref<8x128xi32, #tpu.memory_space<vmem>>)
          tpu.yield
        }) : () -> ()
        "tpu.region"() ({
          %run_scoped3A = tpu.sem_alloc : memref<!tpu.dma_semaphore, #tpu.memory_space<semaphore_mem>>
          %dma_start3A_415 = arith.constant 0 : i32
          %dma_start3A_416 = tpu.memref_slice %arg4[%add3A, %dma_start3A_415] : memref<25088x128xi32, #tpu.memory_space<hbm>> -> memref<8x128xi32, #tpu.memory_space<hbm>>
          %dma_start3A_417 = arith.constant 0 : i32
          %dma_start3A_418 = tpu.memref_slice %arg4[%add3A, %dma_start3A_417] : memref<25088x128xi32, #tpu.memory_space<hbm>> -> memref<8x128xi32, #tpu.memory_space<hbm>>
          tpu.enqueue_dma source(%dma_start3A_418 : memref<8x128xi32, #tpu.memory_space<hbm>>) target(%arg9 : memref<8x128xi32, #tpu.memory_space<vmem>>) target_semaphore(%run_scoped3A : memref<!tpu.dma_semaphore, #tpu.memory_space<semaphore_mem>>)
          %dma_wait3A_419 = arith.constant 0 : i32
          %dma_wait3A_420 = tpu.memref_slice %arg4[%add3A, %dma_wait3A_419] : memref<25088x128xi32, #tpu.memory_space<hbm>> -> memref<8x128xi32, #tpu.memory_space<hbm>>
          %dma_wait3A_421 = arith.constant 0 : i32
          %dma_wait3A_422 = tpu.memref_slice %arg4[%add3A, %dma_wait3A_421] : memref<25088x128xi32, #tpu.memory_space<hbm>> -> memref<8x128xi32, #tpu.memory_space<hbm>>
          tpu.wait_dma2 semaphore(%run_scoped3A : memref<!tpu.dma_semaphore, #tpu.memory_space<semaphore_mem>>) src(%dma_wait3A_422 : memref<8x128xi32, #tpu.memory_space<hbm>>) dst(%arg9 : memref<8x128xi32, #tpu.memory_space<vmem>>)
          tpu.yield
        }) : () -> ()
        %dma_start3A = arith.constant 0 : i32
        %dma_start3A_33 = arith.constant 0 : i32
        %dma_start3A_34 = arith.constant 0 : i32
        %dma_start3A_35 = arith.constant 0 : i32
        %dma_start3A_36 = tpu.memref_slice %arg10[%dma_start3A_33, %dma_start3A_34, %dma_start3A_35] : memref<8x128x16xf32, #tpu.memory_space<vmem>> -> memref<1x128x16xf32, #tpu.memory_space<vmem>>
        %dma_start3A_37 = tpu.memref_squeeze %dma_start3A_36 : memref<1x128x16xf32, #tpu.memory_space<vmem>> -> memref<128x16xf32, #tpu.memory_space<vmem>>
        %dma_start3A_38 = arith.constant 0 : i32
        %dma_start3A_39 = tpu.memref_slice %arg8[%dma_start3A, %dma_start3A_38] : memref<8x128xi32, #tpu.memory_space<vmem>> -> memref<1x128xi32, #tpu.memory_space<vmem>>
        %dma_start3A_40 = tpu.memref_squeeze %dma_start3A_39 : memref<1x128xi32, #tpu.memory_space<vmem>> -> memref<128xi32, #tpu.memory_space<vmem>>
        %dma_start3A_41 = arith.constant 0 : i32
        %dma_start3A_42 = arith.constant 0 : i32
        %dma_start3A_43 = tpu.memref_slice %arg5[%dma_start3A_41, %dma_start3A_42] : memref<802816x16xf32, #tpu.memory_space<hbm>> -> memref<802816x16xf32, #tpu.memory_space<hbm>>
        tpu.enqueue_indirect_dma source(%dma_start3A_43 : memref<802816x16xf32, #tpu.memory_space<hbm>>) target(%dma_start3A_37 : memref<128x16xf32, #tpu.memory_space<vmem>>) offsets(%dma_start3A_40 : memref<128xi32, #tpu.memory_space<vmem>>) semaphore(%arg12 : memref<!tpu.dma_semaphore, #tpu.memory_space<semaphore_mem>>)
        %dma_start3A_44 = arith.constant 1 : i32
        %dma_start3A_45 = arith.constant 1 : i32
        %dma_start3A_46 = arith.constant 0 : i32
        %dma_start3A_47 = arith.constant 0 : i32
        %dma_start3A_48 = tpu.memref_slice %arg10[%dma_start3A_45, %dma_start3A_46, %dma_start3A_47] : memref<8x128x16xf32, #tpu.memory_space<vmem>> -> memref<1x128x16xf32, #tpu.memory_space<vmem>>
        %dma_start3A_49 = tpu.memref_squeeze %dma_start3A_48 : memref<1x128x16xf32, #tpu.memory_space<vmem>> -> memref<128x16xf32, #tpu.memory_space<vmem>>
        %dma_start3A_50 = arith.constant 0 : i32
        %dma_start3A_51 = tpu.memref_slice %arg8[%dma_start3A_44, %dma_start3A_50] : memref<8x128xi32, #tpu.memory_space<vmem>> -> memref<1x128xi32, #tpu.memory_space<vmem>>
        %dma_start3A_52 = tpu.memref_squeeze %dma_start3A_51 : memref<1x128xi32, #tpu.memory_space<vmem>> -> memref<128xi32, #tpu.memory_space<vmem>>
        %dma_start3A_53 = arith.constant 0 : i32
        %dma_start3A_54 = arith.constant 0 : i32
        %dma_start3A_55 = tpu.memref_slice %arg5[%dma_start3A_53, %dma_start3A_54] : memref<802816x16xf32, #tpu.memory_space<hbm>> -> memref<802816x16xf32, #tpu.memory_space<hbm>>
        tpu.enqueue_indirect_dma source(%dma_start3A_55 : memref<802816x16xf32, #tpu.memory_space<hbm>>) target(%dma_start3A_49 : memref<128x16xf32, #tpu.memory_space<vmem>>) offsets(%dma_start3A_52 : memref<128xi32, #tpu.memory_space<vmem>>) semaphore(%arg12 : memref<!tpu.dma_semaphore, #tpu.memory_space<semaphore_mem>>)
        %dma_start3A_56 = arith.constant 2 : i32
        %dma_start3A_57 = arith.constant 2 : i32
        %dma_start3A_58 = arith.constant 0 : i32
        %dma_start3A_59 = arith.constant 0 : i32
        %dma_start3A_60 = tpu.memref_slice %arg10[%dma_start3A_57, %dma_start3A_58, %dma_start3A_59] : memref<8x128x16xf32, #tpu.memory_space<vmem>> -> memref<1x128x16xf32, #tpu.memory_space<vmem>>
        %dma_start3A_61 = tpu.memref_squeeze %dma_start3A_60 : memref<1x128x16xf32, #tpu.memory_space<vmem>> -> memref<128x16xf32, #tpu.memory_space<vmem>>
        %dma_start3A_62 = arith.constant 0 : i32
        %dma_start3A_63 = tpu.memref_slice %arg8[%dma_start3A_56, %dma_start3A_62] : memref<8x128xi32, #tpu.memory_space<vmem>> -> memref<1x128xi32, #tpu.memory_space<vmem>>
        %dma_start3A_64 = tpu.memref_squeeze %dma_start3A_63 : memref<1x128xi32, #tpu.memory_space<vmem>> -> memref<128xi32, #tpu.memory_space<vmem>>
        %dma_start3A_65 = arith.constant 0 : i32
        %dma_start3A_66 = arith.constant 0 : i32
        %dma_start3A_67 = tpu.memref_slice %arg5[%dma_start3A_65, %dma_start3A_66] : memref<802816x16xf32, #tpu.memory_space<hbm>> -> memref<802816x16xf32, #tpu.memory_space<hbm>>
        tpu.enqueue_indirect_dma source(%dma_start3A_67 : memref<802816x16xf32, #tpu.memory_space<hbm>>) target(%dma_start3A_61 : memref<128x16xf32, #tpu.memory_space<vmem>>) offsets(%dma_start3A_64 : memref<128xi32, #tpu.memory_space<vmem>>) semaphore(%arg12 : memref<!tpu.dma_semaphore, #tpu.memory_space<semaphore_mem>>)
        %dma_start3A_68 = arith.constant 3 : i32
        %dma_start3A_69 = arith.constant 3 : i32
        %dma_start3A_70 = arith.constant 0 : i32
        %dma_start3A_71 = arith.constant 0 : i32
        %dma_start3A_72 = tpu.memref_slice %arg10[%dma_start3A_69, %dma_start3A_70, %dma_start3A_71] : memref<8x128x16xf32, #tpu.memory_space<vmem>> -> memref<1x128x16xf32, #tpu.memory_space<vmem>>
        %dma_start3A_73 = tpu.memref_squeeze %dma_start3A_72 : memref<1x128x16xf32, #tpu.memory_space<vmem>> -> memref<128x16xf32, #tpu.memory_space<vmem>>
        %dma_start3A_74 = arith.constant 0 : i32
        %dma_start3A_75 = tpu.memref_slice %arg8[%dma_start3A_68, %dma_start3A_74] : memref<8x128xi32, #tpu.memory_space<vmem>> -> memref<1x128xi32, #tpu.memory_space<vmem>>
        %dma_start3A_76 = tpu.memref_squeeze %dma_start3A_75 : memref<1x128xi32, #tpu.memory_space<vmem>> -> memref<128xi32, #tpu.memory_space<vmem>>
        %dma_start3A_77 = arith.constant 0 : i32
        %dma_start3A_78 = arith.constant 0 : i32
        %dma_start3A_79 = tpu.memref_slice %arg5[%dma_start3A_77, %dma_start3A_78] : memref<802816x16xf32, #tpu.memory_space<hbm>> -> memref<802816x16xf32, #tpu.memory_space<hbm>>
        tpu.enqueue_indirect_dma source(%dma_start3A_79 : memref<802816x16xf32, #tpu.memory_space<hbm>>) target(%dma_start3A_73 : memref<128x16xf32, #tpu.memory_space<vmem>>) offsets(%dma_start3A_76 : memref<128xi32, #tpu.memory_space<vmem>>) semaphore(%arg12 : memref<!tpu.dma_semaphore, #tpu.memory_space<semaphore_mem>>)
        %dma_start3A_80 = arith.constant 4 : i32
        %dma_start3A_81 = arith.constant 4 : i32
        %dma_start3A_82 = arith.constant 0 : i32
        %dma_start3A_83 = arith.constant 0 : i32
        %dma_start3A_84 = tpu.memref_slice %arg10[%dma_start3A_81, %dma_start3A_82, %dma_start3A_83] : memref<8x128x16xf32, #tpu.memory_space<vmem>> -> memref<1x128x16xf32, #tpu.memory_space<vmem>>
        %dma_start3A_85 = tpu.memref_squeeze %dma_start3A_84 : memref<1x128x16xf32, #tpu.memory_space<vmem>> -> memref<128x16xf32, #tpu.memory_space<vmem>>
        %dma_start3A_86 = arith.constant 0 : i32
        %dma_start3A_87 = tpu.memref_slice %arg8[%dma_start3A_80, %dma_start3A_86] : memref<8x128xi32, #tpu.memory_space<vmem>> -> memref<1x128xi32, #tpu.memory_space<vmem>>
        %dma_start3A_88 = tpu.memref_squeeze %dma_start3A_87 : memref<1x128xi32, #tpu.memory_space<vmem>> -> memref<128xi32, #tpu.memory_space<vmem>>
        %dma_start3A_89 = arith.constant 0 : i32
        %dma_start3A_90 = arith.constant 0 : i32
        %dma_start3A_91 = tpu.memref_slice %arg5[%dma_start3A_89, %dma_start3A_90] : memref<802816x16xf32, #tpu.memory_space<hbm>> -> memref<802816x16xf32, #tpu.memory_space<hbm>>
        tpu.enqueue_indirect_dma source(%dma_start3A_91 : memref<802816x16xf32, #tpu.memory_space<hbm>>) target(%dma_start3A_85 : memref<128x16xf32, #tpu.memory_space<vmem>>) offsets(%dma_start3A_88 : memref<128xi32, #tpu.memory_space<vmem>>) semaphore(%arg12 : memref<!tpu.dma_semaphore, #tpu.memory_space<semaphore_mem>>)
        %dma_start3A_92 = arith.constant 5 : i32
        %dma_start3A_93 = arith.constant 5 : i32
        %dma_start3A_94 = arith.constant 0 : i32
        %dma_start3A_95 = arith.constant 0 : i32
        %dma_start3A_96 = tpu.memref_slice %arg10[%dma_start3A_93, %dma_start3A_94, %dma_start3A_95] : memref<8x128x16xf32, #tpu.memory_space<vmem>> -> memref<1x128x16xf32, #tpu.memory_space<vmem>>
        %dma_start3A_97 = tpu.memref_squeeze %dma_start3A_96 : memref<1x128x16xf32, #tpu.memory_space<vmem>> -> memref<128x16xf32, #tpu.memory_space<vmem>>
        %dma_start3A_98 = arith.constant 0 : i32
        %dma_start3A_99 = tpu.memref_slice %arg8[%dma_start3A_92, %dma_start3A_98] : memref<8x128xi32, #tpu.memory_space<vmem>> -> memref<1x128xi32, #tpu.memory_space<vmem>>
        %dma_start3A_100 = tpu.memref_squeeze %dma_start3A_99 : memref<1x128xi32, #tpu.memory_space<vmem>> -> memref<128xi32, #tpu.memory_space<vmem>>
        %dma_start3A_101 = arith.constant 0 : i32
        %dma_start3A_102 = arith.constant 0 : i32
        %dma_start3A_103 = tpu.memref_slice %arg5[%dma_start3A_101, %dma_start3A_102] : memref<802816x16xf32, #tpu.memory_space<hbm>> -> memref<802816x16xf32, #tpu.memory_space<hbm>>
        tpu.enqueue_indirect_dma source(%dma_start3A_103 : memref<802816x16xf32, #tpu.memory_space<hbm>>) target(%dma_start3A_97 : memref<128x16xf32, #tpu.memory_space<vmem>>) offsets(%dma_start3A_100 : memref<128xi32, #tpu.memory_space<vmem>>) semaphore(%arg12 : memref<!tpu.dma_semaphore, #tpu.memory_space<semaphore_mem>>)
        %dma_start3A_104 = arith.constant 6 : i32
        %dma_start3A_105 = arith.constant 6 : i32
        %dma_start3A_106 = arith.constant 0 : i32
        %dma_start3A_107 = arith.constant 0 : i32
        %dma_start3A_108 = tpu.memref_slice %arg10[%dma_start3A_105, %dma_start3A_106, %dma_start3A_107] : memref<8x128x16xf32, #tpu.memory_space<vmem>> -> memref<1x128x16xf32, #tpu.memory_space<vmem>>
        %dma_start3A_109 = tpu.memref_squeeze %dma_start3A_108 : memref<1x128x16xf32, #tpu.memory_space<vmem>> -> memref<128x16xf32, #tpu.memory_space<vmem>>
        %dma_start3A_110 = arith.constant 0 : i32
        %dma_start3A_111 = tpu.memref_slice %arg8[%dma_start3A_104, %dma_start3A_110] : memref<8x128xi32, #tpu.memory_space<vmem>> -> memref<1x128xi32, #tpu.memory_space<vmem>>
        %dma_start3A_112 = tpu.memref_squeeze %dma_start3A_111 : memref<1x128xi32, #tpu.memory_space<vmem>> -> memref<128xi32, #tpu.memory_space<vmem>>
        %dma_start3A_113 = arith.constant 0 : i32
        %dma_start3A_114 = arith.constant 0 : i32
        %dma_start3A_115 = tpu.memref_slice %arg5[%dma_start3A_113, %dma_start3A_114] : memref<802816x16xf32, #tpu.memory_space<hbm>> -> memref<802816x16xf32, #tpu.memory_space<hbm>>
        tpu.enqueue_indirect_dma source(%dma_start3A_115 : memref<802816x16xf32, #tpu.memory_space<hbm>>) target(%dma_start3A_109 : memref<128x16xf32, #tpu.memory_space<vmem>>) offsets(%dma_start3A_112 : memref<128xi32, #tpu.memory_space<vmem>>) semaphore(%arg12 : memref<!tpu.dma_semaphore, #tpu.memory_space<semaphore_mem>>)
        %dma_start3A_116 = arith.constant 7 : i32
        %dma_start3A_117 = arith.constant 7 : i32
        %dma_start3A_118 = arith.constant 0 : i32
        %dma_start3A_119 = arith.constant 0 : i32
        %dma_start3A_120 = tpu.memref_slice %arg10[%dma_start3A_117, %dma_start3A_118, %dma_start3A_119] : memref<8x128x16xf32, #tpu.memory_space<vmem>> -> memref<1x128x16xf32, #tpu.memory_space<vmem>>
        %dma_start3A_121 = tpu.memref_squeeze %dma_start3A_120 : memref<1x128x16xf32, #tpu.memory_space<vmem>> -> memref<128x16xf32, #tpu.memory_space<vmem>>
        %dma_start3A_122 = arith.constant 0 : i32
        %dma_start3A_123 = tpu.memref_slice %arg8[%dma_start3A_116, %dma_start3A_122] : memref<8x128xi32, #tpu.memory_space<vmem>> -> memref<1x128xi32, #tpu.memory_space<vmem>>
        %dma_start3A_124 = tpu.memref_squeeze %dma_start3A_123 : memref<1x128xi32, #tpu.memory_space<vmem>> -> memref<128xi32, #tpu.memory_space<vmem>>
        %dma_start3A_125 = arith.constant 0 : i32
        %dma_start3A_126 = arith.constant 0 : i32
        %dma_start3A_127 = tpu.memref_slice %arg5[%dma_start3A_125, %dma_start3A_126] : memref<802816x16xf32, #tpu.memory_space<hbm>> -> memref<802816x16xf32, #tpu.memory_space<hbm>>
        tpu.enqueue_indirect_dma source(%dma_start3A_127 : memref<802816x16xf32, #tpu.memory_space<hbm>>) target(%dma_start3A_121 : memref<128x16xf32, #tpu.memory_space<vmem>>) offsets(%dma_start3A_124 : memref<128xi32, #tpu.memory_space<vmem>>) semaphore(%arg12 : memref<!tpu.dma_semaphore, #tpu.memory_space<semaphore_mem>>)
        %dma_wait3A = arith.constant 0 : i32
        %dma_wait3A_128 = arith.constant 0 : i32
        %dma_wait3A_129 = arith.constant 0 : i32
        %dma_wait3A_130 = arith.constant 0 : i32
        %dma_wait3A_131 = tpu.memref_slice %arg10[%dma_wait3A_128, %dma_wait3A_129, %dma_wait3A_130] : memref<8x128x16xf32, #tpu.memory_space<vmem>> -> memref<1x128x16xf32, #tpu.memory_space<vmem>>
        %dma_wait3A_132 = tpu.memref_squeeze %dma_wait3A_131 : memref<1x128x16xf32, #tpu.memory_space<vmem>> -> memref<128x16xf32, #tpu.memory_space<vmem>>
        %dma_wait3A_133 = arith.constant 0 : i32
        %dma_wait3A_134 = tpu.memref_slice %arg8[%dma_wait3A, %dma_wait3A_133] : memref<8x128xi32, #tpu.memory_space<vmem>> -> memref<1x128xi32, #tpu.memory_space<vmem>>
        %dma_wait3A_135 = tpu.memref_squeeze %dma_wait3A_134 : memref<1x128xi32, #tpu.memory_space<vmem>> -> memref<128xi32, #tpu.memory_space<vmem>>
        %dma_wait3A_136 = arith.constant 0 : i32
        %dma_wait3A_137 = arith.constant 0 : i32
        %dma_wait3A_138 = tpu.memref_slice %arg5[%dma_wait3A_136, %dma_wait3A_137] : memref<802816x16xf32, #tpu.memory_space<hbm>> -> memref<802816x16xf32, #tpu.memory_space<hbm>>
        tpu.wait_indirect_dma semaphore(%arg12 : memref<!tpu.dma_semaphore, #tpu.memory_space<semaphore_mem>>) src(%dma_wait3A_138 : memref<802816x16xf32, #tpu.memory_space<hbm>>) dst(%dma_wait3A_132 : memref<128x16xf32, #tpu.memory_space<vmem>>)
        %dma_wait3A_139 = arith.constant 1 : i32
        %dma_wait3A_140 = arith.constant 1 : i32
        %dma_wait3A_141 = arith.constant 0 : i32
        %dma_wait3A_142 = arith.constant 0 : i32
        %dma_wait3A_143 = tpu.memref_slice %arg10[%dma_wait3A_140, %dma_wait3A_141, %dma_wait3A_142] : memref<8x128x16xf32, #tpu.memory_space<vmem>> -> memref<1x128x16xf32, #tpu.memory_space<vmem>>
        %dma_wait3A_144 = tpu.memref_squeeze %dma_wait3A_143 : memref<1x128x16xf32, #tpu.memory_space<vmem>> -> memref<128x16xf32, #tpu.memory_space<vmem>>
        %dma_wait3A_145 = arith.constant 0 : i32
        %dma_wait3A_146 = tpu.memref_slice %arg8[%dma_wait3A_139, %dma_wait3A_145] : memref<8x128xi32, #tpu.memory_space<vmem>> -> memref<1x128xi32, #tpu.memory_space<vmem>>
        %dma_wait3A_147 = tpu.memref_squeeze %dma_wait3A_146 : memref<1x128xi32, #tpu.memory_space<vmem>> -> memref<128xi32, #tpu.memory_space<vmem>>
        %dma_wait3A_148 = arith.constant 0 : i32
        %dma_wait3A_149 = arith.constant 0 : i32
        %dma_wait3A_150 = tpu.memref_slice %arg5[%dma_wait3A_148, %dma_wait3A_149] : memref<802816x16xf32, #tpu.memory_space<hbm>> -> memref<802816x16xf32, #tpu.memory_space<hbm>>
        tpu.wait_indirect_dma semaphore(%arg12 : memref<!tpu.dma_semaphore, #tpu.memory_space<semaphore_mem>>) src(%dma_wait3A_150 : memref<802816x16xf32, #tpu.memory_space<hbm>>) dst(%dma_wait3A_144 : memref<128x16xf32, #tpu.memory_space<vmem>>)
        %dma_wait3A_151 = arith.constant 2 : i32
        %dma_wait3A_152 = arith.constant 2 : i32
        %dma_wait3A_153 = arith.constant 0 : i32
        %dma_wait3A_154 = arith.constant 0 : i32
        %dma_wait3A_155 = tpu.memref_slice %arg10[%dma_wait3A_152, %dma_wait3A_153, %dma_wait3A_154] : memref<8x128x16xf32, #tpu.memory_space<vmem>> -> memref<1x128x16xf32, #tpu.memory_space<vmem>>
        %dma_wait3A_156 = tpu.memref_squeeze %dma_wait3A_155 : memref<1x128x16xf32, #tpu.memory_space<vmem>> -> memref<128x16xf32, #tpu.memory_space<vmem>>
        %dma_wait3A_157 = arith.constant 0 : i32
        %dma_wait3A_158 = tpu.memref_slice %arg8[%dma_wait3A_151, %dma_wait3A_157] : memref<8x128xi32, #tpu.memory_space<vmem>> -> memref<1x128xi32, #tpu.memory_space<vmem>>
        %dma_wait3A_159 = tpu.memref_squeeze %dma_wait3A_158 : memref<1x128xi32, #tpu.memory_space<vmem>> -> memref<128xi32, #tpu.memory_space<vmem>>
        %dma_wait3A_160 = arith.constant 0 : i32
        %dma_wait3A_161 = arith.constant 0 : i32
        %dma_wait3A_162 = tpu.memref_slice %arg5[%dma_wait3A_160, %dma_wait3A_161] : memref<802816x16xf32, #tpu.memory_space<hbm>> -> memref<802816x16xf32, #tpu.memory_space<hbm>>
        tpu.wait_indirect_dma semaphore(%arg12 : memref<!tpu.dma_semaphore, #tpu.memory_space<semaphore_mem>>) src(%dma_wait3A_162 : memref<802816x16xf32, #tpu.memory_space<hbm>>) dst(%dma_wait3A_156 : memref<128x16xf32, #tpu.memory_space<vmem>>)
        %dma_wait3A_163 = arith.constant 3 : i32
        %dma_wait3A_164 = arith.constant 3 : i32
        %dma_wait3A_165 = arith.constant 0 : i32
        %dma_wait3A_166 = arith.constant 0 : i32
        %dma_wait3A_167 = tpu.memref_slice %arg10[%dma_wait3A_164, %dma_wait3A_165, %dma_wait3A_166] : memref<8x128x16xf32, #tpu.memory_space<vmem>> -> memref<1x128x16xf32, #tpu.memory_space<vmem>>
        %dma_wait3A_168 = tpu.memref_squeeze %dma_wait3A_167 : memref<1x128x16xf32, #tpu.memory_space<vmem>> -> memref<128x16xf32, #tpu.memory_space<vmem>>
        %dma_wait3A_169 = arith.constant 0 : i32
        %dma_wait3A_170 = tpu.memref_slice %arg8[%dma_wait3A_163, %dma_wait3A_169] : memref<8x128xi32, #tpu.memory_space<vmem>> -> memref<1x128xi32, #tpu.memory_space<vmem>>
        %dma_wait3A_171 = tpu.memref_squeeze %dma_wait3A_170 : memref<1x128xi32, #tpu.memory_space<vmem>> -> memref<128xi32, #tpu.memory_space<vmem>>
        %dma_wait3A_172 = arith.constant 0 : i32
        %dma_wait3A_173 = arith.constant 0 : i32
        %dma_wait3A_174 = tpu.memref_slice %arg5[%dma_wait3A_172, %dma_wait3A_173] : memref<802816x16xf32, #tpu.memory_space<hbm>> -> memref<802816x16xf32, #tpu.memory_space<hbm>>
        tpu.wait_indirect_dma semaphore(%arg12 : memref<!tpu.dma_semaphore, #tpu.memory_space<semaphore_mem>>) src(%dma_wait3A_174 : memref<802816x16xf32, #tpu.memory_space<hbm>>) dst(%dma_wait3A_168 : memref<128x16xf32, #tpu.memory_space<vmem>>)
        %dma_wait3A_175 = arith.constant 4 : i32
        %dma_wait3A_176 = arith.constant 4 : i32
        %dma_wait3A_177 = arith.constant 0 : i32
        %dma_wait3A_178 = arith.constant 0 : i32
        %dma_wait3A_179 = tpu.memref_slice %arg10[%dma_wait3A_176, %dma_wait3A_177, %dma_wait3A_178] : memref<8x128x16xf32, #tpu.memory_space<vmem>> -> memref<1x128x16xf32, #tpu.memory_space<vmem>>
        %dma_wait3A_180 = tpu.memref_squeeze %dma_wait3A_179 : memref<1x128x16xf32, #tpu.memory_space<vmem>> -> memref<128x16xf32, #tpu.memory_space<vmem>>
        %dma_wait3A_181 = arith.constant 0 : i32
        %dma_wait3A_182 = tpu.memref_slice %arg8[%dma_wait3A_175, %dma_wait3A_181] : memref<8x128xi32, #tpu.memory_space<vmem>> -> memref<1x128xi32, #tpu.memory_space<vmem>>
        %dma_wait3A_183 = tpu.memref_squeeze %dma_wait3A_182 : memref<1x128xi32, #tpu.memory_space<vmem>> -> memref<128xi32, #tpu.memory_space<vmem>>
        %dma_wait3A_184 = arith.constant 0 : i32
        %dma_wait3A_185 = arith.constant 0 : i32
        %dma_wait3A_186 = tpu.memref_slice %arg5[%dma_wait3A_184, %dma_wait3A_185] : memref<802816x16xf32, #tpu.memory_space<hbm>> -> memref<802816x16xf32, #tpu.memory_space<hbm>>
        tpu.wait_indirect_dma semaphore(%arg12 : memref<!tpu.dma_semaphore, #tpu.memory_space<semaphore_mem>>) src(%dma_wait3A_186 : memref<802816x16xf32, #tpu.memory_space<hbm>>) dst(%dma_wait3A_180 : memref<128x16xf32, #tpu.memory_space<vmem>>)
        %dma_wait3A_187 = arith.constant 5 : i32
        %dma_wait3A_188 = arith.constant 5 : i32
        %dma_wait3A_189 = arith.constant 0 : i32
        %dma_wait3A_190 = arith.constant 0 : i32
        %dma_wait3A_191 = tpu.memref_slice %arg10[%dma_wait3A_188, %dma_wait3A_189, %dma_wait3A_190] : memref<8x128x16xf32, #tpu.memory_space<vmem>> -> memref<1x128x16xf32, #tpu.memory_space<vmem>>
        %dma_wait3A_192 = tpu.memref_squeeze %dma_wait3A_191 : memref<1x128x16xf32, #tpu.memory_space<vmem>> -> memref<128x16xf32, #tpu.memory_space<vmem>>
        %dma_wait3A_193 = arith.constant 0 : i32
        %dma_wait3A_194 = tpu.memref_slice %arg8[%dma_wait3A_187, %dma_wait3A_193] : memref<8x128xi32, #tpu.memory_space<vmem>> -> memref<1x128xi32, #tpu.memory_space<vmem>>
        %dma_wait3A_195 = tpu.memref_squeeze %dma_wait3A_194 : memref<1x128xi32, #tpu.memory_space<vmem>> -> memref<128xi32, #tpu.memory_space<vmem>>
        %dma_wait3A_196 = arith.constant 0 : i32
        %dma_wait3A_197 = arith.constant 0 : i32
        %dma_wait3A_198 = tpu.memref_slice %arg5[%dma_wait3A_196, %dma_wait3A_197] : memref<802816x16xf32, #tpu.memory_space<hbm>> -> memref<802816x16xf32, #tpu.memory_space<hbm>>
        tpu.wait_indirect_dma semaphore(%arg12 : memref<!tpu.dma_semaphore, #tpu.memory_space<semaphore_mem>>) src(%dma_wait3A_198 : memref<802816x16xf32, #tpu.memory_space<hbm>>) dst(%dma_wait3A_192 : memref<128x16xf32, #tpu.memory_space<vmem>>)
        %dma_wait3A_199 = arith.constant 6 : i32
        %dma_wait3A_200 = arith.constant 6 : i32
        %dma_wait3A_201 = arith.constant 0 : i32
        %dma_wait3A_202 = arith.constant 0 : i32
        %dma_wait3A_203 = tpu.memref_slice %arg10[%dma_wait3A_200, %dma_wait3A_201, %dma_wait3A_202] : memref<8x128x16xf32, #tpu.memory_space<vmem>> -> memref<1x128x16xf32, #tpu.memory_space<vmem>>
        %dma_wait3A_204 = tpu.memref_squeeze %dma_wait3A_203 : memref<1x128x16xf32, #tpu.memory_space<vmem>> -> memref<128x16xf32, #tpu.memory_space<vmem>>
        %dma_wait3A_205 = arith.constant 0 : i32
        %dma_wait3A_206 = tpu.memref_slice %arg8[%dma_wait3A_199, %dma_wait3A_205] : memref<8x128xi32, #tpu.memory_space<vmem>> -> memref<1x128xi32, #tpu.memory_space<vmem>>
        %dma_wait3A_207 = tpu.memref_squeeze %dma_wait3A_206 : memref<1x128xi32, #tpu.memory_space<vmem>> -> memref<128xi32, #tpu.memory_space<vmem>>
        %dma_wait3A_208 = arith.constant 0 : i32
        %dma_wait3A_209 = arith.constant 0 : i32
        %dma_wait3A_210 = tpu.memref_slice %arg5[%dma_wait3A_208, %dma_wait3A_209] : memref<802816x16xf32, #tpu.memory_space<hbm>> -> memref<802816x16xf32, #tpu.memory_space<hbm>>
        tpu.wait_indirect_dma semaphore(%arg12 : memref<!tpu.dma_semaphore, #tpu.memory_space<semaphore_mem>>) src(%dma_wait3A_210 : memref<802816x16xf32, #tpu.memory_space<hbm>>) dst(%dma_wait3A_204 : memref<128x16xf32, #tpu.memory_space<vmem>>)
        %dma_wait3A_211 = arith.constant 7 : i32
        %dma_wait3A_212 = arith.constant 7 : i32
        %dma_wait3A_213 = arith.constant 0 : i32
        %dma_wait3A_214 = arith.constant 0 : i32
        %dma_wait3A_215 = tpu.memref_slice %arg10[%dma_wait3A_212, %dma_wait3A_213, %dma_wait3A_214] : memref<8x128x16xf32, #tpu.memory_space<vmem>> -> memref<1x128x16xf32, #tpu.memory_space<vmem>>
        %dma_wait3A_216 = tpu.memref_squeeze %dma_wait3A_215 : memref<1x128x16xf32, #tpu.memory_space<vmem>> -> memref<128x16xf32, #tpu.memory_space<vmem>>
        %dma_wait3A_217 = arith.constant 0 : i32
        %dma_wait3A_218 = tpu.memref_slice %arg8[%dma_wait3A_211, %dma_wait3A_217] : memref<8x128xi32, #tpu.memory_space<vmem>> -> memref<1x128xi32, #tpu.memory_space<vmem>>
        %dma_wait3A_219 = tpu.memref_squeeze %dma_wait3A_218 : memref<1x128xi32, #tpu.memory_space<vmem>> -> memref<128xi32, #tpu.memory_space<vmem>>
        %dma_wait3A_220 = arith.constant 0 : i32
        %dma_wait3A_221 = arith.constant 0 : i32
        %dma_wait3A_222 = tpu.memref_slice %arg5[%dma_wait3A_220, %dma_wait3A_221] : memref<802816x16xf32, #tpu.memory_space<hbm>> -> memref<802816x16xf32, #tpu.memory_space<hbm>>
        tpu.wait_indirect_dma semaphore(%arg12 : memref<!tpu.dma_semaphore, #tpu.memory_space<semaphore_mem>>) src(%dma_wait3A_222 : memref<802816x16xf32, #tpu.memory_space<hbm>>) dst(%dma_wait3A_216 : memref<128x16xf32, #tpu.memory_space<vmem>>)
        %dma_start3A_223 = arith.constant 0 : i32
        %dma_start3A_224 = arith.constant 0 : i32
        %dma_start3A_225 = arith.constant 0 : i32
        %dma_start3A_226 = arith.constant 0 : i32
        %dma_start3A_227 = tpu.memref_slice %arg10[%dma_start3A_223, %dma_start3A_225, %dma_start3A_226] : memref<8x128x16xf32, #tpu.memory_space<vmem>> -> memref<1x128x16xf32, #tpu.memory_space<vmem>>
        %dma_start3A_228 = tpu.memref_squeeze %dma_start3A_227 : memref<1x128x16xf32, #tpu.memory_space<vmem>> -> memref<128x16xf32, #tpu.memory_space<vmem>>
        %dma_start3A_229 = arith.constant 0 : i32
        %dma_start3A_230 = tpu.memref_slice %arg9[%dma_start3A_224, %dma_start3A_229] : memref<8x128xi32, #tpu.memory_space<vmem>> -> memref<1x128xi32, #tpu.memory_space<vmem>>
        %dma_start3A_231 = tpu.memref_squeeze %dma_start3A_230 : memref<1x128xi32, #tpu.memory_space<vmem>> -> memref<128xi32, #tpu.memory_space<vmem>>
        %dma_start3A_232 = arith.constant 0 : i32
        %dma_start3A_233 = arith.constant 0 : i32
        %dma_start3A_234 = tpu.memref_slice %arg11[%dma_start3A_232, %dma_start3A_233] : memref<100352x16xf32, #tpu.memory_space<vmem_shared>> -> memref<100352x16xf32, #tpu.memory_space<vmem_shared>>
        tpu.enqueue_indirect_dma source(%dma_start3A_228 : memref<128x16xf32, #tpu.memory_space<vmem>>) target(%dma_start3A_234 : memref<100352x16xf32, #tpu.memory_space<vmem_shared>>) offsets(%dma_start3A_231 : memref<128xi32, #tpu.memory_space<vmem>>) semaphore(%arg13 : memref<!tpu.dma_semaphore, #tpu.memory_space<semaphore_mem>>) {add = true}
        %dma_start3A_235 = arith.constant 1 : i32
        %dma_start3A_236 = arith.constant 1 : i32
        %dma_start3A_237 = arith.constant 0 : i32
        %dma_start3A_238 = arith.constant 0 : i32
        %dma_start3A_239 = tpu.memref_slice %arg10[%dma_start3A_235, %dma_start3A_237, %dma_start3A_238] : memref<8x128x16xf32, #tpu.memory_space<vmem>> -> memref<1x128x16xf32, #tpu.memory_space<vmem>>
        %dma_start3A_240 = tpu.memref_squeeze %dma_start3A_239 : memref<1x128x16xf32, #tpu.memory_space<vmem>> -> memref<128x16xf32, #tpu.memory_space<vmem>>
        %dma_start3A_241 = arith.constant 0 : i32
        %dma_start3A_242 = tpu.memref_slice %arg9[%dma_start3A_236, %dma_start3A_241] : memref<8x128xi32, #tpu.memory_space<vmem>> -> memref<1x128xi32, #tpu.memory_space<vmem>>
        %dma_start3A_243 = tpu.memref_squeeze %dma_start3A_242 : memref<1x128xi32, #tpu.memory_space<vmem>> -> memref<128xi32, #tpu.memory_space<vmem>>
        %dma_start3A_244 = arith.constant 0 : i32
        %dma_start3A_245 = arith.constant 0 : i32
        %dma_start3A_246 = tpu.memref_slice %arg11[%dma_start3A_244, %dma_start3A_245] : memref<100352x16xf32, #tpu.memory_space<vmem_shared>> -> memref<100352x16xf32, #tpu.memory_space<vmem_shared>>
        tpu.enqueue_indirect_dma source(%dma_start3A_240 : memref<128x16xf32, #tpu.memory_space<vmem>>) target(%dma_start3A_246 : memref<100352x16xf32, #tpu.memory_space<vmem_shared>>) offsets(%dma_start3A_243 : memref<128xi32, #tpu.memory_space<vmem>>) semaphore(%arg13 : memref<!tpu.dma_semaphore, #tpu.memory_space<semaphore_mem>>) {add = true}
        %dma_start3A_247 = arith.constant 2 : i32
        %dma_start3A_248 = arith.constant 2 : i32
        %dma_start3A_249 = arith.constant 0 : i32
        %dma_start3A_250 = arith.constant 0 : i32
        %dma_start3A_251 = tpu.memref_slice %arg10[%dma_start3A_247, %dma_start3A_249, %dma_start3A_250] : memref<8x128x16xf32, #tpu.memory_space<vmem>> -> memref<1x128x16xf32, #tpu.memory_space<vmem>>
        %dma_start3A_252 = tpu.memref_squeeze %dma_start3A_251 : memref<1x128x16xf32, #tpu.memory_space<vmem>> -> memref<128x16xf32, #tpu.memory_space<vmem>>
        %dma_start3A_253 = arith.constant 0 : i32
        %dma_start3A_254 = tpu.memref_slice %arg9[%dma_start3A_248, %dma_start3A_253] : memref<8x128xi32, #tpu.memory_space<vmem>> -> memref<1x128xi32, #tpu.memory_space<vmem>>
        %dma_start3A_255 = tpu.memref_squeeze %dma_start3A_254 : memref<1x128xi32, #tpu.memory_space<vmem>> -> memref<128xi32, #tpu.memory_space<vmem>>
        %dma_start3A_256 = arith.constant 0 : i32
        %dma_start3A_257 = arith.constant 0 : i32
        %dma_start3A_258 = tpu.memref_slice %arg11[%dma_start3A_256, %dma_start3A_257] : memref<100352x16xf32, #tpu.memory_space<vmem_shared>> -> memref<100352x16xf32, #tpu.memory_space<vmem_shared>>
        tpu.enqueue_indirect_dma source(%dma_start3A_252 : memref<128x16xf32, #tpu.memory_space<vmem>>) target(%dma_start3A_258 : memref<100352x16xf32, #tpu.memory_space<vmem_shared>>) offsets(%dma_start3A_255 : memref<128xi32, #tpu.memory_space<vmem>>) semaphore(%arg13 : memref<!tpu.dma_semaphore, #tpu.memory_space<semaphore_mem>>) {add = true}
        %dma_start3A_259 = arith.constant 3 : i32
        %dma_start3A_260 = arith.constant 3 : i32
        %dma_start3A_261 = arith.constant 0 : i32
        %dma_start3A_262 = arith.constant 0 : i32
        %dma_start3A_263 = tpu.memref_slice %arg10[%dma_start3A_259, %dma_start3A_261, %dma_start3A_262] : memref<8x128x16xf32, #tpu.memory_space<vmem>> -> memref<1x128x16xf32, #tpu.memory_space<vmem>>
        %dma_start3A_264 = tpu.memref_squeeze %dma_start3A_263 : memref<1x128x16xf32, #tpu.memory_space<vmem>> -> memref<128x16xf32, #tpu.memory_space<vmem>>
        %dma_start3A_265 = arith.constant 0 : i32
        %dma_start3A_266 = tpu.memref_slice %arg9[%dma_start3A_260, %dma_start3A_265] : memref<8x128xi32, #tpu.memory_space<vmem>> -> memref<1x128xi32, #tpu.memory_space<vmem>>
        %dma_start3A_267 = tpu.memref_squeeze %dma_start3A_266 : memref<1x128xi32, #tpu.memory_space<vmem>> -> memref<128xi32, #tpu.memory_space<vmem>>
        %dma_start3A_268 = arith.constant 0 : i32
        %dma_start3A_269 = arith.constant 0 : i32
        %dma_start3A_270 = tpu.memref_slice %arg11[%dma_start3A_268, %dma_start3A_269] : memref<100352x16xf32, #tpu.memory_space<vmem_shared>> -> memref<100352x16xf32, #tpu.memory_space<vmem_shared>>
        tpu.enqueue_indirect_dma source(%dma_start3A_264 : memref<128x16xf32, #tpu.memory_space<vmem>>) target(%dma_start3A_270 : memref<100352x16xf32, #tpu.memory_space<vmem_shared>>) offsets(%dma_start3A_267 : memref<128xi32, #tpu.memory_space<vmem>>) semaphore(%arg13 : memref<!tpu.dma_semaphore, #tpu.memory_space<semaphore_mem>>) {add = true}
        %dma_start3A_271 = arith.constant 4 : i32
        %dma_start3A_272 = arith.constant 4 : i32
        %dma_start3A_273 = arith.constant 0 : i32
        %dma_start3A_274 = arith.constant 0 : i32
        %dma_start3A_275 = tpu.memref_slice %arg10[%dma_start3A_271, %dma_start3A_273, %dma_start3A_274] : memref<8x128x16xf32, #tpu.memory_space<vmem>> -> memref<1x128x16xf32, #tpu.memory_space<vmem>>
        %dma_start3A_276 = tpu.memref_squeeze %dma_start3A_275 : memref<1x128x16xf32, #tpu.memory_space<vmem>> -> memref<128x16xf32, #tpu.memory_space<vmem>>
        %dma_start3A_277 = arith.constant 0 : i32
        %dma_start3A_278 = tpu.memref_slice %arg9[%dma_start3A_272, %dma_start3A_277] : memref<8x128xi32, #tpu.memory_space<vmem>> -> memref<1x128xi32, #tpu.memory_space<vmem>>
        %dma_start3A_279 = tpu.memref_squeeze %dma_start3A_278 : memref<1x128xi32, #tpu.memory_space<vmem>> -> memref<128xi32, #tpu.memory_space<vmem>>
        %dma_start3A_280 = arith.constant 0 : i32
        %dma_start3A_281 = arith.constant 0 : i32
        %dma_start3A_282 = tpu.memref_slice %arg11[%dma_start3A_280, %dma_start3A_281] : memref<100352x16xf32, #tpu.memory_space<vmem_shared>> -> memref<100352x16xf32, #tpu.memory_space<vmem_shared>>
        tpu.enqueue_indirect_dma source(%dma_start3A_276 : memref<128x16xf32, #tpu.memory_space<vmem>>) target(%dma_start3A_282 : memref<100352x16xf32, #tpu.memory_space<vmem_shared>>) offsets(%dma_start3A_279 : memref<128xi32, #tpu.memory_space<vmem>>) semaphore(%arg13 : memref<!tpu.dma_semaphore, #tpu.memory_space<semaphore_mem>>) {add = true}
        %dma_start3A_283 = arith.constant 5 : i32
        %dma_start3A_284 = arith.constant 5 : i32
        %dma_start3A_285 = arith.constant 0 : i32
        %dma_start3A_286 = arith.constant 0 : i32
        %dma_start3A_287 = tpu.memref_slice %arg10[%dma_start3A_283, %dma_start3A_285, %dma_start3A_286] : memref<8x128x16xf32, #tpu.memory_space<vmem>> -> memref<1x128x16xf32, #tpu.memory_space<vmem>>
        %dma_start3A_288 = tpu.memref_squeeze %dma_start3A_287 : memref<1x128x16xf32, #tpu.memory_space<vmem>> -> memref<128x16xf32, #tpu.memory_space<vmem>>
        %dma_start3A_289 = arith.constant 0 : i32
        %dma_start3A_290 = tpu.memref_slice %arg9[%dma_start3A_284, %dma_start3A_289] : memref<8x128xi32, #tpu.memory_space<vmem>> -> memref<1x128xi32, #tpu.memory_space<vmem>>
        %dma_start3A_291 = tpu.memref_squeeze %dma_start3A_290 : memref<1x128xi32, #tpu.memory_space<vmem>> -> memref<128xi32, #tpu.memory_space<vmem>>
        %dma_start3A_292 = arith.constant 0 : i32
        %dma_start3A_293 = arith.constant 0 : i32
        %dma_start3A_294 = tpu.memref_slice %arg11[%dma_start3A_292, %dma_start3A_293] : memref<100352x16xf32, #tpu.memory_space<vmem_shared>> -> memref<100352x16xf32, #tpu.memory_space<vmem_shared>>
        tpu.enqueue_indirect_dma source(%dma_start3A_288 : memref<128x16xf32, #tpu.memory_space<vmem>>) target(%dma_start3A_294 : memref<100352x16xf32, #tpu.memory_space<vmem_shared>>) offsets(%dma_start3A_291 : memref<128xi32, #tpu.memory_space<vmem>>) semaphore(%arg13 : memref<!tpu.dma_semaphore, #tpu.memory_space<semaphore_mem>>) {add = true}
        %dma_start3A_295 = arith.constant 6 : i32
        %dma_start3A_296 = arith.constant 6 : i32
        %dma_start3A_297 = arith.constant 0 : i32
        %dma_start3A_298 = arith.constant 0 : i32
        %dma_start3A_299 = tpu.memref_slice %arg10[%dma_start3A_295, %dma_start3A_297, %dma_start3A_298] : memref<8x128x16xf32, #tpu.memory_space<vmem>> -> memref<1x128x16xf32, #tpu.memory_space<vmem>>
        %dma_start3A_300 = tpu.memref_squeeze %dma_start3A_299 : memref<1x128x16xf32, #tpu.memory_space<vmem>> -> memref<128x16xf32, #tpu.memory_space<vmem>>
        %dma_start3A_301 = arith.constant 0 : i32
        %dma_start3A_302 = tpu.memref_slice %arg9[%dma_start3A_296, %dma_start3A_301] : memref<8x128xi32, #tpu.memory_space<vmem>> -> memref<1x128xi32, #tpu.memory_space<vmem>>
        %dma_start3A_303 = tpu.memref_squeeze %dma_start3A_302 : memref<1x128xi32, #tpu.memory_space<vmem>> -> memref<128xi32, #tpu.memory_space<vmem>>
        %dma_start3A_304 = arith.constant 0 : i32
        %dma_start3A_305 = arith.constant 0 : i32
        %dma_start3A_306 = tpu.memref_slice %arg11[%dma_start3A_304, %dma_start3A_305] : memref<100352x16xf32, #tpu.memory_space<vmem_shared>> -> memref<100352x16xf32, #tpu.memory_space<vmem_shared>>
        tpu.enqueue_indirect_dma source(%dma_start3A_300 : memref<128x16xf32, #tpu.memory_space<vmem>>) target(%dma_start3A_306 : memref<100352x16xf32, #tpu.memory_space<vmem_shared>>) offsets(%dma_start3A_303 : memref<128xi32, #tpu.memory_space<vmem>>) semaphore(%arg13 : memref<!tpu.dma_semaphore, #tpu.memory_space<semaphore_mem>>) {add = true}
        %dma_start3A_307 = arith.constant 7 : i32
        %dma_start3A_308 = arith.constant 7 : i32
        %dma_start3A_309 = arith.constant 0 : i32
        %dma_start3A_310 = arith.constant 0 : i32
        %dma_start3A_311 = tpu.memref_slice %arg10[%dma_start3A_307, %dma_start3A_309, %dma_start3A_310] : memref<8x128x16xf32, #tpu.memory_space<vmem>> -> memref<1x128x16xf32, #tpu.memory_space<vmem>>
        %dma_start3A_312 = tpu.memref_squeeze %dma_start3A_311 : memref<1x128x16xf32, #tpu.memory_space<vmem>> -> memref<128x16xf32, #tpu.memory_space<vmem>>
        %dma_start3A_313 = arith.constant 0 : i32
        %dma_start3A_314 = tpu.memref_slice %arg9[%dma_start3A_308, %dma_start3A_313] : memref<8x128xi32, #tpu.memory_space<vmem>> -> memref<1x128xi32, #tpu.memory_space<vmem>>
        %dma_start3A_315 = tpu.memref_squeeze %dma_start3A_314 : memref<1x128xi32, #tpu.memory_space<vmem>> -> memref<128xi32, #tpu.memory_space<vmem>>
        %dma_start3A_316 = arith.constant 0 : i32
        %dma_start3A_317 = arith.constant 0 : i32
        %dma_start3A_318 = tpu.memref_slice %arg11[%dma_start3A_316, %dma_start3A_317] : memref<100352x16xf32, #tpu.memory_space<vmem_shared>> -> memref<100352x16xf32, #tpu.memory_space<vmem_shared>>
        tpu.enqueue_indirect_dma source(%dma_start3A_312 : memref<128x16xf32, #tpu.memory_space<vmem>>) target(%dma_start3A_318 : memref<100352x16xf32, #tpu.memory_space<vmem_shared>>) offsets(%dma_start3A_315 : memref<128xi32, #tpu.memory_space<vmem>>) semaphore(%arg13 : memref<!tpu.dma_semaphore, #tpu.memory_space<semaphore_mem>>) {add = true}
        %dma_wait3A_319 = arith.constant 0 : i32
        %dma_wait3A_320 = arith.constant 0 : i32
        %dma_wait3A_321 = arith.constant 0 : i32
        %dma_wait3A_322 = arith.constant 0 : i32
        %dma_wait3A_323 = tpu.memref_slice %arg10[%dma_wait3A_319, %dma_wait3A_321, %dma_wait3A_322] : memref<8x128x16xf32, #tpu.memory_space<vmem>> -> memref<1x128x16xf32, #tpu.memory_space<vmem>>
        %dma_wait3A_324 = tpu.memref_squeeze %dma_wait3A_323 : memref<1x128x16xf32, #tpu.memory_space<vmem>> -> memref<128x16xf32, #tpu.memory_space<vmem>>
        %dma_wait3A_325 = arith.constant 0 : i32
        %dma_wait3A_326 = tpu.memref_slice %arg9[%dma_wait3A_320, %dma_wait3A_325] : memref<8x128xi32, #tpu.memory_space<vmem>> -> memref<1x128xi32, #tpu.memory_space<vmem>>
        %dma_wait3A_327 = tpu.memref_squeeze %dma_wait3A_326 : memref<1x128xi32, #tpu.memory_space<vmem>> -> memref<128xi32, #tpu.memory_space<vmem>>
        %dma_wait3A_328 = arith.constant 0 : i32
        %dma_wait3A_329 = arith.constant 0 : i32
        %dma_wait3A_330 = tpu.memref_slice %arg11[%dma_wait3A_328, %dma_wait3A_329] : memref<100352x16xf32, #tpu.memory_space<vmem_shared>> -> memref<100352x16xf32, #tpu.memory_space<vmem_shared>>
        tpu.wait_indirect_dma semaphore(%arg13 : memref<!tpu.dma_semaphore, #tpu.memory_space<semaphore_mem>>) src(%dma_wait3A_324 : memref<128x16xf32, #tpu.memory_space<vmem>>) dst(%dma_wait3A_330 : memref<100352x16xf32, #tpu.memory_space<vmem_shared>>)
        %dma_wait3A_331 = arith.constant 1 : i32
        %dma_wait3A_332 = arith.constant 1 : i32
        %dma_wait3A_333 = arith.constant 0 : i32
        %dma_wait3A_334 = arith.constant 0 : i32
        %dma_wait3A_335 = tpu.memref_slice %arg10[%dma_wait3A_331, %dma_wait3A_333, %dma_wait3A_334] : memref<8x128x16xf32, #tpu.memory_space<vmem>> -> memref<1x128x16xf32, #tpu.memory_space<vmem>>
        %dma_wait3A_336 = tpu.memref_squeeze %dma_wait3A_335 : memref<1x128x16xf32, #tpu.memory_space<vmem>> -> memref<128x16xf32, #tpu.memory_space<vmem>>
        %dma_wait3A_337 = arith.constant 0 : i32
        %dma_wait3A_338 = tpu.memref_slice %arg9[%dma_wait3A_332, %dma_wait3A_337] : memref<8x128xi32, #tpu.memory_space<vmem>> -> memref<1x128xi32, #tpu.memory_space<vmem>>
        %dma_wait3A_339 = tpu.memref_squeeze %dma_wait3A_338 : memref<1x128xi32, #tpu.memory_space<vmem>> -> memref<128xi32, #tpu.memory_space<vmem>>
        %dma_wait3A_340 = arith.constant 0 : i32
        %dma_wait3A_341 = arith.constant 0 : i32
        %dma_wait3A_342 = tpu.memref_slice %arg11[%dma_wait3A_340, %dma_wait3A_341] : memref<100352x16xf32, #tpu.memory_space<vmem_shared>> -> memref<100352x16xf32, #tpu.memory_space<vmem_shared>>
        tpu.wait_indirect_dma semaphore(%arg13 : memref<!tpu.dma_semaphore, #tpu.memory_space<semaphore_mem>>) src(%dma_wait3A_336 : memref<128x16xf32, #tpu.memory_space<vmem>>) dst(%dma_wait3A_342 : memref<100352x16xf32, #tpu.memory_space<vmem_shared>>)
        %dma_wait3A_343 = arith.constant 2 : i32
        %dma_wait3A_344 = arith.constant 2 : i32
        %dma_wait3A_345 = arith.constant 0 : i32
        %dma_wait3A_346 = arith.constant 0 : i32
        %dma_wait3A_347 = tpu.memref_slice %arg10[%dma_wait3A_343, %dma_wait3A_345, %dma_wait3A_346] : memref<8x128x16xf32, #tpu.memory_space<vmem>> -> memref<1x128x16xf32, #tpu.memory_space<vmem>>
        %dma_wait3A_348 = tpu.memref_squeeze %dma_wait3A_347 : memref<1x128x16xf32, #tpu.memory_space<vmem>> -> memref<128x16xf32, #tpu.memory_space<vmem>>
        %dma_wait3A_349 = arith.constant 0 : i32
        %dma_wait3A_350 = tpu.memref_slice %arg9[%dma_wait3A_344, %dma_wait3A_349] : memref<8x128xi32, #tpu.memory_space<vmem>> -> memref<1x128xi32, #tpu.memory_space<vmem>>
        %dma_wait3A_351 = tpu.memref_squeeze %dma_wait3A_350 : memref<1x128xi32, #tpu.memory_space<vmem>> -> memref<128xi32, #tpu.memory_space<vmem>>
        %dma_wait3A_352 = arith.constant 0 : i32
        %dma_wait3A_353 = arith.constant 0 : i32
        %dma_wait3A_354 = tpu.memref_slice %arg11[%dma_wait3A_352, %dma_wait3A_353] : memref<100352x16xf32, #tpu.memory_space<vmem_shared>> -> memref<100352x16xf32, #tpu.memory_space<vmem_shared>>
        tpu.wait_indirect_dma semaphore(%arg13 : memref<!tpu.dma_semaphore, #tpu.memory_space<semaphore_mem>>) src(%dma_wait3A_348 : memref<128x16xf32, #tpu.memory_space<vmem>>) dst(%dma_wait3A_354 : memref<100352x16xf32, #tpu.memory_space<vmem_shared>>)
        %dma_wait3A_355 = arith.constant 3 : i32
        %dma_wait3A_356 = arith.constant 3 : i32
        %dma_wait3A_357 = arith.constant 0 : i32
        %dma_wait3A_358 = arith.constant 0 : i32
        %dma_wait3A_359 = tpu.memref_slice %arg10[%dma_wait3A_355, %dma_wait3A_357, %dma_wait3A_358] : memref<8x128x16xf32, #tpu.memory_space<vmem>> -> memref<1x128x16xf32, #tpu.memory_space<vmem>>
        %dma_wait3A_360 = tpu.memref_squeeze %dma_wait3A_359 : memref<1x128x16xf32, #tpu.memory_space<vmem>> -> memref<128x16xf32, #tpu.memory_space<vmem>>
        %dma_wait3A_361 = arith.constant 0 : i32
        %dma_wait3A_362 = tpu.memref_slice %arg9[%dma_wait3A_356, %dma_wait3A_361] : memref<8x128xi32, #tpu.memory_space<vmem>> -> memref<1x128xi32, #tpu.memory_space<vmem>>
        %dma_wait3A_363 = tpu.memref_squeeze %dma_wait3A_362 : memref<1x128xi32, #tpu.memory_space<vmem>> -> memref<128xi32, #tpu.memory_space<vmem>>
        %dma_wait3A_364 = arith.constant 0 : i32
        %dma_wait3A_365 = arith.constant 0 : i32
        %dma_wait3A_366 = tpu.memref_slice %arg11[%dma_wait3A_364, %dma_wait3A_365] : memref<100352x16xf32, #tpu.memory_space<vmem_shared>> -> memref<100352x16xf32, #tpu.memory_space<vmem_shared>>
        tpu.wait_indirect_dma semaphore(%arg13 : memref<!tpu.dma_semaphore, #tpu.memory_space<semaphore_mem>>) src(%dma_wait3A_360 : memref<128x16xf32, #tpu.memory_space<vmem>>) dst(%dma_wait3A_366 : memref<100352x16xf32, #tpu.memory_space<vmem_shared>>)
        %dma_wait3A_367 = arith.constant 4 : i32
        %dma_wait3A_368 = arith.constant 4 : i32
        %dma_wait3A_369 = arith.constant 0 : i32
        %dma_wait3A_370 = arith.constant 0 : i32
        %dma_wait3A_371 = tpu.memref_slice %arg10[%dma_wait3A_367, %dma_wait3A_369, %dma_wait3A_370] : memref<8x128x16xf32, #tpu.memory_space<vmem>> -> memref<1x128x16xf32, #tpu.memory_space<vmem>>
        %dma_wait3A_372 = tpu.memref_squeeze %dma_wait3A_371 : memref<1x128x16xf32, #tpu.memory_space<vmem>> -> memref<128x16xf32, #tpu.memory_space<vmem>>
        %dma_wait3A_373 = arith.constant 0 : i32
        %dma_wait3A_374 = tpu.memref_slice %arg9[%dma_wait3A_368, %dma_wait3A_373] : memref<8x128xi32, #tpu.memory_space<vmem>> -> memref<1x128xi32, #tpu.memory_space<vmem>>
        %dma_wait3A_375 = tpu.memref_squeeze %dma_wait3A_374 : memref<1x128xi32, #tpu.memory_space<vmem>> -> memref<128xi32, #tpu.memory_space<vmem>>
        %dma_wait3A_376 = arith.constant 0 : i32
        %dma_wait3A_377 = arith.constant 0 : i32
        %dma_wait3A_378 = tpu.memref_slice %arg11[%dma_wait3A_376, %dma_wait3A_377] : memref<100352x16xf32, #tpu.memory_space<vmem_shared>> -> memref<100352x16xf32, #tpu.memory_space<vmem_shared>>
        tpu.wait_indirect_dma semaphore(%arg13 : memref<!tpu.dma_semaphore, #tpu.memory_space<semaphore_mem>>) src(%dma_wait3A_372 : memref<128x16xf32, #tpu.memory_space<vmem>>) dst(%dma_wait3A_378 : memref<100352x16xf32, #tpu.memory_space<vmem_shared>>)
        %dma_wait3A_379 = arith.constant 5 : i32
        %dma_wait3A_380 = arith.constant 5 : i32
        %dma_wait3A_381 = arith.constant 0 : i32
        %dma_wait3A_382 = arith.constant 0 : i32
        %dma_wait3A_383 = tpu.memref_slice %arg10[%dma_wait3A_379, %dma_wait3A_381, %dma_wait3A_382] : memref<8x128x16xf32, #tpu.memory_space<vmem>> -> memref<1x128x16xf32, #tpu.memory_space<vmem>>
        %dma_wait3A_384 = tpu.memref_squeeze %dma_wait3A_383 : memref<1x128x16xf32, #tpu.memory_space<vmem>> -> memref<128x16xf32, #tpu.memory_space<vmem>>
        %dma_wait3A_385 = arith.constant 0 : i32
        %dma_wait3A_386 = tpu.memref_slice %arg9[%dma_wait3A_380, %dma_wait3A_385] : memref<8x128xi32, #tpu.memory_space<vmem>> -> memref<1x128xi32, #tpu.memory_space<vmem>>
        %dma_wait3A_387 = tpu.memref_squeeze %dma_wait3A_386 : memref<1x128xi32, #tpu.memory_space<vmem>> -> memref<128xi32, #tpu.memory_space<vmem>>
        %dma_wait3A_388 = arith.constant 0 : i32
        %dma_wait3A_389 = arith.constant 0 : i32
        %dma_wait3A_390 = tpu.memref_slice %arg11[%dma_wait3A_388, %dma_wait3A_389] : memref<100352x16xf32, #tpu.memory_space<vmem_shared>> -> memref<100352x16xf32, #tpu.memory_space<vmem_shared>>
        tpu.wait_indirect_dma semaphore(%arg13 : memref<!tpu.dma_semaphore, #tpu.memory_space<semaphore_mem>>) src(%dma_wait3A_384 : memref<128x16xf32, #tpu.memory_space<vmem>>) dst(%dma_wait3A_390 : memref<100352x16xf32, #tpu.memory_space<vmem_shared>>)
        %dma_wait3A_391 = arith.constant 6 : i32
        %dma_wait3A_392 = arith.constant 6 : i32
        %dma_wait3A_393 = arith.constant 0 : i32
        %dma_wait3A_394 = arith.constant 0 : i32
        %dma_wait3A_395 = tpu.memref_slice %arg10[%dma_wait3A_391, %dma_wait3A_393, %dma_wait3A_394] : memref<8x128x16xf32, #tpu.memory_space<vmem>> -> memref<1x128x16xf32, #tpu.memory_space<vmem>>
        %dma_wait3A_396 = tpu.memref_squeeze %dma_wait3A_395 : memref<1x128x16xf32, #tpu.memory_space<vmem>> -> memref<128x16xf32, #tpu.memory_space<vmem>>
        %dma_wait3A_397 = arith.constant 0 : i32
        %dma_wait3A_398 = tpu.memref_slice %arg9[%dma_wait3A_392, %dma_wait3A_397] : memref<8x128xi32, #tpu.memory_space<vmem>> -> memref<1x128xi32, #tpu.memory_space<vmem>>
        %dma_wait3A_399 = tpu.memref_squeeze %dma_wait3A_398 : memref<1x128xi32, #tpu.memory_space<vmem>> -> memref<128xi32, #tpu.memory_space<vmem>>
        %dma_wait3A_400 = arith.constant 0 : i32
        %dma_wait3A_401 = arith.constant 0 : i32
        %dma_wait3A_402 = tpu.memref_slice %arg11[%dma_wait3A_400, %dma_wait3A_401] : memref<100352x16xf32, #tpu.memory_space<vmem_shared>> -> memref<100352x16xf32, #tpu.memory_space<vmem_shared>>
        tpu.wait_indirect_dma semaphore(%arg13 : memref<!tpu.dma_semaphore, #tpu.memory_space<semaphore_mem>>) src(%dma_wait3A_396 : memref<128x16xf32, #tpu.memory_space<vmem>>) dst(%dma_wait3A_402 : memref<100352x16xf32, #tpu.memory_space<vmem_shared>>)
        %dma_wait3A_403 = arith.constant 7 : i32
        %dma_wait3A_404 = arith.constant 7 : i32
        %dma_wait3A_405 = arith.constant 0 : i32
        %dma_wait3A_406 = arith.constant 0 : i32
        %dma_wait3A_407 = tpu.memref_slice %arg10[%dma_wait3A_403, %dma_wait3A_405, %dma_wait3A_406] : memref<8x128x16xf32, #tpu.memory_space<vmem>> -> memref<1x128x16xf32, #tpu.memory_space<vmem>>
        %dma_wait3A_408 = tpu.memref_squeeze %dma_wait3A_407 : memref<1x128x16xf32, #tpu.memory_space<vmem>> -> memref<128x16xf32, #tpu.memory_space<vmem>>
        %dma_wait3A_409 = arith.constant 0 : i32
        %dma_wait3A_410 = tpu.memref_slice %arg9[%dma_wait3A_404, %dma_wait3A_409] : memref<8x128xi32, #tpu.memory_space<vmem>> -> memref<1x128xi32, #tpu.memory_space<vmem>>
        %dma_wait3A_411 = tpu.memref_squeeze %dma_wait3A_410 : memref<1x128xi32, #tpu.memory_space<vmem>> -> memref<128xi32, #tpu.memory_space<vmem>>
        %dma_wait3A_412 = arith.constant 0 : i32
        %dma_wait3A_413 = arith.constant 0 : i32
        %dma_wait3A_414 = tpu.memref_slice %arg11[%dma_wait3A_412, %dma_wait3A_413] : memref<100352x16xf32, #tpu.memory_space<vmem_shared>> -> memref<100352x16xf32, #tpu.memory_space<vmem_shared>>
        tpu.wait_indirect_dma semaphore(%arg13 : memref<!tpu.dma_semaphore, #tpu.memory_space<semaphore_mem>>) src(%dma_wait3A_408 : memref<128x16xf32, #tpu.memory_space<vmem>>) dst(%dma_wait3A_414 : memref<100352x16xf32, #tpu.memory_space<vmem_shared>>)
      }
      %scan3A_29 = arith.constant 196 : i32
    } else {
    }
    %barrier3A_14 = arith.constant 0 : index
    tpu.barrier barrier_id(%barrier3A_14)
    %eq3A_15 = arith.constant 0 : i32
    %eq3A_16 = arith.cmpi eq, %arg0, %eq3A_15 : i32
    %convert_element_type3A_17 = arith.extui %eq3A_16 : i1 to i32
    %cond3A_18 = arith.constant 0 : i32
    %cond3A_19 = arith.cmpi ne, %convert_element_type3A_17, %cond3A_18 : i32
    scf.if %cond3A_19 {
      %mul3A_25 = arith.constant 6272 : i32
      %mul3A_26 = arith.muli %arg1, %mul3A_25 : i32
      %mul3A_27 = arith.constant 6272 : i32
      %mul3A_28 = arith.muli %arg1, %mul3A_27 : i32
      "tpu.region"() ({
        %run_scoped3A = tpu.sem_alloc : memref<!tpu.dma_semaphore, #tpu.memory_space<semaphore_mem>>
        %dma_start3A = arith.constant 0 : i32
        %dma_start3A_29 = tpu.memref_slice %arg7[%mul3A_28, %dma_start3A] : memref<100352x128xf32, #tpu.memory_space<hbm>> -> memref<6272x16xf32, #tpu.memory_space<hbm>>
        %dma_start3A_30 = arith.constant 0 : i32
        %dma_start3A_31 = tpu.memref_slice %arg11[%mul3A_26, %dma_start3A_30] : memref<100352x16xf32, #tpu.memory_space<vmem_shared>> -> memref<6272x16xf32, #tpu.memory_space<vmem_shared>>
        tpu.enqueue_dma source(%dma_start3A_31 : memref<6272x16xf32, #tpu.memory_space<vmem_shared>>) target(%dma_start3A_29 : memref<6272x16xf32, #tpu.memory_space<hbm>>) target_semaphore(%run_scoped3A : memref<!tpu.dma_semaphore, #tpu.memory_space<semaphore_mem>>)
        %dma_wait3A = arith.constant 0 : i32
        %dma_wait3A_32 = tpu.memref_slice %arg7[%mul3A_28, %dma_wait3A] : memref<100352x128xf32, #tpu.memory_space<hbm>> -> memref<6272x16xf32, #tpu.memory_space<hbm>>
        %dma_wait3A_33 = arith.constant 0 : i32
        %dma_wait3A_34 = tpu.memref_slice %arg11[%mul3A_26, %dma_wait3A_33] : memref<100352x16xf32, #tpu.memory_space<vmem_shared>> -> memref<6272x16xf32, #tpu.memory_space<vmem_shared>>
        tpu.wait_dma2 semaphore(%run_scoped3A : memref<!tpu.dma_semaphore, #tpu.memory_space<semaphore_mem>>) src(%dma_wait3A_34 : memref<6272x16xf32, #tpu.memory_space<vmem_shared>>) dst(%dma_wait3A_32 : memref<6272x16xf32, #tpu.memory_space<hbm>>)
        tpu.yield
      }) : () -> ()
    } else {
    }
    %eq3A_20 = arith.constant 1 : i32
    %eq3A_21 = arith.cmpi eq, %arg0, %eq3A_20 : i32
    %convert_element_type3A_22 = arith.extui %eq3A_21 : i1 to i32
    %cond3A_23 = arith.constant 0 : i32
    %cond3A_24 = arith.cmpi ne, %convert_element_type3A_22, %cond3A_23 : i32
    scf.if %cond3A_24 {
      %mul3A_25 = arith.constant 6272 : i32
      %mul3A_26 = arith.muli %arg1, %mul3A_25 : i32
      %mul3A_27 = arith.constant 6272 : i32
      %mul3A_28 = arith.muli %arg1, %mul3A_27 : i32
      "tpu.region"() ({
        %run_scoped3A = tpu.sem_alloc : memref<!tpu.dma_semaphore, #tpu.memory_space<semaphore_mem>>
        %dma_start3A = arith.constant 16 : i32
        %dma_start3A_29 = tpu.memref_slice %arg7[%mul3A_28, %dma_start3A] : memref<100352x128xf32, #tpu.memory_space<hbm>> -> memref<6272x16xf32, #tpu.memory_space<hbm>>
        %dma_start3A_30 = arith.constant 0 : i32
        %dma_start3A_31 = tpu.memref_slice %arg11[%mul3A_26, %dma_start3A_30] : memref<100352x16xf32, #tpu.memory_space<vmem_shared>> -> memref<6272x16xf32, #tpu.memory_space<vmem_shared>>
        tpu.enqueue_dma source(%dma_start3A_31 : memref<6272x16xf32, #tpu.memory_space<vmem_shared>>) target(%dma_start3A_29 : memref<6272x16xf32, #tpu.memory_space<hbm>>) target_semaphore(%run_scoped3A : memref<!tpu.dma_semaphore, #tpu.memory_space<semaphore_mem>>)
        %dma_wait3A = arith.constant 16 : i32
        %dma_wait3A_32 = tpu.memref_slice %arg7[%mul3A_28, %dma_wait3A] : memref<100352x128xf32, #tpu.memory_space<hbm>> -> memref<6272x16xf32, #tpu.memory_space<hbm>>
        %dma_wait3A_33 = arith.constant 0 : i32
        %dma_wait3A_34 = tpu.memref_slice %arg11[%mul3A_26, %dma_wait3A_33] : memref<100352x16xf32, #tpu.memory_space<vmem_shared>> -> memref<6272x16xf32, #tpu.memory_space<vmem_shared>>
        tpu.wait_dma2 semaphore(%run_scoped3A : memref<!tpu.dma_semaphore, #tpu.memory_space<semaphore_mem>>) src(%dma_wait3A_34 : memref<6272x16xf32, #tpu.memory_space<vmem_shared>>) dst(%dma_wait3A_32 : memref<6272x16xf32, #tpu.memory_space<hbm>>)
        tpu.yield
      }) : () -> ()
    } else {
    }
    return
  }
}

module attributes {stable_mosaic.version = 14 : i64} {
  func.func @_prep_body(%arg0: i32, %arg1: memref<512x1xf32, #tpu.memory_space<vmem>>, %arg2: memref<512x1xf32, #tpu.memory_space<vmem>>, %arg3: memref<512x2xf32, #tpu.memory_space<vmem>>, %arg4: memref<512x128xf32, #tpu.memory_space<vmem>>) attributes {dimension_semantics = [#tpu.dimension_semantics<arbitrary>], iteration_bounds = array<i64: 196>, scalar_prefetch = 0 : i64, scratch_operands = 0 : i64, tpu.core_type = #tpu.core_type<tc>, window_params = [{transform_indices = @transform_0, window_bounds = array<i64: 512, 1>}, {transform_indices = @transform_1, window_bounds = array<i64: 512, 1>}, {transform_indices = @transform_2, window_bounds = array<i64: 512, 2>}, {transform_indices = @transform_3, window_bounds = array<i64: 512, 128>}]} {
    %get3A = arith.constant 0 : index
    %get3A_0 = arith.constant 0 : index
    %get3A_1 = vector.load %arg1[%get3A, %get3A_0] : memref<512x1xf32, #tpu.memory_space<vmem>>, vector<512x1xf32>
    %get3A_2 = arith.constant 0 : index
    %get3A_3 = arith.constant 0 : index
    %get3A_4 = vector.load %arg2[%get3A_2, %get3A_3] : memref<512x1xf32, #tpu.memory_space<vmem>>, vector<512x1xf32>
    %add3A = arith.addf %get3A_1, %get3A_4 : vector<512x1xf32>
    %add3A_5 = arith.constant 1.000000e+00 : f32
    %add3A_6 = vector.broadcast %add3A_5 : f32 to vector<512x1xf32>
    %add3A_7 = arith.addf %add3A, %add3A_6 : vector<512x1xf32>
    %rsqrt3A = math.rsqrt %add3A_7 : vector<512x1xf32>
    %get3A_8 = arith.constant 0 : index
    %get3A_9 = arith.constant 0 : index
    %get3A_10 = vector.load %arg3[%get3A_8, %get3A_9] : memref<512x2xf32, #tpu.memory_space<vmem>>, vector<512x2xf32>
    %mul3A = vector.broadcast %rsqrt3A : vector<512x1xf32> to vector<512x2xf32>
    %mul3A_11 = arith.mulf %get3A_10, %mul3A : vector<512x2xf32>
    %broadcast_in_dim3A = arith.constant 0.000000e+00 : f32
    %broadcast_in_dim3A_12 = vector.broadcast %broadcast_in_dim3A : f32 to vector<512x30xf32>
    %broadcast_in_dim3A_13 = arith.constant 0.000000e+00 : f32
    %broadcast_in_dim3A_14 = vector.broadcast %broadcast_in_dim3A_13 : f32 to vector<512x95xf32>
    %concatenate3A = tpu.concatenate %mul3A_11, %broadcast_in_dim3A_12, %rsqrt3A, %broadcast_in_dim3A_14 in 1 : vector<512x2xf32>, vector<512x30xf32>, vector<512x1xf32>, vector<512x95xf32> -> vector<512x128xf32>
    %swap3A = arith.constant 0 : index
    %swap3A_15 = arith.constant 0 : index
    %swap3A_16 = vector.load %arg4[%swap3A, %swap3A_15] : memref<512x128xf32, #tpu.memory_space<vmem>>, vector<512x128xf32>
    tpu.vector_store %arg4[%swap3A, %swap3A_15], %concatenate3A {strides = array<i32>} : memref<512x128xf32, #tpu.memory_space<vmem>>, vector<512x128xf32>,
    return
  }
  func.func @transform_0(%arg0: i32) -> (i32, i32) {
    %c0_i32 = arith.constant 0 : i32
    %c0_i32_0 = arith.constant 0 : i32
    return %arg0, %c0_i32 : i32, i32
  }
  func.func @transform_1(%arg0: i32) -> (i32, i32) {
    %c0_i32 = arith.constant 0 : i32
    %c0_i32_0 = arith.constant 0 : i32
    return %arg0, %c0_i32 : i32, i32
  }
  func.func @transform_2(%arg0: i32) -> (i32, i32) {
    %c0_i32 = arith.constant 0 : i32
    %c0_i32_0 = arith.constant 0 : i32
    return %arg0, %c0_i32 : i32, i32
  }
  func.func @transform_3(%arg0: i32) -> (i32, i32) {
    %c0_i32 = arith.constant 0 : i32
    %c0_i32_0 = arith.constant 0 : i32
    return %arg0, %c0_i32 : i32, i32
  }
}

module attributes {stable_mosaic.version = 14 : i64} {
  func.func @_mid2_body(%arg0: i32, %arg1: memref<512x128xf32, #tpu.memory_space<vmem>>, %arg2: memref<512x128xf32, #tpu.memory_space<vmem>>, %arg3: memref<32x64xf32, #tpu.memory_space<vmem>>, %arg4: memref<1x64xf32, #tpu.memory_space<vmem>>, %arg5: memref<64x32xf32, #tpu.memory_space<vmem>>, %arg6: memref<512x128xf32, #tpu.memory_space<vmem>>) attributes {dimension_semantics = [#tpu.dimension_semantics<arbitrary>], iteration_bounds = array<i64: 196>, scalar_prefetch = 0 : i64, scratch_operands = 0 : i64, tpu.core_type = #tpu.core_type<tc>, window_params = [{transform_indices = @transform_0, window_bounds = array<i64: 512, 128>}, {transform_indices = @transform_1, window_bounds = array<i64: 512, 128>}, {pipeline_mode = #tpu.pipeline_mode<synchronous>, transform_indices = @transform_2, window_bounds = array<i64: 32, 64>}, {pipeline_mode = #tpu.pipeline_mode<synchronous>, transform_indices = @transform_3, window_bounds = array<i64: 1, 64>}, {pipeline_mode = #tpu.pipeline_mode<synchronous>, transform_indices = @transform_4, window_bounds = array<i64: 64, 32>}, {transform_indices = @transform_5, window_bounds = array<i64: 512, 128>}]} {
    %get3A = arith.constant 0 : index
    %get3A_0 = arith.constant 0 : index
    %get3A_1 = vector.load %arg2[%get3A, %get3A_0] : memref<512x128xf32, #tpu.memory_space<vmem>>, vector<512x128xf32>
    %slice3A = vector.extract_strided_slice %get3A_1 {offsets = [0, 32], sizes = [512, 1], strides = [1, 1]} : vector<512x128xf32> to vector<512x1xf32>
    %get3A_2 = arith.constant 0 : index
    %get3A_3 = arith.constant 0 : index
    %get3A_4 = vector.load %arg1[%get3A_2, %get3A_3] : memref<512x128xf32, #tpu.memory_space<vmem>>, vector<512x128xf32>
    %slice3A_5 = vector.extract_strided_slice %get3A_4 {offsets = [0, 0], sizes = [512, 32], strides = [1, 1]} : vector<512x128xf32> to vector<512x32xf32>
    %slice3A_6 = vector.extract_strided_slice %get3A_1 {offsets = [0, 0], sizes = [512, 32], strides = [1, 1]} : vector<512x128xf32> to vector<512x32xf32>
    %add3A = arith.addf %slice3A_5, %slice3A_6 : vector<512x32xf32>
    %mul3A = vector.broadcast %slice3A : vector<512x1xf32> to vector<512x32xf32>
    %mul3A_7 = arith.mulf %add3A, %mul3A : vector<512x32xf32>
    %get3A_8 = arith.constant 0 : index
    %get3A_9 = arith.constant 0 : index
    %get3A_10 = vector.load %arg3[%get3A_8, %get3A_9] : memref<32x64xf32, #tpu.memory_space<vmem>>, vector<32x64xf32>
    %dot_general3A = arith.constant dense<0.000000e+00> : vector<512x64xf32>
    %dot_general3A_11 = tpu.matmul %mul3A_7, %get3A_10, %dot_general3A {dimension_numbers = #tpu.dot_dimension_numbers<[1], [0], [0], [1], [0, 0, 1, 1], [], []>, transpose_lhs_hint = false} : vector<512x32xf32>, vector<32x64xf32>, vector<512x64xf32> -> vector<512x64xf32>
    %get3A_12 = arith.constant 0 : index
    %get3A_13 = arith.constant 0 : index
    %get3A_14 = vector.load %arg4[%get3A_12, %get3A_13] : memref<1x64xf32, #tpu.memory_space<vmem>>, vector<1x64xf32>
    %add3A_15 = vector.broadcast %get3A_14 : vector<1x64xf32> to vector<512x64xf32>
    %add3A_16 = arith.addf %dot_general3A_11, %add3A_15 : vector<512x64xf32>
    %max3A = arith.constant 0.000000e+00 : f32
    %max3A_17 = vector.broadcast %max3A : f32 to vector<512x64xf32>
    %max3A_18 = arith.maximumf %add3A_16, %max3A_17 : vector<512x64xf32>
    %get3A_19 = arith.constant 0 : index
    %get3A_20 = arith.constant 0 : index
    %get3A_21 = vector.load %arg5[%get3A_19, %get3A_20] : memref<64x32xf32, #tpu.memory_space<vmem>>, vector<64x32xf32>
    %dot_general3A_22 = arith.constant dense<0.000000e+00> : vector<512x32xf32>
    %dot_general3A_23 = tpu.matmul %max3A_18, %get3A_21, %dot_general3A_22 {dimension_numbers = #tpu.dot_dimension_numbers<[1], [0], [0], [1], [0, 0, 1, 1], [], []>, transpose_lhs_hint = false} : vector<512x64xf32>, vector<64x32xf32>, vector<512x32xf32> -> vector<512x32xf32>
    %mul3A_24 = vector.broadcast %slice3A : vector<512x1xf32> to vector<512x32xf32>
    %mul3A_25 = arith.mulf %dot_general3A_23, %mul3A_24 : vector<512x32xf32>
    %broadcast_in_dim3A = arith.constant 0.000000e+00 : f32
    %broadcast_in_dim3A_26 = vector.broadcast %broadcast_in_dim3A : f32 to vector<512x95xf32>
    %concatenate3A = tpu.concatenate %mul3A_25, %slice3A, %broadcast_in_dim3A_26 in 1 : vector<512x32xf32>, vector<512x1xf32>, vector<512x95xf32> -> vector<512x128xf32>
    %swap3A = arith.constant 0 : index
    %swap3A_27 = arith.constant 0 : index
    %swap3A_28 = vector.load %arg6[%swap3A, %swap3A_27] : memref<512x128xf32, #tpu.memory_space<vmem>>, vector<512x128xf32>
    tpu.vector_store %arg6[%swap3A, %swap3A_27], %concatenate3A {strides = array<i32>} : memref<512x128xf32, #tpu.memory_space<vmem>>, vector<512x128xf32>,
    return
  }
  func.func @transform_0(%arg0: i32) -> (i32, i32) {
    %c0_i32 = arith.constant 0 : i32
    %c0_i32_0 = arith.constant 0 : i32
    return %arg0, %c0_i32 : i32, i32
  }
  func.func @transform_1(%arg0: i32) -> (i32, i32) {
    %c0_i32 = arith.constant 0 : i32
    %c0_i32_0 = arith.constant 0 : i32
    return %arg0, %c0_i32 : i32, i32
  }
  func.func @transform_2(%arg0: i32) -> (i32, i32) {
    %c0_i32 = arith.constant 0 : i32
    %c0_i32_0 = arith.constant 0 : i32
    %c0_i32_1 = arith.constant 0 : i32
    return %c0_i32, %c0_i32_0 : i32, i32
  }
  func.func @transform_3(%arg0: i32) -> (i32, i32) {
    %c0_i32 = arith.constant 0 : i32
    %c0_i32_0 = arith.constant 0 : i32
    %c0_i32_1 = arith.constant 0 : i32
    return %c0_i32, %c0_i32_0 : i32, i32
  }
  func.func @transform_4(%arg0: i32) -> (i32, i32) {
    %c0_i32 = arith.constant 0 : i32
    %c0_i32_0 = arith.constant 0 : i32
    %c0_i32_1 = arith.constant 0 : i32
    return %c0_i32, %c0_i32_0 : i32, i32
  }
  func.func @transform_5(%arg0: i32) -> (i32, i32) {
    %c0_i32 = arith.constant 0 : i32
    %c0_i32_0 = arith.constant 0 : i32
    return %arg0, %c0_i32 : i32, i32
  }
}

module attributes {stable_mosaic.version = 14 : i64} {
  func.func @_mid1_body(%arg0: i32, %arg1: memref<512x128xf32, #tpu.memory_space<vmem>>, %arg2: memref<512x128xf32, #tpu.memory_space<vmem>>, %arg3: memref<2x32xf32, #tpu.memory_space<vmem>>, %arg4: memref<1x32xf32, #tpu.memory_space<vmem>>, %arg5: memref<512x128xf32, #tpu.memory_space<vmem>>) attributes {dimension_semantics = [#tpu.dimension_semantics<arbitrary>], iteration_bounds = array<i64: 196>, scalar_prefetch = 0 : i64, scratch_operands = 0 : i64, tpu.core_type = #tpu.core_type<tc>, window_params = [{transform_indices = @transform_0, window_bounds = array<i64: 512, 128>}, {transform_indices = @transform_1, window_bounds = array<i64: 512, 128>}, {pipeline_mode = #tpu.pipeline_mode<synchronous>, transform_indices = @transform_2, window_bounds = array<i64: 2, 32>}, {pipeline_mode = #tpu.pipeline_mode<synchronous>, transform_indices = @transform_3, window_bounds = array<i64: 1, 32>}, {transform_indices = @transform_4, window_bounds = array<i64: 512, 128>}]} {
    %get3A = arith.constant 0 : index
    %get3A_0 = arith.constant 0 : index
    %get3A_1 = vector.load %arg2[%get3A, %get3A_0] : memref<512x128xf32, #tpu.memory_space<vmem>>, vector<512x128xf32>
    %get3A_2 = arith.constant 0 : index
    %get3A_3 = arith.constant 0 : index
    %get3A_4 = vector.load %arg1[%get3A_2, %get3A_3] : memref<512x128xf32, #tpu.memory_space<vmem>>, vector<512x128xf32>
    %slice3A = vector.extract_strided_slice %get3A_1 {offsets = [0, 32], sizes = [512, 1], strides = [1, 1]} : vector<512x128xf32> to vector<512x1xf32>
    %slice3A_5 = vector.extract_strided_slice %get3A_4 {offsets = [0, 0], sizes = [512, 2], strides = [1, 1]} : vector<512x128xf32> to vector<512x2xf32>
    %slice3A_6 = vector.extract_strided_slice %get3A_4 {offsets = [0, 16], sizes = [512, 2], strides = [1, 1]} : vector<512x128xf32> to vector<512x2xf32>
    %add3A = arith.addf %slice3A_5, %slice3A_6 : vector<512x2xf32>
    %slice3A_7 = vector.extract_strided_slice %get3A_1 {offsets = [0, 0], sizes = [512, 2], strides = [1, 1]} : vector<512x128xf32> to vector<512x2xf32>
    %add3A_8 = arith.addf %add3A, %slice3A_7 : vector<512x2xf32>
    %mul3A = vector.broadcast %slice3A : vector<512x1xf32> to vector<512x2xf32>
    %mul3A_9 = arith.mulf %add3A_8, %mul3A : vector<512x2xf32>
    %get3A_10 = arith.constant 0 : index
    %get3A_11 = arith.constant 0 : index
    %get3A_12 = vector.load %arg3[%get3A_10, %get3A_11] : memref<2x32xf32, #tpu.memory_space<vmem>>, vector<2x32xf32>
    %dot_general3A = arith.constant dense<0.000000e+00> : vector<512x32xf32>
    %dot_general3A_13 = tpu.matmul %mul3A_9, %get3A_12, %dot_general3A {dimension_numbers = #tpu.dot_dimension_numbers<[1], [0], [0], [1], [0, 0, 1, 1], [], []>, transpose_lhs_hint = false} : vector<512x2xf32>, vector<2x32xf32>, vector<512x32xf32> -> vector<512x32xf32>
    %get3A_14 = arith.constant 0 : index
    %get3A_15 = arith.constant 0 : index
    %get3A_16 = vector.load %arg4[%get3A_14, %get3A_15] : memref<1x32xf32, #tpu.memory_space<vmem>>, vector<1x32xf32>
    %add3A_17 = vector.broadcast %get3A_16 : vector<1x32xf32> to vector<512x32xf32>
    %add3A_18 = arith.addf %dot_general3A_13, %add3A_17 : vector<512x32xf32>
    %max3A = arith.constant 0.000000e+00 : f32
    %max3A_19 = vector.broadcast %max3A : f32 to vector<512x32xf32>
    %max3A_20 = arith.maximumf %add3A_18, %max3A_19 : vector<512x32xf32>
    %mul3A_21 = vector.broadcast %slice3A : vector<512x1xf32> to vector<512x32xf32>
    %mul3A_22 = arith.mulf %max3A_20, %mul3A_21 : vector<512x32xf32>
    %broadcast_in_dim3A = arith.constant 0.000000e+00 : f32
    %broadcast_in_dim3A_23 = vector.broadcast %broadcast_in_dim3A : f32 to vector<512x95xf32>
    %concatenate3A = tpu.concatenate %mul3A_22, %slice3A, %broadcast_in_dim3A_23 in 1 : vector<512x32xf32>, vector<512x1xf32>, vector<512x95xf32> -> vector<512x128xf32>
    %swap3A = arith.constant 0 : index
    %swap3A_24 = arith.constant 0 : index
    %swap3A_25 = vector.load %arg5[%swap3A, %swap3A_24] : memref<512x128xf32, #tpu.memory_space<vmem>>, vector<512x128xf32>
    tpu.vector_store %arg5[%swap3A, %swap3A_24], %concatenate3A {strides = array<i32>} : memref<512x128xf32, #tpu.memory_space<vmem>>, vector<512x128xf32>,
    return
  }
  func.func @transform_0(%arg0: i32) -> (i32, i32) {
    %c0_i32 = arith.constant 0 : i32
    %c0_i32_0 = arith.constant 0 : i32
    return %arg0, %c0_i32 : i32, i32
  }
  func.func @transform_1(%arg0: i32) -> (i32, i32) {
    %c0_i32 = arith.constant 0 : i32
    %c0_i32_0 = arith.constant 0 : i32
    return %arg0, %c0_i32 : i32, i32
  }
  func.func @transform_2(%arg0: i32) -> (i32, i32) {
    %c0_i32 = arith.constant 0 : i32
    %c0_i32_0 = arith.constant 0 : i32
    %c0_i32_1 = arith.constant 0 : i32
    return %c0_i32, %c0_i32_0 : i32, i32
  }
  func.func @transform_3(%arg0: i32) -> (i32, i32) {
    %c0_i32 = arith.constant 0 : i32
    %c0_i32_0 = arith.constant 0 : i32
    %c0_i32_1 = arith.constant 0 : i32
    return %c0_i32, %c0_i32_0 : i32, i32
  }
  func.func @transform_4(%arg0: i32) -> (i32, i32) {
    %c0_i32 = arith.constant 0 : i32
    %c0_i32_0 = arith.constant 0 : i32
    return %arg0, %c0_i32 : i32, i32
  }
}

module attributes {stable_mosaic.version = 14 : i64} {
  func.func @_final_body(%arg0: i32, %arg1: memref<512x128xf32, #tpu.memory_space<vmem>>, %arg2: memref<512x128xf32, #tpu.memory_space<vmem>>, %arg3: memref<1x512xi32, #tpu.memory_space<vmem>>, %arg4: memref<1x32xf32, #tpu.memory_space<vmem>>, %arg5: memref<32x1xf32, #tpu.memory_space<vmem>>, %arg6: memref<1x1xf32, #tpu.memory_space<vmem>>, %arg7: memref<1024x1xf32, #tpu.memory_space<vmem>>, %arg8: memref<1024x2xf32, #tpu.memory_space<vmem>>) attributes {dimension_semantics = [#tpu.dimension_semantics<arbitrary>], iteration_bounds = array<i64: 196>, scalar_prefetch = 0 : i64, scratch_operands = 1 : i64, tpu.core_type = #tpu.core_type<tc>, window_params = [{transform_indices = @transform_0, window_bounds = array<i64: 512, 128>}, {transform_indices = @transform_1, window_bounds = array<i64: 512, 128>}, {transform_indices = @transform_2, window_bounds = array<i64: 1, 512>}, {pipeline_mode = #tpu.pipeline_mode<synchronous>, transform_indices = @transform_3, window_bounds = array<i64: 1, 32>}, {pipeline_mode = #tpu.pipeline_mode<synchronous>, transform_indices = @transform_4, window_bounds = array<i64: 32, 1>}, {pipeline_mode = #tpu.pipeline_mode<synchronous>, transform_indices = @transform_5, window_bounds = array<i64: 1, 1>}, {pipeline_mode = #tpu.pipeline_mode<synchronous>, transform_indices = @transform_6, window_bounds = array<i64: 1024, 1>}]} {
    %eq3A = arith.constant 0 : i32
    %eq3A_0 = arith.cmpi eq, %arg0, %eq3A : i32
    %convert_element_type3A = arith.extui %eq3A_0 : i1 to i32
    %cond3A = arith.constant 0 : i32
    %cond3A_1 = arith.cmpi ne, %convert_element_type3A, %cond3A : i32
    scf.if %cond3A_1 {
      %broadcast_in_dim3A_42 = arith.constant 0.000000e+00 : f32
      %broadcast_in_dim3A_43 = vector.broadcast %broadcast_in_dim3A_42 : f32 to vector<1024x2xf32>
      %swap3A_44 = arith.constant 0 : index
      %swap3A_45 = arith.constant 0 : index
      %swap3A_46 = vector.load %arg8[%swap3A_44, %swap3A_45] : memref<1024x2xf32, #tpu.memory_space<vmem>>, vector<1024x2xf32>
      tpu.vector_store %arg8[%swap3A_44, %swap3A_45], %broadcast_in_dim3A_43 {strides = array<i32>} : memref<1024x2xf32, #tpu.memory_space<vmem>>, vector<1024x2xf32>,
    } else {
    }
    %get3A = arith.constant 0 : index
    %get3A_2 = arith.constant 0 : index
    %get3A_3 = vector.load %arg2[%get3A, %get3A_2] : memref<512x128xf32, #tpu.memory_space<vmem>>, vector<512x128xf32>
    %get3A_4 = arith.constant 0 : index
    %get3A_5 = arith.constant 0 : index
    %get3A_6 = vector.load %arg1[%get3A_4, %get3A_5] : memref<512x128xf32, #tpu.memory_space<vmem>>, vector<512x128xf32>
    %slice3A = vector.extract_strided_slice %get3A_6 {offsets = [0, 0], sizes = [512, 32], strides = [1, 1]} : vector<512x128xf32> to vector<512x32xf32>
    %slice3A_7 = vector.extract_strided_slice %get3A_3 {offsets = [0, 0], sizes = [512, 32], strides = [1, 1]} : vector<512x128xf32> to vector<512x32xf32>
    %add3A = arith.addf %slice3A, %slice3A_7 : vector<512x32xf32>
    %slice3A_8 = vector.extract_strided_slice %get3A_3 {offsets = [0, 32], sizes = [512, 1], strides = [1, 1]} : vector<512x128xf32> to vector<512x1xf32>
    %mul3A = vector.broadcast %slice3A_8 : vector<512x1xf32> to vector<512x32xf32>
    %mul3A_9 = arith.mulf %add3A, %mul3A : vector<512x32xf32>
    %get3A_10 = arith.constant 0 : index
    %get3A_11 = arith.constant 0 : index
    %get3A_12 = vector.load %arg4[%get3A_10, %get3A_11] : memref<1x32xf32, #tpu.memory_space<vmem>>, vector<1x32xf32>
    %add3A_13 = vector.broadcast %get3A_12 : vector<1x32xf32> to vector<512x32xf32>
    %add3A_14 = arith.addf %mul3A_9, %add3A_13 : vector<512x32xf32>
    %max3A = arith.constant 0.000000e+00 : f32
    %max3A_15 = vector.broadcast %max3A : f32 to vector<512x32xf32>
    %max3A_16 = arith.maximumf %add3A_14, %max3A_15 : vector<512x32xf32>
    %get3A_17 = arith.constant 0 : index
    %get3A_18 = arith.constant 0 : index
    %get3A_19 = vector.load %arg5[%get3A_17, %get3A_18] : memref<32x1xf32, #tpu.memory_space<vmem>>, vector<32x1xf32>
    %dot_general3A = arith.constant dense<0.000000e+00> : vector<512x1xf32>
    %dot_general3A_20 = tpu.matmul %max3A_16, %get3A_19, %dot_general3A {dimension_numbers = #tpu.dot_dimension_numbers<[1], [0], [0], [1], [0, 0, 1, 1], [], []>, transpose_lhs_hint = false} : vector<512x32xf32>, vector<32x1xf32>, vector<512x1xf32> -> vector<512x1xf32>
    %broadcast_in_dim3A = arith.constant 1.000000e+00 : f32
    %broadcast_in_dim3A_21 = vector.broadcast %broadcast_in_dim3A : f32 to vector<512x1xf32>
    %concatenate3A = tpu.concatenate %dot_general3A_20, %broadcast_in_dim3A_21 in 1 : vector<512x1xf32>, vector<512x1xf32> -> vector<512x2xf32>
    %iota3A = tpu.iota {dimensions = array<i32: 0>} : vector<1024x512xi32>
    %get3A_22 = arith.constant 0 : index
    %get3A_23 = arith.constant 0 : index
    %get3A_24 = vector.load %arg3[%get3A_22, %get3A_23] : memref<1x512xi32, #tpu.memory_space<vmem>>, vector<1x512xi32>
    %eq3A_25 = vector.broadcast %get3A_24 : vector<1x512xi32> to vector<1024x512xi32>
    %eq3A_26 = arith.cmpi eq, %iota3A, %eq3A_25 : vector<1024x512xi32>
    %convert_element_type3A_27 = arith.extui %eq3A_26 : vector<1024x512xi1> to vector<1024x512xi32>
    %convert_element_type3A_28 = arith.sitofp %convert_element_type3A_27 : vector<1024x512xi32> to vector<1024x512xf32>
    %get3A_29 = arith.constant 0 : index
    %get3A_30 = arith.constant 0 : index
    %get3A_31 = vector.load %arg8[%get3A_29, %get3A_30] : memref<1024x2xf32, #tpu.memory_space<vmem>>, vector<1024x2xf32>
    %dot_general3A_32 = arith.constant dense<0.000000e+00> : vector<1024x2xf32>
    %dot_general3A_33 = tpu.matmul %convert_element_type3A_28, %concatenate3A, %dot_general3A_32 {dimension_numbers = #tpu.dot_dimension_numbers<[1], [0], [0], [1], [0, 0, 1, 1], [], []>, transpose_lhs_hint = false} : vector<1024x512xf32>, vector<512x2xf32>, vector<1024x2xf32> -> vector<1024x2xf32>
    %add3A_34 = arith.addf %get3A_31, %dot_general3A_33 : vector<1024x2xf32>
    %swap3A = arith.constant 0 : index
    %swap3A_35 = arith.constant 0 : index
    %swap3A_36 = vector.load %arg8[%swap3A, %swap3A_35] : memref<1024x2xf32, #tpu.memory_space<vmem>>, vector<1024x2xf32>
    tpu.vector_store %arg8[%swap3A, %swap3A_35], %add3A_34 {strides = array<i32>} : memref<1024x2xf32, #tpu.memory_space<vmem>>, vector<1024x2xf32>,
    %eq3A_37 = arith.constant 195 : i32
    %eq3A_38 = arith.cmpi eq, %arg0, %eq3A_37 : i32
    %convert_element_type3A_39 = arith.extui %eq3A_38 : i1 to i32
    %cond3A_40 = arith.constant 0 : i32
    %cond3A_41 = arith.cmpi ne, %convert_element_type3A_39, %cond3A_40 : i32
    scf.if %cond3A_41 {
      %get3A_42 = arith.constant 0 : index
      %get3A_43 = arith.constant 0 : index
      %get3A_44 = vector.load %arg8[%get3A_42, %get3A_43] : memref<1024x2xf32, #tpu.memory_space<vmem>>, vector<1024x2xf32>
      %slice3A_45 = vector.extract_strided_slice %get3A_44 {offsets = [0, 0], sizes = [1024, 1], strides = [1, 1]} : vector<1024x2xf32> to vector<1024x1xf32>
      %slice3A_46 = vector.extract_strided_slice %get3A_44 {offsets = [0, 1], sizes = [1024, 1], strides = [1, 1]} : vector<1024x2xf32> to vector<1024x1xf32>
      %max3A_47 = arith.constant 1.000000e+00 : f32
      %max3A_48 = vector.broadcast %max3A_47 : f32 to vector<1024x1xf32>
      %max3A_49 = arith.maximumf %slice3A_46, %max3A_48 : vector<1024x1xf32>
      %div3A = arith.divf %slice3A_45, %max3A_49 : vector<1024x1xf32>
      %get3A_50 = arith.constant 0 : index
      %get3A_51 = arith.constant 0 : index
      %get3A_52 = vector.load %arg6[%get3A_50, %get3A_51] : memref<1x1xf32, #tpu.memory_space<vmem>>, vector<1x1xf32>
      %add3A_53 = vector.broadcast %get3A_52 : vector<1x1xf32> to vector<1024x1xf32>
      %add3A_54 = arith.addf %div3A, %add3A_53 : vector<1024x1xf32>
      %swap3A_55 = arith.constant 0 : index
      %swap3A_56 = arith.constant 0 : index
      %swap3A_57 = vector.load %arg7[%swap3A_55, %swap3A_56] : memref<1024x1xf32, #tpu.memory_space<vmem>>, vector<1024x1xf32>
      tpu.vector_store %arg7[%swap3A_55, %swap3A_56], %add3A_54 {strides = array<i32>} : memref<1024x1xf32, #tpu.memory_space<vmem>>, vector<1024x1xf32>,
    } else {
    }
    return
  }
  func.func @transform_0(%arg0: i32) -> (i32, i32) {
    %c0_i32 = arith.constant 0 : i32
    %c0_i32_0 = arith.constant 0 : i32
    return %arg0, %c0_i32 : i32, i32
  }
  func.func @transform_1(%arg0: i32) -> (i32, i32) {
    %c0_i32 = arith.constant 0 : i32
    %c0_i32_0 = arith.constant 0 : i32
    return %arg0, %c0_i32 : i32, i32
  }
  func.func @transform_2(%arg0: i32) -> (i32, i32) {
    %c0_i32 = arith.constant 0 : i32
    %c0_i32_0 = arith.constant 0 : i32
    return %c0_i32, %arg0 : i32, i32
  }
  func.func @transform_3(%arg0: i32) -> (i32, i32) {
    %c0_i32 = arith.constant 0 : i32
    %c0_i32_0 = arith.constant 0 : i32
    %c0_i32_1 = arith.constant 0 : i32
    return %c0_i32, %c0_i32_0 : i32, i32
  }
  func.func @transform_4(%arg0: i32) -> (i32, i32) {
    %c0_i32 = arith.constant 0 : i32
    %c0_i32_0 = arith.constant 0 : i32
    %c0_i32_1 = arith.constant 0 : i32
    return %c0_i32, %c0_i32_0 : i32, i32
  }
  func.func @transform_5(%arg0: i32) -> (i32, i32) {
    %c0_i32 = arith.constant 0 : i32
    %c0_i32_0 = arith.constant 0 : i32
    %c0_i32_1 = arith.constant 0 : i32
    return %c0_i32, %c0_i32_0 : i32, i32
  }
  func.func @transform_6(%arg0: i32) -> (i32, i32) {
    %c0_i32 = arith.constant 0 : i32
    %c0_i32_0 = arith.constant 0 : i32
    %c0_i32_1 = arith.constant 0 : i32
    return %c0_i32, %c0_i32_0 : i32, i32
  }
}

</mosaic_0001>

<sc_bundles>
// kernel: kernel.10.cloned.1.call-start
scs
__scs_entry_jumppad:
0x0: {  	(pc) =	sbr.rel $0x88, $3  }
0x1: {  	(tag) =	ssettag $0x0;
	lr =	simm.s32 $0x1  }
0x2: {  	[smem:$0x3F96] =	sst lr;
	_ =	strace $0xD0000000  }
0x3: {  	_ = 	snop  }
0x4: {  	_ = 	snop  }
0x5: {  	_ = 	snop  }
0x6: {  	_ = 	snop  }
0x7: {  	_ = 	snop  }
__scs_overlays_trampoline_lowered:
0x8: {  	[smem:$0x3FA5] =	sst s0  }
0x9: {  	[smem:$0x3FA6] =	sst s1  }
0xa: {  	[smem:$0x3FA7] =	sst s2  }
0xb: {  	[smem:$0x3FA8] =	sst s3  }
0xc: {  	[smem:$0x3FA9] =	sst s4  }
0xd: {  	[smem:$0x3FAA] =	sst s5  }
0xe: {  	[smem:$0x3FAB] =	sst s6  }
0xf: {  	[smem:$0x3FAC] =	sst s7  }
0x10: {  	[smem:$0x3FAD] =	sst s8  }
0x11: {  	[smem:$0x3FAE] =	sst s9;
	s0 =	simm.s32 @!p0 $0x0  }
0x12: {  	s1 =	sld [smem:$0x3F94];
	s0 =	simm.s32 @p0 $0x1  }
0x13: {  	[smem:$0x3FAF] =	sst s0;
	s0 =	simm.s32 @!p1 $0x0  }
0x14: {  	s2 =	sld [smem:$0x3F93];
	s0 =	simm.s32 @p1 $0x1  }
0x15: {  	[smem:$0x3FB0] =	sst s0;
	s0 =	simm.s32 @!p2 $0x0  }
0x16: {  	s3 =	sld [smem:$0x3FDB];
	s0 =	simm.s32 @p2 $0x1  }
0x17: {  	s4 =	simm.s32 $0x1BF5;
	[smem:$0x3FB2] =	sst s0  }
0x18: {  	s0 =	sld [smem:$0x3F95];
	_ =	swait.ge [sflag:s4], $0x0  }
0x19: {  	s7 =	sld [smem:$0x3F96]  }
0x1a: {  	s8 =	sadd.s32 $0xFFFFE003, lr  }
0x1b: {  	s9 =	sadd.s32 $0xFFFFFEF7, lr;
	s5 =	simm.s32 $0xFFFFFFFF;
	p2 =	slt.u32 s8, $0xFFFFF086  }
0x1c: {  	p1 =	slt.u32 s9, $0xF7A;
	s5 =	simm.s32 @!p2 $0x0  }
0x1d: {  	s5 =	simm.s32 @p1 $0x1;
	p0 =	seq.s32 s7, s2  }
0x1e: {  	s7 =	smul.u32 @!p0 $0xF7A, s2;
	p2 =	seq.s32 @!p0 s5, $0x0  }
0x1f: {  	s9 =	smul.u32 $0xF7A, s1;
	s8 =	simm.s32 @!p0 $0x1BF5;
	p2 =	por !p2, p0  }
0x20: {  	[sflag:s8] =	ssyncset.s32 @!p0 $0xFFFFF086;
	s6 =	sadd.s32 @!p0 s3, s7;
	s7 =	simm.s32 @!p0 $0x108  }
0x21: {  	s3 =	sadd.s32 s3, s9;
	s6 =	sadd.s32 @!p0 $0x88, s6;
	s7 =	simm.s32 @p2 $0x1082  }
0x22: {  	[simem:s7], [sflag:s8] =	dma.local @!p0 [hbm:s6], $0xF7A  }
0x23: {  	s9 =	sor.u32 $0xD0000000, s2;
	s6 =	simm.s32 $0x108;
	_ =	swait.ge @!p0 [sflag:s8], $0x0  }
0x24: {  	s3 =	sadd.s32 $0x88, s3;
	s6 =	simm.s32 @!p1 $0x1082;
	[sflag:s4] =	ssyncset.s32 $0xFFFFF086  }
0x25: {  	[simem:s6], [sflag:s4] =	dma.local [hbm:s3], $0xF7A  }
0x26: {  	[smem:$0x3F96] =	sst s1;
	(tag) =	ssettag s2;
	_ =	strace s9  }
0x27: {  	s1 =	sld [smem:$0x3FA6]  }
0x28: {  	s2 =	sld [smem:$0x3FA7]  }
0x29: {  	s4 =	sld [smem:$0x3FA9]  }
0x2a: {  	p0 =	seq.s32 s5, $0x0;
	s5 =	sld [smem:$0x3FAA]  }
0x2b: {  	s6 =	sld [smem:$0x3FAB]  }
0x2c: {  	s7 =	sld [smem:$0x3FAC]  }
0x2d: {  	s3 =	simm.s32 $0x108;
	s8 =	sld [smem:$0x3FAD]  }
0x2e: {  	s3 =	simm.s32 @!p0 $0x1082;
	s9 =	sld [smem:$0x3FAE]  }
0x2f: {  	lr =	sadd.s32 s0, s3;
	s0 =	sld [smem:$0x3FA5]  }
0x30: {  	s3 =	sld [smem:$0x3FA8]  }
0x31: {  	[smem:$0x3FB1] =	sst s10  }
0x32: {  	s10 =	sld [smem:$0x3FAF];
	_ =	sdelay $0x3  }
0x33: {  	p0 =	seq.s32 s10, $0x1;
	s10 =	sld [smem:$0x3FB1];
	_ =	sdelay $0x3  }
0x34: {  	[smem:$0x3FB1] =	sst s10  }
0x35: {  	s10 =	sld [smem:$0x3FB0];
	_ =	sdelay $0x3  }
0x36: {  	p1 =	seq.s32 s10, $0x1;
	s10 =	sld [smem:$0x3FB1];
	_ =	sdelay $0x3  }
0x37: {  	[smem:$0x3FB1] =	sst s10  }
0x38: {  	s10 =	sld [smem:$0x3FB2]  }
0x39: {  	_ = 	snop;
	(pc) =	sbr.ind lr, $3  }
0x3a: {  	_ = 	snop  }
0x3b: {  	_ = 	snop  }
0x3c: {  	p2 =	seq.s32 s10, $0x1;
	s10 =	sld [smem:$0x3FB1]  }
0x3d: {  	_ =	shalt  }
0x3e: {  	_ =	shalt  }
0x3f: {  	_ =	shalt  }
0x40: {  	_ =	shalt  }
0x41: {  	_ =	shalt  }
0x42: {  	_ =	shalt  }
0x43: {  	_ =	shalt  }
0x44: {  	_ =	shalt  }
0x45: {  	_ =	shalt  }
0x46: {  	_ =	shalt  }
0x47: {  	_ =	shalt  }
0x48: {  	_ =	shalt  }
0x49: {  	_ =	shalt  }
0x4a: {  	_ =	shalt  }
0x4b: {  	_ =	shalt  }
0x4c: {  	_ =	shalt  }
0x4d: {  	_ =	shalt  }
0x4e: {  	_ =	shalt  }
0x4f: {  	_ =	shalt  }
0x50: {  	_ =	shalt  }
0x51: {  	_ =	shalt  }
0x52: {  	_ =	shalt  }
0x53: {  	_ =	shalt  }
0x54: {  	_ =	shalt  }
0x55: {  	_ =	shalt  }
0x56: {  	_ =	shalt  }
0x57: {  	_ =	shalt  }
0x58: {  	_ =	shalt  }
0x59: {  	_ =	shalt  }
0x5a: {  	_ =	shalt  }
0x5b: {  	_ =	shalt  }
0x5c: {  	_ =	shalt  }
0x5d: {  	_ =	shalt  }
0x5e: {  	_ =	shalt  }
0x5f: {  	_ =	shalt  }
0x60: {  	_ =	shalt  }
0x61: {  	_ =	shalt  }
0x62: {  	_ =	shalt  }
0x63: {  	_ =	shalt  }
0x64: {  	_ =	shalt  }
0x65: {  	_ =	shalt  }
0x66: {  	_ =	shalt  }
0x67: {  	_ =	shalt  }
0x68: {  	_ =	shalt  }
0x69: {  	_ =	shalt  }
0x6a: {  	_ =	shalt  }
0x6b: {  	_ =	shalt  }
0x6c: {  	_ =	shalt  }
0x6d: {  	_ =	shalt  }
0x6e: {  	_ =	shalt  }
0x6f: {  	_ =	shalt  }
0x70: {  	_ =	shalt  }
0x71: {  	_ =	shalt  }
0x72: {  	_ =	shalt  }
0x73: {  	_ =	shalt  }
0x74: {  	_ =	shalt  }
0x75: {  	_ =	shalt  }
0x76: {  	_ =	shalt  }
0x77: {  	_ =	shalt  }
0x78: {  	_ =	shalt  }
0x79: {  	_ =	shalt  }
0x7a: {  	_ =	shalt  }
0x7b: {  	_ =	shalt  }
0x7c: {  	_ =	shalt  }
0x7d: {  	_ =	shalt  }
0x7e: {  	_ =	shalt  }
0x7f: {  	_ =	shalt  }
0x80: {  	_ =	shalt  }
0x81: {  	_ =	shalt  }
0x82: {  	_ =	shalt  }
0x83: {  	_ =	shalt  }
0x84: {  	_ =	shalt  }
0x85: {  	_ =	shalt  }
0x86: {  	_ =	shalt  }
0x87: {  	_ =	shalt  }
.Lfunc_end0:
.L_simem_size_0:
called_computation_lowered:
.L_overlay_start_0:
0x88: {  	s2 =	sld [smem:$0x3FD9]  }
0x89: {  	s3 =	sld [smem:$0x3FFE];
	_ =	sdelay $0x1  }
0x8a: {  	s1 =	srdreg.scid  }
0x8b: {  	s0 =	sand.u32 $0x1, s1  }
0x8c: {  	s17 =	sshll.u32 s0, $0xA;
	s2 =	sadd.s32 s3, s2  }
0x8d: {  	s2 =	sadd.s32 s2, s17  }
0x8e: {  	[smem:$0x3FBD] =	sst s2  }
0x8f: {  	_ = 	snop  }
0x90: {  	s2 =	sld [smem:$0x3FD0];
	(tm) =	ssettm $0x1  }
0x91: {  	s18 =	sld [smem:$0x3FFB];
	_ =	sdelay $0x3  }
0x92: {  	_ =	strace s18  }
0x93: {  	s3 =	sld [smem:$0x3FFC];
	_ =	sdelay $0x3  }
0x94: {  	_ =	strace s3  }
0x95: {  	s3 =	sld [smem:$0x3FFD];
	_ =	sdelay $0x3  }
0x96: {  	_ =	strace s3  }
0x97: {  	_ =	strace $0x8FFFFFFF  }
0x98: {  	s19 =	sld [smem:$0x3FDB];
	_ =	sdelay $0x1  }
0x99: {  	s4 =	simm.s32 $_scs_section_size  }
0x9a: {  	s5 =	simm.s32 $_size__tile_overlayer_lowered;
	s6 =	simm.s32 $_tile_overlayer_lowered  }
0x9b: {  	s22 =	simm.s32 $0x1BFF;
	s21 =	sshll.u32 s6, $0x1;
	s3 =	sadd.s32 s4, s19  }
0x9c: {  	s7 =	simm.s32 $0x0;
	s20 =	sshll.u32 s5, $0x1;
	s5 =	sadd.s32 s21, s3  }
0x9d: {  	[timem:s7], [sflag:s22] =	dma.local [hbm:s5], s20  }
0x9e: {  	_ =	swait.ge [sflag:s22], s20  }
0x9f: {  	s4 =	ssub.s32 $0x0, s20;
	[sflag:s22] =	ssyncset.done $0x0  }
0xa0: {  	[sflag:s22] =	ssyncadd.s32 s4;
	_ =	sdelay $0x1  }
0xa1: {  	s23 =	simm.s32 $0x1B8B  }
0xa2: {  	_ =	swait.ge [sflag:s23], $0x1  }
0xa3: {  	[sflag:s23] =	ssyncset.done $0x0  }
0xa4: {  	s25 =	simm.s32 $0x1B8E;
	s24 =	sld [smem:$0x3FFE];
	[sflag:s23] =	ssyncadd.s32 $0xFFFFFFFF  }
0xa5: {  	s26 =	simm.s32 $execute0_lowered;
	[smem:$0x3FD2] =	sst s25  }
0xa6: {  	s5 =	sshll.u32 s26, $0x1;
	_ =	strace $0x80000046;
	[dreg:$0x1] =	wrdreg $0xFFFFFFFF  }
0xa7: {  	s28 =	simm.s32 $_size_execute0_lowered;
	s3 =	sadd.s32 s3, s5;
	[dreg:$0x0] =	wrdreg $0x0  }
0xa8: {  	s5 =	sshll.u32 s28, $0x1;
	[dreg:$0x2] =	wrdreg s3  }
0xa9: {  	[dreg:$0x3] =	wrdreg s5  }
0xaa: {  	[dreg:$0x4] =	wrdreg $0xC0  }
0xab: {  	_ =	task [dreg:s7], $0x5FFFF  }
0xac: {  	[dreg:$0x1] =	wrdreg $0xFFFFFFFF  }
0xad: {  	[dreg:$0x0] =	wrdreg $0x60  }
0xae: {  	[dreg:$0x2] =	wrdreg s24  }
0xaf: {  	[dreg:$0x3] =	wrdreg s2  }
0xb0: {  	[dreg:$0x4] =	wrdreg $0x4800  }
0xb1: {  	[dreg:$0x5] =	wrdreg $0x9  }
0xb2: {  	_ =	task.clear_ibuf [dreg:s7], $0x6FFFF;
	_ =	strace $0x90000046  }
0xb3: {  	s29 =	simm.s32 $0x9;
	_ =	strace $0x80000048  }
0xb4: {  	_ =	swait.ge [sflag:s29], $0x1  }
0xb5: {  	[sflag:s29] =	ssyncadd.s32 $0xFFFFFFFF  }
0xb6: {  	_ =	strace $0x90000048  }
0xb7: {  	_ =	sfence  }
0xb8: {  	s30 =	sld [smem:$0x0];
	_ =	sdelay $0x2  }
0xb9: {  	s31 =	sshll.u32 s1, $0xD;
	s1 =	sshrl.u32 s1, $0x2  }
0xba: {  	s3 =	sand.u32 $0x4000, s31;
	s1 =	sadd.s32 s1, s30  }
0xbb: {  	s0 =	sor.u32 s3, s0;
	s1 =	sshll.u32 s1, $0x11  }
0xbc: {  	s0 =	sor.u32 s1, s0  }
0xbd: {  	s0 =	sadd.s32 $0x8F2B, s0  }
0xbe: {  	[sflag:s0] =	ssyncadd.remote.s32 $0x1  }
0xbf: {  	_ =	sfence.sel $0xFFFF  }
0xc0: {  	[dreg:$0x0] =	wrdreg $0xFFFFFFFF;
	(pc) =	sbr.abs _section_cstart, $3  }
0xc1: {  	[dreg:$0x1] =	wrdreg $0xFFFFFFFF  }
0xc2: {  	_ =	task.clear_ibuf [dreg:s7], $0x2FFFF;
	_ =	strace $0x9FFFFFFF  }
0xc3: {  	(tm) =	ssettm $0x7FFFFFFF  }
tec
execute0_lowered:
.L_overlay_start_1:
0x0: {  	(tag) =	ssettag $0x1  }
0x1: {  	s5 =	rddreg [dreg:$0x0]  }
0x2: {  	s2 =	rddreg [dreg:$0x1]  }
0x3: {  	s3 =	rddreg [dreg:$0x2]  }
0x4: {  	s0 =	rddreg [dreg:$0x3];
	s1 =	stileid.u32  }
0x5: {  	s4 =	simm.s32 $0x0;
	s7 =	srdreg.scid;
	s12 =	simm.s32 $0x6AE00  }
0x6: {  	s14 =	simm.s32 $0x100;
	s15 =	simm.s32 $0x180;
	s16 =	simm.s32 $0x200  }
0x7: {  	s17 =	simm.s32 $0x280;
	s18 =	simm.s32 $0x300;
	s19 =	simm.s32 $0x380  }
0x8: {  	s20 =	simm.s32 $0x0;
	s6 =	smul.u32 $0x1880, s1;
	[smem:$0x7FF] =	sst s4  }
0x9: {  	s8 =	smul.u32 $0x6200, s1;
	s7 =	sand.u32 $0x1, s7;
	s30 =	sshll.u32 s1, $0x6  }
0xa: {  	_ =	strace $0x80000047;
	s10 =	ssub.s32 $0x2, s7;
	p0 =	seq.s32 s7, $0x1  }
0xb: {  	s13 =	smul.u32 $0x3100, s7;
	s9 =	sshrl.u32 s6, $0x3;
	s11 =	sadd.s32 s8, s5  }
0xc: {  	s26 =	sshrl.u32 s10, $0x1;
	s29 =	sadd.s32 s6, s3;
	s6 =	sor.u32 $0x1C01, s30  }
0xd: {  	s12 =	simm.s32 @!p0 $0x67C00;
	s25 =	sadd.s32 s9, s5;
	s28 =	ssub.s32 s10, s26  }
0xe: {  	s31 =	sadd.s32 s13, s11;
	s10 =	sshrl.u32 s29, $0x3;
	s11 =	simm.s32 $0x1  }
0xf: {  	s13 =	simm.s32 $0x80;
	s5 =	sadd.s32 $0x64A00, s25;
	s7 =	smax.u32 s28, $0x1  }
0x10: {  	s8 =	sadd.s32 s12, s25;
	s9 =	sadd.s32 $0x2A00, s31;
	s12 =	simm.s32 $0x400  }
.LBB2_1:
0x11: {  	[spmem:s10], [sflag:s6] =	dma.local [hbm:s5], $0x310  }
0x12: {  	_ =	swait.ge [sflag:s11], $0x310  }
0x13: {  	[sflag:s11] =	ssyncset.done $0x0  }
0x14: {  	[sflag:s11] =	ssyncadd.s32 $0xFFFFFCF0  }
0x15: {  	[tilespmem:s12], [sflag:$0x1] =	stream.linear.gather [hbm4b:s2+s4], $0x80, $0x38;
	[tilespmem:$0x1D00] =	vst v63  }
0x16: {  	_ =	swait.ge [sflag:s11], $0x80  }
0x17: {  	[sflag:s11] =	ssyncset.done $0x0  }
0x18: {  	[sflag:s11] =	ssyncadd.s32 $0xFFFFFF80  }
0x19: {  	s21 =	sadd.s32 $0x0, s9;
	[bflag:$0x0] =	sbarrier.arrive $0xFFFF  }
0x1a: {  	[tilespmem:s4], [sflag:$0x1] =	stream.linear.gather [hbm4b:s21+s4], $0x400, $0x38;
	[tilespmem:$0x1D00] =	vst v63  }
0x1b: {  	_ =	swait.ge [sflag:s11], $0x400  }
0x1c: {  	[sflag:s11] =	ssyncset.done $0x0  }
0x1d: {  	[sflag:s11] =	ssyncadd.s32 $0xFFFFFC00  }
0x1e: {  	[spmem:s3] =	stream.indirect.scatter.add.f32 [tilespmem:s12], [sflag:$0x1], $0x1, s4, s13, $0xb8;
	[tilespmem:$0x1D00] =	vst v63  }
0x1f: {  	_ =	swait.ge [sflag:s11], $0x80  }
0x20: {  	[sflag:s11] =	ssyncset.done $0x0  }
0x21: {  	[sflag:s11] =	ssyncadd.s32 $0xFFFFFF80  }
0x22: {  	[spmem:s3] =	stream.indirect.scatter.add.f32 [tilespmem:s12], [sflag:$0x1], $0x1, s13, s13, $0xb8;
	[tilespmem:$0x1D00] =	vst v63  }
0x23: {  	_ =	swait.ge [sflag:s11], $0x80  }
0x24: {  	[sflag:s11] =	ssyncset.done $0x0  }
0x25: {  	[sflag:s11] =	ssyncadd.s32 $0xFFFFFF80  }
0x26: {  	[spmem:s3] =	stream.indirect.scatter.add.f32 [tilespmem:s12], [sflag:$0x1], $0x1, s14, s13, $0xb8;
	[tilespmem:$0x1D00] =	vst v63  }
0x27: {  	_ =	swait.ge [sflag:s11], $0x80  }
0x28: {  	[sflag:s11] =	ssyncset.done $0x0  }
0x29: {  	[sflag:s11] =	ssyncadd.s32 $0xFFFFFF80  }
0x2a: {  	[spmem:s3] =	stream.indirect.scatter.add.f32 [tilespmem:s12], [sflag:$0x1], $0x1, s15, s13, $0xb8;
	[tilespmem:$0x1D00] =	vst v63  }
0x2b: {  	_ =	swait.ge [sflag:s11], $0x80  }
0x2c: {  	[sflag:s11] =	ssyncset.done $0x0  }
0x2d: {  	[sflag:s11] =	ssyncadd.s32 $0xFFFFFF80  }
0x2e: {  	[spmem:s3] =	stream.indirect.scatter.add.f32 [tilespmem:s12], [sflag:$0x1], $0x1, s16, s13, $0xb8;
	[tilespmem:$0x1D00] =	vst v63  }
0x2f: {  	_ =	swait.ge [sflag:s11], $0x80  }
0x30: {  	[sflag:s11] =	ssyncset.done $0x0  }
0x31: {  	[sflag:s11] =	ssyncadd.s32 $0xFFFFFF80  }
0x32: {  	[spmem:s3] =	stream.indirect.scatter.add.f32 [tilespmem:s12], [sflag:$0x1], $0x1, s17, s13, $0xb8;
	[tilespmem:$0x1D00] =	vst v63  }
0x33: {  	_ =	swait.ge [sflag:s11], $0x80  }
0x34: {  	[sflag:s11] =	ssyncset.done $0x0  }
0x35: {  	[sflag:s11] =	ssyncadd.s32 $0xFFFFFF80  }
0x36: {  	[spmem:s3] =	stream.indirect.scatter.add.f32 [tilespmem:s12], [sflag:$0x1], $0x1, s18, s13, $0xb8;
	[tilespmem:$0x1D00] =	vst v63  }
0x37: {  	_ =	swait.ge [sflag:s11], $0x80  }
0x38: {  	[sflag:s11] =	ssyncset.done $0x0  }
0x39: {  	[sflag:s11] =	ssyncadd.s32 $0xFFFFFF80  }
0x3a: {  	[spmem:s3] =	stream.indirect.scatter.add.f32 [tilespmem:s12], [sflag:$0x1], $0x1, s19, s13, $0xb8;
	[tilespmem:$0x1D00] =	vst v63  }
0x3b: {  	_ =	swait.ge [sflag:s11], $0x80  }
0x3c: {  	s23 =	simm.s32 $0x100;
	s21 =	simm.s32 $0x80;
	[sflag:s11] =	ssyncset.done $0x0  }
.LBB2_2:
0x3d: {  	s24 =	sadd.s32 s21, s9  }
0x3e: {  	[sflag:s11] =	ssyncadd.s32 $0xFFFFFF80;
	s21 =	smov.u32 s23;
	s22 =	sadd.s32 $0x80, s23  }
0x3f: {  	[tilespmem:s4], [sflag:$0x1] =	stream.linear.gather [hbm4b:s24+s4], $0x400, $0x38;
	[tilespmem:$0x1D00] =	vst v63  }
0x40: {  	p0 =	sne.s32 s23, $0x3080;
	_ =	swait.ge [sflag:s11], $0x400  }
0x41: {  	[sflag:s11] =	ssyncset.done $0x0  }
0x42: {  	[sflag:s11] =	ssyncadd.s32 $0xFFFFFC00  }
0x43: {  	[spmem:s3] =	stream.indirect.scatter.add.f32 [tilespmem:s12], [sflag:$0x1], $0x1, s4, s13, $0xb8;
	[tilespmem:$0x1D00] =	vst v63  }
0x44: {  	_ =	swait.ge [sflag:s11], $0x80  }
0x45: {  	[sflag:s11] =	ssyncset.done $0x0  }
0x46: {  	[sflag:s11] =	ssyncadd.s32 $0xFFFFFF80  }
0x47: {  	[spmem:s3] =	stream.indirect.scatter.add.f32 [tilespmem:s12], [sflag:$0x1], $0x1, s13, s13, $0xb8;
	[tilespmem:$0x1D00] =	vst v63  }
0x48: {  	_ =	swait.ge [sflag:s11], $0x80  }
0x49: {  	[sflag:s11] =	ssyncset.done $0x0  }
0x4a: {  	[sflag:s11] =	ssyncadd.s32 $0xFFFFFF80  }
0x4b: {  	[spmem:s3] =	stream.indirect.scatter.add.f32 [tilespmem:s12], [sflag:$0x1], $0x1, s14, s13, $0xb8;
	[tilespmem:$0x1D00] =	vst v63  }
0x4c: {  	_ =	swait.ge [sflag:s11], $0x80  }
0x4d: {  	[sflag:s11] =	ssyncset.done $0x0  }
0x4e: {  	[sflag:s11] =	ssyncadd.s32 $0xFFFFFF80  }
0x4f: {  	[spmem:s3] =	stream.indirect.scatter.add.f32 [tilespmem:s12], [sflag:$0x1], $0x1, s15, s13, $0xb8;
	[tilespmem:$0x1D00] =	vst v63  }
0x50: {  	_ =	swait.ge [sflag:s11], $0x80  }
0x51: {  	[sflag:s11] =	ssyncset.done $0x0  }
0x52: {  	[sflag:s11] =	ssyncadd.s32 $0xFFFFFF80  }
0x53: {  	[spmem:s3] =	stream.indirect.scatter.add.f32 [tilespmem:s12], [sflag:$0x1], $0x1, s16, s13, $0xb8;
	[tilespmem:$0x1D00] =	vst v63  }
0x54: {  	_ =	swait.ge [sflag:s11], $0x80  }
0x55: {  	[sflag:s11] =	ssyncset.done $0x0  }
0x56: {  	[sflag:s11] =	ssyncadd.s32 $0xFFFFFF80  }
0x57: {  	[spmem:s3] =	stream.indirect.scatter.add.f32 [tilespmem:s12], [sflag:$0x1], $0x1, s17, s13, $0xb8;
	[tilespmem:$0x1D00] =	vst v63  }
0x58: {  	_ =	swait.ge [sflag:s11], $0x80  }
0x59: {  	[sflag:s11] =	ssyncset.done $0x0  }
0x5a: {  	[sflag:s11] =	ssyncadd.s32 $0xFFFFFF80  }
0x5b: {  	[spmem:s3] =	stream.indirect.scatter.add.f32 [tilespmem:s12], [sflag:$0x1], $0x1, s18, s13, $0xb8;
	[tilespmem:$0x1D00] =	vst v63  }
0x5c: {  	_ =	swait.ge [sflag:s11], $0x80  }
.Ltmp0:
0x5d: {  	[sflag:s11] =	ssyncset.done $0x0;
	(pc) =	sbr.rel @p0 .LBB2_2-.Ltmp0, $4  }
0x5e: {  	[sflag:s11] =	ssyncadd.s32 $0xFFFFFF80  }
0x5f: {  	[spmem:s3] =	stream.indirect.scatter.add.f32 [tilespmem:s12], [sflag:$0x1], $0x1, s19, s13, $0xb8;
	[tilespmem:$0x1D00] =	vst v63  }
0x60: {  	_ =	swait.ge [sflag:s11], $0x80  }
0x61: {  	s23 =	smov.u32 s22;
	[sflag:s11] =	ssyncset.done $0x0  }
0x62: {  	s21 =	sadd.s32 s21, s9;
	[sflag:s11] =	ssyncadd.s32 $0xFFFFFF80  }
0x63: {  	[tilespmem:s4], [sflag:$0x1] =	stream.linear.gather [hbm4b:s21+s4], $0x400, $0x38;
	[tilespmem:$0x1D00] =	vst v63  }
0x64: {  	_ =	swait.ge [sflag:s11], $0x400  }
0x65: {  	[sflag:s11] =	ssyncset.done $0x0  }
0x66: {  	[sflag:s11] =	ssyncadd.s32 $0xFFFFFC00  }
0x67: {  	[spmem:s3] =	stream.indirect.scatter.add.f32 [tilespmem:s12], [sflag:$0x1], $0x1, s4, s13, $0xb8;
	[tilespmem:$0x1D00] =	vst v63  }
0x68: {  	_ =	swait.ge [sflag:s11], $0x80  }
0x69: {  	[sflag:s11] =	ssyncset.done $0x0  }
0x6a: {  	[sflag:s11] =	ssyncadd.s32 $0xFFFFFF80  }
0x6b: {  	[spmem:s3] =	stream.indirect.scatter.add.f32 [tilespmem:s12], [sflag:$0x1], $0x1, s13, s13, $0xb8;
	[tilespmem:$0x1D00] =	vst v63  }
0x6c: {  	_ =	swait.ge [sflag:s11], $0x80  }
0x6d: {  	[sflag:s11] =	ssyncset.done $0x0  }
0x6e: {  	[sflag:s11] =	ssyncadd.s32 $0xFFFFFF80  }
0x6f: {  	[spmem:s3] =	stream.indirect.scatter.add.f32 [tilespmem:s12], [sflag:$0x1], $0x1, s14, s13, $0xb8;
	[tilespmem:$0x1D00] =	vst v63  }
0x70: {  	_ =	swait.ge [sflag:s11], $0x80  }
0x71: {  	[sflag:s11] =	ssyncset.done $0x0  }
0x72: {  	[sflag:s11] =	ssyncadd.s32 $0xFFFFFF80  }
0x73: {  	[spmem:s3] =	stream.indirect.scatter.add.f32 [tilespmem:s12], [sflag:$0x1], $0x1, s15, s13, $0xb8;
	[tilespmem:$0x1D00] =	vst v63  }
0x74: {  	_ =	swait.ge [sflag:s11], $0x80  }
0x75: {  	[sflag:s11] =	ssyncset.done $0x0  }
0x76: {  	[sflag:s11] =	ssyncadd.s32 $0xFFFFFF80  }
0x77: {  	[spmem:s3] =	stream.indirect.scatter.add.f32 [tilespmem:s12], [sflag:$0x1], $0x1, s16, s13, $0xb8;
	[tilespmem:$0x1D00] =	vst v63  }
0x78: {  	_ =	swait.ge [sflag:s11], $0x80  }
0x79: {  	[sflag:s11] =	ssyncset.done $0x0  }
0x7a: {  	[sflag:s11] =	ssyncadd.s32 $0xFFFFFF80  }
0x7b: {  	[spmem:s3] =	stream.indirect.scatter.add.f32 [tilespmem:s12], [sflag:$0x1], $0x1, s17, s13, $0xb8;
	[tilespmem:$0x1D00] =	vst v63  }
0x7c: {  	_ =	swait.ge [sflag:s11], $0x80  }
0x7d: {  	[sflag:s11] =	ssyncset.done $0x0  }
0x7e: {  	[sflag:s11] =	ssyncadd.s32 $0xFFFFFF80  }
0x7f: {  	[spmem:s3] =	stream.indirect.scatter.add.f32 [tilespmem:s12], [sflag:$0x1], $0x1, s18, s13, $0xb8;
	[tilespmem:$0x1D00] =	vst v63  }
0x80: {  	_ =	swait.ge [sflag:s11], $0x80  }
0x81: {  	[sflag:s11] =	ssyncset.done $0x0  }
0x82: {  	[sflag:s11] =	ssyncadd.s32 $0xFFFFFF80  }
0x83: {  	[spmem:s3] =	stream.indirect.scatter.add.f32 [tilespmem:s12], [sflag:$0x1], $0x1, s19, s13, $0xb8;
	[tilespmem:$0x1D00] =	vst v63  }
0x84: {  	_ =	swait.ge [sflag:s11], $0x80  }
0x85: {  	s20 =	sadd.s32 $0x1, s20;
	[sflag:s11] =	ssyncset.done $0x0  }
0x86: {  	p0 =	sne.s32 s20, s7;
	[sflag:s11] =	ssyncadd.s32 $0xFFFFFF80  }
.Ltmp1:
0x87: {  	[bflag:$0x0] =	sbarrier.arrive $0xFFFF;
	(pc) =	sbr.rel @p0 .LBB2_1-.Ltmp1, $4  }
0x88: {  	[hbm:s8], [sflag:s6] =	dma.local [spmem:s10], $0x310  }
0x89: {  	_ =	swait.ge [sflag:s11], $0x310  }
0x8a: {  	[sflag:s11] =	ssyncset.done $0x0  }
0x8b: {  	[sflag:s11] =	ssyncadd.s32 $0xFFFFFCF0  }
0x8c: {  	_ =	sfence.sel $0x180000  }
0x8d: {  	[bflag:$0x0] =	sbarrier.arrive $0xFFFF  }
0x8e: {  	p0 =	sne.s32 s1, $0x0;
	_ =	strace $0x90000047  }
0x8f: {  	s0 =	sadd.s32 @!p0 $0x100000, s0;
	[bflag:$0x2] =	sbarrier.arrive $0xFFFF  }
0x90: {  	[sflag:s0] =	ssyncadd.tile.s32 @!p0 $0x1;
	_ =	shalt  }
.Lfunc_end2:
_tile_overlayer_lowered:
.L_overlay_start_2:
0x91: {  	(tag) =	ssettag $0x2  }
0x92: {  	s0 =	rddreg [dreg:$0x0];
	s2 =	stileid.u32  }
0x93: {  	s1 =	rddreg [dreg:$0x1];
	p0 =	sne.s32 s2, $0x0  }
0x94: {  	s3 =	rddreg [dreg:$0x2];
	[bflag:$0x3] =	sbarrier.arrive $0xFFFF;
	s2 =	simm.s32 @!p0 $0x1C01  }
0x95: {  	[timem:s3], [sflag:s2] =	dma.local @!p0 [hbm:s0], s1  }
0x96: {  	s0 =	simm.s32 @!p0 $0x1  }
0x97: {  	_ =	swait.ge @!p0 [sflag:s0], s1  }
0x98: {  	s1 =	ssub.s32 @!p0 $0x0, s1;
	[sflag:s0] =	ssyncset.done @!p0 $0x0  }
0x99: {  	[sflag:s0] =	ssyncadd.s32 @!p0 s1  }
0x9a: {  	[bflag:$0x3] =	sbarrier.arrive $0xFFFF  }
0x9b: {  	_ =	shalt  }

// kernel: kernel.13.cloned.1.call-start
scs
__scs_entry_jumppad:
0x0: {  	(pc) =	sbr.rel $0x88, $3  }
0x1: {  	(tag) =	ssettag $0x0;
	lr =	simm.s32 $0x1  }
0x2: {  	[smem:$0x3F96] =	sst lr;
	_ =	strace $0xD0000000  }
0x3: {  	_ = 	snop  }
0x4: {  	_ = 	snop  }
0x5: {  	_ = 	snop  }
0x6: {  	_ = 	snop  }
0x7: {  	_ = 	snop  }
__scs_overlays_trampoline_lowered:
0x8: {  	[smem:$0x3FA5] =	sst s0  }
0x9: {  	[smem:$0x3FA6] =	sst s1  }
0xa: {  	[smem:$0x3FA7] =	sst s2  }
0xb: {  	[smem:$0x3FA8] =	sst s3  }
0xc: {  	[smem:$0x3FA9] =	sst s4  }
0xd: {  	[smem:$0x3FAA] =	sst s5  }
0xe: {  	[smem:$0x3FAB] =	sst s6  }
0xf: {  	[smem:$0x3FAC] =	sst s7  }
0x10: {  	[smem:$0x3FAD] =	sst s8  }
0x11: {  	[smem:$0x3FAE] =	sst s9;
	s0 =	simm.s32 @!p0 $0x0  }
0x12: {  	s1 =	sld [smem:$0x3F94];
	s0 =	simm.s32 @p0 $0x1  }
0x13: {  	[smem:$0x3FAF] =	sst s0;
	s0 =	simm.s32 @!p1 $0x0  }
0x14: {  	s2 =	sld [smem:$0x3F93];
	s0 =	simm.s32 @p1 $0x1  }
0x15: {  	[smem:$0x3FB0] =	sst s0;
	s0 =	simm.s32 @!p2 $0x0  }
0x16: {  	s3 =	sld [smem:$0x3FDB];
	s0 =	simm.s32 @p2 $0x1  }
0x17: {  	s4 =	simm.s32 $0x1BF5;
	[smem:$0x3FB2] =	sst s0  }
0x18: {  	s0 =	sld [smem:$0x3F95];
	_ =	swait.ge [sflag:s4], $0x0  }
0x19: {  	s7 =	sld [smem:$0x3F96]  }
0x1a: {  	s8 =	sadd.s32 $0xFFFFE003, lr  }
0x1b: {  	s9 =	sadd.s32 $0xFFFFFEF7, lr;
	s5 =	simm.s32 $0xFFFFFFFF;
	p2 =	slt.u32 s8, $0xFFFFF086  }
0x1c: {  	p1 =	slt.u32 s9, $0xF7A;
	s5 =	simm.s32 @!p2 $0x0  }
0x1d: {  	s5 =	simm.s32 @p1 $0x1;
	p0 =	seq.s32 s7, s2  }
0x1e: {  	s7 =	smul.u32 @!p0 $0xF7A, s2;
	p2 =	seq.s32 @!p0 s5, $0x0  }
0x1f: {  	s9 =	smul.u32 $0xF7A, s1;
	s8 =	simm.s32 @!p0 $0x1BF5;
	p2 =	por !p2, p0  }
0x20: {  	[sflag:s8] =	ssyncset.s32 @!p0 $0xFFFFF086;
	s6 =	sadd.s32 @!p0 s3, s7;
	s7 =	simm.s32 @!p0 $0x108  }
0x21: {  	s3 =	sadd.s32 s3, s9;
	s6 =	sadd.s32 @!p0 $0x88, s6;
	s7 =	simm.s32 @p2 $0x1082  }
0x22: {  	[simem:s7], [sflag:s8] =	dma.local @!p0 [hbm:s6], $0xF7A  }
0x23: {  	s9 =	sor.u32 $0xD0000000, s2;
	s6 =	simm.s32 $0x108;
	_ =	swait.ge @!p0 [sflag:s8], $0x0  }
0x24: {  	s3 =	sadd.s32 $0x88, s3;
	s6 =	simm.s32 @!p1 $0x1082;
	[sflag:s4] =	ssyncset.s32 $0xFFFFF086  }
0x25: {  	[simem:s6], [sflag:s4] =	dma.local [hbm:s3], $0xF7A  }
0x26: {  	[smem:$0x3F96] =	sst s1;
	(tag) =	ssettag s2;
	_ =	strace s9  }
0x27: {  	s1 =	sld [smem:$0x3FA6]  }
0x28: {  	s2 =	sld [smem:$0x3FA7]  }
0x29: {  	s4 =	sld [smem:$0x3FA9]  }
0x2a: {  	p0 =	seq.s32 s5, $0x0;
	s5 =	sld [smem:$0x3FAA]  }
0x2b: {  	s6 =	sld [smem:$0x3FAB]  }
0x2c: {  	s7 =	sld [smem:$0x3FAC]  }
0x2d: {  	s3 =	simm.s32 $0x108;
	s8 =	sld [smem:$0x3FAD]  }
0x2e: {  	s3 =	simm.s32 @!p0 $0x1082;
	s9 =	sld [smem:$0x3FAE]  }
0x2f: {  	lr =	sadd.s32 s0, s3;
	s0 =	sld [smem:$0x3FA5]  }
0x30: {  	s3 =	sld [smem:$0x3FA8]  }
0x31: {  	[smem:$0x3FB1] =	sst s10  }
0x32: {  	s10 =	sld [smem:$0x3FAF];
	_ =	sdelay $0x3  }
0x33: {  	p0 =	seq.s32 s10, $0x1;
	s10 =	sld [smem:$0x3FB1];
	_ =	sdelay $0x3  }
0x34: {  	[smem:$0x3FB1] =	sst s10  }
0x35: {  	s10 =	sld [smem:$0x3FB0];
	_ =	sdelay $0x3  }
0x36: {  	p1 =	seq.s32 s10, $0x1;
	s10 =	sld [smem:$0x3FB1];
	_ =	sdelay $0x3  }
0x37: {  	[smem:$0x3FB1] =	sst s10  }
0x38: {  	s10 =	sld [smem:$0x3FB2]  }
0x39: {  	_ = 	snop;
	(pc) =	sbr.ind lr, $3  }
0x3a: {  	_ = 	snop  }
0x3b: {  	_ = 	snop  }
0x3c: {  	p2 =	seq.s32 s10, $0x1;
	s10 =	sld [smem:$0x3FB1]  }
0x3d: {  	_ =	shalt  }
0x3e: {  	_ =	shalt  }
0x3f: {  	_ =	shalt  }
0x40: {  	_ =	shalt  }
0x41: {  	_ =	shalt  }
0x42: {  	_ =	shalt  }
0x43: {  	_ =	shalt  }
0x44: {  	_ =	shalt  }
0x45: {  	_ =	shalt  }
0x46: {  	_ =	shalt  }
0x47: {  	_ =	shalt  }
0x48: {  	_ =	shalt  }
0x49: {  	_ =	shalt  }
0x4a: {  	_ =	shalt  }
0x4b: {  	_ =	shalt  }
0x4c: {  	_ =	shalt  }
0x4d: {  	_ =	shalt  }
0x4e: {  	_ =	shalt  }
0x4f: {  	_ =	shalt  }
0x50: {  	_ =	shalt  }
0x51: {  	_ =	shalt  }
0x52: {  	_ =	shalt  }
0x53: {  	_ =	shalt  }
0x54: {  	_ =	shalt  }
0x55: {  	_ =	shalt  }
0x56: {  	_ =	shalt  }
0x57: {  	_ =	shalt  }
0x58: {  	_ =	shalt  }
0x59: {  	_ =	shalt  }
0x5a: {  	_ =	shalt  }
0x5b: {  	_ =	shalt  }
0x5c: {  	_ =	shalt  }
0x5d: {  	_ =	shalt  }
0x5e: {  	_ =	shalt  }
0x5f: {  	_ =	shalt  }
0x60: {  	_ =	shalt  }
0x61: {  	_ =	shalt  }
0x62: {  	_ =	shalt  }
0x63: {  	_ =	shalt  }
0x64: {  	_ =	shalt  }
0x65: {  	_ =	shalt  }
0x66: {  	_ =	shalt  }
0x67: {  	_ =	shalt  }
0x68: {  	_ =	shalt  }
0x69: {  	_ =	shalt  }
0x6a: {  	_ =	shalt  }
0x6b: {  	_ =	shalt  }
0x6c: {  	_ =	shalt  }
0x6d: {  	_ =	shalt  }
0x6e: {  	_ =	shalt  }
0x6f: {  	_ =	shalt  }
0x70: {  	_ =	shalt  }
0x71: {  	_ =	shalt  }
0x72: {  	_ =	shalt  }
0x73: {  	_ =	shalt  }
0x74: {  	_ =	shalt  }
0x75: {  	_ =	shalt  }
0x76: {  	_ =	shalt  }
0x77: {  	_ =	shalt  }
0x78: {  	_ =	shalt  }
0x79: {  	_ =	shalt  }
0x7a: {  	_ =	shalt  }
0x7b: {  	_ =	shalt  }
0x7c: {  	_ =	shalt  }
0x7d: {  	_ =	shalt  }
0x7e: {  	_ =	shalt  }
0x7f: {  	_ =	shalt  }
0x80: {  	_ =	shalt  }
0x81: {  	_ =	shalt  }
0x82: {  	_ =	shalt  }
0x83: {  	_ =	shalt  }
0x84: {  	_ =	shalt  }
0x85: {  	_ =	shalt  }
0x86: {  	_ =	shalt  }
0x87: {  	_ =	shalt  }
.Lfunc_end0:
.L_simem_size_0:
called_computation.1_lowered:
.L_overlay_start_0:
0x88: {  	s2 =	sld [smem:$0x3FD9]  }
0x89: {  	s3 =	sld [smem:$0x3FFE];
	_ =	sdelay $0x1  }
0x8a: {  	s1 =	srdreg.scid  }
0x8b: {  	s0 =	sand.u32 $0x1, s1  }
0x8c: {  	s16 =	sshll.u32 s0, $0xA;
	s2 =	sadd.s32 s3, s2  }
0x8d: {  	s2 =	sadd.s32 s2, s16  }
0x8e: {  	[smem:$0x3FBD] =	sst s2  }
0x8f: {  	_ = 	snop  }
0x90: {  	(tm) =	ssettm $0x1  }
0x91: {  	s17 =	sld [smem:$0x3FFB];
	_ =	sdelay $0x3  }
0x92: {  	_ =	strace s17  }
0x93: {  	s2 =	sld [smem:$0x3FFC];
	_ =	sdelay $0x3  }
0x94: {  	_ =	strace s2  }
0x95: {  	s2 =	sld [smem:$0x3FFD];
	_ =	sdelay $0x3  }
0x96: {  	_ =	strace s2  }
0x97: {  	_ =	strace $0x8FFFFFFF  }
0x98: {  	s18 =	sld [smem:$0x3FDB];
	_ =	sdelay $0x1  }
0x99: {  	s19 =	simm.s32 $_scs_section_size  }
0x9a: {  	s4 =	simm.s32 $_size__tile_overlayer_lowered;
	s5 =	simm.s32 $_tile_overlayer_lowered  }
0x9b: {  	s22 =	simm.s32 $0x1BFF;
	s21 =	sshll.u32 s5, $0x1;
	s2 =	sadd.s32 s19, s18  }
0x9c: {  	s6 =	simm.s32 $0x0;
	s20 =	sshll.u32 s4, $0x1;
	s4 =	sadd.s32 s21, s2  }
0x9d: {  	[timem:s6], [sflag:s22] =	dma.local [hbm:s4], s20  }
0x9e: {  	_ =	swait.ge [sflag:s22], s20  }
0x9f: {  	s3 =	ssub.s32 $0x0, s20;
	[sflag:s22] =	ssyncset.done $0x0  }
0xa0: {  	[sflag:s22] =	ssyncadd.s32 s3;
	_ =	sdelay $0x1  }
0xa1: {  	s23 =	simm.s32 $0x1B8B  }
0xa2: {  	_ =	swait.ge [sflag:s23], $0x1  }
0xa3: {  	[sflag:s23] =	ssyncset.done $0x0  }
0xa4: {  	s25 =	simm.s32 $0x1B8E;
	s24 =	sld [smem:$0x3FFE];
	[sflag:s23] =	ssyncadd.s32 $0xFFFFFFFF  }
0xa5: {  	s26 =	simm.s32 $execute0_lowered;
	[smem:$0x3FD2] =	sst s25  }
0xa6: {  	s4 =	sshll.u32 s26, $0x1;
	_ =	strace $0x80000049;
	[dreg:$0x1] =	wrdreg $0xFFFFFFFF  }
0xa7: {  	s28 =	simm.s32 $_size_execute0_lowered;
	s2 =	sadd.s32 s2, s4;
	[dreg:$0x0] =	wrdreg $0x0  }
0xa8: {  	s4 =	sshll.u32 s28, $0x1;
	[dreg:$0x2] =	wrdreg s2  }
0xa9: {  	[dreg:$0x3] =	wrdreg s4  }
0xaa: {  	[dreg:$0x4] =	wrdreg $0xC0  }
0xab: {  	_ =	task [dreg:s6], $0x5FFFF  }
0xac: {  	[dreg:$0x1] =	wrdreg $0xFFFFFFFF  }
0xad: {  	[dreg:$0x0] =	wrdreg $0x60  }
0xae: {  	[dreg:$0x2] =	wrdreg s24  }
0xaf: {  	[dreg:$0x3] =	wrdreg $0x48000  }
0xb0: {  	[dreg:$0x4] =	wrdreg $0x9  }
0xb1: {  	_ =	task.clear_ibuf [dreg:s6], $0x5FFFF;
	_ =	strace $0x90000049  }
0xb2: {  	s29 =	simm.s32 $0x9;
	_ =	strace $0x8000004B  }
0xb3: {  	_ =	swait.ge [sflag:s29], $0x1  }
0xb4: {  	[sflag:s29] =	ssyncadd.s32 $0xFFFFFFFF  }
0xb5: {  	_ =	strace $0x9000004B  }
0xb6: {  	_ =	sfence  }
0xb7: {  	s30 =	sld [smem:$0x0];
	_ =	sdelay $0x2  }
0xb8: {  	s31 =	sshll.u32 s1, $0xD;
	s1 =	sshrl.u32 s1, $0x2  }
0xb9: {  	s3 =	sand.u32 $0x4000, s31;
	s1 =	sadd.s32 s1, s30  }
0xba: {  	s0 =	sor.u32 s3, s0;
	s1 =	sshll.u32 s1, $0x11  }
0xbb: {  	s0 =	sor.u32 s1, s0  }
0xbc: {  	s0 =	sadd.s32 $0x8F2B, s0  }
0xbd: {  	[sflag:s0] =	ssyncadd.remote.s32 $0x1  }
0xbe: {  	_ =	sfence.sel $0xFFFF  }
0xbf: {  	[dreg:$0x0] =	wrdreg $0xFFFFFFFF;
	(pc) =	sbr.abs _section_cstart, $3  }
0xc0: {  	[dreg:$0x1] =	wrdreg $0xFFFFFFFF  }
0xc1: {  	_ =	task.clear_ibuf [dreg:s6], $0x2FFFF;
	_ =	strace $0x9FFFFFFF  }
0xc2: {  	(tm) =	ssettm $0x7FFFFFFF  }
0xc3: {  	_ =	shalt  }
tec
execute0_lowered:
.L_overlay_start_1:
0x0: {  	(tag) =	ssettag $0x1  }
0x1: {  	s0 =	srdreg.scid  }
0x2: {  	s10 =	stileid.u32;
	s5 =	rddreg [dreg:$0x0]  }
0x3: {  	s2 =	rddreg [dreg:$0x1];
	s3 =	simm.s32 $0x0;
	s11 =	simm.s32 $0x400  }
0x4: {  	s12 =	simm.s32 $0x80;
	s13 =	simm.s32 $0x800;
	s14 =	simm.s32 $0x1000  }
0x5: {  	s25 =	simm.s32 $0x100;
	s15 =	simm.s32 $0x1800;
	s26 =	simm.s32 $0x180  }
0x6: {  	s16 =	simm.s32 $0x2000;
	s17 =	simm.s32 $0x200;
	s18 =	simm.s32 $0x2800  }
0x7: {  	s19 =	simm.s32 $0x280;
	s28 =	simm.s32 $0x500;
	s29 =	simm.s32 $0x580  }
0x8: {  	s30 =	simm.s32 $0x600;
	s31 =	simm.s32 $0x680;
	s4 =	smul.u32 $0x31000, s10  }
0x9: {  	s1 =	sand.u32 $0x1, s0;
	[smem:$0x7FF] =	sst s3;
	s7 =	smul.u32 $0x18800, s10  }
0xa: {  	s0 =	sshll.u32 s0, $0x1;
	s22 =	sshll.u32 s10, $0x6;
	s10 =	simm.s32 $0x3  }
0xb: {  	s6 =	smul.u32 $0x18800, s1;
	_ =	strace $0x8000004A;
	[dreg:$0x5] =	wrdreg s25  }
0xc: {  	s1 =	ssub.s32 $0x2, s1;
	s0 =	sand.u32 $0x2, s0;
	[dreg:$0x6] =	wrdreg s26  }
0xd: {  	s25 =	simm.s32 $0x1;
	s26 =	simm.s32 $0x480;
	s8 =	sshrl.u32 s7, $0x3  }
0xe: {  	s9 =	sshrl.u32 s1, $0x1;
	s0 =	sadd.s32 s0, s5;
	s21 =	sadd.s32 s7, s2  }
0xf: {  	s4 =	sadd.s32 s6, s4;
	s8 =	sadd.s32 s8, s5;
	s1 =	ssub.s32 s1, s9  }
0x10: {  	s0 =	sadd.s32 s7, s0;
	s7 =	sshrl.u32 s21, $0x3;
	s21 =	simm.s32 $0x300  }
0x11: {  	s9 =	simm.s32 $0x0;
	s8 =	sadd.s32 $0x132000, s8;
	[dreg:$0xb] =	wrdreg s7  }
0x12: {  	s4 =	sshrl.u32 s4, $0x3;
	s1 =	smax.u32 s1, $0x1;
	[dreg:$0x7] =	wrdreg s8  }
0x13: {  	s0 =	sadd.s32 $0x163000, s0;
	s20 =	sadd.s32 s4, s5;
	[dreg:$0x9] =	wrdreg s1  }
0x14: {  	s4 =	sadd.s32 $0x68CA00, s5;
	s8 =	sor.u32 $0x1C03, s22;
	[dreg:$0xa] =	wrdreg s0  }
0x15: {  	s22 =	simm.s32 $0x3800;
	s1 =	simm.s32 $0x700;
	s0 =	simm.s32 $0x780  }
0x16: {  	s5 =	simm.s32 $0x2;
	s23 =	sadd.s32 $0x2A00, s20;
	[dreg:$0x8] =	wrdreg s8  }
0x17: {  	s24 =	sadd.s32 $0xD0000, s20;
	s20 =	simm.s32 $0x3000;
	[dreg:$0x3] =	wrdreg s23  }
0x18: {  	[dreg:$0x4] =	wrdreg s24;
	s23 =	simm.s32 $0x380;
	s24 =	simm.s32 $0x4000  }
.LBB2_1:
0x19: {  	[dreg:$0xc] =	wrdreg s9  }
0x1a: {  	s6 =	rddreg [dreg:$0x7]  }
0x1b: {  	[spmem:s7], [sflag:s8] =	dma.local [hbm:s6], $0x3100  }
0x1c: {  	_ =	swait.ge [sflag:s10], $0x3100  }
0x1d: {  	[sflag:s10] =	ssyncset.done $0x0  }
0x1e: {  	[sflag:s10] =	ssyncadd.s32 $0xFFFFCF00  }
0x1f: {  	[bflag:$0x0] =	sbarrier.arrive $0xFFFF  }
0x20: {  	s9 =	rddreg [dreg:$0x4]  }
0x21: {  	s6 =	sadd.s32 $0x0, s9  }
0x22: {  	[tilespmem:s3], [sflag:$0x3] =	stream.linear.gather [hbm4b:s6+s3], $0x400, $0x38;
	[tilespmem:$0x1D000] =	vst v63  }
0x23: {  	_ =	swait.ge [sflag:s10], $0x400  }
0x24: {  	s7 =	rddreg [dreg:$0x3];
	[sflag:s10] =	ssyncset.done $0x0  }
0x25: {  	[sflag:s10] =	ssyncadd.s32 $0xFFFFFC00;
	s6 =	sadd.s32 $0x0, s7  }
0x26: {  	[tilespmem:s11], [sflag:$0x3] =	stream.linear.gather [hbm4b:s6+s3], $0x400, $0x38;
	[tilespmem:$0x1D000] =	vst v63  }
0x27: {  	_ =	swait.ge [sflag:s10], $0x400  }
0x28: {  	[sflag:s10] =	ssyncset.done $0x0  }
0x29: {  	[sflag:s10] =	ssyncadd.s32 $0xFFFFFC00  }
0x2a: {  	[tilespmem:s13], [sflag:$0x1] =	stream.indirect.gather [hbm4b:s4+s12], $0x10, s3, s12, $0xb8;
	[tilespmem:$0x1D000] =	vst v63  }
0x2b: {  	_ = 	snop  }
0x2c: {  	[tilespmem:s14], [sflag:$0x1] =	stream.indirect.gather [hbm4b:s4+s12], $0x10, s12, s12, $0xb8;
	[tilespmem:$0x1D000] =	vst v63  }
0x2d: {  	s8 =	rddreg [dreg:$0x5]  }
0x2e: {  	[tilespmem:s15], [sflag:$0x1] =	stream.indirect.gather [hbm4b:s4+s12], $0x10, s8, s12, $0xb8;
	[tilespmem:$0x1D000] =	vst v63  }
0x2f: {  	s9 =	rddreg [dreg:$0x6]  }
0x30: {  	[tilespmem:s16], [sflag:$0x1] =	stream.indirect.gather [hbm4b:s4+s12], $0x10, s9, s12, $0xb8;
	[tilespmem:$0x1D000] =	vst v63  }
0x31: {  	_ = 	snop  }
0x32: {  	[tilespmem:s18], [sflag:$0x1] =	stream.indirect.gather [hbm4b:s4+s12], $0x10, s17, s12, $0xb8;
	[tilespmem:$0x1D000] =	vst v63  }
0x33: {  	_ = 	snop  }
0x34: {  	[tilespmem:s20], [sflag:$0x1] =	stream.indirect.gather [hbm4b:s4+s12], $0x10, s19, s12, $0xb8;
	[tilespmem:$0x1D000] =	vst v63  }
0x35: {  	_ = 	snop  }
0x36: {  	[tilespmem:s22], [sflag:$0x1] =	stream.indirect.gather [hbm4b:s4+s12], $0x10, s21, s12, $0xb8;
	[tilespmem:$0x1D000] =	vst v63  }
0x37: {  	_ = 	snop  }
0x38: {  	[tilespmem:s24], [sflag:$0x1] =	stream.indirect.gather [hbm4b:s4+s12], $0x10, s23, s12, $0xb8;
	[tilespmem:$0x1D000] =	vst v63  }
0x39: {  	_ =	swait.ge [sflag:s25], $0x800  }
0x3a: {  	[sflag:s25] =	ssyncset.done $0x0  }
0x3b: {  	[sflag:s25] =	ssyncadd.s32 $0xFFFFF800  }
0x3c: {  	_ =	swait.ge [sflag:s25], $0x800  }
0x3d: {  	[sflag:s25] =	ssyncset.done $0x0  }
0x3e: {  	[sflag:s25] =	ssyncadd.s32 $0xFFFFF800  }
0x3f: {  	_ =	swait.ge [sflag:s25], $0x800  }
0x40: {  	[sflag:s25] =	ssyncset.done $0x0  }
0x41: {  	[sflag:s25] =	ssyncadd.s32 $0xFFFFF800  }
0x42: {  	_ =	swait.ge [sflag:s25], $0x800  }
0x43: {  	[sflag:s25] =	ssyncset.done $0x0  }
0x44: {  	[sflag:s25] =	ssyncadd.s32 $0xFFFFF800  }
0x45: {  	_ =	swait.ge [sflag:s25], $0x800  }
0x46: {  	[sflag:s25] =	ssyncset.done $0x0  }
0x47: {  	[sflag:s25] =	ssyncadd.s32 $0xFFFFF800  }
0x48: {  	_ =	swait.ge [sflag:s25], $0x800  }
0x49: {  	[sflag:s25] =	ssyncset.done $0x0  }
0x4a: {  	[sflag:s25] =	ssyncadd.s32 $0xFFFFF800  }
0x4b: {  	_ =	swait.ge [sflag:s25], $0x800  }
0x4c: {  	[sflag:s25] =	ssyncset.done $0x0  }
0x4d: {  	[sflag:s25] =	ssyncadd.s32 $0xFFFFF800  }
0x4e: {  	_ =	swait.ge [sflag:s25], $0x800  }
0x4f: {  	[sflag:s25] =	ssyncset.done $0x0  }
0x50: {  	[sflag:s25] =	ssyncadd.s32 $0xFFFFF800  }
0x51: {  	[spmem:s2] =	stream.indirect.scatter.add.f32 [tilespmem:s13], [sflag:$0x2], $0x10, s11, s12, $0xb8;
	[tilespmem:$0x1D000] =	vst v63  }
0x52: {  	_ = 	snop  }
0x53: {  	[spmem:s2] =	stream.indirect.scatter.add.f32 [tilespmem:s14], [sflag:$0x2], $0x10, s26, s12, $0xb8;
	[tilespmem:$0x1D000] =	vst v63  }
0x54: {  	_ = 	snop  }
0x55: {  	[spmem:s2] =	stream.indirect.scatter.add.f32 [tilespmem:s15], [sflag:$0x2], $0x10, s28, s12, $0xb8;
	[tilespmem:$0x1D000] =	vst v63  }
0x56: {  	_ = 	snop  }
0x57: {  	[spmem:s2] =	stream.indirect.scatter.add.f32 [tilespmem:s16], [sflag:$0x2], $0x10, s29, s12, $0xb8;
	[tilespmem:$0x1D000] =	vst v63  }
0x58: {  	_ = 	snop  }
0x59: {  	[spmem:s2] =	stream.indirect.scatter.add.f32 [tilespmem:s18], [sflag:$0x2], $0x10, s30, s12, $0xb8;
	[tilespmem:$0x1D000] =	vst v63  }
0x5a: {  	_ = 	snop  }
0x5b: {  	[spmem:s2] =	stream.indirect.scatter.add.f32 [tilespmem:s20], [sflag:$0x2], $0x10, s31, s12, $0xb8;
	[tilespmem:$0x1D000] =	vst v63  }
0x5c: {  	_ = 	snop  }
0x5d: {  	[spmem:s2] =	stream.indirect.scatter.add.f32 [tilespmem:s22], [sflag:$0x2], $0x10, s1, s12, $0xb8;
	[tilespmem:$0x1D000] =	vst v63  }
0x5e: {  	_ = 	snop  }
0x5f: {  	[spmem:s2] =	stream.indirect.scatter.add.f32 [tilespmem:s24], [sflag:$0x2], $0x10, s0, s12, $0xb8;
	[tilespmem:$0x1D000] =	vst v63  }
0x60: {  	_ =	swait.ge [sflag:s5], $0x800  }
0x61: {  	[sflag:s5] =	ssyncset.done $0x0  }
0x62: {  	[sflag:s5] =	ssyncadd.s32 $0xFFFFF800  }
0x63: {  	_ =	swait.ge [sflag:s5], $0x800  }
0x64: {  	[sflag:s5] =	ssyncset.done $0x0  }
0x65: {  	[sflag:s5] =	ssyncadd.s32 $0xFFFFF800  }
0x66: {  	_ =	swait.ge [sflag:s5], $0x800  }
0x67: {  	[sflag:s5] =	ssyncset.done $0x0  }
0x68: {  	[sflag:s5] =	ssyncadd.s32 $0xFFFFF800  }
0x69: {  	_ =	swait.ge [sflag:s5], $0x800  }
0x6a: {  	[sflag:s5] =	ssyncset.done $0x0  }
0x6b: {  	[sflag:s5] =	ssyncadd.s32 $0xFFFFF800  }
0x6c: {  	_ =	swait.ge [sflag:s5], $0x800  }
0x6d: {  	[sflag:s5] =	ssyncset.done $0x0  }
0x6e: {  	[sflag:s5] =	ssyncadd.s32 $0xFFFFF800  }
0x6f: {  	_ =	swait.ge [sflag:s5], $0x800  }
0x70: {  	[sflag:s5] =	ssyncset.done $0x0  }
0x71: {  	[sflag:s5] =	ssyncadd.s32 $0xFFFFF800  }
0x72: {  	_ =	swait.ge [sflag:s5], $0x800  }
0x73: {  	[sflag:s5] =	ssyncset.done $0x0  }
0x74: {  	[sflag:s5] =	ssyncadd.s32 $0xFFFFF800  }
0x75: {  	s6 =	simm.s32 $0x100;
	_ =	swait.ge [sflag:s5], $0x800  }
0x76: {  	s8 =	simm.s32 $0x80;
	s9 =	rddreg [dreg:$0x4];
	[sflag:s5] =	ssyncset.done $0x0  }
.LBB2_2:
0x77: {  	[sflag:s5] =	ssyncadd.s32 $0xFFFFF800;
	s9 =	sadd.s32 s8, s9  }
0x78: {  	[tilespmem:s3], [sflag:$0x3] =	stream.linear.gather [hbm4b:s9+s3], $0x400, $0x38;
	[tilespmem:$0x1D000] =	vst v63  }
0x79: {  	_ =	swait.ge [sflag:s10], $0x400  }
0x7a: {  	s9 =	rddreg [dreg:$0x3];
	[sflag:s10] =	ssyncset.done $0x0  }
0x7b: {  	[sflag:s10] =	ssyncadd.s32 $0xFFFFFC00;
	s9 =	sadd.s32 s8, s9  }
0x7c: {  	[tilespmem:s11], [sflag:$0x3] =	stream.linear.gather [hbm4b:s9+s3], $0x400, $0x38;
	[tilespmem:$0x1D000] =	vst v63  }
0x7d: {  	_ =	swait.ge [sflag:s10], $0x400  }
0x7e: {  	[sflag:s10] =	ssyncset.done $0x0  }
0x7f: {  	[sflag:s10] =	ssyncadd.s32 $0xFFFFFC00  }
0x80: {  	[tilespmem:s13], [sflag:$0x1] =	stream.indirect.gather [hbm4b:s4+s12], $0x10, s3, s12, $0xb8;
	[tilespmem:$0x1D000] =	vst v63  }
0x81: {  	s7 =	smov.u32 s6  }
0x82: {  	[tilespmem:s14], [sflag:$0x1] =	stream.indirect.gather [hbm4b:s4+s12], $0x10, s12, s12, $0xb8;
	[tilespmem:$0x1D000] =	vst v63  }
0x83: {  	s8 =	smov.u32 s7;
	s7 =	rddreg [dreg:$0x5]  }
0x84: {  	[tilespmem:s15], [sflag:$0x1] =	stream.indirect.gather [hbm4b:s4+s12], $0x10, s7, s12, $0xb8;
	[tilespmem:$0x1D000] =	vst v63  }
0x85: {  	s9 =	rddreg [dreg:$0x6]  }
0x86: {  	[tilespmem:s16], [sflag:$0x1] =	stream.indirect.gather [hbm4b:s4+s12], $0x10, s9, s12, $0xb8;
	[tilespmem:$0x1D000] =	vst v63  }
0x87: {  	_ = 	snop  }
0x88: {  	[tilespmem:s18], [sflag:$0x1] =	stream.indirect.gather [hbm4b:s4+s12], $0x10, s17, s12, $0xb8;
	[tilespmem:$0x1D000] =	vst v63  }
0x89: {  	_ = 	snop  }
0x8a: {  	[tilespmem:s20], [sflag:$0x1] =	stream.indirect.gather [hbm4b:s4+s12], $0x10, s19, s12, $0xb8;
	[tilespmem:$0x1D000] =	vst v63  }
0x8b: {  	_ = 	snop  }
0x8c: {  	[tilespmem:s22], [sflag:$0x1] =	stream.indirect.gather [hbm4b:s4+s12], $0x10, s21, s12, $0xb8;
	[tilespmem:$0x1D000] =	vst v63  }
0x8d: {  	_ = 	snop  }
0x8e: {  	[tilespmem:s24], [sflag:$0x1] =	stream.indirect.gather [hbm4b:s4+s12], $0x10, s23, s12, $0xb8;
	[tilespmem:$0x1D000] =	vst v63  }
0x8f: {  	_ =	swait.ge [sflag:s25], $0x800  }
0x90: {  	[sflag:s25] =	ssyncset.done $0x0  }
0x91: {  	[sflag:s25] =	ssyncadd.s32 $0xFFFFF800  }
0x92: {  	_ =	swait.ge [sflag:s25], $0x800  }
0x93: {  	[sflag:s25] =	ssyncset.done $0x0  }
0x94: {  	[sflag:s25] =	ssyncadd.s32 $0xFFFFF800  }
0x95: {  	_ =	swait.ge [sflag:s25], $0x800  }
0x96: {  	[sflag:s25] =	ssyncset.done $0x0  }
0x97: {  	[sflag:s25] =	ssyncadd.s32 $0xFFFFF800  }
0x98: {  	_ =	swait.ge [sflag:s25], $0x800  }
0x99: {  	[sflag:s25] =	ssyncset.done $0x0  }
0x9a: {  	[sflag:s25] =	ssyncadd.s32 $0xFFFFF800  }
0x9b: {  	_ =	swait.ge [sflag:s25], $0x800  }
0x9c: {  	[sflag:s25] =	ssyncset.done $0x0  }
0x9d: {  	[sflag:s25] =	ssyncadd.s32 $0xFFFFF800  }
0x9e: {  	_ =	swait.ge [sflag:s25], $0x800  }
0x9f: {  	[sflag:s25] =	ssyncset.done $0x0  }
0xa0: {  	[sflag:s25] =	ssyncadd.s32 $0xFFFFF800  }
0xa1: {  	_ =	swait.ge [sflag:s25], $0x800  }
0xa2: {  	[sflag:s25] =	ssyncset.done $0x0  }
0xa3: {  	[sflag:s25] =	ssyncadd.s32 $0xFFFFF800  }
0xa4: {  	_ =	swait.ge [sflag:s25], $0x800  }
0xa5: {  	[sflag:s25] =	ssyncset.done $0x0  }
0xa6: {  	[sflag:s25] =	ssyncadd.s32 $0xFFFFF800  }
0xa7: {  	[spmem:s2] =	stream.indirect.scatter.add.f32 [tilespmem:s13], [sflag:$0x2], $0x10, s11, s12, $0xb8;
	[tilespmem:$0x1D000] =	vst v63  }
0xa8: {  	_ = 	snop  }
0xa9: {  	[spmem:s2] =	stream.indirect.scatter.add.f32 [tilespmem:s14], [sflag:$0x2], $0x10, s26, s12, $0xb8;
	[tilespmem:$0x1D000] =	vst v63  }
0xaa: {  	_ = 	snop  }
0xab: {  	[spmem:s2] =	stream.indirect.scatter.add.f32 [tilespmem:s15], [sflag:$0x2], $0x10, s28, s12, $0xb8;
	[tilespmem:$0x1D000] =	vst v63  }
0xac: {  	_ = 	snop  }
0xad: {  	[spmem:s2] =	stream.indirect.scatter.add.f32 [tilespmem:s16], [sflag:$0x2], $0x10, s29, s12, $0xb8;
	[tilespmem:$0x1D000] =	vst v63  }
0xae: {  	_ = 	snop  }
0xaf: {  	[spmem:s2] =	stream.indirect.scatter.add.f32 [tilespmem:s18], [sflag:$0x2], $0x10, s30, s12, $0xb8;
	[tilespmem:$0x1D000] =	vst v63  }
0xb0: {  	_ = 	snop  }
0xb1: {  	[spmem:s2] =	stream.indirect.scatter.add.f32 [tilespmem:s20], [sflag:$0x2], $0x10, s31, s12, $0xb8;
	[tilespmem:$0x1D000] =	vst v63  }
0xb2: {  	_ = 	snop  }
0xb3: {  	[spmem:s2] =	stream.indirect.scatter.add.f32 [tilespmem:s22], [sflag:$0x2], $0x10, s1, s12, $0xb8;
	[tilespmem:$0x1D000] =	vst v63  }
0xb4: {  	_ = 	snop  }
0xb5: {  	[spmem:s2] =	stream.indirect.scatter.add.f32 [tilespmem:s24], [sflag:$0x2], $0x10, s0, s12, $0xb8;
	[tilespmem:$0x1D000] =	vst v63  }
0xb6: {  	_ =	swait.ge [sflag:s5], $0x800  }
0xb7: {  	[sflag:s5] =	ssyncset.done $0x0  }
0xb8: {  	[sflag:s5] =	ssyncadd.s32 $0xFFFFF800  }
0xb9: {  	_ =	swait.ge [sflag:s5], $0x800  }
0xba: {  	[sflag:s5] =	ssyncset.done $0x0  }
0xbb: {  	[sflag:s5] =	ssyncadd.s32 $0xFFFFF800  }
0xbc: {  	_ =	swait.ge [sflag:s5], $0x800  }
0xbd: {  	[sflag:s5] =	ssyncset.done $0x0  }
0xbe: {  	[sflag:s5] =	ssyncadd.s32 $0xFFFFF800  }
0xbf: {  	_ =	swait.ge [sflag:s5], $0x800  }
0xc0: {  	[sflag:s5] =	ssyncset.done $0x0  }
0xc1: {  	[sflag:s5] =	ssyncadd.s32 $0xFFFFF800  }
0xc2: {  	_ =	swait.ge [sflag:s5], $0x800  }
0xc3: {  	[sflag:s5] =	ssyncset.done $0x0  }
0xc4: {  	[sflag:s5] =	ssyncadd.s32 $0xFFFFF800  }
0xc5: {  	_ =	swait.ge [sflag:s5], $0x800  }
0xc6: {  	[sflag:s5] =	ssyncset.done $0x0  }
0xc7: {  	p0 =	sne.s32 s6, $0x3080;
	[sflag:s5] =	ssyncadd.s32 $0xFFFFF800  }
.Ltmp0:
0xc8: {  	_ =	swait.ge [sflag:s5], $0x800;
	(pc) =	sbr.rel @p0 .LBB2_2-.Ltmp0, $4  }
0xc9: {  	[sflag:s5] =	ssyncset.done $0x0  }
0xca: {  	[sflag:s5] =	ssyncadd.s32 $0xFFFFF800  }
0xcb: {  	_ =	swait.ge [sflag:s5], $0x800  }
0xcc: {  	s6 =	sadd.s32 $0x80, s6;
	s9 =	rddreg [dreg:$0x4];
	[sflag:s5] =	ssyncset.done $0x0  }
0xcd: {  	[sflag:s5] =	ssyncadd.s32 $0xFFFFF800;
	s6 =	sadd.s32 s8, s9  }
0xce: {  	[tilespmem:s3], [sflag:$0x3] =	stream.linear.gather [hbm4b:s6+s3], $0x400, $0x38;
	[tilespmem:$0x1D000] =	vst v63  }
0xcf: {  	_ =	swait.ge [sflag:s10], $0x400  }
0xd0: {  	s7 =	rddreg [dreg:$0x3];
	[sflag:s10] =	ssyncset.done $0x0  }
0xd1: {  	[sflag:s10] =	ssyncadd.s32 $0xFFFFFC00;
	s6 =	sadd.s32 s8, s7  }
0xd2: {  	[tilespmem:s11], [sflag:$0x3] =	stream.linear.gather [hbm4b:s6+s3], $0x400, $0x38;
	[tilespmem:$0x1D000] =	vst v63  }
0xd3: {  	_ =	swait.ge [sflag:s10], $0x400  }
0xd4: {  	[sflag:s10] =	ssyncset.done $0x0  }
0xd5: {  	[sflag:s10] =	ssyncadd.s32 $0xFFFFFC00  }
0xd6: {  	[tilespmem:s13], [sflag:$0x1] =	stream.indirect.gather [hbm4b:s4+s12], $0x10, s3, s12, $0xb8;
	[tilespmem:$0x1D000] =	vst v63  }
0xd7: {  	_ = 	snop  }
0xd8: {  	[tilespmem:s14], [sflag:$0x1] =	stream.indirect.gather [hbm4b:s4+s12], $0x10, s12, s12, $0xb8;
	[tilespmem:$0x1D000] =	vst v63  }
0xd9: {  	s9 =	rddreg [dreg:$0x5]  }
0xda: {  	[tilespmem:s15], [sflag:$0x1] =	stream.indirect.gather [hbm4b:s4+s12], $0x10, s9, s12, $0xb8;
	[tilespmem:$0x1D000] =	vst v63  }
0xdb: {  	s7 =	rddreg [dreg:$0x6]  }
0xdc: {  	[tilespmem:s16], [sflag:$0x1] =	stream.indirect.gather [hbm4b:s4+s12], $0x10, s7, s12, $0xb8;
	[tilespmem:$0x1D000] =	vst v63  }
0xdd: {  	_ = 	snop  }
0xde: {  	[tilespmem:s18], [sflag:$0x1] =	stream.indirect.gather [hbm4b:s4+s12], $0x10, s17, s12, $0xb8;
	[tilespmem:$0x1D000] =	vst v63  }
0xdf: {  	_ = 	snop  }
0xe0: {  	[tilespmem:s20], [sflag:$0x1] =	stream.indirect.gather [hbm4b:s4+s12], $0x10, s19, s12, $0xb8;
	[tilespmem:$0x1D000] =	vst v63  }
0xe1: {  	_ = 	snop  }
0xe2: {  	[tilespmem:s22], [sflag:$0x1] =	stream.indirect.gather [hbm4b:s4+s12], $0x10, s21, s12, $0xb8;
	[tilespmem:$0x1D000] =	vst v63  }
0xe3: {  	_ = 	snop  }
0xe4: {  	[tilespmem:s24], [sflag:$0x1] =	stream.indirect.gather [hbm4b:s4+s12], $0x10, s23, s12, $0xb8;
	[tilespmem:$0x1D000] =	vst v63  }
0xe5: {  	_ =	swait.ge [sflag:s25], $0x800  }
0xe6: {  	[sflag:s25] =	ssyncset.done $0x0  }
0xe7: {  	[sflag:s25] =	ssyncadd.s32 $0xFFFFF800  }
0xe8: {  	_ =	swait.ge [sflag:s25], $0x800  }
0xe9: {  	[sflag:s25] =	ssyncset.done $0x0  }
0xea: {  	[sflag:s25] =	ssyncadd.s32 $0xFFFFF800  }
0xeb: {  	_ =	swait.ge [sflag:s25], $0x800  }
0xec: {  	[sflag:s25] =	ssyncset.done $0x0  }
0xed: {  	[sflag:s25] =	ssyncadd.s32 $0xFFFFF800  }
0xee: {  	_ =	swait.ge [sflag:s25], $0x800  }
0xef: {  	[sflag:s25] =	ssyncset.done $0x0  }
0xf0: {  	[sflag:s25] =	ssyncadd.s32 $0xFFFFF800  }
0xf1: {  	_ =	swait.ge [sflag:s25], $0x800  }
0xf2: {  	[sflag:s25] =	ssyncset.done $0x0  }
0xf3: {  	[sflag:s25] =	ssyncadd.s32 $0xFFFFF800  }
0xf4: {  	_ =	swait.ge [sflag:s25], $0x800  }
0xf5: {  	[sflag:s25] =	ssyncset.done $0x0  }
0xf6: {  	[sflag:s25] =	ssyncadd.s32 $0xFFFFF800  }
0xf7: {  	_ =	swait.ge [sflag:s25], $0x800  }
0xf8: {  	[sflag:s25] =	ssyncset.done $0x0  }
0xf9: {  	[sflag:s25] =	ssyncadd.s32 $0xFFFFF800  }
0xfa: {  	_ =	swait.ge [sflag:s25], $0x800  }
0xfb: {  	[sflag:s25] =	ssyncset.done $0x0  }
0xfc: {  	[sflag:s25] =	ssyncadd.s32 $0xFFFFF800  }
0xfd: {  	[spmem:s2] =	stream.indirect.scatter.add.f32 [tilespmem:s13], [sflag:$0x2], $0x10, s11, s12, $0xb8;
	[tilespmem:$0x1D000] =	vst v63  }
0xfe: {  	_ = 	snop  }
0xff: {  	[spmem:s2] =	stream.indirect.scatter.add.f32 [tilespmem:s14], [sflag:$0x2], $0x10, s26, s12, $0xb8;
	[tilespmem:$0x1D000] =	vst v63  }
0x100: {  	_ = 	snop  }
0x101: {  	[spmem:s2] =	stream.indirect.scatter.add.f32 [tilespmem:s15], [sflag:$0x2], $0x10, s28, s12, $0xb8;
	[tilespmem:$0x1D000] =	vst v63  }
0x102: {  	_ = 	snop  }
0x103: {  	[spmem:s2] =	stream.indirect.scatter.add.f32 [tilespmem:s16], [sflag:$0x2], $0x10, s29, s12, $0xb8;
	[tilespmem:$0x1D000] =	vst v63  }
0x104: {  	_ = 	snop  }
0x105: {  	[spmem:s2] =	stream.indirect.scatter.add.f32 [tilespmem:s18], [sflag:$0x2], $0x10, s30, s12, $0xb8;
	[tilespmem:$0x1D000] =	vst v63  }
0x106: {  	_ = 	snop  }
0x107: {  	[spmem:s2] =	stream.indirect.scatter.add.f32 [tilespmem:s20], [sflag:$0x2], $0x10, s31, s12, $0xb8;
	[tilespmem:$0x1D000] =	vst v63  }
0x108: {  	_ = 	snop  }
0x109: {  	[spmem:s2] =	stream.indirect.scatter.add.f32 [tilespmem:s22], [sflag:$0x2], $0x10, s1, s12, $0xb8;
	[tilespmem:$0x1D000] =	vst v63  }
0x10a: {  	_ = 	snop  }
0x10b: {  	[spmem:s2] =	stream.indirect.scatter.add.f32 [tilespmem:s24], [sflag:$0x2], $0x10, s0, s12, $0xb8;
	[tilespmem:$0x1D000] =	vst v63  }
0x10c: {  	_ =	swait.ge [sflag:s5], $0x800  }
0x10d: {  	[sflag:s5] =	ssyncset.done $0x0  }
0x10e: {  	[sflag:s5] =	ssyncadd.s32 $0xFFFFF800  }
0x10f: {  	_ =	swait.ge [sflag:s5], $0x800  }
0x110: {  	[sflag:s5] =	ssyncset.done $0x0  }
0x111: {  	[sflag:s5] =	ssyncadd.s32 $0xFFFFF800  }
0x112: {  	_ =	swait.ge [sflag:s5], $0x800  }
0x113: {  	[sflag:s5] =	ssyncset.done $0x0  }
0x114: {  	[sflag:s5] =	ssyncadd.s32 $0xFFFFF800  }
0x115: {  	_ =	swait.ge [sflag:s5], $0x800  }
0x116: {  	[sflag:s5] =	ssyncset.done $0x0  }
0x117: {  	[sflag:s5] =	ssyncadd.s32 $0xFFFFF800  }
0x118: {  	_ =	swait.ge [sflag:s5], $0x800  }
0x119: {  	[sflag:s5] =	ssyncset.done $0x0  }
0x11a: {  	[sflag:s5] =	ssyncadd.s32 $0xFFFFF800  }
0x11b: {  	_ =	swait.ge [sflag:s5], $0x800  }
0x11c: {  	[sflag:s5] =	ssyncset.done $0x0  }
0x11d: {  	[sflag:s5] =	ssyncadd.s32 $0xFFFFF800  }
0x11e: {  	_ =	swait.ge [sflag:s5], $0x800  }
0x11f: {  	[sflag:s5] =	ssyncset.done $0x0  }
0x120: {  	[sflag:s5] =	ssyncadd.s32 $0xFFFFF800  }
0x121: {  	_ =	swait.ge [sflag:s5], $0x800  }
0x122: {  	[sflag:s5] =	ssyncset.done $0x0  }
0x123: {  	[sflag:s5] =	ssyncadd.s32 $0xFFFFF800  }
0x124: {  	[bflag:$0x0] =	sbarrier.arrive $0xFFFF  }
0x125: {  	s8 =	rddreg [dreg:$0x8]  }
0x126: {  	s6 =	rddreg [dreg:$0xa]  }
0x127: {  	s9 =	simm.s32 $0x10;
	s7 =	rddreg [dreg:$0xb]  }
0x128: {  	[hbm:s6@s9], [sflag:s8] =	dma.strided [spmem:s7@s5], $0x3100, s25, $0x2   }
0x129: {  	_ =	swait.ge [sflag:s10], $0x3100  }
0x12a: {  	s6 =	rddreg [dreg:$0xc]  }
0x12b: {  	s9 =	sadd.s32 $0x1, s6;
	s6 =	rddreg [dreg:$0x9]  }
0x12c: {  	p0 =	sne.s32 s9, s6  }
.Ltmp1:
0x12d: {  	_ = 	snop;
	(pc) =	sbr.rel @p0 .LBB2_1-.Ltmp1, $3  }
0x12e: {  	_ =	sdelay $0x1  }
0x12f: {  	[sflag:s10] =	ssyncset.done $0x0  }
0x130: {  	[sflag:s10] =	ssyncadd.s32 $0xFFFFCF00  }
0x131: {  	_ =	sfence.sel $0x180000  }
0x132: {  	[bflag:$0x0] =	sbarrier.arrive $0xFFFF  }
0x133: {  	_ =	strace $0x9000004A  }
0x134: {  	s0 =	stileid.u32;
	[bflag:$0x2] =	sbarrier.arrive $0xFFFF  }
0x135: {  	p0 =	sne.s32 s0, $0x0;
	s0 =	rddreg [dreg:$0x2]  }
0x136: {  	s0 =	sadd.s32 @!p0 $0x100000, s0  }
0x137: {  	[sflag:s0] =	ssyncadd.tile.s32 @!p0 $0x1;
	_ =	shalt  }
.Lfunc_end2:
_tile_overlayer_lowered:
.L_overlay_start_2:
0x138: {  	(tag) =	ssettag $0x2  }
0x139: {  	s0 =	rddreg [dreg:$0x0];
	s2 =	stileid.u32  }
0x13a: {  	s1 =	rddreg [dreg:$0x1];
	p0 =	sne.s32 s2, $0x0  }
0x13b: {  	s3 =	rddreg [dreg:$0x2];
	[bflag:$0x3] =	sbarrier.arrive $0xFFFF;
	s2 =	simm.s32 @!p0 $0x1C03  }
0x13c: {  	[timem:s3], [sflag:s2] =	dma.local @!p0 [hbm:s0], s1  }
0x13d: {  	s0 =	simm.s32 @!p0 $0x3  }
0x13e: {  	_ =	swait.ge @!p0 [sflag:s0], s1  }
0x13f: {  	s1 =	ssub.s32 @!p0 $0x0, s1;
	[sflag:s0] =	ssyncset.done @!p0 $0x0  }
0x140: {  	[sflag:s0] =	ssyncadd.s32 @!p0 s1  }
0x141: {  	[bflag:$0x3] =	sbarrier.arrive $0xFFFF  }
0x142: {  	_ =	shalt  }

// kernel: kernel.16.cloned.1.call-start
scs
__scs_entry_jumppad:
0x0: {  	(pc) =	sbr.rel $0x88, $3  }
0x1: {  	(tag) =	ssettag $0x0;
	lr =	simm.s32 $0x1  }
0x2: {  	[smem:$0x3F96] =	sst lr;
	_ =	strace $0xD0000000  }
0x3: {  	_ = 	snop  }
0x4: {  	_ = 	snop  }
0x5: {  	_ = 	snop  }
0x6: {  	_ = 	snop  }
0x7: {  	_ = 	snop  }
__scs_overlays_trampoline_lowered:
0x8: {  	[smem:$0x3FA5] =	sst s0  }
0x9: {  	[smem:$0x3FA6] =	sst s1  }
0xa: {  	[smem:$0x3FA7] =	sst s2  }
0xb: {  	[smem:$0x3FA8] =	sst s3  }
0xc: {  	[smem:$0x3FA9] =	sst s4  }
0xd: {  	[smem:$0x3FAA] =	sst s5  }
0xe: {  	[smem:$0x3FAB] =	sst s6  }
0xf: {  	[smem:$0x3FAC] =	sst s7  }
0x10: {  	[smem:$0x3FAD] =	sst s8  }
0x11: {  	[smem:$0x3FAE] =	sst s9;
	s0 =	simm.s32 @!p0 $0x0  }
0x12: {  	s1 =	sld [smem:$0x3F94];
	s0 =	simm.s32 @p0 $0x1  }
0x13: {  	[smem:$0x3FAF] =	sst s0;
	s0 =	simm.s32 @!p1 $0x0  }
0x14: {  	s2 =	sld [smem:$0x3F93];
	s0 =	simm.s32 @p1 $0x1  }
0x15: {  	[smem:$0x3FB0] =	sst s0;
	s0 =	simm.s32 @!p2 $0x0  }
0x16: {  	s3 =	sld [smem:$0x3FDB];
	s0 =	simm.s32 @p2 $0x1  }
0x17: {  	s4 =	simm.s32 $0x1BF5;
	[smem:$0x3FB2] =	sst s0  }
0x18: {  	s0 =	sld [smem:$0x3F95];
	_ =	swait.ge [sflag:s4], $0x0  }
0x19: {  	s7 =	sld [smem:$0x3F96]  }
0x1a: {  	s8 =	sadd.s32 $0xFFFFE003, lr  }
0x1b: {  	s9 =	sadd.s32 $0xFFFFFEF7, lr;
	s5 =	simm.s32 $0xFFFFFFFF;
	p2 =	slt.u32 s8, $0xFFFFF086  }
0x1c: {  	p1 =	slt.u32 s9, $0xF7A;
	s5 =	simm.s32 @!p2 $0x0  }
0x1d: {  	s5 =	simm.s32 @p1 $0x1;
	p0 =	seq.s32 s7, s2  }
0x1e: {  	s7 =	smul.u32 @!p0 $0xF7A, s2;
	p2 =	seq.s32 @!p0 s5, $0x0  }
0x1f: {  	s9 =	smul.u32 $0xF7A, s1;
	s8 =	simm.s32 @!p0 $0x1BF5;
	p2 =	por !p2, p0  }
0x20: {  	[sflag:s8] =	ssyncset.s32 @!p0 $0xFFFFF086;
	s6 =	sadd.s32 @!p0 s3, s7;
	s7 =	simm.s32 @!p0 $0x108  }
0x21: {  	s3 =	sadd.s32 s3, s9;
	s6 =	sadd.s32 @!p0 $0x88, s6;
	s7 =	simm.s32 @p2 $0x1082  }
0x22: {  	[simem:s7], [sflag:s8] =	dma.local @!p0 [hbm:s6], $0xF7A  }
0x23: {  	s9 =	sor.u32 $0xD0000000, s2;
	s6 =	simm.s32 $0x108;
	_ =	swait.ge @!p0 [sflag:s8], $0x0  }
0x24: {  	s3 =	sadd.s32 $0x88, s3;
	s6 =	simm.s32 @!p1 $0x1082;
	[sflag:s4] =	ssyncset.s32 $0xFFFFF086  }
0x25: {  	[simem:s6], [sflag:s4] =	dma.local [hbm:s3], $0xF7A  }
0x26: {  	[smem:$0x3F96] =	sst s1;
	(tag) =	ssettag s2;
	_ =	strace s9  }
0x27: {  	s1 =	sld [smem:$0x3FA6]  }
0x28: {  	s2 =	sld [smem:$0x3FA7]  }
0x29: {  	s4 =	sld [smem:$0x3FA9]  }
0x2a: {  	p0 =	seq.s32 s5, $0x0;
	s5 =	sld [smem:$0x3FAA]  }
0x2b: {  	s6 =	sld [smem:$0x3FAB]  }
0x2c: {  	s7 =	sld [smem:$0x3FAC]  }
0x2d: {  	s3 =	simm.s32 $0x108;
	s8 =	sld [smem:$0x3FAD]  }
0x2e: {  	s3 =	simm.s32 @!p0 $0x1082;
	s9 =	sld [smem:$0x3FAE]  }
0x2f: {  	lr =	sadd.s32 s0, s3;
	s0 =	sld [smem:$0x3FA5]  }
0x30: {  	s3 =	sld [smem:$0x3FA8]  }
0x31: {  	[smem:$0x3FB1] =	sst s10  }
0x32: {  	s10 =	sld [smem:$0x3FAF];
	_ =	sdelay $0x3  }
0x33: {  	p0 =	seq.s32 s10, $0x1;
	s10 =	sld [smem:$0x3FB1];
	_ =	sdelay $0x3  }
0x34: {  	[smem:$0x3FB1] =	sst s10  }
0x35: {  	s10 =	sld [smem:$0x3FB0];
	_ =	sdelay $0x3  }
0x36: {  	p1 =	seq.s32 s10, $0x1;
	s10 =	sld [smem:$0x3FB1];
	_ =	sdelay $0x3  }
0x37: {  	[smem:$0x3FB1] =	sst s10  }
0x38: {  	s10 =	sld [smem:$0x3FB2]  }
0x39: {  	_ = 	snop;
	(pc) =	sbr.ind lr, $3  }
0x3a: {  	_ = 	snop  }
0x3b: {  	_ = 	snop  }
0x3c: {  	p2 =	seq.s32 s10, $0x1;
	s10 =	sld [smem:$0x3FB1]  }
0x3d: {  	_ =	shalt  }
0x3e: {  	_ =	shalt  }
0x3f: {  	_ =	shalt  }
0x40: {  	_ =	shalt  }
0x41: {  	_ =	shalt  }
0x42: {  	_ =	shalt  }
0x43: {  	_ =	shalt  }
0x44: {  	_ =	shalt  }
0x45: {  	_ =	shalt  }
0x46: {  	_ =	shalt  }
0x47: {  	_ =	shalt  }
0x48: {  	_ =	shalt  }
0x49: {  	_ =	shalt  }
0x4a: {  	_ =	shalt  }
0x4b: {  	_ =	shalt  }
0x4c: {  	_ =	shalt  }
0x4d: {  	_ =	shalt  }
0x4e: {  	_ =	shalt  }
0x4f: {  	_ =	shalt  }
0x50: {  	_ =	shalt  }
0x51: {  	_ =	shalt  }
0x52: {  	_ =	shalt  }
0x53: {  	_ =	shalt  }
0x54: {  	_ =	shalt  }
0x55: {  	_ =	shalt  }
0x56: {  	_ =	shalt  }
0x57: {  	_ =	shalt  }
0x58: {  	_ =	shalt  }
0x59: {  	_ =	shalt  }
0x5a: {  	_ =	shalt  }
0x5b: {  	_ =	shalt  }
0x5c: {  	_ =	shalt  }
0x5d: {  	_ =	shalt  }
0x5e: {  	_ =	shalt  }
0x5f: {  	_ =	shalt  }
0x60: {  	_ =	shalt  }
0x61: {  	_ =	shalt  }
0x62: {  	_ =	shalt  }
0x63: {  	_ =	shalt  }
0x64: {  	_ =	shalt  }
0x65: {  	_ =	shalt  }
0x66: {  	_ =	shalt  }
0x67: {  	_ =	shalt  }
0x68: {  	_ =	shalt  }
0x69: {  	_ =	shalt  }
0x6a: {  	_ =	shalt  }
0x6b: {  	_ =	shalt  }
0x6c: {  	_ =	shalt  }
0x6d: {  	_ =	shalt  }
0x6e: {  	_ =	shalt  }
0x6f: {  	_ =	shalt  }
0x70: {  	_ =	shalt  }
0x71: {  	_ =	shalt  }
0x72: {  	_ =	shalt  }
0x73: {  	_ =	shalt  }
0x74: {  	_ =	shalt  }
0x75: {  	_ =	shalt  }
0x76: {  	_ =	shalt  }
0x77: {  	_ =	shalt  }
0x78: {  	_ =	shalt  }
0x79: {  	_ =	shalt  }
0x7a: {  	_ =	shalt  }
0x7b: {  	_ =	shalt  }
0x7c: {  	_ =	shalt  }
0x7d: {  	_ =	shalt  }
0x7e: {  	_ =	shalt  }
0x7f: {  	_ =	shalt  }
0x80: {  	_ =	shalt  }
0x81: {  	_ =	shalt  }
0x82: {  	_ =	shalt  }
0x83: {  	_ =	shalt  }
0x84: {  	_ =	shalt  }
0x85: {  	_ =	shalt  }
0x86: {  	_ =	shalt  }
0x87: {  	_ =	shalt  }
.Lfunc_end0:
.L_simem_size_0:
called_computation.2_lowered:
.L_overlay_start_0:
0x88: {  	s2 =	sld [smem:$0x3FD9]  }
0x89: {  	s3 =	sld [smem:$0x3FFE];
	_ =	sdelay $0x1  }
0x8a: {  	s1 =	srdreg.scid  }
0x8b: {  	s0 =	sand.u32 $0x1, s1  }
0x8c: {  	s16 =	sshll.u32 s0, $0xA;
	s2 =	sadd.s32 s3, s2  }
0x8d: {  	s2 =	sadd.s32 s2, s16  }
0x8e: {  	[smem:$0x3FBD] =	sst s2  }
0x8f: {  	_ = 	snop  }
0x90: {  	(tm) =	ssettm $0x1  }
0x91: {  	s17 =	sld [smem:$0x3FFB];
	_ =	sdelay $0x3  }
0x92: {  	_ =	strace s17  }
0x93: {  	s2 =	sld [smem:$0x3FFC];
	_ =	sdelay $0x3  }
0x94: {  	_ =	strace s2  }
0x95: {  	s2 =	sld [smem:$0x3FFD];
	_ =	sdelay $0x3  }
0x96: {  	_ =	strace s2  }
0x97: {  	_ =	strace $0x8FFFFFFF  }
0x98: {  	s18 =	sld [smem:$0x3FDB];
	_ =	sdelay $0x1  }
0x99: {  	s19 =	simm.s32 $_scs_section_size  }
0x9a: {  	s4 =	simm.s32 $_size__tile_overlayer_lowered;
	s5 =	simm.s32 $_tile_overlayer_lowered  }
0x9b: {  	s22 =	simm.s32 $0x1BFF;
	s21 =	sshll.u32 s5, $0x1;
	s2 =	sadd.s32 s19, s18  }
0x9c: {  	s6 =	simm.s32 $0x0;
	s20 =	sshll.u32 s4, $0x1;
	s4 =	sadd.s32 s21, s2  }
0x9d: {  	[timem:s6], [sflag:s22] =	dma.local [hbm:s4], s20  }
0x9e: {  	_ =	swait.ge [sflag:s22], s20  }
0x9f: {  	s3 =	ssub.s32 $0x0, s20;
	[sflag:s22] =	ssyncset.done $0x0  }
0xa0: {  	[sflag:s22] =	ssyncadd.s32 s3;
	_ =	sdelay $0x1  }
0xa1: {  	s23 =	simm.s32 $0x1B8B  }
0xa2: {  	_ =	swait.ge [sflag:s23], $0x1  }
0xa3: {  	[sflag:s23] =	ssyncset.done $0x0  }
0xa4: {  	s25 =	simm.s32 $0x1B8E;
	s24 =	sld [smem:$0x3FFE];
	[sflag:s23] =	ssyncadd.s32 $0xFFFFFFFF  }
0xa5: {  	s26 =	simm.s32 $execute0_lowered;
	[smem:$0x3FD2] =	sst s25  }
0xa6: {  	s4 =	sshll.u32 s26, $0x1;
	_ =	strace $0x8000004C;
	[dreg:$0x1] =	wrdreg $0xFFFFFFFF  }
0xa7: {  	s28 =	simm.s32 $_size_execute0_lowered;
	s2 =	sadd.s32 s2, s4;
	[dreg:$0x0] =	wrdreg $0x0  }
0xa8: {  	s4 =	sshll.u32 s28, $0x1;
	[dreg:$0x2] =	wrdreg s2  }
0xa9: {  	[dreg:$0x3] =	wrdreg s4  }
0xaa: {  	[dreg:$0x4] =	wrdreg $0xC0  }
0xab: {  	_ =	task [dreg:s6], $0x5FFFF  }
0xac: {  	[dreg:$0x1] =	wrdreg $0xFFFFFFFF  }
0xad: {  	[dreg:$0x0] =	wrdreg $0x60  }
0xae: {  	[dreg:$0x2] =	wrdreg s24  }
0xaf: {  	[dreg:$0x3] =	wrdreg $0x48000  }
0xb0: {  	[dreg:$0x4] =	wrdreg $0x9  }
0xb1: {  	_ =	task.clear_ibuf [dreg:s6], $0x5FFFF;
	_ =	strace $0x9000004C  }
0xb2: {  	s29 =	simm.s32 $0x9;
	_ =	strace $0x8000004E  }
0xb3: {  	_ =	swait.ge [sflag:s29], $0x1  }
0xb4: {  	[sflag:s29] =	ssyncadd.s32 $0xFFFFFFFF  }
0xb5: {  	_ =	strace $0x9000004E  }
0xb6: {  	_ =	sfence  }
0xb7: {  	s30 =	sld [smem:$0x0];
	_ =	sdelay $0x2  }
0xb8: {  	s31 =	sshll.u32 s1, $0xD;
	s1 =	sshrl.u32 s1, $0x2  }
0xb9: {  	s3 =	sand.u32 $0x4000, s31;
	s1 =	sadd.s32 s1, s30  }
0xba: {  	s0 =	sor.u32 s3, s0;
	s1 =	sshll.u32 s1, $0x11  }
0xbb: {  	s0 =	sor.u32 s1, s0  }
0xbc: {  	s0 =	sadd.s32 $0x8F2B, s0  }
0xbd: {  	[sflag:s0] =	ssyncadd.remote.s32 $0x1  }
0xbe: {  	_ =	sfence.sel $0xFFFF  }
0xbf: {  	[dreg:$0x0] =	wrdreg $0xFFFFFFFF;
	(pc) =	sbr.abs _section_cstart, $3  }
0xc0: {  	[dreg:$0x1] =	wrdreg $0xFFFFFFFF  }
0xc1: {  	_ =	task.clear_ibuf [dreg:s6], $0x2FFFF;
	_ =	strace $0x9FFFFFFF  }
0xc2: {  	(tm) =	ssettm $0x7FFFFFFF  }
0xc3: {  	_ =	shalt  }
tec
execute0_lowered:
.L_overlay_start_1:
0x0: {  	(tag) =	ssettag $0x1  }
0x1: {  	s0 =	rddreg [dreg:$0x0]  }
0x2: {  	s2 =	rddreg [dreg:$0x1];
	s10 =	stileid.u32  }
0x3: {  	s3 =	simm.s32 $0x0;
	s4 =	srdreg.scid;
	s12 =	simm.s32 $0x3  }
0x4: {  	s13 =	simm.s32 $0x400;
	s14 =	simm.s32 $0x80;
	s15 =	simm.s32 $0x800  }
0x5: {  	s16 =	simm.s32 $0x1000;
	s21 =	simm.s32 $0x100;
	s18 =	simm.s32 $0x1800  }
0x6: {  	s20 =	simm.s32 $0x2000;
	s22 =	simm.s32 $0x2800;
	s24 =	simm.s32 $0x3000  }
0x7: {  	s29 =	simm.s32 $0x4000;
	s30 =	simm.s32 $0x1;
	s1 =	smul.u32 $0x6200, s10  }
0x8: {  	[smem:$0x7FF] =	sst s3;
	s5 =	smul.u32 $0x18800, s10;
	s6 =	sand.u32 $0x1, s4  }
0x9: {  	s4 =	sadd.s32 $0x2EB000, s0;
	s25 =	sshll.u32 s10, $0x6;
	_ =	strace $0x8000004D  }
0xa: {  	s7 =	ssub.s32 $0x2, s6;
	s17 =	sor.u32 $0x1C03, s25;
	p0 =	sne.s32 s6, $0x0  }
0xb: {  	s6 =	simm.s32 $0x2;
	s1 =	sadd.s32 s1, s0;
	s8 =	sshrl.u32 s5, $0x3  }
0xc: {  	s9 =	sshrl.u32 s7, $0x1;
	[dreg:$0x6] =	wrdreg s17;
	s28 =	sadd.s32 $0x6E000, s1  }
0xd: {  	s8 =	sadd.s32 s8, s0;
	s31 =	sadd.s32 $0xD0000, s1;
	[dreg:$0x3] =	wrdreg s28  }
0xe: {  	s0 =	sadd.s32 s5, s0;
	s8 =	sadd.s32 $0x132000, s8;
	[dreg:$0x4] =	wrdreg s31  }
.Ltmp0:
0xf: {  	s26 =	sadd.s32 $0x163002, s0;
	[dreg:$0x5] =	wrdreg s8;
	(pc) =	sbr.rel .LBB2_1-.Ltmp0, $4  }
0x10: {  	s7 =	ssub.s32 s7, s9;
	s0 =	sadd.s32 $0x163000, s0;
	[dreg:$0x7] =	wrdreg s26  }
0x11: {  	s5 =	sadd.s32 s5, s2;
	s7 =	smax.u32 s7, $0x1;
	[dreg:$0x8] =	wrdreg s0  }
0x12: {  	s10 =	sadd.s32 $0x2A00, s1;
	s19 =	sshrl.u32 s5, $0x3;
	[dreg:$0x9] =	wrdreg s7  }
0x13: {  	s1 =	simm.s32 $0x0;
	s26 =	simm.s32 $0x3800;
	[dreg:$0xa] =	wrdreg s19  }
.LBB2_7:
0x14: {  	[sflag:s6] =	ssyncadd.s32 $0xFFFFF800;
	s17 =	sadd.s32 s11, s19  }
0x15: {  	[tilespmem:s3], [sflag:$0x3] =	stream.linear.gather [hbm4b:s17+s3], $0x400, $0x38;
	[tilespmem:$0x1D000] =	vst v63  }
0x16: {  	_ =	swait.ge [sflag:s12], $0x400  }
0x17: {  	[sflag:s12] =	ssyncset.done $0x0  }
0x18: {  	s19 =	sadd.s32 s11, s10;
	[sflag:s12] =	ssyncadd.s32 $0xFFFFFC00  }
0x19: {  	[tilespmem:s13], [sflag:$0x3] =	stream.linear.gather [hbm4b:s19+s3], $0x400, $0x38;
	[tilespmem:$0x1D000] =	vst v63  }
0x1a: {  	_ =	swait.ge [sflag:s12], $0x400  }
0x1b: {  	[sflag:s12] =	ssyncset.done $0x0  }
0x1c: {  	[sflag:s12] =	ssyncadd.s32 $0xFFFFFC00  }
0x1d: {  	[tilespmem:s15], [sflag:$0x1] =	stream.indirect.gather [hbm4b:s4+s14], $0x10, s3, s14, $0xb8;
	[tilespmem:$0x1D000] =	vst v63  }
0x1e: {  	_ = 	snop  }
0x1f: {  	[tilespmem:s16], [sflag:$0x1] =	stream.indirect.gather [hbm4b:s4+s14], $0x10, s14, s14, $0xb8;
	[tilespmem:$0x1D000] =	vst v63  }
0x20: {  	_ = 	snop  }
0x21: {  	[tilespmem:s18], [sflag:$0x1] =	stream.indirect.gather [hbm4b:s4+s14], $0x10, s21, s14, $0xb8;
	[tilespmem:$0x1D000] =	vst v63  }
0x22: {  	_ = 	snop  }
0x23: {  	[tilespmem:s20], [sflag:$0x1] =	stream.indirect.gather [hbm4b:s4+s14], $0x10, s23, s14, $0xb8;
	[tilespmem:$0x1D000] =	vst v63  }
0x24: {  	_ = 	snop  }
0x25: {  	[tilespmem:s22], [sflag:$0x1] =	stream.indirect.gather [hbm4b:s4+s14], $0x10, s25, s14, $0xb8;
	[tilespmem:$0x1D000] =	vst v63  }
0x26: {  	_ = 	snop  }
0x27: {  	[tilespmem:s24], [sflag:$0x1] =	stream.indirect.gather [hbm4b:s4+s14], $0x10, s28, s14, $0xb8;
	[tilespmem:$0x1D000] =	vst v63  }
0x28: {  	_ = 	snop  }
0x29: {  	[tilespmem:s26], [sflag:$0x1] =	stream.indirect.gather [hbm4b:s4+s14], $0x10, s31, s14, $0xb8;
	[tilespmem:$0x1D000] =	vst v63  }
0x2a: {  	_ = 	snop  }
0x2b: {  	[tilespmem:s29], [sflag:$0x1] =	stream.indirect.gather [hbm4b:s4+s14], $0x10, s0, s14, $0xb8;
	[tilespmem:$0x1D000] =	vst v63  }
0x2c: {  	_ =	swait.ge [sflag:s30], $0x800  }
0x2d: {  	[sflag:s30] =	ssyncset.done $0x0  }
0x2e: {  	[sflag:s30] =	ssyncadd.s32 $0xFFFFF800  }
0x2f: {  	_ =	swait.ge [sflag:s30], $0x800  }
0x30: {  	[sflag:s30] =	ssyncset.done $0x0  }
0x31: {  	[sflag:s30] =	ssyncadd.s32 $0xFFFFF800  }
0x32: {  	_ =	swait.ge [sflag:s30], $0x800  }
0x33: {  	[sflag:s30] =	ssyncset.done $0x0  }
0x34: {  	[sflag:s30] =	ssyncadd.s32 $0xFFFFF800  }
0x35: {  	_ =	swait.ge [sflag:s30], $0x800  }
0x36: {  	[sflag:s30] =	ssyncset.done $0x0  }
0x37: {  	[sflag:s30] =	ssyncadd.s32 $0xFFFFF800  }
0x38: {  	_ =	swait.ge [sflag:s30], $0x800  }
0x39: {  	[sflag:s30] =	ssyncset.done $0x0  }
0x3a: {  	[sflag:s30] =	ssyncadd.s32 $0xFFFFF800  }
0x3b: {  	_ =	swait.ge [sflag:s30], $0x800  }
0x3c: {  	[sflag:s30] =	ssyncset.done $0x0  }
0x3d: {  	[sflag:s30] =	ssyncadd.s32 $0xFFFFF800  }
0x3e: {  	_ =	swait.ge [sflag:s30], $0x800  }
0x3f: {  	[sflag:s30] =	ssyncset.done $0x0  }
0x40: {  	[sflag:s30] =	ssyncadd.s32 $0xFFFFF800  }
0x41: {  	_ =	swait.ge [sflag:s30], $0x800  }
0x42: {  	[sflag:s30] =	ssyncset.done $0x0  }
0x43: {  	[sflag:s30] =	ssyncadd.s32 $0xFFFFF800  }
0x44: {  	[spmem:s2] =	stream.indirect.scatter.add.f32 [tilespmem:s15], [sflag:$0x2], $0x10, s13, s14, $0xb8;
	[tilespmem:$0x1D000] =	vst v63  }
0x45: {  	_ = 	snop  }
0x46: {  	[spmem:s2] =	stream.indirect.scatter.add.f32 [tilespmem:s16], [sflag:$0x2], $0x10, s1, s14, $0xb8;
	[tilespmem:$0x1D000] =	vst v63  }
0x47: {  	_ = 	snop  }
0x48: {  	[spmem:s2] =	stream.indirect.scatter.add.f32 [tilespmem:s18], [sflag:$0x2], $0x10, s7, s14, $0xb8;
	[tilespmem:$0x1D000] =	vst v63  }
0x49: {  	_ = 	snop  }
0x4a: {  	[spmem:s2] =	stream.indirect.scatter.add.f32 [tilespmem:s20], [sflag:$0x2], $0x10, s8, s14, $0xb8;
	[tilespmem:$0x1D000] =	vst v63  }
0x4b: {  	_ = 	snop  }
0x4c: {  	[spmem:s2] =	stream.indirect.scatter.add.f32 [tilespmem:s22], [sflag:$0x2], $0x10, s5, s14, $0xb8;
	[tilespmem:$0x1D000] =	vst v63  }
0x4d: {  	_ = 	snop  }
0x4e: {  	[spmem:s2] =	stream.indirect.scatter.add.f32 [tilespmem:s24], [sflag:$0x2], $0x10, s9, s14, $0xb8;
	[tilespmem:$0x1D000] =	vst v63  }
0x4f: {  	s28 =	simm.s32 $0x700  }
0x50: {  	[spmem:s2] =	stream.indirect.scatter.add.f32 [tilespmem:s26], [sflag:$0x2], $0x10, s28, s14, $0xb8;
	[tilespmem:$0x1D000] =	vst v63  }
0x51: {  	s31 =	simm.s32 $0x780  }
0x52: {  	[spmem:s2] =	stream.indirect.scatter.add.f32 [tilespmem:s29], [sflag:$0x2], $0x10, s31, s14, $0xb8;
	[tilespmem:$0x1D000] =	vst v63  }
0x53: {  	_ =	swait.ge [sflag:s6], $0x800  }
0x54: {  	[sflag:s6] =	ssyncset.done $0x0  }
0x55: {  	[sflag:s6] =	ssyncadd.s32 $0xFFFFF800  }
0x56: {  	_ =	swait.ge [sflag:s6], $0x800  }
0x57: {  	[sflag:s6] =	ssyncset.done $0x0  }
0x58: {  	[sflag:s6] =	ssyncadd.s32 $0xFFFFF800  }
0x59: {  	_ =	swait.ge [sflag:s6], $0x800  }
0x5a: {  	[sflag:s6] =	ssyncset.done $0x0  }
0x5b: {  	[sflag:s6] =	ssyncadd.s32 $0xFFFFF800  }
0x5c: {  	_ =	swait.ge [sflag:s6], $0x800  }
0x5d: {  	[sflag:s6] =	ssyncset.done $0x0  }
0x5e: {  	[sflag:s6] =	ssyncadd.s32 $0xFFFFF800  }
0x5f: {  	_ =	swait.ge [sflag:s6], $0x800  }
0x60: {  	[sflag:s6] =	ssyncset.done $0x0  }
0x61: {  	[sflag:s6] =	ssyncadd.s32 $0xFFFFF800  }
0x62: {  	_ =	swait.ge [sflag:s6], $0x800  }
0x63: {  	[sflag:s6] =	ssyncset.done $0x0  }
0x64: {  	[sflag:s6] =	ssyncadd.s32 $0xFFFFF800  }
0x65: {  	_ =	swait.ge [sflag:s6], $0x800  }
0x66: {  	[sflag:s6] =	ssyncset.done $0x0  }
0x67: {  	[sflag:s6] =	ssyncadd.s32 $0xFFFFF800  }
0x68: {  	_ =	swait.ge [sflag:s6], $0x800  }
0x69: {  	[sflag:s6] =	ssyncset.done $0x0;
	s11 =	rddreg [dreg:$0x7]  }
0x6a: {  	s1 =	rddreg [dreg:$0xb];
	[sflag:s6] =	ssyncadd.s32 $0xFFFFF800  }
.LBB2_8:
0x6b: {  	[bflag:$0x0] =	sbarrier.arrive $0xFFFF  }
0x6c: {  	s17 =	rddreg [dreg:$0x6]  }
0x6d: {  	s0 =	simm.s32 $0x10;
	s19 =	rddreg [dreg:$0xa]  }
0x6e: {  	[hbm:s11@s0], [sflag:s17] =	dma.strided [spmem:s19@s6], $0x3100, s30, $0x2   }
0x6f: {  	_ =	swait.ge [sflag:s12], $0x3100  }
0x70: {  	s1 =	sadd.s32 $0x1, s1;
	s31 =	rddreg [dreg:$0x9]  }
0x71: {  	p1 =	sne.s32 s1, s31  }
.Ltmp1:
0x72: {  	_ = 	snop;
	(pc) =	sbr.rel @!p1 .LBB2_9-.Ltmp1, $3  }
0x73: {  	_ =	sdelay $0x1  }
0x74: {  	[sflag:s12] =	ssyncset.done $0x0  }
0x75: {  	[sflag:s12] =	ssyncadd.s32 $0xFFFFCF00  }
.LBB2_1:
0x76: {  	[dreg:$0xb] =	wrdreg s1  }
0x77: {  	s11 =	rddreg [dreg:$0x5]  }
0x78: {  	[spmem:s19], [sflag:s17] =	dma.local [hbm:s11], $0x3100  }
.Ltmp2:
0x79: {  	_ =	swait.ge [sflag:s12], $0x3100;
	(pc) =	sbr.rel @p0 .LBB2_5-.Ltmp2, $3  }
0x7a: {  	[sflag:s12] =	ssyncset.done $0x0  }
0x7b: {  	[sflag:s12] =	ssyncadd.s32 $0xFFFFCF00  }
0x7c: {  	[bflag:$0x0] =	sbarrier.arrive $0xFFFF;
	_ =	sdelay $0x1  }
0x7d: {  	s11 =	rddreg [dreg:$0x4]  }
0x7e: {  	s11 =	sadd.s32 $0x0, s11  }
0x7f: {  	[tilespmem:s3], [sflag:$0x3] =	stream.linear.gather [hbm4b:s11+s3], $0x400, $0x38;
	[tilespmem:$0x1D000] =	vst v63  }
0x80: {  	_ =	swait.ge [sflag:s12], $0x400  }
0x81: {  	[sflag:s12] =	ssyncset.done $0x0  }
0x82: {  	s17 =	sadd.s32 $0x0, s10;
	[sflag:s12] =	ssyncadd.s32 $0xFFFFFC00  }
0x83: {  	[tilespmem:s13], [sflag:$0x3] =	stream.linear.gather [hbm4b:s17+s3], $0x400, $0x38;
	[tilespmem:$0x1D000] =	vst v63  }
0x84: {  	_ =	swait.ge [sflag:s12], $0x400  }
0x85: {  	[sflag:s12] =	ssyncset.done $0x0  }
0x86: {  	[sflag:s12] =	ssyncadd.s32 $0xFFFFFC00  }
0x87: {  	[tilespmem:s15], [sflag:$0x1] =	stream.indirect.gather [hbm4b:s4+s14], $0x10, s3, s14, $0xb8;
	[tilespmem:$0x1D000] =	vst v63  }
0x88: {  	_ = 	snop  }
0x89: {  	[tilespmem:s16], [sflag:$0x1] =	stream.indirect.gather [hbm4b:s4+s14], $0x10, s14, s14, $0xb8;
	[tilespmem:$0x1D000] =	vst v63  }
0x8a: {  	_ = 	snop  }
0x8b: {  	[tilespmem:s18], [sflag:$0x1] =	stream.indirect.gather [hbm4b:s4+s14], $0x10, s21, s14, $0xb8;
	[tilespmem:$0x1D000] =	vst v63  }
0x8c: {  	s23 =	simm.s32 $0x180  }
0x8d: {  	[tilespmem:s20], [sflag:$0x1] =	stream.indirect.gather [hbm4b:s4+s14], $0x10, s23, s14, $0xb8;
	[tilespmem:$0x1D000] =	vst v63  }
0x8e: {  	s25 =	simm.s32 $0x200  }
0x8f: {  	[tilespmem:s22], [sflag:$0x1] =	stream.indirect.gather [hbm4b:s4+s14], $0x10, s25, s14, $0xb8;
	[tilespmem:$0x1D000] =	vst v63  }
0x90: {  	s28 =	simm.s32 $0x280  }
0x91: {  	[tilespmem:s24], [sflag:$0x1] =	stream.indirect.gather [hbm4b:s4+s14], $0x10, s28, s14, $0xb8;
	[tilespmem:$0x1D000] =	vst v63  }
0x92: {  	s31 =	simm.s32 $0x300  }
0x93: {  	[tilespmem:s26], [sflag:$0x1] =	stream.indirect.gather [hbm4b:s4+s14], $0x10, s31, s14, $0xb8;
	[tilespmem:$0x1D000] =	vst v63  }
0x94: {  	s0 =	simm.s32 $0x380  }
0x95: {  	[tilespmem:s29], [sflag:$0x1] =	stream.indirect.gather [hbm4b:s4+s14], $0x10, s0, s14, $0xb8;
	[tilespmem:$0x1D000] =	vst v63  }
0x96: {  	_ =	swait.ge [sflag:s30], $0x800  }
0x97: {  	[sflag:s30] =	ssyncset.done $0x0  }
0x98: {  	[sflag:s30] =	ssyncadd.s32 $0xFFFFF800  }
0x99: {  	_ =	swait.ge [sflag:s30], $0x800  }
0x9a: {  	[sflag:s30] =	ssyncset.done $0x0  }
0x9b: {  	[sflag:s30] =	ssyncadd.s32 $0xFFFFF800  }
0x9c: {  	_ =	swait.ge [sflag:s30], $0x800  }
0x9d: {  	[sflag:s30] =	ssyncset.done $0x0  }
0x9e: {  	[sflag:s30] =	ssyncadd.s32 $0xFFFFF800  }
0x9f: {  	_ =	swait.ge [sflag:s30], $0x800  }
0xa0: {  	[sflag:s30] =	ssyncset.done $0x0  }
0xa1: {  	[sflag:s30] =	ssyncadd.s32 $0xFFFFF800  }
0xa2: {  	_ =	swait.ge [sflag:s30], $0x800  }
0xa3: {  	[sflag:s30] =	ssyncset.done $0x0  }
0xa4: {  	[sflag:s30] =	ssyncadd.s32 $0xFFFFF800  }
0xa5: {  	_ =	swait.ge [sflag:s30], $0x800  }
0xa6: {  	[sflag:s30] =	ssyncset.done $0x0  }
0xa7: {  	[sflag:s30] =	ssyncadd.s32 $0xFFFFF800  }
0xa8: {  	_ =	swait.ge [sflag:s30], $0x800  }
0xa9: {  	[sflag:s30] =	ssyncset.done $0x0  }
0xaa: {  	[sflag:s30] =	ssyncadd.s32 $0xFFFFF800  }
0xab: {  	_ =	swait.ge [sflag:s30], $0x800  }
0xac: {  	[sflag:s30] =	ssyncset.done $0x0  }
0xad: {  	[sflag:s30] =	ssyncadd.s32 $0xFFFFF800  }
0xae: {  	[spmem:s2] =	stream.indirect.scatter.add.f32 [tilespmem:s15], [sflag:$0x2], $0x10, s13, s14, $0xb8;
	[tilespmem:$0x1D000] =	vst v63  }
0xaf: {  	s1 =	simm.s32 $0x480  }
0xb0: {  	[spmem:s2] =	stream.indirect.scatter.add.f32 [tilespmem:s16], [sflag:$0x2], $0x10, s1, s14, $0xb8;
	[tilespmem:$0x1D000] =	vst v63  }
0xb1: {  	s7 =	simm.s32 $0x500  }
0xb2: {  	[spmem:s2] =	stream.indirect.scatter.add.f32 [tilespmem:s18], [sflag:$0x2], $0x10, s7, s14, $0xb8;
	[tilespmem:$0x1D000] =	vst v63  }
0xb3: {  	s8 =	simm.s32 $0x580  }
0xb4: {  	[spmem:s2] =	stream.indirect.scatter.add.f32 [tilespmem:s20], [sflag:$0x2], $0x10, s8, s14, $0xb8;
	[tilespmem:$0x1D000] =	vst v63  }
0xb5: {  	s5 =	simm.s32 $0x600  }
0xb6: {  	[spmem:s2] =	stream.indirect.scatter.add.f32 [tilespmem:s22], [sflag:$0x2], $0x10, s5, s14, $0xb8;
	[tilespmem:$0x1D000] =	vst v63  }
0xb7: {  	s9 =	simm.s32 $0x680  }
0xb8: {  	[spmem:s2] =	stream.indirect.scatter.add.f32 [tilespmem:s24], [sflag:$0x2], $0x10, s9, s14, $0xb8;
	[tilespmem:$0x1D000] =	vst v63  }
0xb9: {  	s19 =	simm.s32 $0x700  }
0xba: {  	[spmem:s2] =	stream.indirect.scatter.add.f32 [tilespmem:s26], [sflag:$0x2], $0x10, s19, s14, $0xb8;
	[tilespmem:$0x1D000] =	vst v63  }
0xbb: {  	s21 =	simm.s32 $0x780  }
0xbc: {  	[spmem:s2] =	stream.indirect.scatter.add.f32 [tilespmem:s29], [sflag:$0x2], $0x10, s21, s14, $0xb8;
	[tilespmem:$0x1D000] =	vst v63  }
0xbd: {  	_ =	swait.ge [sflag:s6], $0x800  }
0xbe: {  	[sflag:s6] =	ssyncset.done $0x0  }
0xbf: {  	[sflag:s6] =	ssyncadd.s32 $0xFFFFF800  }
0xc0: {  	_ =	swait.ge [sflag:s6], $0x800  }
0xc1: {  	[sflag:s6] =	ssyncset.done $0x0  }
0xc2: {  	[sflag:s6] =	ssyncadd.s32 $0xFFFFF800  }
0xc3: {  	_ =	swait.ge [sflag:s6], $0x800  }
0xc4: {  	[sflag:s6] =	ssyncset.done $0x0  }
0xc5: {  	[sflag:s6] =	ssyncadd.s32 $0xFFFFF800  }
0xc6: {  	_ =	swait.ge [sflag:s6], $0x800  }
0xc7: {  	[sflag:s6] =	ssyncset.done $0x0  }
0xc8: {  	[sflag:s6] =	ssyncadd.s32 $0xFFFFF800  }
0xc9: {  	_ =	swait.ge [sflag:s6], $0x800  }
0xca: {  	[sflag:s6] =	ssyncset.done $0x0  }
0xcb: {  	[sflag:s6] =	ssyncadd.s32 $0xFFFFF800  }
0xcc: {  	_ =	swait.ge [sflag:s6], $0x800  }
0xcd: {  	[sflag:s6] =	ssyncset.done $0x0  }
0xce: {  	[sflag:s6] =	ssyncadd.s32 $0xFFFFF800  }
0xcf: {  	_ =	swait.ge [sflag:s6], $0x800  }
0xd0: {  	[sflag:s6] =	ssyncset.done $0x0  }
0xd1: {  	[sflag:s6] =	ssyncadd.s32 $0xFFFFF800  }
0xd2: {  	s11 =	simm.s32 $0x80;
	_ =	swait.ge [sflag:s6], $0x800  }
0xd3: {  	s17 =	simm.s32 $0x100;
	s19 =	rddreg [dreg:$0x4];
	[sflag:s6] =	ssyncset.done $0x0  }
.LBB2_3:
0xd4: {  	[sflag:s6] =	ssyncadd.s32 $0xFFFFF800;
	s19 =	sadd.s32 s11, s19  }
0xd5: {  	[tilespmem:s3], [sflag:$0x3] =	stream.linear.gather [hbm4b:s19+s3], $0x400, $0x38;
	[tilespmem:$0x1D000] =	vst v63  }
0xd6: {  	_ =	swait.ge [sflag:s12], $0x400  }
0xd7: {  	[sflag:s12] =	ssyncset.done $0x0  }
0xd8: {  	s19 =	sadd.s32 s11, s10;
	[sflag:s12] =	ssyncadd.s32 $0xFFFFFC00  }
0xd9: {  	[tilespmem:s13], [sflag:$0x3] =	stream.linear.gather [hbm4b:s19+s3], $0x400, $0x38;
	[tilespmem:$0x1D000] =	vst v63  }
0xda: {  	_ =	swait.ge [sflag:s12], $0x400  }
0xdb: {  	[sflag:s12] =	ssyncset.done $0x0  }
0xdc: {  	[sflag:s12] =	ssyncadd.s32 $0xFFFFFC00  }
0xdd: {  	[tilespmem:s15], [sflag:$0x1] =	stream.indirect.gather [hbm4b:s4+s14], $0x10, s3, s14, $0xb8;
	[tilespmem:$0x1D000] =	vst v63  }
0xde: {  	s21 =	smov.u32 s17  }
0xdf: {  	[tilespmem:s16], [sflag:$0x1] =	stream.indirect.gather [hbm4b:s4+s14], $0x10, s14, s14, $0xb8;
	[tilespmem:$0x1D000] =	vst v63  }
0xe0: {  	s11 =	smov.u32 s21;
	s21 =	simm.s32 $0x100  }
0xe1: {  	[tilespmem:s18], [sflag:$0x1] =	stream.indirect.gather [hbm4b:s4+s14], $0x10, s21, s14, $0xb8;
	[tilespmem:$0x1D000] =	vst v63  }
0xe2: {  	_ = 	snop  }
0xe3: {  	[tilespmem:s20], [sflag:$0x1] =	stream.indirect.gather [hbm4b:s4+s14], $0x10, s23, s14, $0xb8;
	[tilespmem:$0x1D000] =	vst v63  }
0xe4: {  	_ = 	snop  }
0xe5: {  	[tilespmem:s22], [sflag:$0x1] =	stream.indirect.gather [hbm4b:s4+s14], $0x10, s25, s14, $0xb8;
	[tilespmem:$0x1D000] =	vst v63  }
0xe6: {  	_ = 	snop  }
0xe7: {  	[tilespmem:s24], [sflag:$0x1] =	stream.indirect.gather [hbm4b:s4+s14], $0x10, s28, s14, $0xb8;
	[tilespmem:$0x1D000] =	vst v63  }
0xe8: {  	_ = 	snop  }
0xe9: {  	[tilespmem:s26], [sflag:$0x1] =	stream.indirect.gather [hbm4b:s4+s14], $0x10, s31, s14, $0xb8;
	[tilespmem:$0x1D000] =	vst v63  }
0xea: {  	_ = 	snop  }
0xeb: {  	[tilespmem:s29], [sflag:$0x1] =	stream.indirect.gather [hbm4b:s4+s14], $0x10, s0, s14, $0xb8;
	[tilespmem:$0x1D000] =	vst v63  }
0xec: {  	_ =	swait.ge [sflag:s30], $0x800  }
0xed: {  	[sflag:s30] =	ssyncset.done $0x0  }
0xee: {  	[sflag:s30] =	ssyncadd.s32 $0xFFFFF800  }
0xef: {  	_ =	swait.ge [sflag:s30], $0x800  }
0xf0: {  	[sflag:s30] =	ssyncset.done $0x0  }
0xf1: {  	[sflag:s30] =	ssyncadd.s32 $0xFFFFF800  }
0xf2: {  	_ =	swait.ge [sflag:s30], $0x800  }
0xf3: {  	[sflag:s30] =	ssyncset.done $0x0  }
0xf4: {  	[sflag:s30] =	ssyncadd.s32 $0xFFFFF800  }
0xf5: {  	_ =	swait.ge [sflag:s30], $0x800  }
0xf6: {  	[sflag:s30] =	ssyncset.done $0x0  }
0xf7: {  	[sflag:s30] =	ssyncadd.s32 $0xFFFFF800  }
0xf8: {  	_ =	swait.ge [sflag:s30], $0x800  }
0xf9: {  	[sflag:s30] =	ssyncset.done $0x0  }
0xfa: {  	[sflag:s30] =	ssyncadd.s32 $0xFFFFF800  }
0xfb: {  	_ =	swait.ge [sflag:s30], $0x800  }
0xfc: {  	[sflag:s30] =	ssyncset.done $0x0  }
0xfd: {  	[sflag:s30] =	ssyncadd.s32 $0xFFFFF800  }
0xfe: {  	_ =	swait.ge [sflag:s30], $0x800  }
0xff: {  	[sflag:s30] =	ssyncset.done $0x0  }
0x100: {  	[sflag:s30] =	ssyncadd.s32 $0xFFFFF800  }
0x101: {  	_ =	swait.ge [sflag:s30], $0x800  }
0x102: {  	[sflag:s30] =	ssyncset.done $0x0  }
0x103: {  	[sflag:s30] =	ssyncadd.s32 $0xFFFFF800  }
0x104: {  	[spmem:s2] =	stream.indirect.scatter.add.f32 [tilespmem:s15], [sflag:$0x2], $0x10, s13, s14, $0xb8;
	[tilespmem:$0x1D000] =	vst v63  }
0x105: {  	_ = 	snop  }
0x106: {  	[spmem:s2] =	stream.indirect.scatter.add.f32 [tilespmem:s16], [sflag:$0x2], $0x10, s1, s14, $0xb8;
	[tilespmem:$0x1D000] =	vst v63  }
0x107: {  	_ = 	snop  }
0x108: {  	[spmem:s2] =	stream.indirect.scatter.add.f32 [tilespmem:s18], [sflag:$0x2], $0x10, s7, s14, $0xb8;
	[tilespmem:$0x1D000] =	vst v63  }
0x109: {  	_ = 	snop  }
0x10a: {  	[spmem:s2] =	stream.indirect.scatter.add.f32 [tilespmem:s20], [sflag:$0x2], $0x10, s8, s14, $0xb8;
	[tilespmem:$0x1D000] =	vst v63  }
0x10b: {  	_ = 	snop  }
0x10c: {  	[spmem:s2] =	stream.indirect.scatter.add.f32 [tilespmem:s22], [sflag:$0x2], $0x10, s5, s14, $0xb8;
	[tilespmem:$0x1D000] =	vst v63  }
0x10d: {  	_ = 	snop  }
0x10e: {  	[spmem:s2] =	stream.indirect.scatter.add.f32 [tilespmem:s24], [sflag:$0x2], $0x10, s9, s14, $0xb8;
	[tilespmem:$0x1D000] =	vst v63  }
0x10f: {  	s19 =	simm.s32 $0x700  }
0x110: {  	[spmem:s2] =	stream.indirect.scatter.add.f32 [tilespmem:s26], [sflag:$0x2], $0x10, s19, s14, $0xb8;
	[tilespmem:$0x1D000] =	vst v63  }
0x111: {  	s19 =	simm.s32 $0x780  }
0x112: {  	[spmem:s2] =	stream.indirect.scatter.add.f32 [tilespmem:s29], [sflag:$0x2], $0x10, s19, s14, $0xb8;
	[tilespmem:$0x1D000] =	vst v63  }
0x113: {  	_ =	swait.ge [sflag:s6], $0x800  }
0x114: {  	[sflag:s6] =	ssyncset.done $0x0  }
0x115: {  	[sflag:s6] =	ssyncadd.s32 $0xFFFFF800  }
0x116: {  	_ =	swait.ge [sflag:s6], $0x800  }
0x117: {  	[sflag:s6] =	ssyncset.done $0x0  }
0x118: {  	[sflag:s6] =	ssyncadd.s32 $0xFFFFF800  }
0x119: {  	_ =	swait.ge [sflag:s6], $0x800  }
0x11a: {  	[sflag:s6] =	ssyncset.done $0x0  }
0x11b: {  	[sflag:s6] =	ssyncadd.s32 $0xFFFFF800  }
0x11c: {  	_ =	swait.ge [sflag:s6], $0x800  }
0x11d: {  	[sflag:s6] =	ssyncset.done $0x0  }
0x11e: {  	[sflag:s6] =	ssyncadd.s32 $0xFFFFF800  }
0x11f: {  	_ =	swait.ge [sflag:s6], $0x800  }
0x120: {  	[sflag:s6] =	ssyncset.done $0x0  }
0x121: {  	[sflag:s6] =	ssyncadd.s32 $0xFFFFF800  }
0x122: {  	_ =	swait.ge [sflag:s6], $0x800  }
0x123: {  	[sflag:s6] =	ssyncset.done $0x0  }
0x124: {  	p1 =	seq.s32 s17, $0x6180;
	[sflag:s6] =	ssyncadd.s32 $0xFFFFF800  }
.Ltmp3:
0x125: {  	_ =	swait.ge [sflag:s6], $0x800;
	(pc) =	sbr.rel @!p1 .LBB2_3-.Ltmp3, $4  }
0x126: {  	[sflag:s6] =	ssyncset.done $0x0  }
0x127: {  	[sflag:s6] =	ssyncadd.s32 $0xFFFFF800  }
0x128: {  	_ =	swait.ge [sflag:s6], $0x800  }
0x129: {  	s17 =	sadd.s32 $0x80, s17;
	s19 =	rddreg [dreg:$0x4];
	[sflag:s6] =	ssyncset.done $0x0  }
0x12a: {  	[sflag:s6] =	ssyncadd.s32 $0xFFFFF800;
	s17 =	sadd.s32 s11, s19  }
0x12b: {  	[tilespmem:s3], [sflag:$0x3] =	stream.linear.gather [hbm4b:s17+s3], $0x400, $0x38;
	[tilespmem:$0x1D000] =	vst v63  }
0x12c: {  	_ =	swait.ge [sflag:s12], $0x400  }
0x12d: {  	[sflag:s12] =	ssyncset.done $0x0  }
0x12e: {  	s19 =	sadd.s32 s11, s10;
	[sflag:s12] =	ssyncadd.s32 $0xFFFFFC00  }
0x12f: {  	[tilespmem:s13], [sflag:$0x3] =	stream.linear.gather [hbm4b:s19+s3], $0x400, $0x38;
	[tilespmem:$0x1D000] =	vst v63  }
0x130: {  	_ =	swait.ge [sflag:s12], $0x400  }
0x131: {  	[sflag:s12] =	ssyncset.done $0x0  }
0x132: {  	[sflag:s12] =	ssyncadd.s32 $0xFFFFFC00  }
0x133: {  	[tilespmem:s15], [sflag:$0x1] =	stream.indirect.gather [hbm4b:s4+s14], $0x10, s3, s14, $0xb8;
	[tilespmem:$0x1D000] =	vst v63  }
0x134: {  	_ = 	snop  }
0x135: {  	[tilespmem:s16], [sflag:$0x1] =	stream.indirect.gather [hbm4b:s4+s14], $0x10, s14, s14, $0xb8;
	[tilespmem:$0x1D000] =	vst v63  }
0x136: {  	_ = 	snop  }
0x137: {  	[tilespmem:s18], [sflag:$0x1] =	stream.indirect.gather [hbm4b:s4+s14], $0x10, s21, s14, $0xb8;
	[tilespmem:$0x1D000] =	vst v63  }
0x138: {  	_ = 	snop  }
0x139: {  	[tilespmem:s20], [sflag:$0x1] =	stream.indirect.gather [hbm4b:s4+s14], $0x10, s23, s14, $0xb8;
	[tilespmem:$0x1D000] =	vst v63  }
0x13a: {  	_ = 	snop  }
0x13b: {  	[tilespmem:s22], [sflag:$0x1] =	stream.indirect.gather [hbm4b:s4+s14], $0x10, s25, s14, $0xb8;
	[tilespmem:$0x1D000] =	vst v63  }
0x13c: {  	_ = 	snop  }
0x13d: {  	[tilespmem:s24], [sflag:$0x1] =	stream.indirect.gather [hbm4b:s4+s14], $0x10, s28, s14, $0xb8;
	[tilespmem:$0x1D000] =	vst v63  }
0x13e: {  	_ = 	snop  }
0x13f: {  	[tilespmem:s26], [sflag:$0x1] =	stream.indirect.gather [hbm4b:s4+s14], $0x10, s31, s14, $0xb8;
	[tilespmem:$0x1D000] =	vst v63  }
0x140: {  	_ = 	snop  }
0x141: {  	[tilespmem:s29], [sflag:$0x1] =	stream.indirect.gather [hbm4b:s4+s14], $0x10, s0, s14, $0xb8;
	[tilespmem:$0x1D000] =	vst v63  }
0x142: {  	_ =	swait.ge [sflag:s30], $0x800  }
0x143: {  	[sflag:s30] =	ssyncset.done $0x0  }
0x144: {  	[sflag:s30] =	ssyncadd.s32 $0xFFFFF800  }
0x145: {  	_ =	swait.ge [sflag:s30], $0x800  }
0x146: {  	[sflag:s30] =	ssyncset.done $0x0  }
0x147: {  	[sflag:s30] =	ssyncadd.s32 $0xFFFFF800  }
0x148: {  	_ =	swait.ge [sflag:s30], $0x800  }
0x149: {  	[sflag:s30] =	ssyncset.done $0x0  }
0x14a: {  	[sflag:s30] =	ssyncadd.s32 $0xFFFFF800  }
0x14b: {  	_ =	swait.ge [sflag:s30], $0x800  }
0x14c: {  	[sflag:s30] =	ssyncset.done $0x0  }
0x14d: {  	[sflag:s30] =	ssyncadd.s32 $0xFFFFF800  }
0x14e: {  	_ =	swait.ge [sflag:s30], $0x800  }
0x14f: {  	[sflag:s30] =	ssyncset.done $0x0  }
0x150: {  	[sflag:s30] =	ssyncadd.s32 $0xFFFFF800  }
0x151: {  	_ =	swait.ge [sflag:s30], $0x800  }
0x152: {  	[sflag:s30] =	ssyncset.done $0x0  }
0x153: {  	[sflag:s30] =	ssyncadd.s32 $0xFFFFF800  }
0x154: {  	_ =	swait.ge [sflag:s30], $0x800  }
0x155: {  	[sflag:s30] =	ssyncset.done $0x0  }
0x156: {  	[sflag:s30] =	ssyncadd.s32 $0xFFFFF800  }
0x157: {  	_ =	swait.ge [sflag:s30], $0x800  }
0x158: {  	[sflag:s30] =	ssyncset.done $0x0  }
0x159: {  	[sflag:s30] =	ssyncadd.s32 $0xFFFFF800  }
0x15a: {  	[spmem:s2] =	stream.indirect.scatter.add.f32 [tilespmem:s15], [sflag:$0x2], $0x10, s13, s14, $0xb8;
	[tilespmem:$0x1D000] =	vst v63  }
0x15b: {  	_ = 	snop  }
0x15c: {  	[spmem:s2] =	stream.indirect.scatter.add.f32 [tilespmem:s16], [sflag:$0x2], $0x10, s1, s14, $0xb8;
	[tilespmem:$0x1D000] =	vst v63  }
0x15d: {  	_ = 	snop  }
0x15e: {  	[spmem:s2] =	stream.indirect.scatter.add.f32 [tilespmem:s18], [sflag:$0x2], $0x10, s7, s14, $0xb8;
	[tilespmem:$0x1D000] =	vst v63  }
0x15f: {  	_ = 	snop  }
0x160: {  	[spmem:s2] =	stream.indirect.scatter.add.f32 [tilespmem:s20], [sflag:$0x2], $0x10, s8, s14, $0xb8;
	[tilespmem:$0x1D000] =	vst v63  }
0x161: {  	_ = 	snop  }
0x162: {  	[spmem:s2] =	stream.indirect.scatter.add.f32 [tilespmem:s22], [sflag:$0x2], $0x10, s5, s14, $0xb8;
	[tilespmem:$0x1D000] =	vst v63  }
0x163: {  	_ = 	snop  }
0x164: {  	[spmem:s2] =	stream.indirect.scatter.add.f32 [tilespmem:s24], [sflag:$0x2], $0x10, s9, s14, $0xb8;
	[tilespmem:$0x1D000] =	vst v63  }
0x165: {  	s28 =	simm.s32 $0x700  }
0x166: {  	[spmem:s2] =	stream.indirect.scatter.add.f32 [tilespmem:s26], [sflag:$0x2], $0x10, s28, s14, $0xb8;
	[tilespmem:$0x1D000] =	vst v63  }
0x167: {  	s31 =	simm.s32 $0x780  }
0x168: {  	[spmem:s2] =	stream.indirect.scatter.add.f32 [tilespmem:s29], [sflag:$0x2], $0x10, s31, s14, $0xb8;
	[tilespmem:$0x1D000] =	vst v63  }
0x169: {  	_ =	swait.ge [sflag:s6], $0x800  }
0x16a: {  	[sflag:s6] =	ssyncset.done $0x0  }
0x16b: {  	[sflag:s6] =	ssyncadd.s32 $0xFFFFF800  }
0x16c: {  	_ =	swait.ge [sflag:s6], $0x800  }
0x16d: {  	[sflag:s6] =	ssyncset.done $0x0  }
0x16e: {  	[sflag:s6] =	ssyncadd.s32 $0xFFFFF800  }
0x16f: {  	_ =	swait.ge [sflag:s6], $0x800  }
0x170: {  	[sflag:s6] =	ssyncset.done $0x0  }
0x171: {  	[sflag:s6] =	ssyncadd.s32 $0xFFFFF800  }
0x172: {  	_ =	swait.ge [sflag:s6], $0x800  }
0x173: {  	[sflag:s6] =	ssyncset.done $0x0  }
0x174: {  	[sflag:s6] =	ssyncadd.s32 $0xFFFFF800  }
0x175: {  	_ =	swait.ge [sflag:s6], $0x800  }
0x176: {  	[sflag:s6] =	ssyncset.done $0x0  }
0x177: {  	[sflag:s6] =	ssyncadd.s32 $0xFFFFF800  }
0x178: {  	_ =	swait.ge [sflag:s6], $0x800  }
0x179: {  	[sflag:s6] =	ssyncset.done $0x0  }
0x17a: {  	[sflag:s6] =	ssyncadd.s32 $0xFFFFF800  }
0x17b: {  	_ =	swait.ge [sflag:s6], $0x800  }
.Ltmp4:
0x17c: {  	[sflag:s6] =	ssyncset.done $0x0;
	(pc) =	sbr.rel .LBB2_8-.Ltmp4, $4  }
0x17d: {  	[sflag:s6] =	ssyncadd.s32 $0xFFFFF800  }
0x17e: {  	_ =	swait.ge [sflag:s6], $0x800  }
0x17f: {  	[sflag:s6] =	ssyncset.done $0x0;
	s11 =	rddreg [dreg:$0x8]  }
0x180: {  	s1 =	rddreg [dreg:$0xb];
	[sflag:s6] =	ssyncadd.s32 $0xFFFFF800  }
.LBB2_5:
0x181: {  	s11 =	rddreg [dreg:$0x3]  }
0x182: {  	s11 =	sadd.s32 $0x0, s11  }
0x183: {  	[tilespmem:s3], [sflag:$0x3] =	stream.linear.gather [hbm4b:s11+s3], $0x400, $0x38;
	[tilespmem:$0x1D000] =	vst v63  }
0x184: {  	_ =	swait.ge [sflag:s12], $0x400  }
0x185: {  	[sflag:s12] =	ssyncset.done $0x0  }
0x186: {  	s17 =	sadd.s32 $0x0, s10;
	[sflag:s12] =	ssyncadd.s32 $0xFFFFFC00  }
0x187: {  	[tilespmem:s13], [sflag:$0x3] =	stream.linear.gather [hbm4b:s17+s3], $0x400, $0x38;
	[tilespmem:$0x1D000] =	vst v63  }
0x188: {  	_ =	swait.ge [sflag:s12], $0x400  }
0x189: {  	[sflag:s12] =	ssyncset.done $0x0  }
0x18a: {  	[sflag:s12] =	ssyncadd.s32 $0xFFFFFC00  }
0x18b: {  	[tilespmem:s15], [sflag:$0x1] =	stream.indirect.gather [hbm4b:s4+s14], $0x10, s3, s14, $0xb8;
	[tilespmem:$0x1D000] =	vst v63  }
0x18c: {  	_ = 	snop  }
0x18d: {  	[tilespmem:s16], [sflag:$0x1] =	stream.indirect.gather [hbm4b:s4+s14], $0x10, s14, s14, $0xb8;
	[tilespmem:$0x1D000] =	vst v63  }
0x18e: {  	_ = 	snop  }
0x18f: {  	[tilespmem:s18], [sflag:$0x1] =	stream.indirect.gather [hbm4b:s4+s14], $0x10, s21, s14, $0xb8;
	[tilespmem:$0x1D000] =	vst v63  }
0x190: {  	s23 =	simm.s32 $0x180  }
0x191: {  	[tilespmem:s20], [sflag:$0x1] =	stream.indirect.gather [hbm4b:s4+s14], $0x10, s23, s14, $0xb8;
	[tilespmem:$0x1D000] =	vst v63  }
0x192: {  	s25 =	simm.s32 $0x200  }
0x193: {  	[tilespmem:s22], [sflag:$0x1] =	stream.indirect.gather [hbm4b:s4+s14], $0x10, s25, s14, $0xb8;
	[tilespmem:$0x1D000] =	vst v63  }
0x194: {  	s28 =	simm.s32 $0x280  }
0x195: {  	[tilespmem:s24], [sflag:$0x1] =	stream.indirect.gather [hbm4b:s4+s14], $0x10, s28, s14, $0xb8;
	[tilespmem:$0x1D000] =	vst v63  }
0x196: {  	s31 =	simm.s32 $0x300  }
0x197: {  	[tilespmem:s26], [sflag:$0x1] =	stream.indirect.gather [hbm4b:s4+s14], $0x10, s31, s14, $0xb8;
	[tilespmem:$0x1D000] =	vst v63  }
0x198: {  	s0 =	simm.s32 $0x380  }
0x199: {  	[tilespmem:s29], [sflag:$0x1] =	stream.indirect.gather [hbm4b:s4+s14], $0x10, s0, s14, $0xb8;
	[tilespmem:$0x1D000] =	vst v63  }
0x19a: {  	_ =	swait.ge [sflag:s30], $0x800  }
0x19b: {  	[sflag:s30] =	ssyncset.done $0x0  }
0x19c: {  	[sflag:s30] =	ssyncadd.s32 $0xFFFFF800  }
0x19d: {  	_ =	swait.ge [sflag:s30], $0x800  }
0x19e: {  	[sflag:s30] =	ssyncset.done $0x0  }
0x19f: {  	[sflag:s30] =	ssyncadd.s32 $0xFFFFF800  }
0x1a0: {  	_ =	swait.ge [sflag:s30], $0x800  }
0x1a1: {  	[sflag:s30] =	ssyncset.done $0x0  }
0x1a2: {  	[sflag:s30] =	ssyncadd.s32 $0xFFFFF800  }
0x1a3: {  	_ =	swait.ge [sflag:s30], $0x800  }
0x1a4: {  	[sflag:s30] =	ssyncset.done $0x0  }
0x1a5: {  	[sflag:s30] =	ssyncadd.s32 $0xFFFFF800  }
0x1a6: {  	_ =	swait.ge [sflag:s30], $0x800  }
0x1a7: {  	[sflag:s30] =	ssyncset.done $0x0  }
0x1a8: {  	[sflag:s30] =	ssyncadd.s32 $0xFFFFF800  }
0x1a9: {  	_ =	swait.ge [sflag:s30], $0x800  }
0x1aa: {  	[sflag:s30] =	ssyncset.done $0x0  }
0x1ab: {  	[sflag:s30] =	ssyncadd.s32 $0xFFFFF800  }
0x1ac: {  	_ =	swait.ge [sflag:s30], $0x800  }
0x1ad: {  	[sflag:s30] =	ssyncset.done $0x0  }
0x1ae: {  	[sflag:s30] =	ssyncadd.s32 $0xFFFFF800  }
0x1af: {  	_ =	swait.ge [sflag:s30], $0x800  }
0x1b0: {  	[sflag:s30] =	ssyncset.done $0x0  }
0x1b1: {  	[sflag:s30] =	ssyncadd.s32 $0xFFFFF800  }
0x1b2: {  	[spmem:s2] =	stream.indirect.scatter.add.f32 [tilespmem:s15], [sflag:$0x2], $0x10, s13, s14, $0xb8;
	[tilespmem:$0x1D000] =	vst v63  }
0x1b3: {  	s1 =	simm.s32 $0x480  }
0x1b4: {  	[spmem:s2] =	stream.indirect.scatter.add.f32 [tilespmem:s16], [sflag:$0x2], $0x10, s1, s14, $0xb8;
	[tilespmem:$0x1D000] =	vst v63  }
0x1b5: {  	s7 =	simm.s32 $0x500  }
0x1b6: {  	[spmem:s2] =	stream.indirect.scatter.add.f32 [tilespmem:s18], [sflag:$0x2], $0x10, s7, s14, $0xb8;
	[tilespmem:$0x1D000] =	vst v63  }
0x1b7: {  	s8 =	simm.s32 $0x580  }
0x1b8: {  	[spmem:s2] =	stream.indirect.scatter.add.f32 [tilespmem:s20], [sflag:$0x2], $0x10, s8, s14, $0xb8;
	[tilespmem:$0x1D000] =	vst v63  }
0x1b9: {  	s5 =	simm.s32 $0x600  }
0x1ba: {  	[spmem:s2] =	stream.indirect.scatter.add.f32 [tilespmem:s22], [sflag:$0x2], $0x10, s5, s14, $0xb8;
	[tilespmem:$0x1D000] =	vst v63  }
0x1bb: {  	s9 =	simm.s32 $0x680  }
0x1bc: {  	[spmem:s2] =	stream.indirect.scatter.add.f32 [tilespmem:s24], [sflag:$0x2], $0x10, s9, s14, $0xb8;
	[tilespmem:$0x1D000] =	vst v63  }
0x1bd: {  	s19 =	simm.s32 $0x700  }
0x1be: {  	[spmem:s2] =	stream.indirect.scatter.add.f32 [tilespmem:s26], [sflag:$0x2], $0x10, s19, s14, $0xb8;
	[tilespmem:$0x1D000] =	vst v63  }
0x1bf: {  	s21 =	simm.s32 $0x780  }
0x1c0: {  	[spmem:s2] =	stream.indirect.scatter.add.f32 [tilespmem:s29], [sflag:$0x2], $0x10, s21, s14, $0xb8;
	[tilespmem:$0x1D000] =	vst v63  }
0x1c1: {  	_ =	swait.ge [sflag:s6], $0x800  }
0x1c2: {  	[sflag:s6] =	ssyncset.done $0x0  }
0x1c3: {  	[sflag:s6] =	ssyncadd.s32 $0xFFFFF800  }
0x1c4: {  	_ =	swait.ge [sflag:s6], $0x800  }
0x1c5: {  	[sflag:s6] =	ssyncset.done $0x0  }
0x1c6: {  	[sflag:s6] =	ssyncadd.s32 $0xFFFFF800  }
0x1c7: {  	_ =	swait.ge [sflag:s6], $0x800  }
0x1c8: {  	[sflag:s6] =	ssyncset.done $0x0  }
0x1c9: {  	[sflag:s6] =	ssyncadd.s32 $0xFFFFF800  }
0x1ca: {  	_ =	swait.ge [sflag:s6], $0x800  }
0x1cb: {  	[sflag:s6] =	ssyncset.done $0x0  }
0x1cc: {  	[sflag:s6] =	ssyncadd.s32 $0xFFFFF800  }
0x1cd: {  	_ =	swait.ge [sflag:s6], $0x800  }
0x1ce: {  	[sflag:s6] =	ssyncset.done $0x0  }
0x1cf: {  	[sflag:s6] =	ssyncadd.s32 $0xFFFFF800  }
0x1d0: {  	_ =	swait.ge [sflag:s6], $0x800  }
0x1d1: {  	[sflag:s6] =	ssyncset.done $0x0  }
0x1d2: {  	[sflag:s6] =	ssyncadd.s32 $0xFFFFF800  }
0x1d3: {  	_ =	swait.ge [sflag:s6], $0x800  }
0x1d4: {  	[sflag:s6] =	ssyncset.done $0x0  }
0x1d5: {  	[sflag:s6] =	ssyncadd.s32 $0xFFFFF800  }
0x1d6: {  	s11 =	simm.s32 $0x80;
	_ =	swait.ge [sflag:s6], $0x800  }
0x1d7: {  	s17 =	simm.s32 $0x100;
	s19 =	rddreg [dreg:$0x3];
	[sflag:s6] =	ssyncset.done $0x0  }
.LBB2_6:
0x1d8: {  	[sflag:s6] =	ssyncadd.s32 $0xFFFFF800;
	s19 =	sadd.s32 s11, s19  }
0x1d9: {  	[tilespmem:s3], [sflag:$0x3] =	stream.linear.gather [hbm4b:s19+s3], $0x400, $0x38;
	[tilespmem:$0x1D000] =	vst v63  }
0x1da: {  	_ =	swait.ge [sflag:s12], $0x400  }
0x1db: {  	[sflag:s12] =	ssyncset.done $0x0  }
0x1dc: {  	s19 =	sadd.s32 s11, s10;
	[sflag:s12] =	ssyncadd.s32 $0xFFFFFC00  }
0x1dd: {  	[tilespmem:s13], [sflag:$0x3] =	stream.linear.gather [hbm4b:s19+s3], $0x400, $0x38;
	[tilespmem:$0x1D000] =	vst v63  }
0x1de: {  	_ =	swait.ge [sflag:s12], $0x400  }
0x1df: {  	[sflag:s12] =	ssyncset.done $0x0  }
0x1e0: {  	[sflag:s12] =	ssyncadd.s32 $0xFFFFFC00  }
0x1e1: {  	[tilespmem:s15], [sflag:$0x1] =	stream.indirect.gather [hbm4b:s4+s14], $0x10, s3, s14, $0xb8;
	[tilespmem:$0x1D000] =	vst v63  }
0x1e2: {  	s21 =	smov.u32 s17  }
0x1e3: {  	[tilespmem:s16], [sflag:$0x1] =	stream.indirect.gather [hbm4b:s4+s14], $0x10, s14, s14, $0xb8;
	[tilespmem:$0x1D000] =	vst v63  }
0x1e4: {  	s11 =	smov.u32 s21;
	s21 =	simm.s32 $0x100  }
0x1e5: {  	[tilespmem:s18], [sflag:$0x1] =	stream.indirect.gather [hbm4b:s4+s14], $0x10, s21, s14, $0xb8;
	[tilespmem:$0x1D000] =	vst v63  }
0x1e6: {  	_ = 	snop  }
0x1e7: {  	[tilespmem:s20], [sflag:$0x1] =	stream.indirect.gather [hbm4b:s4+s14], $0x10, s23, s14, $0xb8;
	[tilespmem:$0x1D000] =	vst v63  }
0x1e8: {  	_ = 	snop  }
0x1e9: {  	[tilespmem:s22], [sflag:$0x1] =	stream.indirect.gather [hbm4b:s4+s14], $0x10, s25, s14, $0xb8;
	[tilespmem:$0x1D000] =	vst v63  }
0x1ea: {  	_ = 	snop  }
0x1eb: {  	[tilespmem:s24], [sflag:$0x1] =	stream.indirect.gather [hbm4b:s4+s14], $0x10, s28, s14, $0xb8;
	[tilespmem:$0x1D000] =	vst v63  }
0x1ec: {  	_ = 	snop  }
0x1ed: {  	[tilespmem:s26], [sflag:$0x1] =	stream.indirect.gather [hbm4b:s4+s14], $0x10, s31, s14, $0xb8;
	[tilespmem:$0x1D000] =	vst v63  }
0x1ee: {  	_ = 	snop  }
0x1ef: {  	[tilespmem:s29], [sflag:$0x1] =	stream.indirect.gather [hbm4b:s4+s14], $0x10, s0, s14, $0xb8;
	[tilespmem:$0x1D000] =	vst v63  }
0x1f0: {  	_ =	swait.ge [sflag:s30], $0x800  }
0x1f1: {  	[sflag:s30] =	ssyncset.done $0x0  }
0x1f2: {  	[sflag:s30] =	ssyncadd.s32 $0xFFFFF800  }
0x1f3: {  	_ =	swait.ge [sflag:s30], $0x800  }
0x1f4: {  	[sflag:s30] =	ssyncset.done $0x0  }
0x1f5: {  	[sflag:s30] =	ssyncadd.s32 $0xFFFFF800  }
0x1f6: {  	_ =	swait.ge [sflag:s30], $0x800  }
0x1f7: {  	[sflag:s30] =	ssyncset.done $0x0  }
0x1f8: {  	[sflag:s30] =	ssyncadd.s32 $0xFFFFF800  }
0x1f9: {  	_ =	swait.ge [sflag:s30], $0x800  }
0x1fa: {  	[sflag:s30] =	ssyncset.done $0x0  }
0x1fb: {  	[sflag:s30] =	ssyncadd.s32 $0xFFFFF800  }
0x1fc: {  	_ =	swait.ge [sflag:s30], $0x800  }
0x1fd: {  	[sflag:s30] =	ssyncset.done $0x0  }
0x1fe: {  	[sflag:s30] =	ssyncadd.s32 $0xFFFFF800  }
0x1ff: {  	_ =	swait.ge [sflag:s30], $0x800  }
0x200: {  	[sflag:s30] =	ssyncset.done $0x0  }
0x201: {  	[sflag:s30] =	ssyncadd.s32 $0xFFFFF800  }
0x202: {  	_ =	swait.ge [sflag:s30], $0x800  }
0x203: {  	[sflag:s30] =	ssyncset.done $0x0  }
0x204: {  	[sflag:s30] =	ssyncadd.s32 $0xFFFFF800  }
0x205: {  	_ =	swait.ge [sflag:s30], $0x800  }
0x206: {  	[sflag:s30] =	ssyncset.done $0x0  }
0x207: {  	[sflag:s30] =	ssyncadd.s32 $0xFFFFF800  }
0x208: {  	[spmem:s2] =	stream.indirect.scatter.add.f32 [tilespmem:s15], [sflag:$0x2], $0x10, s13, s14, $0xb8;
	[tilespmem:$0x1D000] =	vst v63  }
0x209: {  	_ = 	snop  }
0x20a: {  	[spmem:s2] =	stream.indirect.scatter.add.f32 [tilespmem:s16], [sflag:$0x2], $0x10, s1, s14, $0xb8;
	[tilespmem:$0x1D000] =	vst v63  }
0x20b: {  	_ = 	snop  }
0x20c: {  	[spmem:s2] =	stream.indirect.scatter.add.f32 [tilespmem:s18], [sflag:$0x2], $0x10, s7, s14, $0xb8;
	[tilespmem:$0x1D000] =	vst v63  }
0x20d: {  	_ = 	snop  }
0x20e: {  	[spmem:s2] =	stream.indirect.scatter.add.f32 [tilespmem:s20], [sflag:$0x2], $0x10, s8, s14, $0xb8;
	[tilespmem:$0x1D000] =	vst v63  }
0x20f: {  	_ = 	snop  }
0x210: {  	[spmem:s2] =	stream.indirect.scatter.add.f32 [tilespmem:s22], [sflag:$0x2], $0x10, s5, s14, $0xb8;
	[tilespmem:$0x1D000] =	vst v63  }
0x211: {  	_ = 	snop  }
0x212: {  	[spmem:s2] =	stream.indirect.scatter.add.f32 [tilespmem:s24], [sflag:$0x2], $0x10, s9, s14, $0xb8;
	[tilespmem:$0x1D000] =	vst v63  }
0x213: {  	s19 =	simm.s32 $0x700  }
0x214: {  	[spmem:s2] =	stream.indirect.scatter.add.f32 [tilespmem:s26], [sflag:$0x2], $0x10, s19, s14, $0xb8;
	[tilespmem:$0x1D000] =	vst v63  }
0x215: {  	s19 =	simm.s32 $0x780  }
0x216: {  	[spmem:s2] =	stream.indirect.scatter.add.f32 [tilespmem:s29], [sflag:$0x2], $0x10, s19, s14, $0xb8;
	[tilespmem:$0x1D000] =	vst v63  }
0x217: {  	_ =	swait.ge [sflag:s6], $0x800  }
0x218: {  	[sflag:s6] =	ssyncset.done $0x0  }
0x219: {  	[sflag:s6] =	ssyncadd.s32 $0xFFFFF800  }
0x21a: {  	_ =	swait.ge [sflag:s6], $0x800  }
0x21b: {  	[sflag:s6] =	ssyncset.done $0x0  }
0x21c: {  	[sflag:s6] =	ssyncadd.s32 $0xFFFFF800  }
0x21d: {  	_ =	swait.ge [sflag:s6], $0x800  }
0x21e: {  	[sflag:s6] =	ssyncset.done $0x0  }
0x21f: {  	[sflag:s6] =	ssyncadd.s32 $0xFFFFF800  }
0x220: {  	_ =	swait.ge [sflag:s6], $0x800  }
0x221: {  	[sflag:s6] =	ssyncset.done $0x0  }
0x222: {  	[sflag:s6] =	ssyncadd.s32 $0xFFFFF800  }
0x223: {  	_ =	swait.ge [sflag:s6], $0x800  }
0x224: {  	[sflag:s6] =	ssyncset.done $0x0  }
0x225: {  	[sflag:s6] =	ssyncadd.s32 $0xFFFFF800  }
0x226: {  	_ =	swait.ge [sflag:s6], $0x800  }
0x227: {  	[sflag:s6] =	ssyncset.done $0x0  }
0x228: {  	p1 =	sne.s32 s17, $0x6180;
	[sflag:s6] =	ssyncadd.s32 $0xFFFFF800  }
.Ltmp5:
0x229: {  	_ =	swait.ge [sflag:s6], $0x800;
	(pc) =	sbr.rel @p1 .LBB2_6-.Ltmp5, $4  }
0x22a: {  	[sflag:s6] =	ssyncset.done $0x0  }
0x22b: {  	[sflag:s6] =	ssyncadd.s32 $0xFFFFF800  }
0x22c: {  	_ =	swait.ge [sflag:s6], $0x800  }
0x22d: {  	s17 =	sadd.s32 $0x80, s17;
	s19 =	rddreg [dreg:$0x3];
	[sflag:s6] =	ssyncset.done $0x0  }
.Ltmp6:
0x22e: {  	_ = 	snop;
	(pc) =	sbr.rel .LBB2_7-.Ltmp6, $1  }
0x22f: {  	_ =	sdelay $0x3  }
.LBB2_9:
0x230: {  	_ =	sfence.sel $0x180000  }
0x231: {  	[bflag:$0x0] =	sbarrier.arrive $0xFFFF  }
0x232: {  	_ =	strace $0x9000004D  }
0x233: {  	s0 =	stileid.u32;
	[bflag:$0x2] =	sbarrier.arrive $0xFFFF  }
0x234: {  	p0 =	sne.s32 s0, $0x0;
	s0 =	rddreg [dreg:$0x2]  }
0x235: {  	s0 =	sadd.s32 @!p0 $0x100000, s0  }
0x236: {  	[sflag:s0] =	ssyncadd.tile.s32 @!p0 $0x1;
	_ =	shalt  }
.Lfunc_end2:
_tile_overlayer_lowered:
.L_overlay_start_2:
0x237: {  	(tag) =	ssettag $0x2  }
0x238: {  	s0 =	rddreg [dreg:$0x0];
	s2 =	stileid.u32  }
0x239: {  	s1 =	rddreg [dreg:$0x1];
	p0 =	sne.s32 s2, $0x0  }
0x23a: {  	s3 =	rddreg [dreg:$0x2];
	[bflag:$0x3] =	sbarrier.arrive $0xFFFF;
	s2 =	simm.s32 @!p0 $0x1C03  }
0x23b: {  	[timem:s3], [sflag:s2] =	dma.local @!p0 [hbm:s0], s1  }
0x23c: {  	s0 =	simm.s32 @!p0 $0x3  }
0x23d: {  	_ =	swait.ge @!p0 [sflag:s0], s1  }
0x23e: {  	s1 =	ssub.s32 @!p0 $0x0, s1;
	[sflag:s0] =	ssyncset.done @!p0 $0x0  }
0x23f: {  	[sflag:s0] =	ssyncadd.s32 @!p0 s1  }
0x240: {  	[bflag:$0x3] =	sbarrier.arrive $0xFFFF  }
0x241: {  	_ =	shalt  }

// kernel: kernel.19.cloned.1.call-start
scs
__scs_entry_jumppad:
0x0: {  	(pc) =	sbr.rel $0x88, $3  }
0x1: {  	(tag) =	ssettag $0x0;
	lr =	simm.s32 $0x1  }
0x2: {  	[smem:$0x3F96] =	sst lr;
	_ =	strace $0xD0000000  }
0x3: {  	_ = 	snop  }
0x4: {  	_ = 	snop  }
0x5: {  	_ = 	snop  }
0x6: {  	_ = 	snop  }
0x7: {  	_ = 	snop  }
__scs_overlays_trampoline_lowered:
0x8: {  	[smem:$0x3FA5] =	sst s0  }
0x9: {  	[smem:$0x3FA6] =	sst s1  }
0xa: {  	[smem:$0x3FA7] =	sst s2  }
0xb: {  	[smem:$0x3FA8] =	sst s3  }
0xc: {  	[smem:$0x3FA9] =	sst s4  }
0xd: {  	[smem:$0x3FAA] =	sst s5  }
0xe: {  	[smem:$0x3FAB] =	sst s6  }
0xf: {  	[smem:$0x3FAC] =	sst s7  }
0x10: {  	[smem:$0x3FAD] =	sst s8  }
0x11: {  	[smem:$0x3FAE] =	sst s9;
	s0 =	simm.s32 @!p0 $0x0  }
0x12: {  	s1 =	sld [smem:$0x3F94];
	s0 =	simm.s32 @p0 $0x1  }
0x13: {  	[smem:$0x3FAF] =	sst s0;
	s0 =	simm.s32 @!p1 $0x0  }
0x14: {  	s2 =	sld [smem:$0x3F93];
	s0 =	simm.s32 @p1 $0x1  }
0x15: {  	[smem:$0x3FB0] =	sst s0;
	s0 =	simm.s32 @!p2 $0x0  }
0x16: {  	s3 =	sld [smem:$0x3FDB];
	s0 =	simm.s32 @p2 $0x1  }
0x17: {  	s4 =	simm.s32 $0x1BF5;
	[smem:$0x3FB2] =	sst s0  }
0x18: {  	s0 =	sld [smem:$0x3F95];
	_ =	swait.ge [sflag:s4], $0x0  }
0x19: {  	s7 =	sld [smem:$0x3F96]  }
0x1a: {  	s8 =	sadd.s32 $0xFFFFE003, lr  }
0x1b: {  	s9 =	sadd.s32 $0xFFFFFEF7, lr;
	s5 =	simm.s32 $0xFFFFFFFF;
	p2 =	slt.u32 s8, $0xFFFFF086  }
0x1c: {  	p1 =	slt.u32 s9, $0xF7A;
	s5 =	simm.s32 @!p2 $0x0  }
0x1d: {  	s5 =	simm.s32 @p1 $0x1;
	p0 =	seq.s32 s7, s2  }
0x1e: {  	s7 =	smul.u32 @!p0 $0xF7A, s2;
	p2 =	seq.s32 @!p0 s5, $0x0  }
0x1f: {  	s9 =	smul.u32 $0xF7A, s1;
	s8 =	simm.s32 @!p0 $0x1BF5;
	p2 =	por !p2, p0  }
0x20: {  	[sflag:s8] =	ssyncset.s32 @!p0 $0xFFFFF086;
	s6 =	sadd.s32 @!p0 s3, s7;
	s7 =	simm.s32 @!p0 $0x108  }
0x21: {  	s3 =	sadd.s32 s3, s9;
	s6 =	sadd.s32 @!p0 $0x88, s6;
	s7 =	simm.s32 @p2 $0x1082  }
0x22: {  	[simem:s7], [sflag:s8] =	dma.local @!p0 [hbm:s6], $0xF7A  }
0x23: {  	s9 =	sor.u32 $0xD0000000, s2;
	s6 =	simm.s32 $0x108;
	_ =	swait.ge @!p0 [sflag:s8], $0x0  }
0x24: {  	s3 =	sadd.s32 $0x88, s3;
	s6 =	simm.s32 @!p1 $0x1082;
	[sflag:s4] =	ssyncset.s32 $0xFFFFF086  }
0x25: {  	[simem:s6], [sflag:s4] =	dma.local [hbm:s3], $0xF7A  }
0x26: {  	[smem:$0x3F96] =	sst s1;
	(tag) =	ssettag s2;
	_ =	strace s9  }
0x27: {  	s1 =	sld [smem:$0x3FA6]  }
0x28: {  	s2 =	sld [smem:$0x3FA7]  }
0x29: {  	s4 =	sld [smem:$0x3FA9]  }
0x2a: {  	p0 =	seq.s32 s5, $0x0;
	s5 =	sld [smem:$0x3FAA]  }
0x2b: {  	s6 =	sld [smem:$0x3FAB]  }
0x2c: {  	s7 =	sld [smem:$0x3FAC]  }
0x2d: {  	s3 =	simm.s32 $0x108;
	s8 =	sld [smem:$0x3FAD]  }
0x2e: {  	s3 =	simm.s32 @!p0 $0x1082;
	s9 =	sld [smem:$0x3FAE]  }
0x2f: {  	lr =	sadd.s32 s0, s3;
	s0 =	sld [smem:$0x3FA5]  }
0x30: {  	s3 =	sld [smem:$0x3FA8]  }
0x31: {  	[smem:$0x3FB1] =	sst s10  }
0x32: {  	s10 =	sld [smem:$0x3FAF];
	_ =	sdelay $0x3  }
0x33: {  	p0 =	seq.s32 s10, $0x1;
	s10 =	sld [smem:$0x3FB1];
	_ =	sdelay $0x3  }
0x34: {  	[smem:$0x3FB1] =	sst s10  }
0x35: {  	s10 =	sld [smem:$0x3FB0];
	_ =	sdelay $0x3  }
0x36: {  	p1 =	seq.s32 s10, $0x1;
	s10 =	sld [smem:$0x3FB1];
	_ =	sdelay $0x3  }
0x37: {  	[smem:$0x3FB1] =	sst s10  }
0x38: {  	s10 =	sld [smem:$0x3FB2]  }
0x39: {  	_ = 	snop;
	(pc) =	sbr.ind lr, $3  }
0x3a: {  	_ = 	snop  }
0x3b: {  	_ = 	snop  }
0x3c: {  	p2 =	seq.s32 s10, $0x1;
	s10 =	sld [smem:$0x3FB1]  }
0x3d: {  	_ =	shalt  }
0x3e: {  	_ =	shalt  }
0x3f: {  	_ =	shalt  }
0x40: {  	_ =	shalt  }
0x41: {  	_ =	shalt  }
0x42: {  	_ =	shalt  }
0x43: {  	_ =	shalt  }
0x44: {  	_ =	shalt  }
0x45: {  	_ =	shalt  }
0x46: {  	_ =	shalt  }
0x47: {  	_ =	shalt  }
0x48: {  	_ =	shalt  }
0x49: {  	_ =	shalt  }
0x4a: {  	_ =	shalt  }
0x4b: {  	_ =	shalt  }
0x4c: {  	_ =	shalt  }
0x4d: {  	_ =	shalt  }
0x4e: {  	_ =	shalt  }
0x4f: {  	_ =	shalt  }
0x50: {  	_ =	shalt  }
0x51: {  	_ =	shalt  }
0x52: {  	_ =	shalt  }
0x53: {  	_ =	shalt  }
0x54: {  	_ =	shalt  }
0x55: {  	_ =	shalt  }
0x56: {  	_ =	shalt  }
0x57: {  	_ =	shalt  }
0x58: {  	_ =	shalt  }
0x59: {  	_ =	shalt  }
0x5a: {  	_ =	shalt  }
0x5b: {  	_ =	shalt  }
0x5c: {  	_ =	shalt  }
0x5d: {  	_ =	shalt  }
0x5e: {  	_ =	shalt  }
0x5f: {  	_ =	shalt  }
0x60: {  	_ =	shalt  }
0x61: {  	_ =	shalt  }
0x62: {  	_ =	shalt  }
0x63: {  	_ =	shalt  }
0x64: {  	_ =	shalt  }
0x65: {  	_ =	shalt  }
0x66: {  	_ =	shalt  }
0x67: {  	_ =	shalt  }
0x68: {  	_ =	shalt  }
0x69: {  	_ =	shalt  }
0x6a: {  	_ =	shalt  }
0x6b: {  	_ =	shalt  }
0x6c: {  	_ =	shalt  }
0x6d: {  	_ =	shalt  }
0x6e: {  	_ =	shalt  }
0x6f: {  	_ =	shalt  }
0x70: {  	_ =	shalt  }
0x71: {  	_ =	shalt  }
0x72: {  	_ =	shalt  }
0x73: {  	_ =	shalt  }
0x74: {  	_ =	shalt  }
0x75: {  	_ =	shalt  }
0x76: {  	_ =	shalt  }
0x77: {  	_ =	shalt  }
0x78: {  	_ =	shalt  }
0x79: {  	_ =	shalt  }
0x7a: {  	_ =	shalt  }
0x7b: {  	_ =	shalt  }
0x7c: {  	_ =	shalt  }
0x7d: {  	_ =	shalt  }
0x7e: {  	_ =	shalt  }
0x7f: {  	_ =	shalt  }
0x80: {  	_ =	shalt  }
0x81: {  	_ =	shalt  }
0x82: {  	_ =	shalt  }
0x83: {  	_ =	shalt  }
0x84: {  	_ =	shalt  }
0x85: {  	_ =	shalt  }
0x86: {  	_ =	shalt  }
0x87: {  	_ =	shalt  }
.Lfunc_end0:
.L_simem_size_0:
called_computation.3_lowered:
.L_overlay_start_0:
0x88: {  	s2 =	sld [smem:$0x3FD9]  }
0x89: {  	s3 =	sld [smem:$0x3FFE];
	_ =	sdelay $0x1  }
0x8a: {  	s1 =	srdreg.scid  }
0x8b: {  	s0 =	sand.u32 $0x1, s1  }
0x8c: {  	s16 =	sshll.u32 s0, $0xA;
	s2 =	sadd.s32 s3, s2  }
0x8d: {  	s2 =	sadd.s32 s2, s16  }
0x8e: {  	[smem:$0x3FBD] =	sst s2  }
0x8f: {  	_ = 	snop  }
0x90: {  	(tm) =	ssettm $0x1  }
0x91: {  	s17 =	sld [smem:$0x3FFB];
	_ =	sdelay $0x3  }
0x92: {  	_ =	strace s17  }
0x93: {  	s2 =	sld [smem:$0x3FFC];
	_ =	sdelay $0x3  }
0x94: {  	_ =	strace s2  }
0x95: {  	s2 =	sld [smem:$0x3FFD];
	_ =	sdelay $0x3  }
0x96: {  	_ =	strace s2  }
0x97: {  	_ =	strace $0x8FFFFFFF  }
0x98: {  	s18 =	sld [smem:$0x3FDB];
	_ =	sdelay $0x1  }
0x99: {  	s19 =	simm.s32 $_scs_section_size  }
0x9a: {  	s4 =	simm.s32 $_size__tile_overlayer_lowered;
	s5 =	simm.s32 $_tile_overlayer_lowered  }
0x9b: {  	s22 =	simm.s32 $0x1BFF;
	s21 =	sshll.u32 s5, $0x1;
	s2 =	sadd.s32 s19, s18  }
0x9c: {  	s6 =	simm.s32 $0x0;
	s20 =	sshll.u32 s4, $0x1;
	s4 =	sadd.s32 s21, s2  }
0x9d: {  	[timem:s6], [sflag:s22] =	dma.local [hbm:s4], s20  }
0x9e: {  	_ =	swait.ge [sflag:s22], s20  }
0x9f: {  	s3 =	ssub.s32 $0x0, s20;
	[sflag:s22] =	ssyncset.done $0x0  }
0xa0: {  	[sflag:s22] =	ssyncadd.s32 s3;
	_ =	sdelay $0x1  }
0xa1: {  	s23 =	simm.s32 $0x1B8B  }
0xa2: {  	_ =	swait.ge [sflag:s23], $0x1  }
0xa3: {  	[sflag:s23] =	ssyncset.done $0x0  }
0xa4: {  	s25 =	simm.s32 $0x1B8E;
	s24 =	sld [smem:$0x3FFE];
	[sflag:s23] =	ssyncadd.s32 $0xFFFFFFFF  }
0xa5: {  	s26 =	simm.s32 $execute0_lowered;
	[smem:$0x3FD2] =	sst s25  }
0xa6: {  	s4 =	sshll.u32 s26, $0x1;
	_ =	strace $0x8000004F;
	[dreg:$0x1] =	wrdreg $0xFFFFFFFF  }
0xa7: {  	s28 =	simm.s32 $_size_execute0_lowered;
	s2 =	sadd.s32 s2, s4;
	[dreg:$0x0] =	wrdreg $0x0  }
0xa8: {  	s4 =	sshll.u32 s28, $0x1;
	[dreg:$0x2] =	wrdreg s2  }
0xa9: {  	[dreg:$0x3] =	wrdreg s4  }
0xaa: {  	[dreg:$0x4] =	wrdreg $0xC0  }
0xab: {  	_ =	task [dreg:s6], $0x5FFFF  }
0xac: {  	[dreg:$0x1] =	wrdreg $0xFFFFFFFF  }
0xad: {  	[dreg:$0x0] =	wrdreg $0x60  }
0xae: {  	[dreg:$0x2] =	wrdreg s24  }
0xaf: {  	[dreg:$0x3] =	wrdreg $0x48000  }
0xb0: {  	[dreg:$0x4] =	wrdreg $0x9  }
0xb1: {  	_ =	task.clear_ibuf [dreg:s6], $0x5FFFF;
	_ =	strace $0x9000004F  }
0xb2: {  	s29 =	simm.s32 $0x9;
	_ =	strace $0x80000051  }
0xb3: {  	_ =	swait.ge [sflag:s29], $0x1  }
0xb4: {  	[sflag:s29] =	ssyncadd.s32 $0xFFFFFFFF  }
0xb5: {  	_ =	strace $0x90000051  }
0xb6: {  	_ =	sfence  }
0xb7: {  	s30 =	sld [smem:$0x0];
	_ =	sdelay $0x2  }
0xb8: {  	s31 =	sshll.u32 s1, $0xD;
	s1 =	sshrl.u32 s1, $0x2  }
0xb9: {  	s3 =	sand.u32 $0x4000, s31;
	s1 =	sadd.s32 s1, s30  }
0xba: {  	s0 =	sor.u32 s3, s0;
	s1 =	sshll.u32 s1, $0x11  }
0xbb: {  	s0 =	sor.u32 s1, s0  }
0xbc: {  	s0 =	sadd.s32 $0x8F2B, s0  }
0xbd: {  	[sflag:s0] =	ssyncadd.remote.s32 $0x1  }
0xbe: {  	_ =	sfence.sel $0xFFFF  }
0xbf: {  	[dreg:$0x0] =	wrdreg $0xFFFFFFFF;
	(pc) =	sbr.abs _section_cstart, $3  }
0xc0: {  	[dreg:$0x1] =	wrdreg $0xFFFFFFFF  }
0xc1: {  	_ =	task.clear_ibuf [dreg:s6], $0x2FFFF;
	_ =	strace $0x9FFFFFFF  }
0xc2: {  	(tm) =	ssettm $0x7FFFFFFF  }
0xc3: {  	_ =	shalt  }
tec
execute0_lowered:
.L_overlay_start_1:
0x0: {  	(tag) =	ssettag $0x1  }
0x1: {  	s0 =	rddreg [dreg:$0x0]  }
0x2: {  	s2 =	rddreg [dreg:$0x1];
	s10 =	stileid.u32  }
0x3: {  	s3 =	simm.s32 $0x0;
	s4 =	srdreg.scid;
	s12 =	simm.s32 $0x3  }
0x4: {  	s13 =	simm.s32 $0x400;
	s14 =	simm.s32 $0x80;
	s15 =	simm.s32 $0x800  }
0x5: {  	s16 =	simm.s32 $0x1000;
	s21 =	simm.s32 $0x100;
	s18 =	simm.s32 $0x1800  }
0x6: {  	s20 =	simm.s32 $0x2000;
	s22 =	simm.s32 $0x2800;
	s24 =	simm.s32 $0x3000  }
0x7: {  	s29 =	simm.s32 $0x4000;
	s30 =	simm.s32 $0x1;
	s1 =	smul.u32 $0x6200, s10  }
0x8: {  	[smem:$0x7FF] =	sst s3;
	s5 =	smul.u32 $0x18800, s10;
	s6 =	sand.u32 $0x1, s4  }
0x9: {  	s4 =	sadd.s32 $0x473000, s0;
	s25 =	sshll.u32 s10, $0x6;
	_ =	strace $0x80000050  }
0xa: {  	s7 =	ssub.s32 $0x2, s6;
	s17 =	sor.u32 $0x1C03, s25;
	p0 =	sne.s32 s6, $0x0  }
0xb: {  	s6 =	simm.s32 $0x2;
	s1 =	sadd.s32 s1, s0;
	s8 =	sshrl.u32 s5, $0x3  }
0xc: {  	s9 =	sshrl.u32 s7, $0x1;
	[dreg:$0x6] =	wrdreg s17;
	s28 =	sadd.s32 $0x6E000, s1  }
0xd: {  	s8 =	sadd.s32 s8, s0;
	s31 =	sadd.s32 $0xD0000, s1;
	[dreg:$0x3] =	wrdreg s28  }
0xe: {  	s0 =	sadd.s32 s5, s0;
	s8 =	sadd.s32 $0x132000, s8;
	[dreg:$0x4] =	wrdreg s31  }
.Ltmp0:
0xf: {  	s26 =	sadd.s32 $0x163002, s0;
	[dreg:$0x5] =	wrdreg s8;
	(pc) =	sbr.rel .LBB2_1-.Ltmp0, $4  }
0x10: {  	s7 =	ssub.s32 s7, s9;
	s0 =	sadd.s32 $0x163000, s0;
	[dreg:$0x7] =	wrdreg s26  }
0x11: {  	s5 =	sadd.s32 s5, s2;
	s7 =	smax.u32 s7, $0x1;
	[dreg:$0x8] =	wrdreg s0  }
0x12: {  	s10 =	sadd.s32 $0x2A00, s1;
	s19 =	sshrl.u32 s5, $0x3;
	[dreg:$0x9] =	wrdreg s7  }
0x13: {  	s1 =	simm.s32 $0x0;
	s26 =	simm.s32 $0x3800;
	[dreg:$0xa] =	wrdreg s19  }
.LBB2_7:
0x14: {  	[sflag:s6] =	ssyncadd.s32 $0xFFFFF800;
	s17 =	sadd.s32 s11, s19  }
0x15: {  	[tilespmem:s3], [sflag:$0x3] =	stream.linear.gather [hbm4b:s17+s3], $0x400, $0x38;
	[tilespmem:$0x1D000] =	vst v63  }
0x16: {  	_ =	swait.ge [sflag:s12], $0x400  }
0x17: {  	[sflag:s12] =	ssyncset.done $0x0  }
0x18: {  	s19 =	sadd.s32 s11, s10;
	[sflag:s12] =	ssyncadd.s32 $0xFFFFFC00  }
0x19: {  	[tilespmem:s13], [sflag:$0x3] =	stream.linear.gather [hbm4b:s19+s3], $0x400, $0x38;
	[tilespmem:$0x1D000] =	vst v63  }
0x1a: {  	_ =	swait.ge [sflag:s12], $0x400  }
0x1b: {  	[sflag:s12] =	ssyncset.done $0x0  }
0x1c: {  	[sflag:s12] =	ssyncadd.s32 $0xFFFFFC00  }
0x1d: {  	[tilespmem:s15], [sflag:$0x1] =	stream.indirect.gather [hbm4b:s4+s14], $0x10, s3, s14, $0xb8;
	[tilespmem:$0x1D000] =	vst v63  }
0x1e: {  	_ = 	snop  }
0x1f: {  	[tilespmem:s16], [sflag:$0x1] =	stream.indirect.gather [hbm4b:s4+s14], $0x10, s14, s14, $0xb8;
	[tilespmem:$0x1D000] =	vst v63  }
0x20: {  	_ = 	snop  }
0x21: {  	[tilespmem:s18], [sflag:$0x1] =	stream.indirect.gather [hbm4b:s4+s14], $0x10, s21, s14, $0xb8;
	[tilespmem:$0x1D000] =	vst v63  }
0x22: {  	_ = 	snop  }
0x23: {  	[tilespmem:s20], [sflag:$0x1] =	stream.indirect.gather [hbm4b:s4+s14], $0x10, s23, s14, $0xb8;
	[tilespmem:$0x1D000] =	vst v63  }
0x24: {  	_ = 	snop  }
0x25: {  	[tilespmem:s22], [sflag:$0x1] =	stream.indirect.gather [hbm4b:s4+s14], $0x10, s25, s14, $0xb8;
	[tilespmem:$0x1D000] =	vst v63  }
0x26: {  	_ = 	snop  }
0x27: {  	[tilespmem:s24], [sflag:$0x1] =	stream.indirect.gather [hbm4b:s4+s14], $0x10, s28, s14, $0xb8;
	[tilespmem:$0x1D000] =	vst v63  }
0x28: {  	_ = 	snop  }
0x29: {  	[tilespmem:s26], [sflag:$0x1] =	stream.indirect.gather [hbm4b:s4+s14], $0x10, s31, s14, $0xb8;
	[tilespmem:$0x1D000] =	vst v63  }
0x2a: {  	_ = 	snop  }
0x2b: {  	[tilespmem:s29], [sflag:$0x1] =	stream.indirect.gather [hbm4b:s4+s14], $0x10, s0, s14, $0xb8;
	[tilespmem:$0x1D000] =	vst v63  }
0x2c: {  	_ =	swait.ge [sflag:s30], $0x800  }
0x2d: {  	[sflag:s30] =	ssyncset.done $0x0  }
0x2e: {  	[sflag:s30] =	ssyncadd.s32 $0xFFFFF800  }
0x2f: {  	_ =	swait.ge [sflag:s30], $0x800  }
0x30: {  	[sflag:s30] =	ssyncset.done $0x0  }
0x31: {  	[sflag:s30] =	ssyncadd.s32 $0xFFFFF800  }
0x32: {  	_ =	swait.ge [sflag:s30], $0x800  }
0x33: {  	[sflag:s30] =	ssyncset.done $0x0  }
0x34: {  	[sflag:s30] =	ssyncadd.s32 $0xFFFFF800  }
0x35: {  	_ =	swait.ge [sflag:s30], $0x800  }
0x36: {  	[sflag:s30] =	ssyncset.done $0x0  }
0x37: {  	[sflag:s30] =	ssyncadd.s32 $0xFFFFF800  }
0x38: {  	_ =	swait.ge [sflag:s30], $0x800  }
0x39: {  	[sflag:s30] =	ssyncset.done $0x0  }
0x3a: {  	[sflag:s30] =	ssyncadd.s32 $0xFFFFF800  }
0x3b: {  	_ =	swait.ge [sflag:s30], $0x800  }
0x3c: {  	[sflag:s30] =	ssyncset.done $0x0  }
0x3d: {  	[sflag:s30] =	ssyncadd.s32 $0xFFFFF800  }
0x3e: {  	_ =	swait.ge [sflag:s30], $0x800  }
0x3f: {  	[sflag:s30] =	ssyncset.done $0x0  }
0x40: {  	[sflag:s30] =	ssyncadd.s32 $0xFFFFF800  }
0x41: {  	_ =	swait.ge [sflag:s30], $0x800  }
0x42: {  	[sflag:s30] =	ssyncset.done $0x0  }
0x43: {  	[sflag:s30] =	ssyncadd.s32 $0xFFFFF800  }
0x44: {  	[spmem:s2] =	stream.indirect.scatter.add.f32 [tilespmem:s15], [sflag:$0x2], $0x10, s13, s14, $0xb8;
	[tilespmem:$0x1D000] =	vst v63  }
0x45: {  	_ = 	snop  }
0x46: {  	[spmem:s2] =	stream.indirect.scatter.add.f32 [tilespmem:s16], [sflag:$0x2], $0x10, s1, s14, $0xb8;
	[tilespmem:$0x1D000] =	vst v63  }
0x47: {  	_ = 	snop  }
0x48: {  	[spmem:s2] =	stream.indirect.scatter.add.f32 [tilespmem:s18], [sflag:$0x2], $0x10, s7, s14, $0xb8;
	[tilespmem:$0x1D000] =	vst v63  }
0x49: {  	_ = 	snop  }
0x4a: {  	[spmem:s2] =	stream.indirect.scatter.add.f32 [tilespmem:s20], [sflag:$0x2], $0x10, s8, s14, $0xb8;
	[tilespmem:$0x1D000] =	vst v63  }
0x4b: {  	_ = 	snop  }
0x4c: {  	[spmem:s2] =	stream.indirect.scatter.add.f32 [tilespmem:s22], [sflag:$0x2], $0x10, s5, s14, $0xb8;
	[tilespmem:$0x1D000] =	vst v63  }
0x4d: {  	_ = 	snop  }
0x4e: {  	[spmem:s2] =	stream.indirect.scatter.add.f32 [tilespmem:s24], [sflag:$0x2], $0x10, s9, s14, $0xb8;
	[tilespmem:$0x1D000] =	vst v63  }
0x4f: {  	s28 =	simm.s32 $0x700  }
0x50: {  	[spmem:s2] =	stream.indirect.scatter.add.f32 [tilespmem:s26], [sflag:$0x2], $0x10, s28, s14, $0xb8;
	[tilespmem:$0x1D000] =	vst v63  }
0x51: {  	s31 =	simm.s32 $0x780  }
0x52: {  	[spmem:s2] =	stream.indirect.scatter.add.f32 [tilespmem:s29], [sflag:$0x2], $0x10, s31, s14, $0xb8;
	[tilespmem:$0x1D000] =	vst v63  }
0x53: {  	_ =	swait.ge [sflag:s6], $0x800  }
0x54: {  	[sflag:s6] =	ssyncset.done $0x0  }
0x55: {  	[sflag:s6] =	ssyncadd.s32 $0xFFFFF800  }
0x56: {  	_ =	swait.ge [sflag:s6], $0x800  }
0x57: {  	[sflag:s6] =	ssyncset.done $0x0  }
0x58: {  	[sflag:s6] =	ssyncadd.s32 $0xFFFFF800  }
0x59: {  	_ =	swait.ge [sflag:s6], $0x800  }
0x5a: {  	[sflag:s6] =	ssyncset.done $0x0  }
0x5b: {  	[sflag:s6] =	ssyncadd.s32 $0xFFFFF800  }
0x5c: {  	_ =	swait.ge [sflag:s6], $0x800  }
0x5d: {  	[sflag:s6] =	ssyncset.done $0x0  }
0x5e: {  	[sflag:s6] =	ssyncadd.s32 $0xFFFFF800  }
0x5f: {  	_ =	swait.ge [sflag:s6], $0x800  }
0x60: {  	[sflag:s6] =	ssyncset.done $0x0  }
0x61: {  	[sflag:s6] =	ssyncadd.s32 $0xFFFFF800  }
0x62: {  	_ =	swait.ge [sflag:s6], $0x800  }
0x63: {  	[sflag:s6] =	ssyncset.done $0x0  }
0x64: {  	[sflag:s6] =	ssyncadd.s32 $0xFFFFF800  }
0x65: {  	_ =	swait.ge [sflag:s6], $0x800  }
0x66: {  	[sflag:s6] =	ssyncset.done $0x0  }
0x67: {  	[sflag:s6] =	ssyncadd.s32 $0xFFFFF800  }
0x68: {  	_ =	swait.ge [sflag:s6], $0x800  }
0x69: {  	[sflag:s6] =	ssyncset.done $0x0;
	s11 =	rddreg [dreg:$0x7]  }
0x6a: {  	s1 =	rddreg [dreg:$0xb];
	[sflag:s6] =	ssyncadd.s32 $0xFFFFF800  }
.LBB2_8:
0x6b: {  	[bflag:$0x0] =	sbarrier.arrive $0xFFFF  }
0x6c: {  	s17 =	rddreg [dreg:$0x6]  }
0x6d: {  	s0 =	simm.s32 $0x10;
	s19 =	rddreg [dreg:$0xa]  }
0x6e: {  	[hbm:s11@s0], [sflag:s17] =	dma.strided [spmem:s19@s6], $0x3100, s30, $0x2   }
0x6f: {  	_ =	swait.ge [sflag:s12], $0x3100  }
0x70: {  	s1 =	sadd.s32 $0x1, s1;
	s31 =	rddreg [dreg:$0x9]  }
0x71: {  	p1 =	sne.s32 s1, s31  }
.Ltmp1:
0x72: {  	_ = 	snop;
	(pc) =	sbr.rel @!p1 .LBB2_9-.Ltmp1, $3  }
0x73: {  	_ =	sdelay $0x1  }
0x74: {  	[sflag:s12] =	ssyncset.done $0x0  }
0x75: {  	[sflag:s12] =	ssyncadd.s32 $0xFFFFCF00  }
.LBB2_1:
0x76: {  	[dreg:$0xb] =	wrdreg s1  }
0x77: {  	s11 =	rddreg [dreg:$0x5]  }
0x78: {  	[spmem:s19], [sflag:s17] =	dma.local [hbm:s11], $0x3100  }
.Ltmp2:
0x79: {  	_ =	swait.ge [sflag:s12], $0x3100;
	(pc) =	sbr.rel @p0 .LBB2_5-.Ltmp2, $3  }
0x7a: {  	[sflag:s12] =	ssyncset.done $0x0  }
0x7b: {  	[sflag:s12] =	ssyncadd.s32 $0xFFFFCF00  }
0x7c: {  	[bflag:$0x0] =	sbarrier.arrive $0xFFFF;
	_ =	sdelay $0x1  }
0x7d: {  	s11 =	rddreg [dreg:$0x4]  }
0x7e: {  	s11 =	sadd.s32 $0x0, s11  }
0x7f: {  	[tilespmem:s3], [sflag:$0x3] =	stream.linear.gather [hbm4b:s11+s3], $0x400, $0x38;
	[tilespmem:$0x1D000] =	vst v63  }
0x80: {  	_ =	swait.ge [sflag:s12], $0x400  }
0x81: {  	[sflag:s12] =	ssyncset.done $0x0  }
0x82: {  	s17 =	sadd.s32 $0x0, s10;
	[sflag:s12] =	ssyncadd.s32 $0xFFFFFC00  }
0x83: {  	[tilespmem:s13], [sflag:$0x3] =	stream.linear.gather [hbm4b:s17+s3], $0x400, $0x38;
	[tilespmem:$0x1D000] =	vst v63  }
0x84: {  	_ =	swait.ge [sflag:s12], $0x400  }
0x85: {  	[sflag:s12] =	ssyncset.done $0x0  }
0x86: {  	[sflag:s12] =	ssyncadd.s32 $0xFFFFFC00  }
0x87: {  	[tilespmem:s15], [sflag:$0x1] =	stream.indirect.gather [hbm4b:s4+s14], $0x10, s3, s14, $0xb8;
	[tilespmem:$0x1D000] =	vst v63  }
0x88: {  	_ = 	snop  }
0x89: {  	[tilespmem:s16], [sflag:$0x1] =	stream.indirect.gather [hbm4b:s4+s14], $0x10, s14, s14, $0xb8;
	[tilespmem:$0x1D000] =	vst v63  }
0x8a: {  	_ = 	snop  }
0x8b: {  	[tilespmem:s18], [sflag:$0x1] =	stream.indirect.gather [hbm4b:s4+s14], $0x10, s21, s14, $0xb8;
	[tilespmem:$0x1D000] =	vst v63  }
0x8c: {  	s23 =	simm.s32 $0x180  }
0x8d: {  	[tilespmem:s20], [sflag:$0x1] =	stream.indirect.gather [hbm4b:s4+s14], $0x10, s23, s14, $0xb8;
	[tilespmem:$0x1D000] =	vst v63  }
0x8e: {  	s25 =	simm.s32 $0x200  }
0x8f: {  	[tilespmem:s22], [sflag:$0x1] =	stream.indirect.gather [hbm4b:s4+s14], $0x10, s25, s14, $0xb8;
	[tilespmem:$0x1D000] =	vst v63  }
0x90: {  	s28 =	simm.s32 $0x280  }
0x91: {  	[tilespmem:s24], [sflag:$0x1] =	stream.indirect.gather [hbm4b:s4+s14], $0x10, s28, s14, $0xb8;
	[tilespmem:$0x1D000] =	vst v63  }
0x92: {  	s31 =	simm.s32 $0x300  }
0x93: {  	[tilespmem:s26], [sflag:$0x1] =	stream.indirect.gather [hbm4b:s4+s14], $0x10, s31, s14, $0xb8;
	[tilespmem:$0x1D000] =	vst v63  }
0x94: {  	s0 =	simm.s32 $0x380  }
0x95: {  	[tilespmem:s29], [sflag:$0x1] =	stream.indirect.gather [hbm4b:s4+s14], $0x10, s0, s14, $0xb8;
	[tilespmem:$0x1D000] =	vst v63  }
0x96: {  	_ =	swait.ge [sflag:s30], $0x800  }
0x97: {  	[sflag:s30] =	ssyncset.done $0x0  }
0x98: {  	[sflag:s30] =	ssyncadd.s32 $0xFFFFF800  }
0x99: {  	_ =	swait.ge [sflag:s30], $0x800  }
0x9a: {  	[sflag:s30] =	ssyncset.done $0x0  }
0x9b: {  	[sflag:s30] =	ssyncadd.s32 $0xFFFFF800  }
0x9c: {  	_ =	swait.ge [sflag:s30], $0x800  }
0x9d: {  	[sflag:s30] =	ssyncset.done $0x0  }
0x9e: {  	[sflag:s30] =	ssyncadd.s32 $0xFFFFF800  }
0x9f: {  	_ =	swait.ge [sflag:s30], $0x800  }
0xa0: {  	[sflag:s30] =	ssyncset.done $0x0  }
0xa1: {  	[sflag:s30] =	ssyncadd.s32 $0xFFFFF800  }
0xa2: {  	_ =	swait.ge [sflag:s30], $0x800  }
0xa3: {  	[sflag:s30] =	ssyncset.done $0x0  }
0xa4: {  	[sflag:s30] =	ssyncadd.s32 $0xFFFFF800  }
0xa5: {  	_ =	swait.ge [sflag:s30], $0x800  }
0xa6: {  	[sflag:s30] =	ssyncset.done $0x0  }
0xa7: {  	[sflag:s30] =	ssyncadd.s32 $0xFFFFF800  }
0xa8: {  	_ =	swait.ge [sflag:s30], $0x800  }
0xa9: {  	[sflag:s30] =	ssyncset.done $0x0  }
0xaa: {  	[sflag:s30] =	ssyncadd.s32 $0xFFFFF800  }
0xab: {  	_ =	swait.ge [sflag:s30], $0x800  }
0xac: {  	[sflag:s30] =	ssyncset.done $0x0  }
0xad: {  	[sflag:s30] =	ssyncadd.s32 $0xFFFFF800  }
0xae: {  	[spmem:s2] =	stream.indirect.scatter.add.f32 [tilespmem:s15], [sflag:$0x2], $0x10, s13, s14, $0xb8;
	[tilespmem:$0x1D000] =	vst v63  }
0xaf: {  	s1 =	simm.s32 $0x480  }
0xb0: {  	[spmem:s2] =	stream.indirect.scatter.add.f32 [tilespmem:s16], [sflag:$0x2], $0x10, s1, s14, $0xb8;
	[tilespmem:$0x1D000] =	vst v63  }
0xb1: {  	s7 =	simm.s32 $0x500  }
0xb2: {  	[spmem:s2] =	stream.indirect.scatter.add.f32 [tilespmem:s18], [sflag:$0x2], $0x10, s7, s14, $0xb8;
	[tilespmem:$0x1D000] =	vst v63  }
0xb3: {  	s8 =	simm.s32 $0x580  }
0xb4: {  	[spmem:s2] =	stream.indirect.scatter.add.f32 [tilespmem:s20], [sflag:$0x2], $0x10, s8, s14, $0xb8;
	[tilespmem:$0x1D000] =	vst v63  }
0xb5: {  	s5 =	simm.s32 $0x600  }
0xb6: {  	[spmem:s2] =	stream.indirect.scatter.add.f32 [tilespmem:s22], [sflag:$0x2], $0x10, s5, s14, $0xb8;
	[tilespmem:$0x1D000] =	vst v63  }
0xb7: {  	s9 =	simm.s32 $0x680  }
0xb8: {  	[spmem:s2] =	stream.indirect.scatter.add.f32 [tilespmem:s24], [sflag:$0x2], $0x10, s9, s14, $0xb8;
	[tilespmem:$0x1D000] =	vst v63  }
0xb9: {  	s19 =	simm.s32 $0x700  }
0xba: {  	[spmem:s2] =	stream.indirect.scatter.add.f32 [tilespmem:s26], [sflag:$0x2], $0x10, s19, s14, $0xb8;
	[tilespmem:$0x1D000] =	vst v63  }
0xbb: {  	s21 =	simm.s32 $0x780  }
0xbc: {  	[spmem:s2] =	stream.indirect.scatter.add.f32 [tilespmem:s29], [sflag:$0x2], $0x10, s21, s14, $0xb8;
	[tilespmem:$0x1D000] =	vst v63  }
0xbd: {  	_ =	swait.ge [sflag:s6], $0x800  }
0xbe: {  	[sflag:s6] =	ssyncset.done $0x0  }
0xbf: {  	[sflag:s6] =	ssyncadd.s32 $0xFFFFF800  }
0xc0: {  	_ =	swait.ge [sflag:s6], $0x800  }
0xc1: {  	[sflag:s6] =	ssyncset.done $0x0  }
0xc2: {  	[sflag:s6] =	ssyncadd.s32 $0xFFFFF800  }
0xc3: {  	_ =	swait.ge [sflag:s6], $0x800  }
0xc4: {  	[sflag:s6] =	ssyncset.done $0x0  }
0xc5: {  	[sflag:s6] =	ssyncadd.s32 $0xFFFFF800  }
0xc6: {  	_ =	swait.ge [sflag:s6], $0x800  }
0xc7: {  	[sflag:s6] =	ssyncset.done $0x0  }
0xc8: {  	[sflag:s6] =	ssyncadd.s32 $0xFFFFF800  }
0xc9: {  	_ =	swait.ge [sflag:s6], $0x800  }
0xca: {  	[sflag:s6] =	ssyncset.done $0x0  }
0xcb: {  	[sflag:s6] =	ssyncadd.s32 $0xFFFFF800  }
0xcc: {  	_ =	swait.ge [sflag:s6], $0x800  }
0xcd: {  	[sflag:s6] =	ssyncset.done $0x0  }
0xce: {  	[sflag:s6] =	ssyncadd.s32 $0xFFFFF800  }
0xcf: {  	_ =	swait.ge [sflag:s6], $0x800  }
0xd0: {  	[sflag:s6] =	ssyncset.done $0x0  }
0xd1: {  	[sflag:s6] =	ssyncadd.s32 $0xFFFFF800  }
0xd2: {  	s11 =	simm.s32 $0x80;
	_ =	swait.ge [sflag:s6], $0x800  }
0xd3: {  	s17 =	simm.s32 $0x100;
	s19 =	rddreg [dreg:$0x4];
	[sflag:s6] =	ssyncset.done $0x0  }
.LBB2_3:
0xd4: {  	[sflag:s6] =	ssyncadd.s32 $0xFFFFF800;
	s19 =	sadd.s32 s11, s19  }
0xd5: {  	[tilespmem:s3], [sflag:$0x3] =	stream.linear.gather [hbm4b:s19+s3], $0x400, $0x38;
	[tilespmem:$0x1D000] =	vst v63  }
0xd6: {  	_ =	swait.ge [sflag:s12], $0x400  }
0xd7: {  	[sflag:s12] =	ssyncset.done $0x0  }
0xd8: {  	s19 =	sadd.s32 s11, s10;
	[sflag:s12] =	ssyncadd.s32 $0xFFFFFC00  }
0xd9: {  	[tilespmem:s13], [sflag:$0x3] =	stream.linear.gather [hbm4b:s19+s3], $0x400, $0x38;
	[tilespmem:$0x1D000] =	vst v63  }
0xda: {  	_ =	swait.ge [sflag:s12], $0x400  }
0xdb: {  	[sflag:s12] =	ssyncset.done $0x0  }
0xdc: {  	[sflag:s12] =	ssyncadd.s32 $0xFFFFFC00  }
0xdd: {  	[tilespmem:s15], [sflag:$0x1] =	stream.indirect.gather [hbm4b:s4+s14], $0x10, s3, s14, $0xb8;
	[tilespmem:$0x1D000] =	vst v63  }
0xde: {  	s21 =	smov.u32 s17  }
0xdf: {  	[tilespmem:s16], [sflag:$0x1] =	stream.indirect.gather [hbm4b:s4+s14], $0x10, s14, s14, $0xb8;
	[tilespmem:$0x1D000] =	vst v63  }
0xe0: {  	s11 =	smov.u32 s21;
	s21 =	simm.s32 $0x100  }
0xe1: {  	[tilespmem:s18], [sflag:$0x1] =	stream.indirect.gather [hbm4b:s4+s14], $0x10, s21, s14, $0xb8;
	[tilespmem:$0x1D000] =	vst v63  }
0xe2: {  	_ = 	snop  }
0xe3: {  	[tilespmem:s20], [sflag:$0x1] =	stream.indirect.gather [hbm4b:s4+s14], $0x10, s23, s14, $0xb8;
	[tilespmem:$0x1D000] =	vst v63  }
0xe4: {  	_ = 	snop  }
0xe5: {  	[tilespmem:s22], [sflag:$0x1] =	stream.indirect.gather [hbm4b:s4+s14], $0x10, s25, s14, $0xb8;
	[tilespmem:$0x1D000] =	vst v63  }
0xe6: {  	_ = 	snop  }
0xe7: {  	[tilespmem:s24], [sflag:$0x1] =	stream.indirect.gather [hbm4b:s4+s14], $0x10, s28, s14, $0xb8;
	[tilespmem:$0x1D000] =	vst v63  }
0xe8: {  	_ = 	snop  }
0xe9: {  	[tilespmem:s26], [sflag:$0x1] =	stream.indirect.gather [hbm4b:s4+s14], $0x10, s31, s14, $0xb8;
	[tilespmem:$0x1D000] =	vst v63  }
0xea: {  	_ = 	snop  }
0xeb: {  	[tilespmem:s29], [sflag:$0x1] =	stream.indirect.gather [hbm4b:s4+s14], $0x10, s0, s14, $0xb8;
	[tilespmem:$0x1D000] =	vst v63  }
0xec: {  	_ =	swait.ge [sflag:s30], $0x800  }
0xed: {  	[sflag:s30] =	ssyncset.done $0x0  }
0xee: {  	[sflag:s30] =	ssyncadd.s32 $0xFFFFF800  }
0xef: {  	_ =	swait.ge [sflag:s30], $0x800  }
0xf0: {  	[sflag:s30] =	ssyncset.done $0x0  }
0xf1: {  	[sflag:s30] =	ssyncadd.s32 $0xFFFFF800  }
0xf2: {  	_ =	swait.ge [sflag:s30], $0x800  }
0xf3: {  	[sflag:s30] =	ssyncset.done $0x0  }
0xf4: {  	[sflag:s30] =	ssyncadd.s32 $0xFFFFF800  }
0xf5: {  	_ =	swait.ge [sflag:s30], $0x800  }
0xf6: {  	[sflag:s30] =	ssyncset.done $0x0  }
0xf7: {  	[sflag:s30] =	ssyncadd.s32 $0xFFFFF800  }
0xf8: {  	_ =	swait.ge [sflag:s30], $0x800  }
0xf9: {  	[sflag:s30] =	ssyncset.done $0x0  }
0xfa: {  	[sflag:s30] =	ssyncadd.s32 $0xFFFFF800  }
0xfb: {  	_ =	swait.ge [sflag:s30], $0x800  }
0xfc: {  	[sflag:s30] =	ssyncset.done $0x0  }
0xfd: {  	[sflag:s30] =	ssyncadd.s32 $0xFFFFF800  }
0xfe: {  	_ =	swait.ge [sflag:s30], $0x800  }
0xff: {  	[sflag:s30] =	ssyncset.done $0x0  }
0x100: {  	[sflag:s30] =	ssyncadd.s32 $0xFFFFF800  }
0x101: {  	_ =	swait.ge [sflag:s30], $0x800  }
0x102: {  	[sflag:s30] =	ssyncset.done $0x0  }
0x103: {  	[sflag:s30] =	ssyncadd.s32 $0xFFFFF800  }
0x104: {  	[spmem:s2] =	stream.indirect.scatter.add.f32 [tilespmem:s15], [sflag:$0x2], $0x10, s13, s14, $0xb8;
	[tilespmem:$0x1D000] =	vst v63  }
0x105: {  	_ = 	snop  }
0x106: {  	[spmem:s2] =	stream.indirect.scatter.add.f32 [tilespmem:s16], [sflag:$0x2], $0x10, s1, s14, $0xb8;
	[tilespmem:$0x1D000] =	vst v63  }
0x107: {  	_ = 	snop  }
0x108: {  	[spmem:s2] =	stream.indirect.scatter.add.f32 [tilespmem:s18], [sflag:$0x2], $0x10, s7, s14, $0xb8;
	[tilespmem:$0x1D000] =	vst v63  }
0x109: {  	_ = 	snop  }
0x10a: {  	[spmem:s2] =	stream.indirect.scatter.add.f32 [tilespmem:s20], [sflag:$0x2], $0x10, s8, s14, $0xb8;
	[tilespmem:$0x1D000] =	vst v63  }
0x10b: {  	_ = 	snop  }
0x10c: {  	[spmem:s2] =	stream.indirect.scatter.add.f32 [tilespmem:s22], [sflag:$0x2], $0x10, s5, s14, $0xb8;
	[tilespmem:$0x1D000] =	vst v63  }
0x10d: {  	_ = 	snop  }
0x10e: {  	[spmem:s2] =	stream.indirect.scatter.add.f32 [tilespmem:s24], [sflag:$0x2], $0x10, s9, s14, $0xb8;
	[tilespmem:$0x1D000] =	vst v63  }
0x10f: {  	s19 =	simm.s32 $0x700  }
0x110: {  	[spmem:s2] =	stream.indirect.scatter.add.f32 [tilespmem:s26], [sflag:$0x2], $0x10, s19, s14, $0xb8;
	[tilespmem:$0x1D000] =	vst v63  }
0x111: {  	s19 =	simm.s32 $0x780  }
0x112: {  	[spmem:s2] =	stream.indirect.scatter.add.f32 [tilespmem:s29], [sflag:$0x2], $0x10, s19, s14, $0xb8;
	[tilespmem:$0x1D000] =	vst v63  }
0x113: {  	_ =	swait.ge [sflag:s6], $0x800  }
0x114: {  	[sflag:s6] =	ssyncset.done $0x0  }
0x115: {  	[sflag:s6] =	ssyncadd.s32 $0xFFFFF800  }
0x116: {  	_ =	swait.ge [sflag:s6], $0x800  }
0x117: {  	[sflag:s6] =	ssyncset.done $0x0  }
0x118: {  	[sflag:s6] =	ssyncadd.s32 $0xFFFFF800  }
0x119: {  	_ =	swait.ge [sflag:s6], $0x800  }
0x11a: {  	[sflag:s6] =	ssyncset.done $0x0  }
0x11b: {  	[sflag:s6] =	ssyncadd.s32 $0xFFFFF800  }
0x11c: {  	_ =	swait.ge [sflag:s6], $0x800  }
0x11d: {  	[sflag:s6] =	ssyncset.done $0x0  }
0x11e: {  	[sflag:s6] =	ssyncadd.s32 $0xFFFFF800  }
0x11f: {  	_ =	swait.ge [sflag:s6], $0x800  }
0x120: {  	[sflag:s6] =	ssyncset.done $0x0  }
0x121: {  	[sflag:s6] =	ssyncadd.s32 $0xFFFFF800  }
0x122: {  	_ =	swait.ge [sflag:s6], $0x800  }
0x123: {  	[sflag:s6] =	ssyncset.done $0x0  }
0x124: {  	p1 =	seq.s32 s17, $0x6180;
	[sflag:s6] =	ssyncadd.s32 $0xFFFFF800  }
.Ltmp3:
0x125: {  	_ =	swait.ge [sflag:s6], $0x800;
	(pc) =	sbr.rel @!p1 .LBB2_3-.Ltmp3, $4  }
0x126: {  	[sflag:s6] =	ssyncset.done $0x0  }
0x127: {  	[sflag:s6] =	ssyncadd.s32 $0xFFFFF800  }
0x128: {  	_ =	swait.ge [sflag:s6], $0x800  }
0x129: {  	s17 =	sadd.s32 $0x80, s17;
	s19 =	rddreg [dreg:$0x4];
	[sflag:s6] =	ssyncset.done $0x0  }
0x12a: {  	[sflag:s6] =	ssyncadd.s32 $0xFFFFF800;
	s17 =	sadd.s32 s11, s19  }
0x12b: {  	[tilespmem:s3], [sflag:$0x3] =	stream.linear.gather [hbm4b:s17+s3], $0x400, $0x38;
	[tilespmem:$0x1D000] =	vst v63  }
0x12c: {  	_ =	swait.ge [sflag:s12], $0x400  }
0x12d: {  	[sflag:s12] =	ssyncset.done $0x0  }
0x12e: {  	s19 =	sadd.s32 s11, s10;
	[sflag:s12] =	ssyncadd.s32 $0xFFFFFC00  }
0x12f: {  	[tilespmem:s13], [sflag:$0x3] =	stream.linear.gather [hbm4b:s19+s3], $0x400, $0x38;
	[tilespmem:$0x1D000] =	vst v63  }
0x130: {  	_ =	swait.ge [sflag:s12], $0x400  }
0x131: {  	[sflag:s12] =	ssyncset.done $0x0  }
0x132: {  	[sflag:s12] =	ssyncadd.s32 $0xFFFFFC00  }
0x133: {  	[tilespmem:s15], [sflag:$0x1] =	stream.indirect.gather [hbm4b:s4+s14], $0x10, s3, s14, $0xb8;
	[tilespmem:$0x1D000] =	vst v63  }
0x134: {  	_ = 	snop  }
0x135: {  	[tilespmem:s16], [sflag:$0x1] =	stream.indirect.gather [hbm4b:s4+s14], $0x10, s14, s14, $0xb8;
	[tilespmem:$0x1D000] =	vst v63  }
0x136: {  	_ = 	snop  }
0x137: {  	[tilespmem:s18], [sflag:$0x1] =	stream.indirect.gather [hbm4b:s4+s14], $0x10, s21, s14, $0xb8;
	[tilespmem:$0x1D000] =	vst v63  }
0x138: {  	_ = 	snop  }
0x139: {  	[tilespmem:s20], [sflag:$0x1] =	stream.indirect.gather [hbm4b:s4+s14], $0x10, s23, s14, $0xb8;
	[tilespmem:$0x1D000] =	vst v63  }
0x13a: {  	_ = 	snop  }
0x13b: {  	[tilespmem:s22], [sflag:$0x1] =	stream.indirect.gather [hbm4b:s4+s14], $0x10, s25, s14, $0xb8;
	[tilespmem:$0x1D000] =	vst v63  }
0x13c: {  	_ = 	snop  }
0x13d: {  	[tilespmem:s24], [sflag:$0x1] =	stream.indirect.gather [hbm4b:s4+s14], $0x10, s28, s14, $0xb8;
	[tilespmem:$0x1D000] =	vst v63  }
0x13e: {  	_ = 	snop  }
0x13f: {  	[tilespmem:s26], [sflag:$0x1] =	stream.indirect.gather [hbm4b:s4+s14], $0x10, s31, s14, $0xb8;
	[tilespmem:$0x1D000] =	vst v63  }
0x140: {  	_ = 	snop  }
0x141: {  	[tilespmem:s29], [sflag:$0x1] =	stream.indirect.gather [hbm4b:s4+s14], $0x10, s0, s14, $0xb8;
	[tilespmem:$0x1D000] =	vst v63  }
0x142: {  	_ =	swait.ge [sflag:s30], $0x800  }
0x143: {  	[sflag:s30] =	ssyncset.done $0x0  }
0x144: {  	[sflag:s30] =	ssyncadd.s32 $0xFFFFF800  }
0x145: {  	_ =	swait.ge [sflag:s30], $0x800  }
0x146: {  	[sflag:s30] =	ssyncset.done $0x0  }
0x147: {  	[sflag:s30] =	ssyncadd.s32 $0xFFFFF800  }
0x148: {  	_ =	swait.ge [sflag:s30], $0x800  }
0x149: {  	[sflag:s30] =	ssyncset.done $0x0  }
0x14a: {  	[sflag:s30] =	ssyncadd.s32 $0xFFFFF800  }
0x14b: {  	_ =	swait.ge [sflag:s30], $0x800  }
0x14c: {  	[sflag:s30] =	ssyncset.done $0x0  }
0x14d: {  	[sflag:s30] =	ssyncadd.s32 $0xFFFFF800  }
0x14e: {  	_ =	swait.ge [sflag:s30], $0x800  }
0x14f: {  	[sflag:s30] =	ssyncset.done $0x0  }
0x150: {  	[sflag:s30] =	ssyncadd.s32 $0xFFFFF800  }
0x151: {  	_ =	swait.ge [sflag:s30], $0x800  }
0x152: {  	[sflag:s30] =	ssyncset.done $0x0  }
0x153: {  	[sflag:s30] =	ssyncadd.s32 $0xFFFFF800  }
0x154: {  	_ =	swait.ge [sflag:s30], $0x800  }
0x155: {  	[sflag:s30] =	ssyncset.done $0x0  }
0x156: {  	[sflag:s30] =	ssyncadd.s32 $0xFFFFF800  }
0x157: {  	_ =	swait.ge [sflag:s30], $0x800  }
0x158: {  	[sflag:s30] =	ssyncset.done $0x0  }
0x159: {  	[sflag:s30] =	ssyncadd.s32 $0xFFFFF800  }
0x15a: {  	[spmem:s2] =	stream.indirect.scatter.add.f32 [tilespmem:s15], [sflag:$0x2], $0x10, s13, s14, $0xb8;
	[tilespmem:$0x1D000] =	vst v63  }
0x15b: {  	_ = 	snop  }
0x15c: {  	[spmem:s2] =	stream.indirect.scatter.add.f32 [tilespmem:s16], [sflag:$0x2], $0x10, s1, s14, $0xb8;
	[tilespmem:$0x1D000] =	vst v63  }
0x15d: {  	_ = 	snop  }
0x15e: {  	[spmem:s2] =	stream.indirect.scatter.add.f32 [tilespmem:s18], [sflag:$0x2], $0x10, s7, s14, $0xb8;
	[tilespmem:$0x1D000] =	vst v63  }
0x15f: {  	_ = 	snop  }
0x160: {  	[spmem:s2] =	stream.indirect.scatter.add.f32 [tilespmem:s20], [sflag:$0x2], $0x10, s8, s14, $0xb8;
	[tilespmem:$0x1D000] =	vst v63  }
0x161: {  	_ = 	snop  }
0x162: {  	[spmem:s2] =	stream.indirect.scatter.add.f32 [tilespmem:s22], [sflag:$0x2], $0x10, s5, s14, $0xb8;
	[tilespmem:$0x1D000] =	vst v63  }
0x163: {  	_ = 	snop  }
0x164: {  	[spmem:s2] =	stream.indirect.scatter.add.f32 [tilespmem:s24], [sflag:$0x2], $0x10, s9, s14, $0xb8;
	[tilespmem:$0x1D000] =	vst v63  }
0x165: {  	s28 =	simm.s32 $0x700  }
0x166: {  	[spmem:s2] =	stream.indirect.scatter.add.f32 [tilespmem:s26], [sflag:$0x2], $0x10, s28, s14, $0xb8;
	[tilespmem:$0x1D000] =	vst v63  }
0x167: {  	s31 =	simm.s32 $0x780  }
0x168: {  	[spmem:s2] =	stream.indirect.scatter.add.f32 [tilespmem:s29], [sflag:$0x2], $0x10, s31, s14, $0xb8;
	[tilespmem:$0x1D000] =	vst v63  }
0x169: {  	_ =	swait.ge [sflag:s6], $0x800  }
0x16a: {  	[sflag:s6] =	ssyncset.done $0x0  }
0x16b: {  	[sflag:s6] =	ssyncadd.s32 $0xFFFFF800  }
0x16c: {  	_ =	swait.ge [sflag:s6], $0x800  }
0x16d: {  	[sflag:s6] =	ssyncset.done $0x0  }
0x16e: {  	[sflag:s6] =	ssyncadd.s32 $0xFFFFF800  }
0x16f: {  	_ =	swait.ge [sflag:s6], $0x800  }
0x170: {  	[sflag:s6] =	ssyncset.done $0x0  }
0x171: {  	[sflag:s6] =	ssyncadd.s32 $0xFFFFF800  }
0x172: {  	_ =	swait.ge [sflag:s6], $0x800  }
0x173: {  	[sflag:s6] =	ssyncset.done $0x0  }
0x174: {  	[sflag:s6] =	ssyncadd.s32 $0xFFFFF800  }
0x175: {  	_ =	swait.ge [sflag:s6], $0x800  }
0x176: {  	[sflag:s6] =	ssyncset.done $0x0  }
0x177: {  	[sflag:s6] =	ssyncadd.s32 $0xFFFFF800  }
0x178: {  	_ =	swait.ge [sflag:s6], $0x800  }
0x179: {  	[sflag:s6] =	ssyncset.done $0x0  }
0x17a: {  	[sflag:s6] =	ssyncadd.s32 $0xFFFFF800  }
0x17b: {  	_ =	swait.ge [sflag:s6], $0x800  }
.Ltmp4:
0x17c: {  	[sflag:s6] =	ssyncset.done $0x0;
	(pc) =	sbr.rel .LBB2_8-.Ltmp4, $4  }
0x17d: {  	[sflag:s6] =	ssyncadd.s32 $0xFFFFF800  }
0x17e: {  	_ =	swait.ge [sflag:s6], $0x800  }
0x17f: {  	[sflag:s6] =	ssyncset.done $0x0;
	s11 =	rddreg [dreg:$0x8]  }
0x180: {  	s1 =	rddreg [dreg:$0xb];
	[sflag:s6] =	ssyncadd.s32 $0xFFFFF800  }
.LBB2_5:
0x181: {  	s11 =	rddreg [dreg:$0x3]  }
0x182: {  	s11 =	sadd.s32 $0x0, s11  }
0x183: {  	[tilespmem:s3], [sflag:$0x3] =	stream.linear.gather [hbm4b:s11+s3], $0x400, $0x38;
	[tilespmem:$0x1D000] =	vst v63  }
0x184: {  	_ =	swait.ge [sflag:s12], $0x400  }
0x185: {  	[sflag:s12] =	ssyncset.done $0x0  }
0x186: {  	s17 =	sadd.s32 $0x0, s10;
	[sflag:s12] =	ssyncadd.s32 $0xFFFFFC00  }
0x187: {  	[tilespmem:s13], [sflag:$0x3] =	stream.linear.gather [hbm4b:s17+s3], $0x400, $0x38;
	[tilespmem:$0x1D000] =	vst v63  }
0x188: {  	_ =	swait.ge [sflag:s12], $0x400  }
0x189: {  	[sflag:s12] =	ssyncset.done $0x0  }
0x18a: {  	[sflag:s12] =	ssyncadd.s32 $0xFFFFFC00  }
0x18b: {  	[tilespmem:s15], [sflag:$0x1] =	stream.indirect.gather [hbm4b:s4+s14], $0x10, s3, s14, $0xb8;
	[tilespmem:$0x1D000] =	vst v63  }
0x18c: {  	_ = 	snop  }
0x18d: {  	[tilespmem:s16], [sflag:$0x1] =	stream.indirect.gather [hbm4b:s4+s14], $0x10, s14, s14, $0xb8;
	[tilespmem:$0x1D000] =	vst v63  }
0x18e: {  	_ = 	snop  }
0x18f: {  	[tilespmem:s18], [sflag:$0x1] =	stream.indirect.gather [hbm4b:s4+s14], $0x10, s21, s14, $0xb8;
	[tilespmem:$0x1D000] =	vst v63  }
0x190: {  	s23 =	simm.s32 $0x180  }
0x191: {  	[tilespmem:s20], [sflag:$0x1] =	stream.indirect.gather [hbm4b:s4+s14], $0x10, s23, s14, $0xb8;
	[tilespmem:$0x1D000] =	vst v63  }
0x192: {  	s25 =	simm.s32 $0x200  }
0x193: {  	[tilespmem:s22], [sflag:$0x1] =	stream.indirect.gather [hbm4b:s4+s14], $0x10, s25, s14, $0xb8;
	[tilespmem:$0x1D000] =	vst v63  }
0x194: {  	s28 =	simm.s32 $0x280  }
0x195: {  	[tilespmem:s24], [sflag:$0x1] =	stream.indirect.gather [hbm4b:s4+s14], $0x10, s28, s14, $0xb8;
	[tilespmem:$0x1D000] =	vst v63  }
0x196: {  	s31 =	simm.s32 $0x300  }
0x197: {  	[tilespmem:s26], [sflag:$0x1] =	stream.indirect.gather [hbm4b:s4+s14], $0x10, s31, s14, $0xb8;
	[tilespmem:$0x1D000] =	vst v63  }
0x198: {  	s0 =	simm.s32 $0x380  }
0x199: {  	[tilespmem:s29], [sflag:$0x1] =	stream.indirect.gather [hbm4b:s4+s14], $0x10, s0, s14, $0xb8;
	[tilespmem:$0x1D000] =	vst v63  }
0x19a: {  	_ =	swait.ge [sflag:s30], $0x800  }
0x19b: {  	[sflag:s30] =	ssyncset.done $0x0  }
0x19c: {  	[sflag:s30] =	ssyncadd.s32 $0xFFFFF800  }
0x19d: {  	_ =	swait.ge [sflag:s30], $0x800  }
0x19e: {  	[sflag:s30] =	ssyncset.done $0x0  }
0x19f: {  	[sflag:s30] =	ssyncadd.s32 $0xFFFFF800  }
0x1a0: {  	_ =	swait.ge [sflag:s30], $0x800  }
0x1a1: {  	[sflag:s30] =	ssyncset.done $0x0  }
0x1a2: {  	[sflag:s30] =	ssyncadd.s32 $0xFFFFF800  }
0x1a3: {  	_ =	swait.ge [sflag:s30], $0x800  }
0x1a4: {  	[sflag:s30] =	ssyncset.done $0x0  }
0x1a5: {  	[sflag:s30] =	ssyncadd.s32 $0xFFFFF800  }
0x1a6: {  	_ =	swait.ge [sflag:s30], $0x800  }
0x1a7: {  	[sflag:s30] =	ssyncset.done $0x0  }
0x1a8: {  	[sflag:s30] =	ssyncadd.s32 $0xFFFFF800  }
0x1a9: {  	_ =	swait.ge [sflag:s30], $0x800  }
0x1aa: {  	[sflag:s30] =	ssyncset.done $0x0  }
0x1ab: {  	[sflag:s30] =	ssyncadd.s32 $0xFFFFF800  }
0x1ac: {  	_ =	swait.ge [sflag:s30], $0x800  }
0x1ad: {  	[sflag:s30] =	ssyncset.done $0x0  }
0x1ae: {  	[sflag:s30] =	ssyncadd.s32 $0xFFFFF800  }
0x1af: {  	_ =	swait.ge [sflag:s30], $0x800  }
0x1b0: {  	[sflag:s30] =	ssyncset.done $0x0  }
0x1b1: {  	[sflag:s30] =	ssyncadd.s32 $0xFFFFF800  }
0x1b2: {  	[spmem:s2] =	stream.indirect.scatter.add.f32 [tilespmem:s15], [sflag:$0x2], $0x10, s13, s14, $0xb8;
	[tilespmem:$0x1D000] =	vst v63  }
0x1b3: {  	s1 =	simm.s32 $0x480  }
0x1b4: {  	[spmem:s2] =	stream.indirect.scatter.add.f32 [tilespmem:s16], [sflag:$0x2], $0x10, s1, s14, $0xb8;
	[tilespmem:$0x1D000] =	vst v63  }
0x1b5: {  	s7 =	simm.s32 $0x500  }
0x1b6: {  	[spmem:s2] =	stream.indirect.scatter.add.f32 [tilespmem:s18], [sflag:$0x2], $0x10, s7, s14, $0xb8;
	[tilespmem:$0x1D000] =	vst v63  }
0x1b7: {  	s8 =	simm.s32 $0x580  }
0x1b8: {  	[spmem:s2] =	stream.indirect.scatter.add.f32 [tilespmem:s20], [sflag:$0x2], $0x10, s8, s14, $0xb8;
	[tilespmem:$0x1D000] =	vst v63  }
0x1b9: {  	s5 =	simm.s32 $0x600  }
0x1ba: {  	[spmem:s2] =	stream.indirect.scatter.add.f32 [tilespmem:s22], [sflag:$0x2], $0x10, s5, s14, $0xb8;
	[tilespmem:$0x1D000] =	vst v63  }
0x1bb: {  	s9 =	simm.s32 $0x680  }
0x1bc: {  	[spmem:s2] =	stream.indirect.scatter.add.f32 [tilespmem:s24], [sflag:$0x2], $0x10, s9, s14, $0xb8;
	[tilespmem:$0x1D000] =	vst v63  }
0x1bd: {  	s19 =	simm.s32 $0x700  }
0x1be: {  	[spmem:s2] =	stream.indirect.scatter.add.f32 [tilespmem:s26], [sflag:$0x2], $0x10, s19, s14, $0xb8;
	[tilespmem:$0x1D000] =	vst v63  }
0x1bf: {  	s21 =	simm.s32 $0x780  }
0x1c0: {  	[spmem:s2] =	stream.indirect.scatter.add.f32 [tilespmem:s29], [sflag:$0x2], $0x10, s21, s14, $0xb8;
	[tilespmem:$0x1D000] =	vst v63  }
0x1c1: {  	_ =	swait.ge [sflag:s6], $0x800  }
0x1c2: {  	[sflag:s6] =	ssyncset.done $0x0  }
0x1c3: {  	[sflag:s6] =	ssyncadd.s32 $0xFFFFF800  }
0x1c4: {  	_ =	swait.ge [sflag:s6], $0x800  }
0x1c5: {  	[sflag:s6] =	ssyncset.done $0x0  }
0x1c6: {  	[sflag:s6] =	ssyncadd.s32 $0xFFFFF800  }
0x1c7: {  	_ =	swait.ge [sflag:s6], $0x800  }
0x1c8: {  	[sflag:s6] =	ssyncset.done $0x0  }
0x1c9: {  	[sflag:s6] =	ssyncadd.s32 $0xFFFFF800  }
0x1ca: {  	_ =	swait.ge [sflag:s6], $0x800  }
0x1cb: {  	[sflag:s6] =	ssyncset.done $0x0  }
0x1cc: {  	[sflag:s6] =	ssyncadd.s32 $0xFFFFF800  }
0x1cd: {  	_ =	swait.ge [sflag:s6], $0x800  }
0x1ce: {  	[sflag:s6] =	ssyncset.done $0x0  }
0x1cf: {  	[sflag:s6] =	ssyncadd.s32 $0xFFFFF800  }
0x1d0: {  	_ =	swait.ge [sflag:s6], $0x800  }
0x1d1: {  	[sflag:s6] =	ssyncset.done $0x0  }
0x1d2: {  	[sflag:s6] =	ssyncadd.s32 $0xFFFFF800  }
0x1d3: {  	_ =	swait.ge [sflag:s6], $0x800  }
0x1d4: {  	[sflag:s6] =	ssyncset.done $0x0  }
0x1d5: {  	[sflag:s6] =	ssyncadd.s32 $0xFFFFF800  }
0x1d6: {  	s11 =	simm.s32 $0x80;
	_ =	swait.ge [sflag:s6], $0x800  }
0x1d7: {  	s17 =	simm.s32 $0x100;
	s19 =	rddreg [dreg:$0x3];
	[sflag:s6] =	ssyncset.done $0x0  }
.LBB2_6:
0x1d8: {  	[sflag:s6] =	ssyncadd.s32 $0xFFFFF800;
	s19 =	sadd.s32 s11, s19  }
0x1d9: {  	[tilespmem:s3], [sflag:$0x3] =	stream.linear.gather [hbm4b:s19+s3], $0x400, $0x38;
	[tilespmem:$0x1D000] =	vst v63  }
0x1da: {  	_ =	swait.ge [sflag:s12], $0x400  }
0x1db: {  	[sflag:s12] =	ssyncset.done $0x0  }
0x1dc: {  	s19 =	sadd.s32 s11, s10;
	[sflag:s12] =	ssyncadd.s32 $0xFFFFFC00  }
0x1dd: {  	[tilespmem:s13], [sflag:$0x3] =	stream.linear.gather [hbm4b:s19+s3], $0x400, $0x38;
	[tilespmem:$0x1D000] =	vst v63  }
0x1de: {  	_ =	swait.ge [sflag:s12], $0x400  }
0x1df: {  	[sflag:s12] =	ssyncset.done $0x0  }
0x1e0: {  	[sflag:s12] =	ssyncadd.s32 $0xFFFFFC00  }
0x1e1: {  	[tilespmem:s15], [sflag:$0x1] =	stream.indirect.gather [hbm4b:s4+s14], $0x10, s3, s14, $0xb8;
	[tilespmem:$0x1D000] =	vst v63  }
0x1e2: {  	s21 =	smov.u32 s17  }
0x1e3: {  	[tilespmem:s16], [sflag:$0x1] =	stream.indirect.gather [hbm4b:s4+s14], $0x10, s14, s14, $0xb8;
	[tilespmem:$0x1D000] =	vst v63  }
0x1e4: {  	s11 =	smov.u32 s21;
	s21 =	simm.s32 $0x100  }
0x1e5: {  	[tilespmem:s18], [sflag:$0x1] =	stream.indirect.gather [hbm4b:s4+s14], $0x10, s21, s14, $0xb8;
	[tilespmem:$0x1D000] =	vst v63  }
0x1e6: {  	_ = 	snop  }
0x1e7: {  	[tilespmem:s20], [sflag:$0x1] =	stream.indirect.gather [hbm4b:s4+s14], $0x10, s23, s14, $0xb8;
	[tilespmem:$0x1D000] =	vst v63  }
0x1e8: {  	_ = 	snop  }
0x1e9: {  	[tilespmem:s22], [sflag:$0x1] =	stream.indirect.gather [hbm4b:s4+s14], $0x10, s25, s14, $0xb8;
	[tilespmem:$0x1D000] =	vst v63  }
0x1ea: {  	_ = 	snop  }
0x1eb: {  	[tilespmem:s24], [sflag:$0x1] =	stream.indirect.gather [hbm4b:s4+s14], $0x10, s28, s14, $0xb8;
	[tilespmem:$0x1D000] =	vst v63  }
0x1ec: {  	_ = 	snop  }
0x1ed: {  	[tilespmem:s26], [sflag:$0x1] =	stream.indirect.gather [hbm4b:s4+s14], $0x10, s31, s14, $0xb8;
	[tilespmem:$0x1D000] =	vst v63  }
0x1ee: {  	_ = 	snop  }
0x1ef: {  	[tilespmem:s29], [sflag:$0x1] =	stream.indirect.gather [hbm4b:s4+s14], $0x10, s0, s14, $0xb8;
	[tilespmem:$0x1D000] =	vst v63  }
0x1f0: {  	_ =	swait.ge [sflag:s30], $0x800  }
0x1f1: {  	[sflag:s30] =	ssyncset.done $0x0  }
0x1f2: {  	[sflag:s30] =	ssyncadd.s32 $0xFFFFF800  }
0x1f3: {  	_ =	swait.ge [sflag:s30], $0x800  }
0x1f4: {  	[sflag:s30] =	ssyncset.done $0x0  }
0x1f5: {  	[sflag:s30] =	ssyncadd.s32 $0xFFFFF800  }
0x1f6: {  	_ =	swait.ge [sflag:s30], $0x800  }
0x1f7: {  	[sflag:s30] =	ssyncset.done $0x0  }
0x1f8: {  	[sflag:s30] =	ssyncadd.s32 $0xFFFFF800  }
0x1f9: {  	_ =	swait.ge [sflag:s30], $0x800  }
0x1fa: {  	[sflag:s30] =	ssyncset.done $0x0  }
0x1fb: {  	[sflag:s30] =	ssyncadd.s32 $0xFFFFF800  }
0x1fc: {  	_ =	swait.ge [sflag:s30], $0x800  }
0x1fd: {  	[sflag:s30] =	ssyncset.done $0x0  }
0x1fe: {  	[sflag:s30] =	ssyncadd.s32 $0xFFFFF800  }
0x1ff: {  	_ =	swait.ge [sflag:s30], $0x800  }
0x200: {  	[sflag:s30] =	ssyncset.done $0x0  }
0x201: {  	[sflag:s30] =	ssyncadd.s32 $0xFFFFF800  }
0x202: {  	_ =	swait.ge [sflag:s30], $0x800  }
0x203: {  	[sflag:s30] =	ssyncset.done $0x0  }
0x204: {  	[sflag:s30] =	ssyncadd.s32 $0xFFFFF800  }
0x205: {  	_ =	swait.ge [sflag:s30], $0x800  }
0x206: {  	[sflag:s30] =	ssyncset.done $0x0  }
0x207: {  	[sflag:s30] =	ssyncadd.s32 $0xFFFFF800  }
0x208: {  	[spmem:s2] =	stream.indirect.scatter.add.f32 [tilespmem:s15], [sflag:$0x2], $0x10, s13, s14, $0xb8;
	[tilespmem:$0x1D000] =	vst v63  }
0x209: {  	_ = 	snop  }
0x20a: {  	[spmem:s2] =	stream.indirect.scatter.add.f32 [tilespmem:s16], [sflag:$0x2], $0x10, s1, s14, $0xb8;
	[tilespmem:$0x1D000] =	vst v63  }
0x20b: {  	_ = 	snop  }
0x20c: {  	[spmem:s2] =	stream.indirect.scatter.add.f32 [tilespmem:s18], [sflag:$0x2], $0x10, s7, s14, $0xb8;
	[tilespmem:$0x1D000] =	vst v63  }
0x20d: {  	_ = 	snop  }
0x20e: {  	[spmem:s2] =	stream.indirect.scatter.add.f32 [tilespmem:s20], [sflag:$0x2], $0x10, s8, s14, $0xb8;
	[tilespmem:$0x1D000] =	vst v63  }
0x20f: {  	_ = 	snop  }
0x210: {  	[spmem:s2] =	stream.indirect.scatter.add.f32 [tilespmem:s22], [sflag:$0x2], $0x10, s5, s14, $0xb8;
	[tilespmem:$0x1D000] =	vst v63  }
0x211: {  	_ = 	snop  }
0x212: {  	[spmem:s2] =	stream.indirect.scatter.add.f32 [tilespmem:s24], [sflag:$0x2], $0x10, s9, s14, $0xb8;
	[tilespmem:$0x1D000] =	vst v63  }
0x213: {  	s19 =	simm.s32 $0x700  }
0x214: {  	[spmem:s2] =	stream.indirect.scatter.add.f32 [tilespmem:s26], [sflag:$0x2], $0x10, s19, s14, $0xb8;
	[tilespmem:$0x1D000] =	vst v63  }
0x215: {  	s19 =	simm.s32 $0x780  }
0x216: {  	[spmem:s2] =	stream.indirect.scatter.add.f32 [tilespmem:s29], [sflag:$0x2], $0x10, s19, s14, $0xb8;
	[tilespmem:$0x1D000] =	vst v63  }
0x217: {  	_ =	swait.ge [sflag:s6], $0x800  }
0x218: {  	[sflag:s6] =	ssyncset.done $0x0  }
0x219: {  	[sflag:s6] =	ssyncadd.s32 $0xFFFFF800  }
0x21a: {  	_ =	swait.ge [sflag:s6], $0x800  }
0x21b: {  	[sflag:s6] =	ssyncset.done $0x0  }
0x21c: {  	[sflag:s6] =	ssyncadd.s32 $0xFFFFF800  }
0x21d: {  	_ =	swait.ge [sflag:s6], $0x800  }
0x21e: {  	[sflag:s6] =	ssyncset.done $0x0  }
0x21f: {  	[sflag:s6] =	ssyncadd.s32 $0xFFFFF800  }
0x220: {  	_ =	swait.ge [sflag:s6], $0x800  }
0x221: {  	[sflag:s6] =	ssyncset.done $0x0  }
0x222: {  	[sflag:s6] =	ssyncadd.s32 $0xFFFFF800  }
0x223: {  	_ =	swait.ge [sflag:s6], $0x800  }
0x224: {  	[sflag:s6] =	ssyncset.done $0x0  }
0x225: {  	[sflag:s6] =	ssyncadd.s32 $0xFFFFF800  }
0x226: {  	_ =	swait.ge [sflag:s6], $0x800  }
0x227: {  	[sflag:s6] =	ssyncset.done $0x0  }
0x228: {  	p1 =	sne.s32 s17, $0x6180;
	[sflag:s6] =	ssyncadd.s32 $0xFFFFF800  }
.Ltmp5:
0x229: {  	_ =	swait.ge [sflag:s6], $0x800;
	(pc) =	sbr.rel @p1 .LBB2_6-.Ltmp5, $4  }
0x22a: {  	[sflag:s6] =	ssyncset.done $0x0  }
0x22b: {  	[sflag:s6] =	ssyncadd.s32 $0xFFFFF800  }
0x22c: {  	_ =	swait.ge [sflag:s6], $0x800  }
0x22d: {  	s17 =	sadd.s32 $0x80, s17;
	s19 =	rddreg [dreg:$0x3];
	[sflag:s6] =	ssyncset.done $0x0  }
.Ltmp6:
0x22e: {  	_ = 	snop;
	(pc) =	sbr.rel .LBB2_7-.Ltmp6, $1  }
0x22f: {  	_ =	sdelay $0x3  }
.LBB2_9:
0x230: {  	_ =	sfence.sel $0x180000  }
0x231: {  	[bflag:$0x0] =	sbarrier.arrive $0xFFFF  }
0x232: {  	_ =	strace $0x90000050  }
0x233: {  	s0 =	stileid.u32;
	[bflag:$0x2] =	sbarrier.arrive $0xFFFF  }
0x234: {  	p0 =	sne.s32 s0, $0x0;
	s0 =	rddreg [dreg:$0x2]  }
0x235: {  	s0 =	sadd.s32 @!p0 $0x100000, s0  }
0x236: {  	[sflag:s0] =	ssyncadd.tile.s32 @!p0 $0x1;
	_ =	shalt  }
.Lfunc_end2:
_tile_overlayer_lowered:
.L_overlay_start_2:
0x237: {  	(tag) =	ssettag $0x2  }
0x238: {  	s0 =	rddreg [dreg:$0x0];
	s2 =	stileid.u32  }
0x239: {  	s1 =	rddreg [dreg:$0x1];
	p0 =	sne.s32 s2, $0x0  }
0x23a: {  	s3 =	rddreg [dreg:$0x2];
	[bflag:$0x3] =	sbarrier.arrive $0xFFFF;
	s2 =	simm.s32 @!p0 $0x1C03  }
0x23b: {  	[timem:s3], [sflag:s2] =	dma.local @!p0 [hbm:s0], s1  }
0x23c: {  	s0 =	simm.s32 @!p0 $0x3  }
0x23d: {  	_ =	swait.ge @!p0 [sflag:s0], s1  }
0x23e: {  	s1 =	ssub.s32 @!p0 $0x0, s1;
	[sflag:s0] =	ssyncset.done @!p0 $0x0  }
0x23f: {  	[sflag:s0] =	ssyncadd.s32 @!p0 s1  }
0x240: {  	[bflag:$0x3] =	sbarrier.arrive $0xFFFF  }
0x241: {  	_ =	shalt  }

</sc_bundles>
